<compile_context>
chip_gen: v7x
topology: tpu7x:2x2x1
jax: 0.10.2.dev20260603
libtpu: 0.0.44.dev20260713+nightly
codegen_flags: <defaults>
</compile_context>

<pallas_src>
import functools

import jax
import jax.numpy as jnp
from jax import lax
from jax.experimental import pallas as pl
from jax.experimental.pallas import tpu as pltpu
from jax.experimental.pallas import tpu_sc as plsc

_RH = 64
_G3 = 3 * _RH

_NC = 2
_NS = 16
_NW = _NC * _NS


def _sc_gather2_add(ta, ia, tb, ib, ch=200):
    e = ia.shape[0]
    d = ta.shape[1]
    per_w = e // _NW
    n_ch = per_w // ch
    mesh = plsc.VectorSubcoreMesh(core_axis_name="c", subcore_axis_name="s")

    @functools.partial(
        pl.kernel, mesh=mesh,
        out_type=(jax.ShapeDtypeStruct((e, d), jnp.float32),
                  jax.ShapeDtypeStruct((e, d), jnp.float32)),
        scratch_types=[
            pltpu.VMEM((ch,), jnp.int32),
            pltpu.VMEM((ch,), jnp.int32),
            pltpu.VMEM((ch, d), jnp.float32),
            pltpu.VMEM((ch, d), jnp.float32),
            pltpu.SemaphoreType.DMA,
            pltpu.SemaphoreType.DMA,
        ],
    )
    def k(ta_hbm, ia_hbm, tb_hbm, ib_hbm, oa_hbm, ob_hbm,
          ia_v, ib_v, rows_a, rows_b, sem_a, sem_b):
        wid = lax.axis_index("s") * _NC + lax.axis_index("c")
        base = wid * per_w

        def body(c, carry):
            off = base + c * ch
            pltpu.sync_copy(ia_hbm.at[pl.ds(off, ch)], ia_v)
            pltpu.sync_copy(ib_hbm.at[pl.ds(off, ch)], ib_v)
            cp_a = pltpu.async_copy(ta_hbm.at[ia_v], rows_a, sem_a)
            cp_b = pltpu.async_copy(tb_hbm.at[ib_v], rows_b, sem_b)
            cp_a.wait()
            cp_b.wait()
            pltpu.sync_copy(rows_a, oa_hbm.at[pl.ds(off, ch)])
            pltpu.sync_copy(rows_b, ob_hbm.at[pl.ds(off, ch)])
            return carry

        lax.fori_loop(0, n_ch, body, 0)

    return k(ta, ia, tb, ib)


_UNROLL = 8


def _sc_hist(src, dst, n, ch=1000):
    e = src.shape[0]
    per_w = e // _NW
    n_ch = per_w // ch
    ones = jnp.ones((ch,), jnp.float32)
    zer = jnp.zeros((n,), jnp.float32)
    mesh = plsc.VectorSubcoreMesh(core_axis_name="c", subcore_axis_name="s")

    @functools.partial(
        pl.kernel, mesh=mesh,
        out_type=(jax.ShapeDtypeStruct((_NC, n), jnp.float32),
                  jax.ShapeDtypeStruct((_NC, n), jnp.float32)),
        scratch_types=[
            pltpu.VMEM((ch,), jnp.int32),
            pltpu.VMEM((ch,), jnp.float32),
            pltpu.VMEM_SHARED((n,), jnp.float32),
            pltpu.VMEM_SHARED((n,), jnp.float32),
        ],
    )
    def k(src_hbm, dst_hbm, ones_hbm, zer_hbm, deg_hbm, cnt_hbm,
          idx_v, ones_v, hd_s, hc_s):
        cid = lax.axis_index("c")
        sid = lax.axis_index("s")
        wid = sid * _NC + cid
        base = wid * per_w
        pltpu.sync_copy(ones_hbm, ones_v)

        @pl.when(sid == 0)
        def _zero():
            pltpu.sync_copy(zer_hbm, hd_s)
            pltpu.sync_copy(zer_hbm, hc_s)

        plsc.subcore_barrier()

        def body(c, carry):
            off = base + c * ch
            pltpu.sync_copy(src_hbm.at[pl.ds(off, ch)], idx_v)
            pltpu.sync_copy(ones_v, hd_s.at[idx_v], add=True)
            pltpu.sync_copy(ones_v, hc_s.at[idx_v], add=True)
            pltpu.sync_copy(dst_hbm.at[pl.ds(off, ch)], idx_v)
            pltpu.sync_copy(ones_v, hc_s.at[idx_v], add=True)
            return carry

        lax.fori_loop(0, n_ch, body, 0)
        plsc.subcore_barrier()

        @pl.when(sid == 0)
        def _out():
            pltpu.sync_copy(hd_s, deg_hbm.at[cid])
            pltpu.sync_copy(hc_s, cnt_hbm.at[cid])

    deg2, cnt2 = k(src, dst, ones, zer)
    return deg2[0] + deg2[1], cnt2[0] + cnt2[1]


def _sc_gather_scatter(tab, gidx, sidx, n, ch=200, nacc=1):
    d = tab.shape[1]
    idxs = sidx if isinstance(sidx, (list, tuple)) else [sidx]
    e = idxs[0].shape[0]
    per_w = e // _NW
    n_ch = per_w // ch
    zer = jnp.zeros((n, d), jnp.float32)
    mesh = plsc.VectorSubcoreMesh(core_axis_name="c", subcore_axis_name="s")
    linear = gidx is None
    gather_args = [] if linear else [gidx]

    n_sidx = len(idxs)

    @functools.partial(
        pl.kernel, mesh=mesh,
        out_type=jax.ShapeDtypeStruct((_NC * n, d), jnp.float32),
        scratch_types=[
            pltpu.VMEM((ch,), jnp.int32),
            pltpu.VMEM((ch,), jnp.int32),
            pltpu.VMEM((ch, d), jnp.float32),
            pltpu.VMEM_SHARED((n, d), jnp.float32),
            pltpu.SemaphoreType.DMA,
        ],
    )
    def k(*args):
        tab_hbm = args[0]
        gi_hbms = args[1:1 + (0 if linear else 1)]
        si_hbms = args[1 + len(gi_hbms):1 + len(gi_hbms) + n_sidx]
        zer_hbm, out_hbm, gi_v, si_v, rows_v, acc_s, sem = \
            args[1 + len(gi_hbms) + n_sidx:]
        cid = lax.axis_index("c")
        sid = lax.axis_index("s")
        wid = sid * _NC + cid
        base = wid * per_w

        @pl.when(sid == 0)
        def _zero():
            pltpu.sync_copy(zer_hbm, acc_s)

        plsc.subcore_barrier()

        def body(c, carry):
            off = base + c * ch
            if linear:
                pltpu.sync_copy(tab_hbm.at[pl.ds(off, ch)], rows_v)
            else:
                pltpu.sync_copy(gi_hbms[0].at[pl.ds(off, ch)], gi_v)
                pltpu.async_copy(tab_hbm.at[gi_v], rows_v, sem).wait()
            for sh in si_hbms:
                pltpu.sync_copy(sh.at[pl.ds(off, ch)], si_v)
                pltpu.sync_copy(rows_v, acc_s.at[si_v], add=True)
            return carry

        lax.fori_loop(0, n_ch, body, 0)
        plsc.subcore_barrier()

        rows_per_s = max(8 * ((n // _NS + 7) // 8), 8)
        n_shards = (n + rows_per_s - 1) // rows_per_s
        last = n - (n_shards - 1) * rows_per_s

        @pl.when(sid < n_shards - 1)
        def _out():
            pltpu.sync_copy(
                acc_s.at[pl.ds(sid * rows_per_s, rows_per_s)],
                out_hbm.at[pl.ds(cid * n + sid * rows_per_s, rows_per_s)])

        @pl.when(sid == n_shards - 1)
        def _out_last():
            off = (n_shards - 1) * rows_per_s
            pltpu.sync_copy(acc_s.at[pl.ds(off, last)],
                            out_hbm.at[pl.ds(cid * n + off, last)])

    out = k(tab, *gather_args, *idxs, zer)
    out = out.reshape(_NC, n, d)
    return out[0] + out[1]


def _gru_body(sa_ref, sb_ref, wih_ref, bvec_ref, whhT_ref, whhz_ref,
              bhhn_ref, out_ref, gir_s, giz_s, gin_s, h_scr):
    @pl.when(pl.program_id(0) == 0)
    def _init():
        h_scr[...] = jnp.zeros_like(h_scr)

    wih = wih_ref[...]
    bvec = bvec_ref[0:1, :]
    sa = sa_ref[...]
    sb = sb_ref[...]
    h1 = sa.shape[1]
    for g in range(3):
        cols = slice(g * _RH, (g + 1) * _RH)
        proj = (jnp.dot(sa, wih[0:h1, cols], preferred_element_type=jnp.float32)
                + jnp.dot(sb, wih[h1:, cols], preferred_element_type=jnp.float32)
                + bvec[:, cols])
        if g == 0:
            gir_s[...] = proj
        elif g == 1:
            giz_s[...] = proj
        else:
            gin_s[...] = proj

    whhT = whhT_ref[...]
    whhz = whhz_ref[...]
    bhh_n = bhhn_ref[0:1, :]
    blk = sa_ref.shape[0]

    def step8(t8, h):
        base = t8 * _UNROLL
        g_r = gir_s[pl.ds(base, _UNROLL), :]
        g_z = giz_s[pl.ds(base, _UNROLL), :]
        g_n = gin_s[pl.ds(base, _UNROLL), :]
        for j in range(_UNROLL):
            gh = jnp.dot(h, whhT, preferred_element_type=jnp.float32)
            ghz = jnp.dot(h, whhz, preferred_element_type=jnp.float32)
            r = jax.nn.sigmoid(g_r[j:j + 1, :] + gh[:, 0:_RH])
            z = jax.nn.sigmoid(g_z[j:j + 1, :] + ghz)
            t = jnp.tanh(g_n[j:j + 1, :] + r * (gh[:, 2 * _RH:] + bhh_n))
            h = t + z * (h - t)
            out_ref[pl.ds(base + j, 1), :] = h
        return h

    h_scr[0:1, :] = jax.lax.fori_loop(0, blk // _UNROLL, step8, h_scr[0:1, :])


def _run_gru(seq_a, seq_b, wihT, bvec, whhT, bhh_n, blk=2000,
             interpret=False):
    e, h1 = seq_a.shape
    grid = e // blk
    bhhn8 = jnp.broadcast_to(bhh_n.reshape(1, _RH), (8, _RH))
    bvec8 = jnp.broadcast_to(bvec.reshape(1, _G3), (8, _G3))
    whhz = whhT[:, _RH:2 * _RH]
    return pl.pallas_call(
        _gru_body,
        grid=(grid,),
        in_specs=[
            pl.BlockSpec((blk, h1), lambda i: (i, 0)),
            pl.BlockSpec((blk, h1), lambda i: (i, 0)),
            pl.BlockSpec((2 * h1, _G3), lambda i: (0, 0)),
            pl.BlockSpec((8, _G3), lambda i: (0, 0)),
            pl.BlockSpec((_RH, _G3), lambda i: (0, 0)),
            pl.BlockSpec((_RH, _RH), lambda i: (0, 0)),
            pl.BlockSpec((8, _RH), lambda i: (0, 0)),
        ],
        out_specs=pl.BlockSpec((blk, _RH), lambda i: (i, 0)),
        out_shape=jax.ShapeDtypeStruct((e, _RH), jnp.float32),
        scratch_shapes=[
            pltpu.VMEM((blk, _RH), jnp.float32),
            pltpu.VMEM((blk, _RH), jnp.float32),
            pltpu.VMEM((blk, _RH), jnp.float32),
            pltpu.VMEM((8, _RH), jnp.float32),
        ],
        interpret=interpret,
    )(seq_a, seq_b, wihT, bvec8, whhT, whhz, bhhn8)


def kernel(x, edge_index, edge_attr, batch, cheb_W0, cheb_W1, cheb_b,
           bn_g, bn_b, bn_rm, bn_rv, gru_Wih, gru_Whh, gru_bih, gru_bhh,
           gat_W, gat_asrc, gat_adst, gat_b, lin_W, lin_b):
    n = x.shape[0]
    e = edge_attr.shape[1]
    ei = edge_attr.reshape(2, -1)
    src, dst = ei[0], ei[1]

    deg, cnt_raw = _sc_hist(src, dst, n)
    dis = jnp.where(deg > 0, 1.0 / jnp.sqrt(jnp.where(deg > 0, deg, 1.0)), 0.0)
    y = dis[:, None] * x
    s = _sc_gather_scatter(y, src, dst, n)
    tx1 = -dis[:, None] * s
    h = x @ cheb_W0 + tx1 @ cheb_W1 + cheb_b
    h = (h - bn_rm) / jnp.sqrt(bn_rv + 1e-5) * bn_g + bn_b
    h = jax.nn.relu(h)

    flat = edge_attr.reshape(-1)
    es0 = flat[0::2]
    es1 = flat[1::2]
    wihT = gru_Wih.T
    bvec = gru_bih + jnp.concatenate(
        [gru_bhh[0:_RH], gru_bhh[_RH:2 * _RH], jnp.zeros((_RH,), jnp.float32)])
    seq_a, seq_b = _sc_gather2_add(h, es0, h, es1)

    rnn_out = _run_gru(seq_a, seq_b, wihT, bvec, gru_Whh.T,
                       gru_bhh[2 * _RH:])

    agg = jnp.zeros((n, _RH), jnp.float32).at[src].add(rnn_out).at[dst].add(rnn_out)
    cnt = jnp.where(cnt_raw == 0, 1.0, cnt_raw)
    agg = agg / cnt[:, None]

    h2 = jnp.concatenate([h, agg], axis=1)
    xl = h2 @ gat_W
    a_s = (xl * gat_asrc).sum(-1)
    a_d = (xl * gat_adst).sum(-1)
    m = jax.nn.leaky_relu(a_s + a_d, negative_slope=0.2)
    alpha_e = jax.nn.leaky_relu(a_s[src] + a_d[dst], negative_slope=0.2)
    ex = jnp.exp(alpha_e - m[dst])
    denom = jnp.zeros((n,), jnp.float32).at[dst].add(ex) + 1.0
    num = jnp.zeros((n, xl.shape[1]), jnp.float32).at[dst].add(ex[:, None] * xl[src])
    out = (num + xl) / (denom[:, None] + 1e-16) + gat_b
    out = jax.nn.relu(out)

    pooled = out.mean(axis=0, keepdims=True)
    return pooled @ lin_W + lin_b

# --- scband reference (transcript-rebuilt; emitter-appended) ---
"""Pipeline reference for scband-sequential-rnngnn-76510547411598 (READ-ONLY COPY).

The authoritative reference and input builder live on the scoring server;
editing this copy changes nothing except your own understanding.
"""

import jax, jax.numpy as jnp
import numpy as np

N_NODES = 10000
N_EDGES = 160000
D_IN = 128
H1 = 128
RH = 64
H2 = 128


def setup_inputs():
    ks = jax.random.split(jax.random.key(0), 16)
    inp = {}
    inp['x'] = jax.random.normal(ks[0], (N_NODES, D_IN), jnp.float32)
    inp['edge_index'] = jax.random.randint(ks[1], (2, N_EDGES), 0, N_NODES, jnp.int32)
    inp['edge_attr'] = jax.random.randint(ks[2], (2, N_EDGES), 0, N_NODES, jnp.int32)
    inp['batch'] = jnp.zeros((N_NODES,), jnp.int32)
    inp['cheb_W0'] = jax.random.normal(ks[3], (D_IN, H1), jnp.float32) / np.sqrt(D_IN)
    inp['cheb_W1'] = jax.random.normal(ks[4], (D_IN, H1), jnp.float32) / np.sqrt(D_IN)
    inp['cheb_b'] = jnp.zeros((H1,), jnp.float32)
    inp['bn_g'] = jnp.ones((H1,), jnp.float32)
    inp['bn_b'] = jnp.zeros((H1,), jnp.float32)
    inp['bn_rm'] = jnp.zeros((H1,), jnp.float32)
    inp['bn_rv'] = jnp.ones((H1,), jnp.float32)
    inp['gru_Wih'] = jax.random.normal(ks[5], (3 * RH, 2 * H1), jnp.float32) / np.sqrt(2 * H1)
    inp['gru_Whh'] = jax.random.normal(ks[6], (3 * RH, RH), jnp.float32) / np.sqrt(RH)
    inp['gru_bih'] = jnp.zeros((3 * RH,), jnp.float32)
    inp['gru_bhh'] = jnp.zeros((3 * RH,), jnp.float32)
    inp['gat_W'] = jax.random.normal(ks[7], (H1 + RH, H2), jnp.float32) / np.sqrt(H1 + RH)
    inp['gat_asrc'] = jax.random.normal(ks[8], (H2,), jnp.float32) / np.sqrt(H2)
    inp['gat_adst'] = jax.random.normal(ks[9], (H2,), jnp.float32) / np.sqrt(H2)
    inp['gat_b'] = jnp.zeros((H2,), jnp.float32)
    inp['lin_W'] = jax.random.normal(ks[10], (H2, 1), jnp.float32) / np.sqrt(H2)
    inp['lin_b'] = jnp.zeros((1,), jnp.float32)
    return inp


def _forward(x, edge_index, edge_attr, batch, cheb_W0, cheb_W1, cheb_b, bn_g, bn_b, bn_rm, bn_rv, gru_Wih, gru_Whh, gru_bih, gru_bhh, gat_W, gat_asrc, gat_adst, gat_b, lin_W, lin_b):
    n = x.shape[0]
    # the module overwrites edge_index with edge_attr.reshape(2, -1)
    ei = edge_attr.reshape(2, -1)
    src, dst = ei[0], ei[1]
    # ChebConv K=2, sym normalization, lambda_max=2 -> L_hat = -D^-1/2 A D^-1/2 (zero diagonal)
    deg = jnp.zeros((n,), jnp.float32).at[src].add(1.0)
    dis = jnp.where(deg > 0, 1.0 / jnp.sqrt(jnp.where(deg > 0, deg, 1.0)), 0.0)
    w = -dis[src] * dis[dst]
    Tx1 = jnp.zeros((n, x.shape[1]), jnp.float32).at[dst].add(w[:, None] * x[src])
    h = x @ cheb_W0 + Tx1 @ cheb_W1 + cheb_b
    # BatchNorm1d (eval mode, running stats)
    h = (h - bn_rm) / jnp.sqrt(bn_rv + 1e-5) * bn_g + bn_b
    h = jax.nn.relu(h)
    # dropout is identity in eval mode
    # edge_sequence = edge_attr.view(-1, 2).t() -> interleaved strided slices of the flat buffer
    flat = edge_attr.reshape(-1)
    es0 = flat[0::2]
    es1 = flat[1::2]
    seq = jnp.concatenate([h[es0], h[es1]], axis=1)
    # unbatched torch.nn.GRU over the length-E edge sequence
    gi = seq @ gru_Wih.T + gru_bih

    def step(hprev, gi_t):
        gh = hprev @ gru_Whh.T + gru_bhh
        i_r, i_z, i_n = jnp.split(gi_t, 3)
        h_r, h_z, h_n = jnp.split(gh, 3)
        r = jax.nn.sigmoid(i_r + h_r)
        z = jax.nn.sigmoid(i_z + h_z)
        ncand = jnp.tanh(i_n + r * h_n)
        hnew = (1.0 - z) * ncand + z * hprev
        return hnew, hnew

    _, rnn_out = jax.lax.scan(step, jnp.zeros((RH,), jnp.float32), gi)
    # aggregate_edge_features_to_nodes: scatter-add to both endpoints, divide by incidence count
    agg = jnp.zeros((n, RH), jnp.float32).at[src].add(rnn_out).at[dst].add(rnn_out)
    cnt = jnp.zeros((n,), jnp.float32).at[ei.reshape(-1)].add(1.0)
    cnt = jnp.where(cnt == 0, 1.0, cnt)
    agg = agg / cnt[:, None]
    h2 = jnp.concatenate([h, agg], axis=1)
    # GATConv (1 head, add_self_loops=True)
    loop = jnp.arange(n, dtype=src.dtype)
    src2 = jnp.concatenate([src, loop])
    dst2 = jnp.concatenate([dst, loop])
    xl = h2 @ gat_W
    a_s = (xl * gat_asrc).sum(-1)
    a_d = (xl * gat_adst).sum(-1)
    alpha = jax.nn.leaky_relu(a_s[src2] + a_d[dst2], negative_slope=0.2)
    amax = jax.ops.segment_max(alpha, dst2, num_segments=n)
    amax = jnp.where(jnp.isfinite(amax), amax, 0.0)
    ex = jnp.exp(alpha - amax[dst2])
    denom = jax.ops.segment_sum(ex, dst2, num_segments=n)
    attn = ex / (denom[dst2] + 1e-16)
    out = jnp.zeros((n, xl.shape[1]), jnp.float32).at[dst2].add(attn[:, None] * xl[src2]) + gat_b
    out = jax.nn.relu(out)
    # global mean pool (batch is all zeros -> single graph)
    s = jax.ops.segment_sum(out, batch, num_segments=1)
    c = jax.ops.segment_sum(jnp.ones((n,), jnp.float32), batch, num_segments=1)
    pooled = s / c[:, None]
    return pooled @ lin_W + lin_b


def reference(x, edge_index, edge_attr, batch, cheb_W0, cheb_W1, cheb_b, bn_g, bn_b, bn_rm, bn_rv, gru_Wih, gru_Whh, gru_bih, gru_bhh, gat_W, gat_asrc, gat_adst, gat_b, lin_W, lin_b):
    return _forward(x, edge_index, edge_attr, batch, cheb_W0, cheb_W1, cheb_b, bn_g, bn_b, bn_rm, bn_rv, gru_Wih, gru_Whh, gru_bih, gru_bhh, gat_W, gat_asrc, gat_adst, gat_b, lin_W, lin_b)

if __name__ == "__main__":
    import jax
    _d = setup_inputs()
    print(jax.jit(kernel)(*tuple(_d.values())))

</pallas_src>

<mosaic_0001>
#map = affine_map<(d0, d1) -> (0, 0)>
#map1 = affine_map<(d0, d1) -> (0)>
module attributes {stable_mosaic.version = 14 : i64} {
  func.func @k(%arg0: i32, %arg1: i32, %arg2: memref<10000x128xf32, #tpu.memory_space<hbm>>, %arg3: memref<160000xi32, #tpu.memory_space<hbm>>, %arg4: memref<160000xi32, #tpu.memory_space<hbm>>, %arg5: memref<10000x128xf32, #tpu.memory_space<hbm>>, %arg6: memref<20000x128xf32, #tpu.memory_space<hbm>>, %arg7: memref<200xi32, #tpu.memory_space<vmem>>, %arg8: memref<200xi32, #tpu.memory_space<vmem>>, %arg9: memref<200x128xf32, #tpu.memory_space<vmem>>, %arg10: memref<10000x128xf32, #tpu.memory_space<vmem_shared>>, %arg11: memref<!tpu.dma_semaphore, #tpu.memory_space<semaphore_mem>>) attributes {dimension_semantics = [#tpu.dimension_semantics<core_parallel>, #tpu.dimension_semantics<subcore_parallel>], iteration_bounds = array<i64: 2, 16>, scalar_prefetch = 0 : i64, scratch_operands = 5 : i64, tpu.core_type = #tpu.core_type<sc_vector_subcore>, window_params = [{transform_indices = #map}, {transform_indices = #map1}, {transform_indices = #map1}, {transform_indices = #map}, {transform_indices = #map}]} {
    %mul3A = arith.constant 2 : i32
    %mul3A_0 = arith.muli %arg1, %mul3A : i32
    %add3A = arith.addi %mul3A_0, %arg0 : i32
    %mul3A_1 = arith.constant 5000 : i32
    %mul3A_2 = arith.muli %add3A, %mul3A_1 : i32
    %eq3A = arith.constant 0 : i32
    %eq3A_3 = arith.cmpi eq, %arg1, %eq3A : i32
    %convert_element_type3A = arith.extui %eq3A_3 : i1 to i32
    %cond3A = arith.constant 0 : i32
    %cond3A_4 = arith.cmpi ne, %convert_element_type3A, %cond3A : i32
    scf.if %cond3A_4 {
      "tpu.region"() ({
        %run_scoped3A = tpu.sem_alloc : memref<!tpu.dma_semaphore, #tpu.memory_space<semaphore_mem>>
        tpu.enqueue_dma source(%arg5 : memref<10000x128xf32, #tpu.memory_space<hbm>>) target(%arg10 : memref<10000x128xf32, #tpu.memory_space<vmem_shared>>) target_semaphore(%run_scoped3A : memref<!tpu.dma_semaphore, #tpu.memory_space<semaphore_mem>>)
        tpu.wait_dma2 semaphore(%run_scoped3A : memref<!tpu.dma_semaphore, #tpu.memory_space<semaphore_mem>>) src(%arg5 : memref<10000x128xf32, #tpu.memory_space<hbm>>) dst(%arg10 : memref<10000x128xf32, #tpu.memory_space<vmem_shared>>)
        tpu.yield
      }) : () -> ()
    } else {
    }
    %barrier3A = arith.constant 0 : index
    tpu.barrier barrier_id(%barrier3A)
    %scan3A = arith.constant 0 : i32
    %scan3A_5 = arith.constant 0 : i32
    %scan3A_6 = arith.constant 25 : i32
    %scan3A_7 = arith.addi %scan3A_5, %scan3A_6 : i32
    %scan3A_8 = arith.constant 1 : i32
    scf.for %scan3A_20 = %scan3A_5 to %scan3A_7 step %scan3A_8  : i32 {
      %mul3A_21 = arith.constant 200 : i32
      %mul3A_22 = arith.muli %scan3A_20, %mul3A_21 : i32
      %add3A_23 = arith.addi %mul3A_2, %mul3A_22 : i32
      "tpu.region"() ({
        %run_scoped3A = tpu.sem_alloc : memref<!tpu.dma_semaphore, #tpu.memory_space<semaphore_mem>>
        %dma_start3A_28 = tpu.memref_slice %arg3[%add3A_23] : memref<160000xi32, #tpu.memory_space<hbm>> -> memref<200xi32, #tpu.memory_space<hbm>>
        %dma_start3A_29 = tpu.memref_slice %arg3[%add3A_23] : memref<160000xi32, #tpu.memory_space<hbm>> -> memref<200xi32, #tpu.memory_space<hbm>>
        tpu.enqueue_dma source(%dma_start3A_29 : memref<200xi32, #tpu.memory_space<hbm>>) target(%arg7 : memref<200xi32, #tpu.memory_space<vmem>>) target_semaphore(%run_scoped3A : memref<!tpu.dma_semaphore, #tpu.memory_space<semaphore_mem>>)
        %dma_wait3A_30 = tpu.memref_slice %arg3[%add3A_23] : memref<160000xi32, #tpu.memory_space<hbm>> -> memref<200xi32, #tpu.memory_space<hbm>>
        %dma_wait3A_31 = tpu.memref_slice %arg3[%add3A_23] : memref<160000xi32, #tpu.memory_space<hbm>> -> memref<200xi32, #tpu.memory_space<hbm>>
        tpu.wait_dma2 semaphore(%run_scoped3A : memref<!tpu.dma_semaphore, #tpu.memory_space<semaphore_mem>>) src(%dma_wait3A_31 : memref<200xi32, #tpu.memory_space<hbm>>) dst(%arg7 : memref<200xi32, #tpu.memory_space<vmem>>)
        tpu.yield
      }) : () -> ()
      %dma_start3A = arith.constant 0 : i32
      %dma_start3A_24 = arith.constant 0 : i32
      %dma_start3A_25 = tpu.memref_slice %arg2[%dma_start3A, %dma_start3A_24] : memref<10000x128xf32, #tpu.memory_space<hbm>> -> memref<10000x128xf32, #tpu.memory_space<hbm>>
      tpu.enqueue_indirect_dma source(%dma_start3A_25 : memref<10000x128xf32, #tpu.memory_space<hbm>>) target(%arg9 : memref<200x128xf32, #tpu.memory_space<vmem>>) offsets(%arg7 : memref<200xi32, #tpu.memory_space<vmem>>) semaphore(%arg11 : memref<!tpu.dma_semaphore, #tpu.memory_space<semaphore_mem>>)
      %dma_wait3A = arith.constant 0 : i32
      %dma_wait3A_26 = arith.constant 0 : i32
      %dma_wait3A_27 = tpu.memref_slice %arg2[%dma_wait3A, %dma_wait3A_26] : memref<10000x128xf32, #tpu.memory_space<hbm>> -> memref<10000x128xf32, #tpu.memory_space<hbm>>
      tpu.wait_indirect_dma semaphore(%arg11 : memref<!tpu.dma_semaphore, #tpu.memory_space<semaphore_mem>>) src(%dma_wait3A_27 : memref<10000x128xf32, #tpu.memory_space<hbm>>) dst(%arg9 : memref<200x128xf32, #tpu.memory_space<vmem>>)
      "tpu.region"() ({
        %run_scoped3A = tpu.sem_alloc : memref<!tpu.dma_semaphore, #tpu.memory_space<semaphore_mem>>
        %dma_start3A_28 = tpu.memref_slice %arg4[%add3A_23] : memref<160000xi32, #tpu.memory_space<hbm>> -> memref<200xi32, #tpu.memory_space<hbm>>
        %dma_start3A_29 = tpu.memref_slice %arg4[%add3A_23] : memref<160000xi32, #tpu.memory_space<hbm>> -> memref<200xi32, #tpu.memory_space<hbm>>
        tpu.enqueue_dma source(%dma_start3A_29 : memref<200xi32, #tpu.memory_space<hbm>>) target(%arg8 : memref<200xi32, #tpu.memory_space<vmem>>) target_semaphore(%run_scoped3A : memref<!tpu.dma_semaphore, #tpu.memory_space<semaphore_mem>>)
        %dma_wait3A_30 = tpu.memref_slice %arg4[%add3A_23] : memref<160000xi32, #tpu.memory_space<hbm>> -> memref<200xi32, #tpu.memory_space<hbm>>
        %dma_wait3A_31 = tpu.memref_slice %arg4[%add3A_23] : memref<160000xi32, #tpu.memory_space<hbm>> -> memref<200xi32, #tpu.memory_space<hbm>>
        tpu.wait_dma2 semaphore(%run_scoped3A : memref<!tpu.dma_semaphore, #tpu.memory_space<semaphore_mem>>) src(%dma_wait3A_31 : memref<200xi32, #tpu.memory_space<hbm>>) dst(%arg8 : memref<200xi32, #tpu.memory_space<vmem>>)
        tpu.yield
      }) : () -> ()
      "tpu.region"() ({
        %run_scoped3A = tpu.sem_alloc : memref<!tpu.dma_semaphore, #tpu.memory_space<semaphore_mem>>
        %dma_start3A_28 = arith.constant 0 : i32
        %dma_start3A_29 = arith.constant 0 : i32
        %dma_start3A_30 = tpu.memref_slice %arg10[%dma_start3A_28, %dma_start3A_29] : memref<10000x128xf32, #tpu.memory_space<vmem_shared>> -> memref<10000x128xf32, #tpu.memory_space<vmem_shared>>
        tpu.enqueue_indirect_dma source(%arg9 : memref<200x128xf32, #tpu.memory_space<vmem>>) target(%dma_start3A_30 : memref<10000x128xf32, #tpu.memory_space<vmem_shared>>) offsets(%arg8 : memref<200xi32, #tpu.memory_space<vmem>>) semaphore(%run_scoped3A : memref<!tpu.dma_semaphore, #tpu.memory_space<semaphore_mem>>) {add = true}
        %dma_wait3A_31 = arith.constant 0 : i32
        %dma_wait3A_32 = arith.constant 0 : i32
        %dma_wait3A_33 = tpu.memref_slice %arg10[%dma_wait3A_31, %dma_wait3A_32] : memref<10000x128xf32, #tpu.memory_space<vmem_shared>> -> memref<10000x128xf32, #tpu.memory_space<vmem_shared>>
        tpu.wait_indirect_dma semaphore(%run_scoped3A : memref<!tpu.dma_semaphore, #tpu.memory_space<semaphore_mem>>) src(%arg9 : memref<200x128xf32, #tpu.memory_space<vmem>>) dst(%dma_wait3A_33 : memref<10000x128xf32, #tpu.memory_space<vmem_shared>>)
        tpu.yield
      }) : () -> ()
    }
    %scan3A_9 = arith.constant 25 : i32
    %barrier3A_10 = arith.constant 0 : index
    tpu.barrier barrier_id(%barrier3A_10)
    %lt3A = arith.constant 15 : i32
    %lt3A_11 = arith.cmpi slt, %arg1, %lt3A : i32
    %convert_element_type3A_12 = arith.extui %lt3A_11 : i1 to i32
    %cond3A_13 = arith.constant 0 : i32
    %cond3A_14 = arith.cmpi ne, %convert_element_type3A_12, %cond3A_13 : i32
    scf.if %cond3A_14 {
      %mul3A_20 = arith.constant 632 : i32
      %mul3A_21 = arith.muli %arg1, %mul3A_20 : i32
      %mul3A_22 = arith.constant 10000 : i32
      %mul3A_23 = arith.muli %arg0, %mul3A_22 : i32
      %mul3A_24 = arith.constant 632 : i32
      %mul3A_25 = arith.muli %arg1, %mul3A_24 : i32
      %add3A_26 = arith.addi %mul3A_23, %mul3A_25 : i32
      "tpu.region"() ({
        %run_scoped3A = tpu.sem_alloc : memref<!tpu.dma_semaphore, #tpu.memory_space<semaphore_mem>>
        %dma_start3A = arith.constant 0 : i32
        %dma_start3A_27 = tpu.memref_slice %arg6[%add3A_26, %dma_start3A] : memref<20000x128xf32, #tpu.memory_space<hbm>> -> memref<632x128xf32, #tpu.memory_space<hbm>>
        %dma_start3A_28 = arith.constant 0 : i32
        %dma_start3A_29 = tpu.memref_slice %arg10[%mul3A_21, %dma_start3A_28] : memref<10000x128xf32, #tpu.memory_space<vmem_shared>> -> memref<632x128xf32, #tpu.memory_space<vmem_shared>>
        tpu.enqueue_dma source(%dma_start3A_29 : memref<632x128xf32, #tpu.memory_space<vmem_shared>>) target(%dma_start3A_27 : memref<632x128xf32, #tpu.memory_space<hbm>>) target_semaphore(%run_scoped3A : memref<!tpu.dma_semaphore, #tpu.memory_space<semaphore_mem>>)
        %dma_wait3A = arith.constant 0 : i32
        %dma_wait3A_30 = tpu.memref_slice %arg6[%add3A_26, %dma_wait3A] : memref<20000x128xf32, #tpu.memory_space<hbm>> -> memref<632x128xf32, #tpu.memory_space<hbm>>
        %dma_wait3A_31 = arith.constant 0 : i32
        %dma_wait3A_32 = tpu.memref_slice %arg10[%mul3A_21, %dma_wait3A_31] : memref<10000x128xf32, #tpu.memory_space<vmem_shared>> -> memref<632x128xf32, #tpu.memory_space<vmem_shared>>
        tpu.wait_dma2 semaphore(%run_scoped3A : memref<!tpu.dma_semaphore, #tpu.memory_space<semaphore_mem>>) src(%dma_wait3A_32 : memref<632x128xf32, #tpu.memory_space<vmem_shared>>) dst(%dma_wait3A_30 : memref<632x128xf32, #tpu.memory_space<hbm>>)
        tpu.yield
      }) : () -> ()
    } else {
    }
    %eq3A_15 = arith.constant 15 : i32
    %eq3A_16 = arith.cmpi eq, %arg1, %eq3A_15 : i32
    %convert_element_type3A_17 = arith.extui %eq3A_16 : i1 to i32
    %cond3A_18 = arith.constant 0 : i32
    %cond3A_19 = arith.cmpi ne, %convert_element_type3A_17, %cond3A_18 : i32
    scf.if %cond3A_19 {
      %mul3A_20 = arith.constant 10000 : i32
      %mul3A_21 = arith.muli %arg0, %mul3A_20 : i32
      %add3A_22 = arith.constant 9480 : i32
      %add3A_23 = arith.addi %mul3A_21, %add3A_22 : i32
      "tpu.region"() ({
        %run_scoped3A = tpu.sem_alloc : memref<!tpu.dma_semaphore, #tpu.memory_space<semaphore_mem>>
        %dma_start3A = arith.constant 0 : i32
        %dma_start3A_24 = tpu.memref_slice %arg6[%add3A_23, %dma_start3A] : memref<20000x128xf32, #tpu.memory_space<hbm>> -> memref<520x128xf32, #tpu.memory_space<hbm>>
        %dma_start3A_25 = arith.constant 9480 : i32
        %dma_start3A_26 = arith.constant 0 : i32
        %dma_start3A_27 = tpu.memref_slice %arg10[%dma_start3A_25, %dma_start3A_26] : memref<10000x128xf32, #tpu.memory_space<vmem_shared>> -> memref<520x128xf32, #tpu.memory_space<vmem_shared>>
        tpu.enqueue_dma source(%dma_start3A_27 : memref<520x128xf32, #tpu.memory_space<vmem_shared>>) target(%dma_start3A_24 : memref<520x128xf32, #tpu.memory_space<hbm>>) target_semaphore(%run_scoped3A : memref<!tpu.dma_semaphore, #tpu.memory_space<semaphore_mem>>)
        %dma_wait3A = arith.constant 0 : i32
        %dma_wait3A_28 = tpu.memref_slice %arg6[%add3A_23, %dma_wait3A] : memref<20000x128xf32, #tpu.memory_space<hbm>> -> memref<520x128xf32, #tpu.memory_space<hbm>>
        %dma_wait3A_29 = arith.constant 9480 : i32
        %dma_wait3A_30 = arith.constant 0 : i32
        %dma_wait3A_31 = tpu.memref_slice %arg10[%dma_wait3A_29, %dma_wait3A_30] : memref<10000x128xf32, #tpu.memory_space<vmem_shared>> -> memref<520x128xf32, #tpu.memory_space<vmem_shared>>
        tpu.wait_dma2 semaphore(%run_scoped3A : memref<!tpu.dma_semaphore, #tpu.memory_space<semaphore_mem>>) src(%dma_wait3A_31 : memref<520x128xf32, #tpu.memory_space<vmem_shared>>) dst(%dma_wait3A_28 : memref<520x128xf32, #tpu.memory_space<hbm>>)
        tpu.yield
      }) : () -> ()
    } else {
    }
    return
  }
}

#map = affine_map<(d0, d1) -> (0)>
#map1 = affine_map<(d0, d1) -> (0, 0)>
module attributes {stable_mosaic.version = 14 : i64} {
  func.func @k(%arg0: i32, %arg1: i32, %arg2: memref<160000xi32, #tpu.memory_space<hbm>>, %arg3: memref<160000xi32, #tpu.memory_space<hbm>>, %arg4: memref<1000xf32, #tpu.memory_space<hbm>>, %arg5: memref<10000xf32, #tpu.memory_space<hbm>>, %arg6: memref<2x10000xf32, #tpu.memory_space<hbm>>, %arg7: memref<2x10000xf32, #tpu.memory_space<hbm>>, %arg8: memref<1000xi32, #tpu.memory_space<vmem>>, %arg9: memref<1000xf32, #tpu.memory_space<vmem>>, %arg10: memref<10000xf32, #tpu.memory_space<vmem_shared>>, %arg11: memref<10000xf32, #tpu.memory_space<vmem_shared>>) attributes {dimension_semantics = [#tpu.dimension_semantics<core_parallel>, #tpu.dimension_semantics<subcore_parallel>], iteration_bounds = array<i64: 2, 16>, scalar_prefetch = 0 : i64, scratch_operands = 4 : i64, tpu.core_type = #tpu.core_type<sc_vector_subcore>, window_params = [{transform_indices = #map}, {transform_indices = #map}, {transform_indices = #map}, {transform_indices = #map}, {transform_indices = #map1}, {transform_indices = #map1}]} {
    %mul3A = arith.constant 2 : i32
    %mul3A_0 = arith.muli %arg1, %mul3A : i32
    %add3A = arith.addi %mul3A_0, %arg0 : i32
    %mul3A_1 = arith.constant 5000 : i32
    %mul3A_2 = arith.muli %add3A, %mul3A_1 : i32
    "tpu.region"() ({
      %run_scoped3A = tpu.sem_alloc : memref<!tpu.dma_semaphore, #tpu.memory_space<semaphore_mem>>
      tpu.enqueue_dma source(%arg4 : memref<1000xf32, #tpu.memory_space<hbm>>) target(%arg9 : memref<1000xf32, #tpu.memory_space<vmem>>) target_semaphore(%run_scoped3A : memref<!tpu.dma_semaphore, #tpu.memory_space<semaphore_mem>>)
      tpu.wait_dma2 semaphore(%run_scoped3A : memref<!tpu.dma_semaphore, #tpu.memory_space<semaphore_mem>>) src(%arg4 : memref<1000xf32, #tpu.memory_space<hbm>>) dst(%arg9 : memref<1000xf32, #tpu.memory_space<vmem>>)
      tpu.yield
    }) : () -> ()
    %eq3A = arith.constant 0 : i32
    %eq3A_3 = arith.cmpi eq, %arg1, %eq3A : i32
    %convert_element_type3A = arith.extui %eq3A_3 : i1 to i32
    %cond3A = arith.constant 0 : i32
    %cond3A_4 = arith.cmpi ne, %convert_element_type3A, %cond3A : i32
    scf.if %cond3A_4 {
      "tpu.region"() ({
        %run_scoped3A = tpu.sem_alloc : memref<!tpu.dma_semaphore, #tpu.memory_space<semaphore_mem>>
        tpu.enqueue_dma source(%arg5 : memref<10000xf32, #tpu.memory_space<hbm>>) target(%arg10 : memref<10000xf32, #tpu.memory_space<vmem_shared>>) target_semaphore(%run_scoped3A : memref<!tpu.dma_semaphore, #tpu.memory_space<semaphore_mem>>)
        tpu.wait_dma2 semaphore(%run_scoped3A : memref<!tpu.dma_semaphore, #tpu.memory_space<semaphore_mem>>) src(%arg5 : memref<10000xf32, #tpu.memory_space<hbm>>) dst(%arg10 : memref<10000xf32, #tpu.memory_space<vmem_shared>>)
        tpu.yield
      }) : () -> ()
      "tpu.region"() ({
        %run_scoped3A = tpu.sem_alloc : memref<!tpu.dma_semaphore, #tpu.memory_space<semaphore_mem>>
        tpu.enqueue_dma source(%arg5 : memref<10000xf32, #tpu.memory_space<hbm>>) target(%arg11 : memref<10000xf32, #tpu.memory_space<vmem_shared>>) target_semaphore(%run_scoped3A : memref<!tpu.dma_semaphore, #tpu.memory_space<semaphore_mem>>)
        tpu.wait_dma2 semaphore(%run_scoped3A : memref<!tpu.dma_semaphore, #tpu.memory_space<semaphore_mem>>) src(%arg5 : memref<10000xf32, #tpu.memory_space<hbm>>) dst(%arg11 : memref<10000xf32, #tpu.memory_space<vmem_shared>>)
        tpu.yield
      }) : () -> ()
    } else {
    }
    %barrier3A = arith.constant 0 : index
    tpu.barrier barrier_id(%barrier3A)
    %scan3A = arith.constant 0 : i32
    %scan3A_5 = arith.constant 0 : i32
    %scan3A_6 = arith.constant 5 : i32
    %scan3A_7 = arith.addi %scan3A_5, %scan3A_6 : i32
    %scan3A_8 = arith.constant 1 : i32
    scf.for %scan3A_16 = %scan3A_5 to %scan3A_7 step %scan3A_8  : i32 {
      %mul3A_17 = arith.constant 1000 : i32
      %mul3A_18 = arith.muli %scan3A_16, %mul3A_17 : i32
      %add3A_19 = arith.addi %mul3A_2, %mul3A_18 : i32
      "tpu.region"() ({
        %run_scoped3A = tpu.sem_alloc : memref<!tpu.dma_semaphore, #tpu.memory_space<semaphore_mem>>
        %dma_start3A = tpu.memref_slice %arg2[%add3A_19] : memref<160000xi32, #tpu.memory_space<hbm>> -> memref<1000xi32, #tpu.memory_space<hbm>>
        %dma_start3A_20 = tpu.memref_slice %arg2[%add3A_19] : memref<160000xi32, #tpu.memory_space<hbm>> -> memref<1000xi32, #tpu.memory_space<hbm>>
        tpu.enqueue_dma source(%dma_start3A_20 : memref<1000xi32, #tpu.memory_space<hbm>>) target(%arg8 : memref<1000xi32, #tpu.memory_space<vmem>>) target_semaphore(%run_scoped3A : memref<!tpu.dma_semaphore, #tpu.memory_space<semaphore_mem>>)
        %dma_wait3A = tpu.memref_slice %arg2[%add3A_19] : memref<160000xi32, #tpu.memory_space<hbm>> -> memref<1000xi32, #tpu.memory_space<hbm>>
        %dma_wait3A_21 = tpu.memref_slice %arg2[%add3A_19] : memref<160000xi32, #tpu.memory_space<hbm>> -> memref<1000xi32, #tpu.memory_space<hbm>>
        tpu.wait_dma2 semaphore(%run_scoped3A : memref<!tpu.dma_semaphore, #tpu.memory_space<semaphore_mem>>) src(%dma_wait3A_21 : memref<1000xi32, #tpu.memory_space<hbm>>) dst(%arg8 : memref<1000xi32, #tpu.memory_space<vmem>>)
        tpu.yield
      }) : () -> ()
      "tpu.region"() ({
        %run_scoped3A = tpu.sem_alloc : memref<!tpu.dma_semaphore, #tpu.memory_space<semaphore_mem>>
        %dma_start3A = arith.constant 0 : i32
        %dma_start3A_20 = tpu.memref_slice %arg10[%dma_start3A] : memref<10000xf32, #tpu.memory_space<vmem_shared>> -> memref<10000xf32, #tpu.memory_space<vmem_shared>>
        tpu.enqueue_indirect_dma source(%arg9 : memref<1000xf32, #tpu.memory_space<vmem>>) target(%dma_start3A_20 : memref<10000xf32, #tpu.memory_space<vmem_shared>>) offsets(%arg8 : memref<1000xi32, #tpu.memory_space<vmem>>) semaphore(%run_scoped3A : memref<!tpu.dma_semaphore, #tpu.memory_space<semaphore_mem>>) {add = true}
        %dma_wait3A = arith.constant 0 : i32
        %dma_wait3A_21 = tpu.memref_slice %arg10[%dma_wait3A] : memref<10000xf32, #tpu.memory_space<vmem_shared>> -> memref<10000xf32, #tpu.memory_space<vmem_shared>>
        tpu.wait_indirect_dma semaphore(%run_scoped3A : memref<!tpu.dma_semaphore, #tpu.memory_space<semaphore_mem>>) src(%arg9 : memref<1000xf32, #tpu.memory_space<vmem>>) dst(%dma_wait3A_21 : memref<10000xf32, #tpu.memory_space<vmem_shared>>)
        tpu.yield
      }) : () -> ()
      "tpu.region"() ({
        %run_scoped3A = tpu.sem_alloc : memref<!tpu.dma_semaphore, #tpu.memory_space<semaphore_mem>>
        %dma_start3A = arith.constant 0 : i32
        %dma_start3A_20 = tpu.memref_slice %arg11[%dma_start3A] : memref<10000xf32, #tpu.memory_space<vmem_shared>> -> memref<10000xf32, #tpu.memory_space<vmem_shared>>
        tpu.enqueue_indirect_dma source(%arg9 : memref<1000xf32, #tpu.memory_space<vmem>>) target(%dma_start3A_20 : memref<10000xf32, #tpu.memory_space<vmem_shared>>) offsets(%arg8 : memref<1000xi32, #tpu.memory_space<vmem>>) semaphore(%run_scoped3A : memref<!tpu.dma_semaphore, #tpu.memory_space<semaphore_mem>>) {add = true}
        %dma_wait3A = arith.constant 0 : i32
        %dma_wait3A_21 = tpu.memref_slice %arg11[%dma_wait3A] : memref<10000xf32, #tpu.memory_space<vmem_shared>> -> memref<10000xf32, #tpu.memory_space<vmem_shared>>
        tpu.wait_indirect_dma semaphore(%run_scoped3A : memref<!tpu.dma_semaphore, #tpu.memory_space<semaphore_mem>>) src(%arg9 : memref<1000xf32, #tpu.memory_space<vmem>>) dst(%dma_wait3A_21 : memref<10000xf32, #tpu.memory_space<vmem_shared>>)
        tpu.yield
      }) : () -> ()
      "tpu.region"() ({
        %run_scoped3A = tpu.sem_alloc : memref<!tpu.dma_semaphore, #tpu.memory_space<semaphore_mem>>
        %dma_start3A = tpu.memref_slice %arg3[%add3A_19] : memref<160000xi32, #tpu.memory_space<hbm>> -> memref<1000xi32, #tpu.memory_space<hbm>>
        %dma_start3A_20 = tpu.memref_slice %arg3[%add3A_19] : memref<160000xi32, #tpu.memory_space<hbm>> -> memref<1000xi32, #tpu.memory_space<hbm>>
        tpu.enqueue_dma source(%dma_start3A_20 : memref<1000xi32, #tpu.memory_space<hbm>>) target(%arg8 : memref<1000xi32, #tpu.memory_space<vmem>>) target_semaphore(%run_scoped3A : memref<!tpu.dma_semaphore, #tpu.memory_space<semaphore_mem>>)
        %dma_wait3A = tpu.memref_slice %arg3[%add3A_19] : memref<160000xi32, #tpu.memory_space<hbm>> -> memref<1000xi32, #tpu.memory_space<hbm>>
        %dma_wait3A_21 = tpu.memref_slice %arg3[%add3A_19] : memref<160000xi32, #tpu.memory_space<hbm>> -> memref<1000xi32, #tpu.memory_space<hbm>>
        tpu.wait_dma2 semaphore(%run_scoped3A : memref<!tpu.dma_semaphore, #tpu.memory_space<semaphore_mem>>) src(%dma_wait3A_21 : memref<1000xi32, #tpu.memory_space<hbm>>) dst(%arg8 : memref<1000xi32, #tpu.memory_space<vmem>>)
        tpu.yield
      }) : () -> ()
      "tpu.region"() ({
        %run_scoped3A = tpu.sem_alloc : memref<!tpu.dma_semaphore, #tpu.memory_space<semaphore_mem>>
        %dma_start3A = arith.constant 0 : i32
        %dma_start3A_20 = tpu.memref_slice %arg11[%dma_start3A] : memref<10000xf32, #tpu.memory_space<vmem_shared>> -> memref<10000xf32, #tpu.memory_space<vmem_shared>>
        tpu.enqueue_indirect_dma source(%arg9 : memref<1000xf32, #tpu.memory_space<vmem>>) target(%dma_start3A_20 : memref<10000xf32, #tpu.memory_space<vmem_shared>>) offsets(%arg8 : memref<1000xi32, #tpu.memory_space<vmem>>) semaphore(%run_scoped3A : memref<!tpu.dma_semaphore, #tpu.memory_space<semaphore_mem>>) {add = true}
        %dma_wait3A = arith.constant 0 : i32
        %dma_wait3A_21 = tpu.memref_slice %arg11[%dma_wait3A] : memref<10000xf32, #tpu.memory_space<vmem_shared>> -> memref<10000xf32, #tpu.memory_space<vmem_shared>>
        tpu.wait_indirect_dma semaphore(%run_scoped3A : memref<!tpu.dma_semaphore, #tpu.memory_space<semaphore_mem>>) src(%arg9 : memref<1000xf32, #tpu.memory_space<vmem>>) dst(%dma_wait3A_21 : memref<10000xf32, #tpu.memory_space<vmem_shared>>)
        tpu.yield
      }) : () -> ()
    }
    %scan3A_9 = arith.constant 5 : i32
    %barrier3A_10 = arith.constant 0 : index
    tpu.barrier barrier_id(%barrier3A_10)
    %eq3A_11 = arith.constant 0 : i32
    %eq3A_12 = arith.cmpi eq, %arg1, %eq3A_11 : i32
    %convert_element_type3A_13 = arith.extui %eq3A_12 : i1 to i32
    %cond3A_14 = arith.constant 0 : i32
    %cond3A_15 = arith.cmpi ne, %convert_element_type3A_13, %cond3A_14 : i32
    scf.if %cond3A_15 {
      "tpu.region"() ({
        %run_scoped3A = tpu.sem_alloc : memref<!tpu.dma_semaphore, #tpu.memory_space<semaphore_mem>>
        %dma_start3A = arith.constant 0 : i32
        %dma_start3A_16 = tpu.memref_slice %arg6[%arg0, %dma_start3A] : memref<2x10000xf32, #tpu.memory_space<hbm>> -> memref<1x10000xf32, #tpu.memory_space<hbm>>
        %dma_start3A_17 = tpu.memref_squeeze %dma_start3A_16 : memref<1x10000xf32, #tpu.memory_space<hbm>> -> memref<10000xf32, #tpu.memory_space<hbm>>
        tpu.enqueue_dma source(%arg10 : memref<10000xf32, #tpu.memory_space<vmem_shared>>) target(%dma_start3A_17 : memref<10000xf32, #tpu.memory_space<hbm>>) target_semaphore(%run_scoped3A : memref<!tpu.dma_semaphore, #tpu.memory_space<semaphore_mem>>)
        %dma_wait3A = arith.constant 0 : i32
        %dma_wait3A_18 = tpu.memref_slice %arg6[%arg0, %dma_wait3A] : memref<2x10000xf32, #tpu.memory_space<hbm>> -> memref<1x10000xf32, #tpu.memory_space<hbm>>
        %dma_wait3A_19 = tpu.memref_squeeze %dma_wait3A_18 : memref<1x10000xf32, #tpu.memory_space<hbm>> -> memref<10000xf32, #tpu.memory_space<hbm>>
        tpu.wait_dma2 semaphore(%run_scoped3A : memref<!tpu.dma_semaphore, #tpu.memory_space<semaphore_mem>>) src(%arg10 : memref<10000xf32, #tpu.memory_space<vmem_shared>>) dst(%dma_wait3A_19 : memref<10000xf32, #tpu.memory_space<hbm>>)
        tpu.yield
      }) : () -> ()
      "tpu.region"() ({
        %run_scoped3A = tpu.sem_alloc : memref<!tpu.dma_semaphore, #tpu.memory_space<semaphore_mem>>
        %dma_start3A = arith.constant 0 : i32
        %dma_start3A_16 = tpu.memref_slice %arg7[%arg0, %dma_start3A] : memref<2x10000xf32, #tpu.memory_space<hbm>> -> memref<1x10000xf32, #tpu.memory_space<hbm>>
        %dma_start3A_17 = tpu.memref_squeeze %dma_start3A_16 : memref<1x10000xf32, #tpu.memory_space<hbm>> -> memref<10000xf32, #tpu.memory_space<hbm>>
        tpu.enqueue_dma source(%arg11 : memref<10000xf32, #tpu.memory_space<vmem_shared>>) target(%dma_start3A_17 : memref<10000xf32, #tpu.memory_space<hbm>>) target_semaphore(%run_scoped3A : memref<!tpu.dma_semaphore, #tpu.memory_space<semaphore_mem>>)
        %dma_wait3A = arith.constant 0 : i32
        %dma_wait3A_18 = tpu.memref_slice %arg7[%arg0, %dma_wait3A] : memref<2x10000xf32, #tpu.memory_space<hbm>> -> memref<1x10000xf32, #tpu.memory_space<hbm>>
        %dma_wait3A_19 = tpu.memref_squeeze %dma_wait3A_18 : memref<1x10000xf32, #tpu.memory_space<hbm>> -> memref<10000xf32, #tpu.memory_space<hbm>>
        tpu.wait_dma2 semaphore(%run_scoped3A : memref<!tpu.dma_semaphore, #tpu.memory_space<semaphore_mem>>) src(%arg11 : memref<10000xf32, #tpu.memory_space<vmem_shared>>) dst(%dma_wait3A_19 : memref<10000xf32, #tpu.memory_space<hbm>>)
        tpu.yield
      }) : () -> ()
    } else {
    }
    return
  }
}

#map = affine_map<(d0, d1) -> (0, 0)>
#map1 = affine_map<(d0, d1) -> (0)>
module attributes {stable_mosaic.version = 14 : i64} {
  func.func @k(%arg0: i32, %arg1: i32, %arg2: memref<10000x128xf32, #tpu.memory_space<hbm>>, %arg3: memref<160000xi32, #tpu.memory_space<hbm>>, %arg4: memref<10000x128xf32, #tpu.memory_space<hbm>>, %arg5: memref<160000xi32, #tpu.memory_space<hbm>>, %arg6: memref<160000x128xf32, #tpu.memory_space<hbm>>, %arg7: memref<160000x128xf32, #tpu.memory_space<hbm>>, %arg8: memref<200xi32, #tpu.memory_space<vmem>>, %arg9: memref<200xi32, #tpu.memory_space<vmem>>, %arg10: memref<200x128xf32, #tpu.memory_space<vmem>>, %arg11: memref<200x128xf32, #tpu.memory_space<vmem>>, %arg12: memref<!tpu.dma_semaphore, #tpu.memory_space<semaphore_mem>>, %arg13: memref<!tpu.dma_semaphore, #tpu.memory_space<semaphore_mem>>) attributes {dimension_semantics = [#tpu.dimension_semantics<core_parallel>, #tpu.dimension_semantics<subcore_parallel>], iteration_bounds = array<i64: 2, 16>, scalar_prefetch = 0 : i64, scratch_operands = 6 : i64, tpu.core_type = #tpu.core_type<sc_vector_subcore>, window_params = [{transform_indices = #map}, {transform_indices = #map1}, {transform_indices = #map}, {transform_indices = #map1}, {transform_indices = #map}, {transform_indices = #map}]} {
    %mul3A = arith.constant 2 : i32
    %mul3A_0 = arith.muli %arg1, %mul3A : i32
    %add3A = arith.addi %mul3A_0, %arg0 : i32
    %mul3A_1 = arith.constant 5000 : i32
    %mul3A_2 = arith.muli %add3A, %mul3A_1 : i32
    %scan3A = arith.constant 0 : i32
    %scan3A_3 = arith.constant 0 : i32
    %scan3A_4 = arith.constant 25 : i32
    %scan3A_5 = arith.addi %scan3A_3, %scan3A_4 : i32
    %scan3A_6 = arith.constant 1 : i32
    scf.for %scan3A_8 = %scan3A_3 to %scan3A_5 step %scan3A_6  : i32 {
      %mul3A_9 = arith.constant 200 : i32
      %mul3A_10 = arith.muli %scan3A_8, %mul3A_9 : i32
      %add3A_11 = arith.addi %mul3A_2, %mul3A_10 : i32
      "tpu.region"() ({
        %run_scoped3A = tpu.sem_alloc : memref<!tpu.dma_semaphore, #tpu.memory_space<semaphore_mem>>
        %dma_start3A_22 = tpu.memref_slice %arg3[%add3A_11] : memref<160000xi32, #tpu.memory_space<hbm>> -> memref<200xi32, #tpu.memory_space<hbm>>
        %dma_start3A_23 = tpu.memref_slice %arg3[%add3A_11] : memref<160000xi32, #tpu.memory_space<hbm>> -> memref<200xi32, #tpu.memory_space<hbm>>
        tpu.enqueue_dma source(%dma_start3A_23 : memref<200xi32, #tpu.memory_space<hbm>>) target(%arg8 : memref<200xi32, #tpu.memory_space<vmem>>) target_semaphore(%run_scoped3A : memref<!tpu.dma_semaphore, #tpu.memory_space<semaphore_mem>>)
        %dma_wait3A_24 = tpu.memref_slice %arg3[%add3A_11] : memref<160000xi32, #tpu.memory_space<hbm>> -> memref<200xi32, #tpu.memory_space<hbm>>
        %dma_wait3A_25 = tpu.memref_slice %arg3[%add3A_11] : memref<160000xi32, #tpu.memory_space<hbm>> -> memref<200xi32, #tpu.memory_space<hbm>>
        tpu.wait_dma2 semaphore(%run_scoped3A : memref<!tpu.dma_semaphore, #tpu.memory_space<semaphore_mem>>) src(%dma_wait3A_25 : memref<200xi32, #tpu.memory_space<hbm>>) dst(%arg8 : memref<200xi32, #tpu.memory_space<vmem>>)
        tpu.yield
      }) : () -> ()
      "tpu.region"() ({
        %run_scoped3A = tpu.sem_alloc : memref<!tpu.dma_semaphore, #tpu.memory_space<semaphore_mem>>
        %dma_start3A_22 = tpu.memref_slice %arg5[%add3A_11] : memref<160000xi32, #tpu.memory_space<hbm>> -> memref<200xi32, #tpu.memory_space<hbm>>
        %dma_start3A_23 = tpu.memref_slice %arg5[%add3A_11] : memref<160000xi32, #tpu.memory_space<hbm>> -> memref<200xi32, #tpu.memory_space<hbm>>
        tpu.enqueue_dma source(%dma_start3A_23 : memref<200xi32, #tpu.memory_space<hbm>>) target(%arg9 : memref<200xi32, #tpu.memory_space<vmem>>) target_semaphore(%run_scoped3A : memref<!tpu.dma_semaphore, #tpu.memory_space<semaphore_mem>>)
        %dma_wait3A_24 = tpu.memref_slice %arg5[%add3A_11] : memref<160000xi32, #tpu.memory_space<hbm>> -> memref<200xi32, #tpu.memory_space<hbm>>
        %dma_wait3A_25 = tpu.memref_slice %arg5[%add3A_11] : memref<160000xi32, #tpu.memory_space<hbm>> -> memref<200xi32, #tpu.memory_space<hbm>>
        tpu.wait_dma2 semaphore(%run_scoped3A : memref<!tpu.dma_semaphore, #tpu.memory_space<semaphore_mem>>) src(%dma_wait3A_25 : memref<200xi32, #tpu.memory_space<hbm>>) dst(%arg9 : memref<200xi32, #tpu.memory_space<vmem>>)
        tpu.yield
      }) : () -> ()
      %dma_start3A = arith.constant 0 : i32
      %dma_start3A_12 = arith.constant 0 : i32
      %dma_start3A_13 = tpu.memref_slice %arg2[%dma_start3A, %dma_start3A_12] : memref<10000x128xf32, #tpu.memory_space<hbm>> -> memref<10000x128xf32, #tpu.memory_space<hbm>>
      tpu.enqueue_indirect_dma source(%dma_start3A_13 : memref<10000x128xf32, #tpu.memory_space<hbm>>) target(%arg10 : memref<200x128xf32, #tpu.memory_space<vmem>>) offsets(%arg8 : memref<200xi32, #tpu.memory_space<vmem>>) semaphore(%arg12 : memref<!tpu.dma_semaphore, #tpu.memory_space<semaphore_mem>>)
      %dma_start3A_14 = arith.constant 0 : i32
      %dma_start3A_15 = arith.constant 0 : i32
      %dma_start3A_16 = tpu.memref_slice %arg4[%dma_start3A_14, %dma_start3A_15] : memref<10000x128xf32, #tpu.memory_space<hbm>> -> memref<10000x128xf32, #tpu.memory_space<hbm>>
      tpu.enqueue_indirect_dma source(%dma_start3A_16 : memref<10000x128xf32, #tpu.memory_space<hbm>>) target(%arg11 : memref<200x128xf32, #tpu.memory_space<vmem>>) offsets(%arg9 : memref<200xi32, #tpu.memory_space<vmem>>) semaphore(%arg13 : memref<!tpu.dma_semaphore, #tpu.memory_space<semaphore_mem>>)
      %dma_wait3A = arith.constant 0 : i32
      %dma_wait3A_17 = arith.constant 0 : i32
      %dma_wait3A_18 = tpu.memref_slice %arg2[%dma_wait3A, %dma_wait3A_17] : memref<10000x128xf32, #tpu.memory_space<hbm>> -> memref<10000x128xf32, #tpu.memory_space<hbm>>
      tpu.wait_indirect_dma semaphore(%arg12 : memref<!tpu.dma_semaphore, #tpu.memory_space<semaphore_mem>>) src(%dma_wait3A_18 : memref<10000x128xf32, #tpu.memory_space<hbm>>) dst(%arg10 : memref<200x128xf32, #tpu.memory_space<vmem>>)
      %dma_wait3A_19 = arith.constant 0 : i32
      %dma_wait3A_20 = arith.constant 0 : i32
      %dma_wait3A_21 = tpu.memref_slice %arg4[%dma_wait3A_19, %dma_wait3A_20] : memref<10000x128xf32, #tpu.memory_space<hbm>> -> memref<10000x128xf32, #tpu.memory_space<hbm>>
      tpu.wait_indirect_dma semaphore(%arg13 : memref<!tpu.dma_semaphore, #tpu.memory_space<semaphore_mem>>) src(%dma_wait3A_21 : memref<10000x128xf32, #tpu.memory_space<hbm>>) dst(%arg11 : memref<200x128xf32, #tpu.memory_space<vmem>>)
      "tpu.region"() ({
        %run_scoped3A = tpu.sem_alloc : memref<!tpu.dma_semaphore, #tpu.memory_space<semaphore_mem>>
        %dma_start3A_22 = arith.constant 0 : i32
        %dma_start3A_23 = tpu.memref_slice %arg6[%add3A_11, %dma_start3A_22] : memref<160000x128xf32, #tpu.memory_space<hbm>> -> memref<200x128xf32, #tpu.memory_space<hbm>>
        %dma_start3A_24 = arith.constant 0 : i32
        %dma_start3A_25 = tpu.memref_slice %arg6[%add3A_11, %dma_start3A_24] : memref<160000x128xf32, #tpu.memory_space<hbm>> -> memref<200x128xf32, #tpu.memory_space<hbm>>
        tpu.enqueue_dma source(%arg10 : memref<200x128xf32, #tpu.memory_space<vmem>>) target(%dma_start3A_25 : memref<200x128xf32, #tpu.memory_space<hbm>>) target_semaphore(%run_scoped3A : memref<!tpu.dma_semaphore, #tpu.memory_space<semaphore_mem>>)
        %dma_wait3A_26 = arith.constant 0 : i32
        %dma_wait3A_27 = tpu.memref_slice %arg6[%add3A_11, %dma_wait3A_26] : memref<160000x128xf32, #tpu.memory_space<hbm>> -> memref<200x128xf32, #tpu.memory_space<hbm>>
        %dma_wait3A_28 = arith.constant 0 : i32
        %dma_wait3A_29 = tpu.memref_slice %arg6[%add3A_11, %dma_wait3A_28] : memref<160000x128xf32, #tpu.memory_space<hbm>> -> memref<200x128xf32, #tpu.memory_space<hbm>>
        tpu.wait_dma2 semaphore(%run_scoped3A : memref<!tpu.dma_semaphore, #tpu.memory_space<semaphore_mem>>) src(%arg10 : memref<200x128xf32, #tpu.memory_space<vmem>>) dst(%dma_wait3A_29 : memref<200x128xf32, #tpu.memory_space<hbm>>)
        tpu.yield
      }) : () -> ()
      "tpu.region"() ({
        %run_scoped3A = tpu.sem_alloc : memref<!tpu.dma_semaphore, #tpu.memory_space<semaphore_mem>>
        %dma_start3A_22 = arith.constant 0 : i32
        %dma_start3A_23 = tpu.memref_slice %arg7[%add3A_11, %dma_start3A_22] : memref<160000x128xf32, #tpu.memory_space<hbm>> -> memref<200x128xf32, #tpu.memory_space<hbm>>
        %dma_start3A_24 = arith.constant 0 : i32
        %dma_start3A_25 = tpu.memref_slice %arg7[%add3A_11, %dma_start3A_24] : memref<160000x128xf32, #tpu.memory_space<hbm>> -> memref<200x128xf32, #tpu.memory_space<hbm>>
        tpu.enqueue_dma source(%arg11 : memref<200x128xf32, #tpu.memory_space<vmem>>) target(%dma_start3A_25 : memref<200x128xf32, #tpu.memory_space<hbm>>) target_semaphore(%run_scoped3A : memref<!tpu.dma_semaphore, #tpu.memory_space<semaphore_mem>>)
        %dma_wait3A_26 = arith.constant 0 : i32
        %dma_wait3A_27 = tpu.memref_slice %arg7[%add3A_11, %dma_wait3A_26] : memref<160000x128xf32, #tpu.memory_space<hbm>> -> memref<200x128xf32, #tpu.memory_space<hbm>>
        %dma_wait3A_28 = arith.constant 0 : i32
        %dma_wait3A_29 = tpu.memref_slice %arg7[%add3A_11, %dma_wait3A_28] : memref<160000x128xf32, #tpu.memory_space<hbm>> -> memref<200x128xf32, #tpu.memory_space<hbm>>
        tpu.wait_dma2 semaphore(%run_scoped3A : memref<!tpu.dma_semaphore, #tpu.memory_space<semaphore_mem>>) src(%arg11 : memref<200x128xf32, #tpu.memory_space<vmem>>) dst(%dma_wait3A_29 : memref<200x128xf32, #tpu.memory_space<hbm>>)
        tpu.yield
      }) : () -> ()
    }
    %scan3A_7 = arith.constant 25 : i32
    return
  }
}

module attributes {stable_mosaic.version = 14 : i64} {
  func.func @_gru_body(%arg0: i32, %arg1: memref<2000x128xf32, #tpu.memory_space<vmem>>, %arg2: memref<2000x128xf32, #tpu.memory_space<vmem>>, %arg3: memref<256x192xf32, #tpu.memory_space<vmem>>, %arg4: memref<8x192xf32, #tpu.memory_space<vmem>>, %arg5: memref<64x192xf32, #tpu.memory_space<vmem>>, %arg6: memref<64x64xf32, #tpu.memory_space<vmem>>, %arg7: memref<8x64xf32, #tpu.memory_space<vmem>>, %arg8: memref<2000x64xf32, #tpu.memory_space<vmem>>, %arg9: memref<2000x64xf32, #tpu.memory_space<vmem>>, %arg10: memref<2000x64xf32, #tpu.memory_space<vmem>>, %arg11: memref<2000x64xf32, #tpu.memory_space<vmem>>, %arg12: memref<8x64xf32, #tpu.memory_space<vmem>>) attributes {dimension_semantics = [#tpu.dimension_semantics<arbitrary>], iteration_bounds = array<i64: 80>, scalar_prefetch = 0 : i64, scratch_operands = 4 : i64, tpu.core_type = #tpu.core_type<tc>, window_params = [{transform_indices = @transform_0, window_bounds = array<i64: 2000, 128>}, {transform_indices = @transform_1, window_bounds = array<i64: 2000, 128>}, {pipeline_mode = #tpu.pipeline_mode<synchronous>, transform_indices = @transform_2, window_bounds = array<i64: 256, 192>}, {pipeline_mode = #tpu.pipeline_mode<synchronous>, transform_indices = @transform_3, window_bounds = array<i64: 8, 192>}, {pipeline_mode = #tpu.pipeline_mode<synchronous>, transform_indices = @transform_4, window_bounds = array<i64: 64, 192>}, {pipeline_mode = #tpu.pipeline_mode<synchronous>, transform_indices = @transform_5, window_bounds = array<i64: 64, 64>}, {pipeline_mode = #tpu.pipeline_mode<synchronous>, transform_indices = @transform_6, window_bounds = array<i64: 8, 64>}, {transform_indices = @transform_7, window_bounds = array<i64: 2000, 64>}]} {
    %eq3A = arith.constant 0 : i32
    %eq3A_0 = arith.cmpi eq, %arg0, %eq3A : i32
    %convert_element_type3A = arith.extui %eq3A_0 : i1 to i32
    %cond3A = arith.constant 0 : i32
    %cond3A_1 = arith.cmpi ne, %convert_element_type3A, %cond3A : i32
    scf.if %cond3A_1 {
      %broadcast_in_dim3A = arith.constant 0.000000e+00 : f32
      %broadcast_in_dim3A_68 = vector.broadcast %broadcast_in_dim3A : f32 to vector<8x64xf32>
      %swap3A_69 = arith.constant 0 : index
      %swap3A_70 = arith.constant 0 : index
      %swap3A_71 = vector.load %arg12[%swap3A_69, %swap3A_70] : memref<8x64xf32, #tpu.memory_space<vmem>>, vector<8x64xf32>
      tpu.vector_store %arg12[%swap3A_69, %swap3A_70], %broadcast_in_dim3A_68 {strides = array<i32>} : memref<8x64xf32, #tpu.memory_space<vmem>>, vector<8x64xf32>,
    } else {
    }
    %get3A = arith.constant 0 : index
    %get3A_2 = arith.constant 0 : index
    %get3A_3 = vector.load %arg3[%get3A, %get3A_2] : memref<256x192xf32, #tpu.memory_space<vmem>>, vector<256x192xf32>
    %get3A_4 = arith.constant 0 : index
    %get3A_5 = arith.constant 0 : index
    %get3A_6 = vector.load %arg4[%get3A_4, %get3A_5] : memref<8x192xf32, #tpu.memory_space<vmem>>, vector<1x192xf32>
    %get3A_7 = arith.constant 0 : index
    %get3A_8 = arith.constant 0 : index
    %get3A_9 = vector.load %arg1[%get3A_7, %get3A_8] : memref<2000x128xf32, #tpu.memory_space<vmem>>, vector<2000x128xf32>
    %get3A_10 = arith.constant 0 : index
    %get3A_11 = arith.constant 0 : index
    %get3A_12 = vector.load %arg2[%get3A_10, %get3A_11] : memref<2000x128xf32, #tpu.memory_space<vmem>>, vector<2000x128xf32>
    %slice3A = vector.extract_strided_slice %get3A_3 {offsets = [0, 0], sizes = [128, 64], strides = [1, 1]} : vector<256x192xf32> to vector<128x64xf32>
    %dot_general3A = arith.constant dense<0.000000e+00> : vector<2000x64xf32>
    %dot_general3A_13 = tpu.matmul %get3A_9, %slice3A, %dot_general3A {dimension_numbers = #tpu.dot_dimension_numbers<[1], [0], [0], [1], [0, 0, 1, 1], [], []>, transpose_lhs_hint = false} : vector<2000x128xf32>, vector<128x64xf32>, vector<2000x64xf32> -> vector<2000x64xf32>
    %slice3A_14 = vector.extract_strided_slice %get3A_3 {offsets = [128, 0], sizes = [128, 64], strides = [1, 1]} : vector<256x192xf32> to vector<128x64xf32>
    %dot_general3A_15 = arith.constant dense<0.000000e+00> : vector<2000x64xf32>
    %dot_general3A_16 = tpu.matmul %get3A_12, %slice3A_14, %dot_general3A_15 {dimension_numbers = #tpu.dot_dimension_numbers<[1], [0], [0], [1], [0, 0, 1, 1], [], []>, transpose_lhs_hint = false} : vector<2000x128xf32>, vector<128x64xf32>, vector<2000x64xf32> -> vector<2000x64xf32>
    %add3A = arith.addf %dot_general3A_13, %dot_general3A_16 : vector<2000x64xf32>
    %slice3A_17 = vector.extract_strided_slice %get3A_6 {offsets = [0, 0], sizes = [1, 64], strides = [1, 1]} : vector<1x192xf32> to vector<1x64xf32>
    %add3A_18 = vector.broadcast %slice3A_17 : vector<1x64xf32> to vector<2000x64xf32>
    %add3A_19 = arith.addf %add3A, %add3A_18 : vector<2000x64xf32>
    %swap3A = arith.constant 0 : index
    %swap3A_20 = arith.constant 0 : index
    %swap3A_21 = vector.load %arg9[%swap3A, %swap3A_20] : memref<2000x64xf32, #tpu.memory_space<vmem>>, vector<2000x64xf32>
    tpu.vector_store %arg9[%swap3A, %swap3A_20], %add3A_19 {strides = array<i32>} : memref<2000x64xf32, #tpu.memory_space<vmem>>, vector<2000x64xf32>,
    %slice3A_22 = vector.extract_strided_slice %get3A_3 {offsets = [0, 64], sizes = [128, 64], strides = [1, 1]} : vector<256x192xf32> to vector<128x64xf32>
    %dot_general3A_23 = arith.constant dense<0.000000e+00> : vector<2000x64xf32>
    %dot_general3A_24 = tpu.matmul %get3A_9, %slice3A_22, %dot_general3A_23 {dimension_numbers = #tpu.dot_dimension_numbers<[1], [0], [0], [1], [0, 0, 1, 1], [], []>, transpose_lhs_hint = false} : vector<2000x128xf32>, vector<128x64xf32>, vector<2000x64xf32> -> vector<2000x64xf32>
    %slice3A_25 = vector.extract_strided_slice %get3A_3 {offsets = [128, 64], sizes = [128, 64], strides = [1, 1]} : vector<256x192xf32> to vector<128x64xf32>
    %dot_general3A_26 = arith.constant dense<0.000000e+00> : vector<2000x64xf32>
    %dot_general3A_27 = tpu.matmul %get3A_12, %slice3A_25, %dot_general3A_26 {dimension_numbers = #tpu.dot_dimension_numbers<[1], [0], [0], [1], [0, 0, 1, 1], [], []>, transpose_lhs_hint = false} : vector<2000x128xf32>, vector<128x64xf32>, vector<2000x64xf32> -> vector<2000x64xf32>
    %add3A_28 = arith.addf %dot_general3A_24, %dot_general3A_27 : vector<2000x64xf32>
    %slice3A_29 = vector.extract_strided_slice %get3A_6 {offsets = [0, 64], sizes = [1, 64], strides = [1, 1]} : vector<1x192xf32> to vector<1x64xf32>
    %add3A_30 = vector.broadcast %slice3A_29 : vector<1x64xf32> to vector<2000x64xf32>
    %add3A_31 = arith.addf %add3A_28, %add3A_30 : vector<2000x64xf32>
    %swap3A_32 = arith.constant 0 : index
    %swap3A_33 = arith.constant 0 : index
    %swap3A_34 = vector.load %arg10[%swap3A_32, %swap3A_33] : memref<2000x64xf32, #tpu.memory_space<vmem>>, vector<2000x64xf32>
    tpu.vector_store %arg10[%swap3A_32, %swap3A_33], %add3A_31 {strides = array<i32>} : memref<2000x64xf32, #tpu.memory_space<vmem>>, vector<2000x64xf32>,
    %slice3A_35 = vector.extract_strided_slice %get3A_3 {offsets = [0, 128], sizes = [128, 64], strides = [1, 1]} : vector<256x192xf32> to vector<128x64xf32>
    %dot_general3A_36 = arith.constant dense<0.000000e+00> : vector<2000x64xf32>
    %dot_general3A_37 = tpu.matmul %get3A_9, %slice3A_35, %dot_general3A_36 {dimension_numbers = #tpu.dot_dimension_numbers<[1], [0], [0], [1], [0, 0, 1, 1], [], []>, transpose_lhs_hint = false} : vector<2000x128xf32>, vector<128x64xf32>, vector<2000x64xf32> -> vector<2000x64xf32>
    %slice3A_38 = vector.extract_strided_slice %get3A_3 {offsets = [128, 128], sizes = [128, 64], strides = [1, 1]} : vector<256x192xf32> to vector<128x64xf32>
    %dot_general3A_39 = arith.constant dense<0.000000e+00> : vector<2000x64xf32>
    %dot_general3A_40 = tpu.matmul %get3A_12, %slice3A_38, %dot_general3A_39 {dimension_numbers = #tpu.dot_dimension_numbers<[1], [0], [0], [1], [0, 0, 1, 1], [], []>, transpose_lhs_hint = false} : vector<2000x128xf32>, vector<128x64xf32>, vector<2000x64xf32> -> vector<2000x64xf32>
    %add3A_41 = arith.addf %dot_general3A_37, %dot_general3A_40 : vector<2000x64xf32>
    %slice3A_42 = vector.extract_strided_slice %get3A_6 {offsets = [0, 128], sizes = [1, 64], strides = [1, 1]} : vector<1x192xf32> to vector<1x64xf32>
    %add3A_43 = vector.broadcast %slice3A_42 : vector<1x64xf32> to vector<2000x64xf32>
    %add3A_44 = arith.addf %add3A_41, %add3A_43 : vector<2000x64xf32>
    %swap3A_45 = arith.constant 0 : index
    %swap3A_46 = arith.constant 0 : index
    %swap3A_47 = vector.load %arg11[%swap3A_45, %swap3A_46] : memref<2000x64xf32, #tpu.memory_space<vmem>>, vector<2000x64xf32>
    tpu.vector_store %arg11[%swap3A_45, %swap3A_46], %add3A_44 {strides = array<i32>} : memref<2000x64xf32, #tpu.memory_space<vmem>>, vector<2000x64xf32>,
    %get3A_48 = arith.constant 0 : index
    %get3A_49 = arith.constant 0 : index
    %get3A_50 = vector.load %arg5[%get3A_48, %get3A_49] : memref<64x192xf32, #tpu.memory_space<vmem>>, vector<64x192xf32>
    %get3A_51 = arith.constant 0 : index
    %get3A_52 = arith.constant 0 : index
    %get3A_53 = vector.load %arg6[%get3A_51, %get3A_52] : memref<64x64xf32, #tpu.memory_space<vmem>>, vector<64x64xf32>
    %get3A_54 = arith.constant 0 : index
    %get3A_55 = arith.constant 0 : index
    %get3A_56 = vector.load %arg7[%get3A_54, %get3A_55] : memref<8x64xf32, #tpu.memory_space<vmem>>, vector<1x64xf32>
    %get3A_57 = arith.constant 0 : index
    %get3A_58 = arith.constant 0 : index
    %get3A_59 = vector.load %arg12[%get3A_57, %get3A_58] : memref<8x64xf32, #tpu.memory_space<vmem>>, vector<1x64xf32>
    %scan3A = arith.constant 0 : i32
    %scan3A_60 = arith.constant 250 : i32
    %scan3A_61 = arith.addi %scan3A, %scan3A_60 : i32
    %scan3A_62 = arith.constant 1 : i32
    %scan3A_63 = scf.for %scan3A_68 = %scan3A to %scan3A_61 step %scan3A_62 iter_args(%scan3A_69 = %get3A_59) -> (vector<1x64xf32>)  : i32 {
      %mul3A = arith.constant 8 : i32
      %mul3A_70 = arith.muli %scan3A_68, %mul3A : i32
      %get3A_71 = arith.index_cast %mul3A_70 : i32 to index
      %get3A_72 = arith.constant 0 : index
      %get3A_73 = vector.load %arg9[%get3A_71, %get3A_72] : memref<2000x64xf32, #tpu.memory_space<vmem>>, vector<8x64xf32>
      %get3A_74 = arith.index_cast %mul3A_70 : i32 to index
      %get3A_75 = arith.constant 0 : index
      %get3A_76 = vector.load %arg10[%get3A_74, %get3A_75] : memref<2000x64xf32, #tpu.memory_space<vmem>>, vector<8x64xf32>
      %get3A_77 = arith.index_cast %mul3A_70 : i32 to index
      %get3A_78 = arith.constant 0 : index
      %get3A_79 = vector.load %arg11[%get3A_77, %get3A_78] : memref<2000x64xf32, #tpu.memory_space<vmem>>, vector<8x64xf32>
      %dot_general3A_80 = arith.constant dense<0.000000e+00> : vector<1x192xf32>
      %dot_general3A_81 = tpu.matmul %scan3A_69, %get3A_50, %dot_general3A_80 {dimension_numbers = #tpu.dot_dimension_numbers<[1], [0], [0], [1], [0, 0, 1, 1], [], []>, transpose_lhs_hint = false} : vector<1x64xf32>, vector<64x192xf32>, vector<1x192xf32> -> vector<1x192xf32>
      %dot_general3A_82 = arith.constant dense<0.000000e+00> : vector<1x64xf32>
      %dot_general3A_83 = tpu.matmul %scan3A_69, %get3A_53, %dot_general3A_82 {dimension_numbers = #tpu.dot_dimension_numbers<[1], [0], [0], [1], [0, 0, 1, 1], [], []>, transpose_lhs_hint = false} : vector<1x64xf32>, vector<64x64xf32>, vector<1x64xf32> -> vector<1x64xf32>
      %slice3A_84 = vector.extract_strided_slice %get3A_73 {offsets = [0, 0], sizes = [1, 64], strides = [1, 1]} : vector<8x64xf32> to vector<1x64xf32>
      %slice3A_85 = vector.extract_strided_slice %dot_general3A_81 {offsets = [0, 0], sizes = [1, 64], strides = [1, 1]} : vector<1x192xf32> to vector<1x64xf32>
      %add3A_86 = arith.addf %slice3A_84, %slice3A_85 : vector<1x64xf32>
      %logistic3A = arith.negf %add3A_86 : vector<1x64xf32>
      %logistic3A_87 = math.exp %logistic3A : vector<1x64xf32>
      %logistic3A_88 = arith.constant 1.000000e+00 : f32
      %logistic3A_89 = vector.broadcast %logistic3A_88 : f32 to vector<1x64xf32>
      %logistic3A_90 = arith.addf %logistic3A_89, %logistic3A_87 : vector<1x64xf32>
      %logistic3A_91 = arith.divf %logistic3A_89, %logistic3A_90 : vector<1x64xf32>
      %slice3A_92 = vector.extract_strided_slice %get3A_76 {offsets = [0, 0], sizes = [1, 64], strides = [1, 1]} : vector<8x64xf32> to vector<1x64xf32>
      %add3A_93 = arith.addf %slice3A_92, %dot_general3A_83 : vector<1x64xf32>
      %logistic3A_94 = arith.negf %add3A_93 : vector<1x64xf32>
      %logistic3A_95 = math.exp %logistic3A_94 : vector<1x64xf32>
      %logistic3A_96 = arith.constant 1.000000e+00 : f32
      %logistic3A_97 = vector.broadcast %logistic3A_96 : f32 to vector<1x64xf32>
      %logistic3A_98 = arith.addf %logistic3A_97, %logistic3A_95 : vector<1x64xf32>
      %logistic3A_99 = arith.divf %logistic3A_97, %logistic3A_98 : vector<1x64xf32>
      %slice3A_100 = vector.extract_strided_slice %get3A_79 {offsets = [0, 0], sizes = [1, 64], strides = [1, 1]} : vector<8x64xf32> to vector<1x64xf32>
      %slice3A_101 = vector.extract_strided_slice %dot_general3A_81 {offsets = [0, 128], sizes = [1, 64], strides = [1, 1]} : vector<1x192xf32> to vector<1x64xf32>
      %add3A_102 = arith.addf %slice3A_101, %get3A_56 : vector<1x64xf32>
      %mul3A_103 = arith.mulf %logistic3A_91, %add3A_102 : vector<1x64xf32>
      %add3A_104 = arith.addf %slice3A_100, %mul3A_103 : vector<1x64xf32>
      %tanh3A = math.tanh %add3A_104 : vector<1x64xf32>
      %sub3A = arith.subf %scan3A_69, %tanh3A : vector<1x64xf32>
      %mul3A_105 = arith.mulf %logistic3A_99, %sub3A : vector<1x64xf32>
      %add3A_106 = arith.addf %tanh3A, %mul3A_105 : vector<1x64xf32>
      %add3A_107 = arith.constant 0 : i32
      %add3A_108 = arith.addi %mul3A_70, %add3A_107 : i32
      %swap3A_109 = arith.index_cast %add3A_108 : i32 to index
      %swap3A_110 = arith.constant 0 : index
      %swap3A_111 = vector.load %arg8[%swap3A_109, %swap3A_110] : memref<2000x64xf32, #tpu.memory_space<vmem>>, vector<1x64xf32>
      tpu.vector_store %arg8[%swap3A_109, %swap3A_110], %add3A_106 {strides = array<i32>} : memref<2000x64xf32, #tpu.memory_space<vmem>>, vector<1x64xf32>,
      %dot_general3A_112 = arith.constant dense<0.000000e+00> : vector<1x192xf32>
      %dot_general3A_113 = tpu.matmul %add3A_106, %get3A_50, %dot_general3A_112 {dimension_numbers = #tpu.dot_dimension_numbers<[1], [0], [0], [1], [0, 0, 1, 1], [], []>, transpose_lhs_hint = false} : vector<1x64xf32>, vector<64x192xf32>, vector<1x192xf32> -> vector<1x192xf32>
      %dot_general3A_114 = arith.constant dense<0.000000e+00> : vector<1x64xf32>
      %dot_general3A_115 = tpu.matmul %add3A_106, %get3A_53, %dot_general3A_114 {dimension_numbers = #tpu.dot_dimension_numbers<[1], [0], [0], [1], [0, 0, 1, 1], [], []>, transpose_lhs_hint = false} : vector<1x64xf32>, vector<64x64xf32>, vector<1x64xf32> -> vector<1x64xf32>
      %slice3A_116 = vector.extract_strided_slice %get3A_73 {offsets = [1, 0], sizes = [1, 64], strides = [1, 1]} : vector<8x64xf32> to vector<1x64xf32>
      %slice3A_117 = vector.extract_strided_slice %dot_general3A_113 {offsets = [0, 0], sizes = [1, 64], strides = [1, 1]} : vector<1x192xf32> to vector<1x64xf32>
      %add3A_118 = arith.addf %slice3A_116, %slice3A_117 : vector<1x64xf32>
      %logistic3A_119 = arith.negf %add3A_118 : vector<1x64xf32>
      %logistic3A_120 = math.exp %logistic3A_119 : vector<1x64xf32>
      %logistic3A_121 = arith.constant 1.000000e+00 : f32
      %logistic3A_122 = vector.broadcast %logistic3A_121 : f32 to vector<1x64xf32>
      %logistic3A_123 = arith.addf %logistic3A_122, %logistic3A_120 : vector<1x64xf32>
      %logistic3A_124 = arith.divf %logistic3A_122, %logistic3A_123 : vector<1x64xf32>
      %slice3A_125 = vector.extract_strided_slice %get3A_76 {offsets = [1, 0], sizes = [1, 64], strides = [1, 1]} : vector<8x64xf32> to vector<1x64xf32>
      %add3A_126 = arith.addf %slice3A_125, %dot_general3A_115 : vector<1x64xf32>
      %logistic3A_127 = arith.negf %add3A_126 : vector<1x64xf32>
      %logistic3A_128 = math.exp %logistic3A_127 : vector<1x64xf32>
      %logistic3A_129 = arith.constant 1.000000e+00 : f32
      %logistic3A_130 = vector.broadcast %logistic3A_129 : f32 to vector<1x64xf32>
      %logistic3A_131 = arith.addf %logistic3A_130, %logistic3A_128 : vector<1x64xf32>
      %logistic3A_132 = arith.divf %logistic3A_130, %logistic3A_131 : vector<1x64xf32>
      %slice3A_133 = vector.extract_strided_slice %get3A_79 {offsets = [1, 0], sizes = [1, 64], strides = [1, 1]} : vector<8x64xf32> to vector<1x64xf32>
      %slice3A_134 = vector.extract_strided_slice %dot_general3A_113 {offsets = [0, 128], sizes = [1, 64], strides = [1, 1]} : vector<1x192xf32> to vector<1x64xf32>
      %add3A_135 = arith.addf %slice3A_134, %get3A_56 : vector<1x64xf32>
      %mul3A_136 = arith.mulf %logistic3A_124, %add3A_135 : vector<1x64xf32>
      %add3A_137 = arith.addf %slice3A_133, %mul3A_136 : vector<1x64xf32>
      %tanh3A_138 = math.tanh %add3A_137 : vector<1x64xf32>
      %sub3A_139 = arith.subf %add3A_106, %tanh3A_138 : vector<1x64xf32>
      %mul3A_140 = arith.mulf %logistic3A_132, %sub3A_139 : vector<1x64xf32>
      %add3A_141 = arith.addf %tanh3A_138, %mul3A_140 : vector<1x64xf32>
      %add3A_142 = arith.constant 1 : i32
      %add3A_143 = arith.addi %mul3A_70, %add3A_142 : i32
      %swap3A_144 = arith.index_cast %add3A_143 : i32 to index
      %swap3A_145 = arith.constant 0 : index
      %swap3A_146 = vector.load %arg8[%swap3A_144, %swap3A_145] : memref<2000x64xf32, #tpu.memory_space<vmem>>, vector<1x64xf32>
      tpu.vector_store %arg8[%swap3A_144, %swap3A_145], %add3A_141 {strides = array<i32>} : memref<2000x64xf32, #tpu.memory_space<vmem>>, vector<1x64xf32>,
      %dot_general3A_147 = arith.constant dense<0.000000e+00> : vector<1x192xf32>
      %dot_general3A_148 = tpu.matmul %add3A_141, %get3A_50, %dot_general3A_147 {dimension_numbers = #tpu.dot_dimension_numbers<[1], [0], [0], [1], [0, 0, 1, 1], [], []>, transpose_lhs_hint = false} : vector<1x64xf32>, vector<64x192xf32>, vector<1x192xf32> -> vector<1x192xf32>
      %dot_general3A_149 = arith.constant dense<0.000000e+00> : vector<1x64xf32>
      %dot_general3A_150 = tpu.matmul %add3A_141, %get3A_53, %dot_general3A_149 {dimension_numbers = #tpu.dot_dimension_numbers<[1], [0], [0], [1], [0, 0, 1, 1], [], []>, transpose_lhs_hint = false} : vector<1x64xf32>, vector<64x64xf32>, vector<1x64xf32> -> vector<1x64xf32>
      %slice3A_151 = vector.extract_strided_slice %get3A_73 {offsets = [2, 0], sizes = [1, 64], strides = [1, 1]} : vector<8x64xf32> to vector<1x64xf32>
      %slice3A_152 = vector.extract_strided_slice %dot_general3A_148 {offsets = [0, 0], sizes = [1, 64], strides = [1, 1]} : vector<1x192xf32> to vector<1x64xf32>
      %add3A_153 = arith.addf %slice3A_151, %slice3A_152 : vector<1x64xf32>
      %logistic3A_154 = arith.negf %add3A_153 : vector<1x64xf32>
      %logistic3A_155 = math.exp %logistic3A_154 : vector<1x64xf32>
      %logistic3A_156 = arith.constant 1.000000e+00 : f32
      %logistic3A_157 = vector.broadcast %logistic3A_156 : f32 to vector<1x64xf32>
      %logistic3A_158 = arith.addf %logistic3A_157, %logistic3A_155 : vector<1x64xf32>
      %logistic3A_159 = arith.divf %logistic3A_157, %logistic3A_158 : vector<1x64xf32>
      %slice3A_160 = vector.extract_strided_slice %get3A_76 {offsets = [2, 0], sizes = [1, 64], strides = [1, 1]} : vector<8x64xf32> to vector<1x64xf32>
      %add3A_161 = arith.addf %slice3A_160, %dot_general3A_150 : vector<1x64xf32>
      %logistic3A_162 = arith.negf %add3A_161 : vector<1x64xf32>
      %logistic3A_163 = math.exp %logistic3A_162 : vector<1x64xf32>
      %logistic3A_164 = arith.constant 1.000000e+00 : f32
      %logistic3A_165 = vector.broadcast %logistic3A_164 : f32 to vector<1x64xf32>
      %logistic3A_166 = arith.addf %logistic3A_165, %logistic3A_163 : vector<1x64xf32>
      %logistic3A_167 = arith.divf %logistic3A_165, %logistic3A_166 : vector<1x64xf32>
      %slice3A_168 = vector.extract_strided_slice %get3A_79 {offsets = [2, 0], sizes = [1, 64], strides = [1, 1]} : vector<8x64xf32> to vector<1x64xf32>
      %slice3A_169 = vector.extract_strided_slice %dot_general3A_148 {offsets = [0, 128], sizes = [1, 64], strides = [1, 1]} : vector<1x192xf32> to vector<1x64xf32>
      %add3A_170 = arith.addf %slice3A_169, %get3A_56 : vector<1x64xf32>
      %mul3A_171 = arith.mulf %logistic3A_159, %add3A_170 : vector<1x64xf32>
      %add3A_172 = arith.addf %slice3A_168, %mul3A_171 : vector<1x64xf32>
      %tanh3A_173 = math.tanh %add3A_172 : vector<1x64xf32>
      %sub3A_174 = arith.subf %add3A_141, %tanh3A_173 : vector<1x64xf32>
      %mul3A_175 = arith.mulf %logistic3A_167, %sub3A_174 : vector<1x64xf32>
      %add3A_176 = arith.addf %tanh3A_173, %mul3A_175 : vector<1x64xf32>
      %add3A_177 = arith.constant 2 : i32
      %add3A_178 = arith.addi %mul3A_70, %add3A_177 : i32
      %swap3A_179 = arith.index_cast %add3A_178 : i32 to index
      %swap3A_180 = arith.constant 0 : index
      %swap3A_181 = vector.load %arg8[%swap3A_179, %swap3A_180] : memref<2000x64xf32, #tpu.memory_space<vmem>>, vector<1x64xf32>
      tpu.vector_store %arg8[%swap3A_179, %swap3A_180], %add3A_176 {strides = array<i32>} : memref<2000x64xf32, #tpu.memory_space<vmem>>, vector<1x64xf32>,
      %dot_general3A_182 = arith.constant dense<0.000000e+00> : vector<1x192xf32>
      %dot_general3A_183 = tpu.matmul %add3A_176, %get3A_50, %dot_general3A_182 {dimension_numbers = #tpu.dot_dimension_numbers<[1], [0], [0], [1], [0, 0, 1, 1], [], []>, transpose_lhs_hint = false} : vector<1x64xf32>, vector<64x192xf32>, vector<1x192xf32> -> vector<1x192xf32>
      %dot_general3A_184 = arith.constant dense<0.000000e+00> : vector<1x64xf32>
      %dot_general3A_185 = tpu.matmul %add3A_176, %get3A_53, %dot_general3A_184 {dimension_numbers = #tpu.dot_dimension_numbers<[1], [0], [0], [1], [0, 0, 1, 1], [], []>, transpose_lhs_hint = false} : vector<1x64xf32>, vector<64x64xf32>, vector<1x64xf32> -> vector<1x64xf32>
      %slice3A_186 = vector.extract_strided_slice %get3A_73 {offsets = [3, 0], sizes = [1, 64], strides = [1, 1]} : vector<8x64xf32> to vector<1x64xf32>
      %slice3A_187 = vector.extract_strided_slice %dot_general3A_183 {offsets = [0, 0], sizes = [1, 64], strides = [1, 1]} : vector<1x192xf32> to vector<1x64xf32>
      %add3A_188 = arith.addf %slice3A_186, %slice3A_187 : vector<1x64xf32>
      %logistic3A_189 = arith.negf %add3A_188 : vector<1x64xf32>
      %logistic3A_190 = math.exp %logistic3A_189 : vector<1x64xf32>
      %logistic3A_191 = arith.constant 1.000000e+00 : f32
      %logistic3A_192 = vector.broadcast %logistic3A_191 : f32 to vector<1x64xf32>
      %logistic3A_193 = arith.addf %logistic3A_192, %logistic3A_190 : vector<1x64xf32>
      %logistic3A_194 = arith.divf %logistic3A_192, %logistic3A_193 : vector<1x64xf32>
      %slice3A_195 = vector.extract_strided_slice %get3A_76 {offsets = [3, 0], sizes = [1, 64], strides = [1, 1]} : vector<8x64xf32> to vector<1x64xf32>
      %add3A_196 = arith.addf %slice3A_195, %dot_general3A_185 : vector<1x64xf32>
      %logistic3A_197 = arith.negf %add3A_196 : vector<1x64xf32>
      %logistic3A_198 = math.exp %logistic3A_197 : vector<1x64xf32>
      %logistic3A_199 = arith.constant 1.000000e+00 : f32
      %logistic3A_200 = vector.broadcast %logistic3A_199 : f32 to vector<1x64xf32>
      %logistic3A_201 = arith.addf %logistic3A_200, %logistic3A_198 : vector<1x64xf32>
      %logistic3A_202 = arith.divf %logistic3A_200, %logistic3A_201 : vector<1x64xf32>
      %slice3A_203 = vector.extract_strided_slice %get3A_79 {offsets = [3, 0], sizes = [1, 64], strides = [1, 1]} : vector<8x64xf32> to vector<1x64xf32>
      %slice3A_204 = vector.extract_strided_slice %dot_general3A_183 {offsets = [0, 128], sizes = [1, 64], strides = [1, 1]} : vector<1x192xf32> to vector<1x64xf32>
      %add3A_205 = arith.addf %slice3A_204, %get3A_56 : vector<1x64xf32>
      %mul3A_206 = arith.mulf %logistic3A_194, %add3A_205 : vector<1x64xf32>
      %add3A_207 = arith.addf %slice3A_203, %mul3A_206 : vector<1x64xf32>
      %tanh3A_208 = math.tanh %add3A_207 : vector<1x64xf32>
      %sub3A_209 = arith.subf %add3A_176, %tanh3A_208 : vector<1x64xf32>
      %mul3A_210 = arith.mulf %logistic3A_202, %sub3A_209 : vector<1x64xf32>
      %add3A_211 = arith.addf %tanh3A_208, %mul3A_210 : vector<1x64xf32>
      %add3A_212 = arith.constant 3 : i32
      %add3A_213 = arith.addi %mul3A_70, %add3A_212 : i32
      %swap3A_214 = arith.index_cast %add3A_213 : i32 to index
      %swap3A_215 = arith.constant 0 : index
      %swap3A_216 = vector.load %arg8[%swap3A_214, %swap3A_215] : memref<2000x64xf32, #tpu.memory_space<vmem>>, vector<1x64xf32>
      tpu.vector_store %arg8[%swap3A_214, %swap3A_215], %add3A_211 {strides = array<i32>} : memref<2000x64xf32, #tpu.memory_space<vmem>>, vector<1x64xf32>,
      %dot_general3A_217 = arith.constant dense<0.000000e+00> : vector<1x192xf32>
      %dot_general3A_218 = tpu.matmul %add3A_211, %get3A_50, %dot_general3A_217 {dimension_numbers = #tpu.dot_dimension_numbers<[1], [0], [0], [1], [0, 0, 1, 1], [], []>, transpose_lhs_hint = false} : vector<1x64xf32>, vector<64x192xf32>, vector<1x192xf32> -> vector<1x192xf32>
      %dot_general3A_219 = arith.constant dense<0.000000e+00> : vector<1x64xf32>
      %dot_general3A_220 = tpu.matmul %add3A_211, %get3A_53, %dot_general3A_219 {dimension_numbers = #tpu.dot_dimension_numbers<[1], [0], [0], [1], [0, 0, 1, 1], [], []>, transpose_lhs_hint = false} : vector<1x64xf32>, vector<64x64xf32>, vector<1x64xf32> -> vector<1x64xf32>
      %slice3A_221 = vector.extract_strided_slice %get3A_73 {offsets = [4, 0], sizes = [1, 64], strides = [1, 1]} : vector<8x64xf32> to vector<1x64xf32>
      %slice3A_222 = vector.extract_strided_slice %dot_general3A_218 {offsets = [0, 0], sizes = [1, 64], strides = [1, 1]} : vector<1x192xf32> to vector<1x64xf32>
      %add3A_223 = arith.addf %slice3A_221, %slice3A_222 : vector<1x64xf32>
      %logistic3A_224 = arith.negf %add3A_223 : vector<1x64xf32>
      %logistic3A_225 = math.exp %logistic3A_224 : vector<1x64xf32>
      %logistic3A_226 = arith.constant 1.000000e+00 : f32
      %logistic3A_227 = vector.broadcast %logistic3A_226 : f32 to vector<1x64xf32>
      %logistic3A_228 = arith.addf %logistic3A_227, %logistic3A_225 : vector<1x64xf32>
      %logistic3A_229 = arith.divf %logistic3A_227, %logistic3A_228 : vector<1x64xf32>
      %slice3A_230 = vector.extract_strided_slice %get3A_76 {offsets = [4, 0], sizes = [1, 64], strides = [1, 1]} : vector<8x64xf32> to vector<1x64xf32>
      %add3A_231 = arith.addf %slice3A_230, %dot_general3A_220 : vector<1x64xf32>
      %logistic3A_232 = arith.negf %add3A_231 : vector<1x64xf32>
      %logistic3A_233 = math.exp %logistic3A_232 : vector<1x64xf32>
      %logistic3A_234 = arith.constant 1.000000e+00 : f32
      %logistic3A_235 = vector.broadcast %logistic3A_234 : f32 to vector<1x64xf32>
      %logistic3A_236 = arith.addf %logistic3A_235, %logistic3A_233 : vector<1x64xf32>
      %logistic3A_237 = arith.divf %logistic3A_235, %logistic3A_236 : vector<1x64xf32>
      %slice3A_238 = vector.extract_strided_slice %get3A_79 {offsets = [4, 0], sizes = [1, 64], strides = [1, 1]} : vector<8x64xf32> to vector<1x64xf32>
      %slice3A_239 = vector.extract_strided_slice %dot_general3A_218 {offsets = [0, 128], sizes = [1, 64], strides = [1, 1]} : vector<1x192xf32> to vector<1x64xf32>
      %add3A_240 = arith.addf %slice3A_239, %get3A_56 : vector<1x64xf32>
      %mul3A_241 = arith.mulf %logistic3A_229, %add3A_240 : vector<1x64xf32>
      %add3A_242 = arith.addf %slice3A_238, %mul3A_241 : vector<1x64xf32>
      %tanh3A_243 = math.tanh %add3A_242 : vector<1x64xf32>
      %sub3A_244 = arith.subf %add3A_211, %tanh3A_243 : vector<1x64xf32>
      %mul3A_245 = arith.mulf %logistic3A_237, %sub3A_244 : vector<1x64xf32>
      %add3A_246 = arith.addf %tanh3A_243, %mul3A_245 : vector<1x64xf32>
      %add3A_247 = arith.constant 4 : i32
      %add3A_248 = arith.addi %mul3A_70, %add3A_247 : i32
      %swap3A_249 = arith.index_cast %add3A_248 : i32 to index
      %swap3A_250 = arith.constant 0 : index
      %swap3A_251 = vector.load %arg8[%swap3A_249, %swap3A_250] : memref<2000x64xf32, #tpu.memory_space<vmem>>, vector<1x64xf32>
      tpu.vector_store %arg8[%swap3A_249, %swap3A_250], %add3A_246 {strides = array<i32>} : memref<2000x64xf32, #tpu.memory_space<vmem>>, vector<1x64xf32>,
      %dot_general3A_252 = arith.constant dense<0.000000e+00> : vector<1x192xf32>
      %dot_general3A_253 = tpu.matmul %add3A_246, %get3A_50, %dot_general3A_252 {dimension_numbers = #tpu.dot_dimension_numbers<[1], [0], [0], [1], [0, 0, 1, 1], [], []>, transpose_lhs_hint = false} : vector<1x64xf32>, vector<64x192xf32>, vector<1x192xf32> -> vector<1x192xf32>
      %dot_general3A_254 = arith.constant dense<0.000000e+00> : vector<1x64xf32>
      %dot_general3A_255 = tpu.matmul %add3A_246, %get3A_53, %dot_general3A_254 {dimension_numbers = #tpu.dot_dimension_numbers<[1], [0], [0], [1], [0, 0, 1, 1], [], []>, transpose_lhs_hint = false} : vector<1x64xf32>, vector<64x64xf32>, vector<1x64xf32> -> vector<1x64xf32>
      %slice3A_256 = vector.extract_strided_slice %get3A_73 {offsets = [5, 0], sizes = [1, 64], strides = [1, 1]} : vector<8x64xf32> to vector<1x64xf32>
      %slice3A_257 = vector.extract_strided_slice %dot_general3A_253 {offsets = [0, 0], sizes = [1, 64], strides = [1, 1]} : vector<1x192xf32> to vector<1x64xf32>
      %add3A_258 = arith.addf %slice3A_256, %slice3A_257 : vector<1x64xf32>
      %logistic3A_259 = arith.negf %add3A_258 : vector<1x64xf32>
      %logistic3A_260 = math.exp %logistic3A_259 : vector<1x64xf32>
      %logistic3A_261 = arith.constant 1.000000e+00 : f32
      %logistic3A_262 = vector.broadcast %logistic3A_261 : f32 to vector<1x64xf32>
      %logistic3A_263 = arith.addf %logistic3A_262, %logistic3A_260 : vector<1x64xf32>
      %logistic3A_264 = arith.divf %logistic3A_262, %logistic3A_263 : vector<1x64xf32>
      %slice3A_265 = vector.extract_strided_slice %get3A_76 {offsets = [5, 0], sizes = [1, 64], strides = [1, 1]} : vector<8x64xf32> to vector<1x64xf32>
      %add3A_266 = arith.addf %slice3A_265, %dot_general3A_255 : vector<1x64xf32>
      %logistic3A_267 = arith.negf %add3A_266 : vector<1x64xf32>
      %logistic3A_268 = math.exp %logistic3A_267 : vector<1x64xf32>
      %logistic3A_269 = arith.constant 1.000000e+00 : f32
      %logistic3A_270 = vector.broadcast %logistic3A_269 : f32 to vector<1x64xf32>
      %logistic3A_271 = arith.addf %logistic3A_270, %logistic3A_268 : vector<1x64xf32>
      %logistic3A_272 = arith.divf %logistic3A_270, %logistic3A_271 : vector<1x64xf32>
      %slice3A_273 = vector.extract_strided_slice %get3A_79 {offsets = [5, 0], sizes = [1, 64], strides = [1, 1]} : vector<8x64xf32> to vector<1x64xf32>
      %slice3A_274 = vector.extract_strided_slice %dot_general3A_253 {offsets = [0, 128], sizes = [1, 64], strides = [1, 1]} : vector<1x192xf32> to vector<1x64xf32>
      %add3A_275 = arith.addf %slice3A_274, %get3A_56 : vector<1x64xf32>
      %mul3A_276 = arith.mulf %logistic3A_264, %add3A_275 : vector<1x64xf32>
      %add3A_277 = arith.addf %slice3A_273, %mul3A_276 : vector<1x64xf32>
      %tanh3A_278 = math.tanh %add3A_277 : vector<1x64xf32>
      %sub3A_279 = arith.subf %add3A_246, %tanh3A_278 : vector<1x64xf32>
      %mul3A_280 = arith.mulf %logistic3A_272, %sub3A_279 : vector<1x64xf32>
      %add3A_281 = arith.addf %tanh3A_278, %mul3A_280 : vector<1x64xf32>
      %add3A_282 = arith.constant 5 : i32
      %add3A_283 = arith.addi %mul3A_70, %add3A_282 : i32
      %swap3A_284 = arith.index_cast %add3A_283 : i32 to index
      %swap3A_285 = arith.constant 0 : index
      %swap3A_286 = vector.load %arg8[%swap3A_284, %swap3A_285] : memref<2000x64xf32, #tpu.memory_space<vmem>>, vector<1x64xf32>
      tpu.vector_store %arg8[%swap3A_284, %swap3A_285], %add3A_281 {strides = array<i32>} : memref<2000x64xf32, #tpu.memory_space<vmem>>, vector<1x64xf32>,
      %dot_general3A_287 = arith.constant dense<0.000000e+00> : vector<1x192xf32>
      %dot_general3A_288 = tpu.matmul %add3A_281, %get3A_50, %dot_general3A_287 {dimension_numbers = #tpu.dot_dimension_numbers<[1], [0], [0], [1], [0, 0, 1, 1], [], []>, transpose_lhs_hint = false} : vector<1x64xf32>, vector<64x192xf32>, vector<1x192xf32> -> vector<1x192xf32>
      %dot_general3A_289 = arith.constant dense<0.000000e+00> : vector<1x64xf32>
      %dot_general3A_290 = tpu.matmul %add3A_281, %get3A_53, %dot_general3A_289 {dimension_numbers = #tpu.dot_dimension_numbers<[1], [0], [0], [1], [0, 0, 1, 1], [], []>, transpose_lhs_hint = false} : vector<1x64xf32>, vector<64x64xf32>, vector<1x64xf32> -> vector<1x64xf32>
      %slice3A_291 = vector.extract_strided_slice %get3A_73 {offsets = [6, 0], sizes = [1, 64], strides = [1, 1]} : vector<8x64xf32> to vector<1x64xf32>
      %slice3A_292 = vector.extract_strided_slice %dot_general3A_288 {offsets = [0, 0], sizes = [1, 64], strides = [1, 1]} : vector<1x192xf32> to vector<1x64xf32>
      %add3A_293 = arith.addf %slice3A_291, %slice3A_292 : vector<1x64xf32>
      %logistic3A_294 = arith.negf %add3A_293 : vector<1x64xf32>
      %logistic3A_295 = math.exp %logistic3A_294 : vector<1x64xf32>
      %logistic3A_296 = arith.constant 1.000000e+00 : f32
      %logistic3A_297 = vector.broadcast %logistic3A_296 : f32 to vector<1x64xf32>
      %logistic3A_298 = arith.addf %logistic3A_297, %logistic3A_295 : vector<1x64xf32>
      %logistic3A_299 = arith.divf %logistic3A_297, %logistic3A_298 : vector<1x64xf32>
      %slice3A_300 = vector.extract_strided_slice %get3A_76 {offsets = [6, 0], sizes = [1, 64], strides = [1, 1]} : vector<8x64xf32> to vector<1x64xf32>
      %add3A_301 = arith.addf %slice3A_300, %dot_general3A_290 : vector<1x64xf32>
      %logistic3A_302 = arith.negf %add3A_301 : vector<1x64xf32>
      %logistic3A_303 = math.exp %logistic3A_302 : vector<1x64xf32>
      %logistic3A_304 = arith.constant 1.000000e+00 : f32
      %logistic3A_305 = vector.broadcast %logistic3A_304 : f32 to vector<1x64xf32>
      %logistic3A_306 = arith.addf %logistic3A_305, %logistic3A_303 : vector<1x64xf32>
      %logistic3A_307 = arith.divf %logistic3A_305, %logistic3A_306 : vector<1x64xf32>
      %slice3A_308 = vector.extract_strided_slice %get3A_79 {offsets = [6, 0], sizes = [1, 64], strides = [1, 1]} : vector<8x64xf32> to vector<1x64xf32>
      %slice3A_309 = vector.extract_strided_slice %dot_general3A_288 {offsets = [0, 128], sizes = [1, 64], strides = [1, 1]} : vector<1x192xf32> to vector<1x64xf32>
      %add3A_310 = arith.addf %slice3A_309, %get3A_56 : vector<1x64xf32>
      %mul3A_311 = arith.mulf %logistic3A_299, %add3A_310 : vector<1x64xf32>
      %add3A_312 = arith.addf %slice3A_308, %mul3A_311 : vector<1x64xf32>
      %tanh3A_313 = math.tanh %add3A_312 : vector<1x64xf32>
      %sub3A_314 = arith.subf %add3A_281, %tanh3A_313 : vector<1x64xf32>
      %mul3A_315 = arith.mulf %logistic3A_307, %sub3A_314 : vector<1x64xf32>
      %add3A_316 = arith.addf %tanh3A_313, %mul3A_315 : vector<1x64xf32>
      %add3A_317 = arith.constant 6 : i32
      %add3A_318 = arith.addi %mul3A_70, %add3A_317 : i32
      %swap3A_319 = arith.index_cast %add3A_318 : i32 to index
      %swap3A_320 = arith.constant 0 : index
      %swap3A_321 = vector.load %arg8[%swap3A_319, %swap3A_320] : memref<2000x64xf32, #tpu.memory_space<vmem>>, vector<1x64xf32>
      tpu.vector_store %arg8[%swap3A_319, %swap3A_320], %add3A_316 {strides = array<i32>} : memref<2000x64xf32, #tpu.memory_space<vmem>>, vector<1x64xf32>,
      %dot_general3A_322 = arith.constant dense<0.000000e+00> : vector<1x192xf32>
      %dot_general3A_323 = tpu.matmul %add3A_316, %get3A_50, %dot_general3A_322 {dimension_numbers = #tpu.dot_dimension_numbers<[1], [0], [0], [1], [0, 0, 1, 1], [], []>, transpose_lhs_hint = false} : vector<1x64xf32>, vector<64x192xf32>, vector<1x192xf32> -> vector<1x192xf32>
      %dot_general3A_324 = arith.constant dense<0.000000e+00> : vector<1x64xf32>
      %dot_general3A_325 = tpu.matmul %add3A_316, %get3A_53, %dot_general3A_324 {dimension_numbers = #tpu.dot_dimension_numbers<[1], [0], [0], [1], [0, 0, 1, 1], [], []>, transpose_lhs_hint = false} : vector<1x64xf32>, vector<64x64xf32>, vector<1x64xf32> -> vector<1x64xf32>
      %slice3A_326 = vector.extract_strided_slice %get3A_73 {offsets = [7, 0], sizes = [1, 64], strides = [1, 1]} : vector<8x64xf32> to vector<1x64xf32>
      %slice3A_327 = vector.extract_strided_slice %dot_general3A_323 {offsets = [0, 0], sizes = [1, 64], strides = [1, 1]} : vector<1x192xf32> to vector<1x64xf32>
      %add3A_328 = arith.addf %slice3A_326, %slice3A_327 : vector<1x64xf32>
      %logistic3A_329 = arith.negf %add3A_328 : vector<1x64xf32>
      %logistic3A_330 = math.exp %logistic3A_329 : vector<1x64xf32>
      %logistic3A_331 = arith.constant 1.000000e+00 : f32
      %logistic3A_332 = vector.broadcast %logistic3A_331 : f32 to vector<1x64xf32>
      %logistic3A_333 = arith.addf %logistic3A_332, %logistic3A_330 : vector<1x64xf32>
      %logistic3A_334 = arith.divf %logistic3A_332, %logistic3A_333 : vector<1x64xf32>
      %slice3A_335 = vector.extract_strided_slice %get3A_76 {offsets = [7, 0], sizes = [1, 64], strides = [1, 1]} : vector<8x64xf32> to vector<1x64xf32>
      %add3A_336 = arith.addf %slice3A_335, %dot_general3A_325 : vector<1x64xf32>
      %logistic3A_337 = arith.negf %add3A_336 : vector<1x64xf32>
      %logistic3A_338 = math.exp %logistic3A_337 : vector<1x64xf32>
      %logistic3A_339 = arith.constant 1.000000e+00 : f32
      %logistic3A_340 = vector.broadcast %logistic3A_339 : f32 to vector<1x64xf32>
      %logistic3A_341 = arith.addf %logistic3A_340, %logistic3A_338 : vector<1x64xf32>
      %logistic3A_342 = arith.divf %logistic3A_340, %logistic3A_341 : vector<1x64xf32>
      %slice3A_343 = vector.extract_strided_slice %get3A_79 {offsets = [7, 0], sizes = [1, 64], strides = [1, 1]} : vector<8x64xf32> to vector<1x64xf32>
      %slice3A_344 = vector.extract_strided_slice %dot_general3A_323 {offsets = [0, 128], sizes = [1, 64], strides = [1, 1]} : vector<1x192xf32> to vector<1x64xf32>
      %add3A_345 = arith.addf %slice3A_344, %get3A_56 : vector<1x64xf32>
      %mul3A_346 = arith.mulf %logistic3A_334, %add3A_345 : vector<1x64xf32>
      %add3A_347 = arith.addf %slice3A_343, %mul3A_346 : vector<1x64xf32>
      %tanh3A_348 = math.tanh %add3A_347 : vector<1x64xf32>
      %sub3A_349 = arith.subf %add3A_316, %tanh3A_348 : vector<1x64xf32>
      %mul3A_350 = arith.mulf %logistic3A_342, %sub3A_349 : vector<1x64xf32>
      %add3A_351 = arith.addf %tanh3A_348, %mul3A_350 : vector<1x64xf32>
      %add3A_352 = arith.constant 7 : i32
      %add3A_353 = arith.addi %mul3A_70, %add3A_352 : i32
      %swap3A_354 = arith.index_cast %add3A_353 : i32 to index
      %swap3A_355 = arith.constant 0 : index
      %swap3A_356 = vector.load %arg8[%swap3A_354, %swap3A_355] : memref<2000x64xf32, #tpu.memory_space<vmem>>, vector<1x64xf32>
      tpu.vector_store %arg8[%swap3A_354, %swap3A_355], %add3A_351 {strides = array<i32>} : memref<2000x64xf32, #tpu.memory_space<vmem>>, vector<1x64xf32>,
      scf.yield %add3A_351 : vector<1x64xf32>
    }
    %scan3A_64 = arith.constant 250 : i32
    %swap3A_65 = arith.constant 0 : index
    %swap3A_66 = arith.constant 0 : index
    %swap3A_67 = vector.load %arg12[%swap3A_65, %swap3A_66] : memref<8x64xf32, #tpu.memory_space<vmem>>, vector<1x64xf32>
    tpu.vector_store %arg12[%swap3A_65, %swap3A_66], %scan3A_63 {strides = array<i32>} : memref<8x64xf32, #tpu.memory_space<vmem>>, vector<1x64xf32>,
    return
  }
  func.func @transform_0(%arg0: i32) -> (i32, i32) {
    %c0_i32 = arith.constant 0 : i32
    %c0_i32_0 = arith.constant 0 : i32
    return %arg0, %c0_i32 : i32, i32
  }
  func.func @transform_1(%arg0: i32) -> (i32, i32) {
    %c0_i32 = arith.constant 0 : i32
    %c0_i32_0 = arith.constant 0 : i32
    return %arg0, %c0_i32 : i32, i32
  }
  func.func @transform_2(%arg0: i32) -> (i32, i32) {
    %c0_i32 = arith.constant 0 : i32
    %c0_i32_0 = arith.constant 0 : i32
    %c0_i32_1 = arith.constant 0 : i32
    return %c0_i32, %c0_i32_0 : i32, i32
  }
  func.func @transform_3(%arg0: i32) -> (i32, i32) {
    %c0_i32 = arith.constant 0 : i32
    %c0_i32_0 = arith.constant 0 : i32
    %c0_i32_1 = arith.constant 0 : i32
    return %c0_i32, %c0_i32_0 : i32, i32
  }
  func.func @transform_4(%arg0: i32) -> (i32, i32) {
    %c0_i32 = arith.constant 0 : i32
    %c0_i32_0 = arith.constant 0 : i32
    %c0_i32_1 = arith.constant 0 : i32
    return %c0_i32, %c0_i32_0 : i32, i32
  }
  func.func @transform_5(%arg0: i32) -> (i32, i32) {
    %c0_i32 = arith.constant 0 : i32
    %c0_i32_0 = arith.constant 0 : i32
    %c0_i32_1 = arith.constant 0 : i32
    return %c0_i32, %c0_i32_0 : i32, i32
  }
  func.func @transform_6(%arg0: i32) -> (i32, i32) {
    %c0_i32 = arith.constant 0 : i32
    %c0_i32_0 = arith.constant 0 : i32
    %c0_i32_1 = arith.constant 0 : i32
    return %c0_i32, %c0_i32_0 : i32, i32
  }
  func.func @transform_7(%arg0: i32) -> (i32, i32) {
    %c0_i32 = arith.constant 0 : i32
    %c0_i32_0 = arith.constant 0 : i32
    return %arg0, %c0_i32 : i32, i32
  }
}

</mosaic_0001>

<sc_bundles>
// kernel: kernel.12.cloned.1.call-start
scs
__scs_entry_jumppad:
0x0: {  	(pc) =	sbr.rel $0x88, $3  }
0x1: {  	(tag) =	ssettag $0x0;
	lr =	simm.s32 $0x1  }
0x2: {  	[smem:$0x3F8E] =	sst lr;
	_ =	strace $0xD0000000  }
0x3: {  	_ = 	snop  }
0x4: {  	_ = 	snop  }
0x5: {  	_ = 	snop  }
0x6: {  	_ = 	snop  }
0x7: {  	_ = 	snop  }
__scs_overlays_trampoline_lowered:
0x8: {  	[smem:$0x3F9D] =	sst s0  }
0x9: {  	[smem:$0x3F9E] =	sst s1  }
0xa: {  	[smem:$0x3F9F] =	sst s2  }
0xb: {  	[smem:$0x3FA0] =	sst s3  }
0xc: {  	[smem:$0x3FA1] =	sst s4  }
0xd: {  	[smem:$0x3FA2] =	sst s5  }
0xe: {  	[smem:$0x3FA3] =	sst s6  }
0xf: {  	[smem:$0x3FA4] =	sst s7  }
0x10: {  	[smem:$0x3FA5] =	sst s8  }
0x11: {  	[smem:$0x3FA6] =	sst s9;
	s0 =	simm.s32 @!p0 $0x0  }
0x12: {  	s1 =	sld [smem:$0x3F8C];
	s0 =	simm.s32 @p0 $0x1  }
0x13: {  	[smem:$0x3FA7] =	sst s0;
	s0 =	simm.s32 @!p1 $0x0  }
0x14: {  	s2 =	sld [smem:$0x3F8B];
	s0 =	simm.s32 @p1 $0x1  }
0x15: {  	[smem:$0x3FA8] =	sst s0;
	s0 =	simm.s32 @!p2 $0x0  }
0x16: {  	s3 =	sld [smem:$0x3FDB];
	s0 =	simm.s32 @p2 $0x1  }
0x17: {  	s4 =	simm.s32 $0x1BF5;
	[smem:$0x3FAA] =	sst s0  }
0x18: {  	s0 =	sld [smem:$0x3F8D];
	_ =	swait.ge [sflag:s4], $0x0  }
0x19: {  	s7 =	sld [smem:$0x3F8E]  }
0x1a: {  	s8 =	sadd.s32 $0xFFFFE003, lr  }
0x1b: {  	s9 =	sadd.s32 $0xFFFFFEF7, lr;
	s5 =	simm.s32 $0xFFFFFFFF;
	p2 =	slt.u32 s8, $0xFFFFF086  }
0x1c: {  	p1 =	slt.u32 s9, $0xF7A;
	s5 =	simm.s32 @!p2 $0x0  }
0x1d: {  	s5 =	simm.s32 @p1 $0x1;
	p0 =	seq.s32 s7, s2  }
0x1e: {  	s7 =	smul.u32 @!p0 $0xF7A, s2;
	p2 =	seq.s32 @!p0 s5, $0x0  }
0x1f: {  	s9 =	smul.u32 $0xF7A, s1;
	s8 =	simm.s32 @!p0 $0x1BF5;
	p2 =	por !p2, p0  }
0x20: {  	[sflag:s8] =	ssyncset.s32 @!p0 $0xFFFFF086;
	s6 =	sadd.s32 @!p0 s3, s7;
	s7 =	simm.s32 @!p0 $0x108  }
0x21: {  	s3 =	sadd.s32 s3, s9;
	s6 =	sadd.s32 @!p0 $0x88, s6;
	s7 =	simm.s32 @p2 $0x1082  }
0x22: {  	[simem:s7], [sflag:s8] =	dma.local @!p0 [hbm:s6], $0xF7A  }
0x23: {  	s9 =	sor.u32 $0xD0000000, s2;
	s6 =	simm.s32 $0x108;
	_ =	swait.ge @!p0 [sflag:s8], $0x0  }
0x24: {  	s3 =	sadd.s32 $0x88, s3;
	s6 =	simm.s32 @!p1 $0x1082;
	[sflag:s4] =	ssyncset.s32 $0xFFFFF086  }
0x25: {  	[simem:s6], [sflag:s4] =	dma.local [hbm:s3], $0xF7A  }
0x26: {  	[smem:$0x3F8E] =	sst s1;
	(tag) =	ssettag s2;
	_ =	strace s9  }
0x27: {  	s1 =	sld [smem:$0x3F9E]  }
0x28: {  	s2 =	sld [smem:$0x3F9F]  }
0x29: {  	s4 =	sld [smem:$0x3FA1]  }
0x2a: {  	p0 =	seq.s32 s5, $0x0;
	s5 =	sld [smem:$0x3FA2]  }
0x2b: {  	s6 =	sld [smem:$0x3FA3]  }
0x2c: {  	s7 =	sld [smem:$0x3FA4]  }
0x2d: {  	s3 =	simm.s32 $0x108;
	s8 =	sld [smem:$0x3FA5]  }
0x2e: {  	s3 =	simm.s32 @!p0 $0x1082;
	s9 =	sld [smem:$0x3FA6]  }
0x2f: {  	lr =	sadd.s32 s0, s3;
	s0 =	sld [smem:$0x3F9D]  }
0x30: {  	s3 =	sld [smem:$0x3FA0]  }
0x31: {  	[smem:$0x3FA9] =	sst s10  }
0x32: {  	s10 =	sld [smem:$0x3FA7];
	_ =	sdelay $0x3  }
0x33: {  	p0 =	seq.s32 s10, $0x1;
	s10 =	sld [smem:$0x3FA9];
	_ =	sdelay $0x3  }
0x34: {  	[smem:$0x3FA9] =	sst s10  }
0x35: {  	s10 =	sld [smem:$0x3FA8];
	_ =	sdelay $0x3  }
0x36: {  	p1 =	seq.s32 s10, $0x1;
	s10 =	sld [smem:$0x3FA9];
	_ =	sdelay $0x3  }
0x37: {  	[smem:$0x3FA9] =	sst s10  }
0x38: {  	s10 =	sld [smem:$0x3FAA]  }
0x39: {  	_ = 	snop;
	(pc) =	sbr.ind lr, $3  }
0x3a: {  	_ = 	snop  }
0x3b: {  	_ = 	snop  }
0x3c: {  	p2 =	seq.s32 s10, $0x1;
	s10 =	sld [smem:$0x3FA9]  }
0x3d: {  	_ =	shalt  }
0x3e: {  	_ =	shalt  }
0x3f: {  	_ =	shalt  }
0x40: {  	_ =	shalt  }
0x41: {  	_ =	shalt  }
0x42: {  	_ =	shalt  }
0x43: {  	_ =	shalt  }
0x44: {  	_ =	shalt  }
0x45: {  	_ =	shalt  }
0x46: {  	_ =	shalt  }
0x47: {  	_ =	shalt  }
0x48: {  	_ =	shalt  }
0x49: {  	_ =	shalt  }
0x4a: {  	_ =	shalt  }
0x4b: {  	_ =	shalt  }
0x4c: {  	_ =	shalt  }
0x4d: {  	_ =	shalt  }
0x4e: {  	_ =	shalt  }
0x4f: {  	_ =	shalt  }
0x50: {  	_ =	shalt  }
0x51: {  	_ =	shalt  }
0x52: {  	_ =	shalt  }
0x53: {  	_ =	shalt  }
0x54: {  	_ =	shalt  }
0x55: {  	_ =	shalt  }
0x56: {  	_ =	shalt  }
0x57: {  	_ =	shalt  }
0x58: {  	_ =	shalt  }
0x59: {  	_ =	shalt  }
0x5a: {  	_ =	shalt  }
0x5b: {  	_ =	shalt  }
0x5c: {  	_ =	shalt  }
0x5d: {  	_ =	shalt  }
0x5e: {  	_ =	shalt  }
0x5f: {  	_ =	shalt  }
0x60: {  	_ =	shalt  }
0x61: {  	_ =	shalt  }
0x62: {  	_ =	shalt  }
0x63: {  	_ =	shalt  }
0x64: {  	_ =	shalt  }
0x65: {  	_ =	shalt  }
0x66: {  	_ =	shalt  }
0x67: {  	_ =	shalt  }
0x68: {  	_ =	shalt  }
0x69: {  	_ =	shalt  }
0x6a: {  	_ =	shalt  }
0x6b: {  	_ =	shalt  }
0x6c: {  	_ =	shalt  }
0x6d: {  	_ =	shalt  }
0x6e: {  	_ =	shalt  }
0x6f: {  	_ =	shalt  }
0x70: {  	_ =	shalt  }
0x71: {  	_ =	shalt  }
0x72: {  	_ =	shalt  }
0x73: {  	_ =	shalt  }
0x74: {  	_ =	shalt  }
0x75: {  	_ =	shalt  }
0x76: {  	_ =	shalt  }
0x77: {  	_ =	shalt  }
0x78: {  	_ =	shalt  }
0x79: {  	_ =	shalt  }
0x7a: {  	_ =	shalt  }
0x7b: {  	_ =	shalt  }
0x7c: {  	_ =	shalt  }
0x7d: {  	_ =	shalt  }
0x7e: {  	_ =	shalt  }
0x7f: {  	_ =	shalt  }
0x80: {  	_ =	shalt  }
0x81: {  	_ =	shalt  }
0x82: {  	_ =	shalt  }
0x83: {  	_ =	shalt  }
0x84: {  	_ =	shalt  }
0x85: {  	_ =	shalt  }
0x86: {  	_ =	shalt  }
0x87: {  	_ =	shalt  }
.Lfunc_end0:
.L_simem_size_0:
called_computation.6_lowered:
.L_overlay_start_0:
0x88: {  	s2 =	sld [smem:$0x3FD9]  }
0x89: {  	s3 =	sld [smem:$0x3FFE];
	_ =	sdelay $0x1  }
0x8a: {  	s1 =	srdreg.scid  }
0x8b: {  	s0 =	sand.u32 $0x1, s1  }
0x8c: {  	s16 =	sshll.u32 s0, $0xA;
	s2 =	sadd.s32 s3, s2  }
0x8d: {  	s2 =	sadd.s32 s2, s16  }
0x8e: {  	[smem:$0x3FB5] =	sst s2  }
0x8f: {  	_ = 	snop  }
0x90: {  	(tm) =	ssettm $0x1  }
0x91: {  	s17 =	sld [smem:$0x3FFB];
	_ =	sdelay $0x3  }
0x92: {  	_ =	strace s17  }
0x93: {  	s2 =	sld [smem:$0x3FFC];
	_ =	sdelay $0x3  }
0x94: {  	_ =	strace s2  }
0x95: {  	s2 =	sld [smem:$0x3FFD];
	_ =	sdelay $0x3  }
0x96: {  	_ =	strace s2  }
0x97: {  	_ =	strace $0x8FFFFFFF  }
0x98: {  	s18 =	sld [smem:$0x3FDB];
	_ =	sdelay $0x1  }
0x99: {  	s19 =	simm.s32 $_scs_section_size  }
0x9a: {  	s4 =	simm.s32 $_size__tile_overlayer_lowered;
	s5 =	simm.s32 $_tile_overlayer_lowered  }
0x9b: {  	s22 =	simm.s32 $0x1BFF;
	s21 =	sshll.u32 s5, $0x1;
	s2 =	sadd.s32 s19, s18  }
0x9c: {  	s6 =	simm.s32 $0x0;
	s20 =	sshll.u32 s4, $0x1;
	s4 =	sadd.s32 s21, s2  }
0x9d: {  	[timem:s6], [sflag:s22] =	dma.local [hbm:s4], s20  }
0x9e: {  	_ =	swait.ge [sflag:s22], s20  }
0x9f: {  	s3 =	ssub.s32 $0x0, s20;
	[sflag:s22] =	ssyncset.done $0x0  }
0xa0: {  	[sflag:s22] =	ssyncadd.s32 s3;
	_ =	sdelay $0x1  }
0xa1: {  	s23 =	simm.s32 $0x1B8B  }
0xa2: {  	_ =	swait.ge [sflag:s23], $0x1  }
0xa3: {  	[sflag:s23] =	ssyncset.done $0x0  }
0xa4: {  	s25 =	simm.s32 $0x1B8E;
	s24 =	sld [smem:$0x3FFE];
	[sflag:s23] =	ssyncadd.s32 $0xFFFFFFFF  }
0xa5: {  	s26 =	simm.s32 $execute0_lowered;
	[smem:$0x3FD2] =	sst s25  }
0xa6: {  	s4 =	sshll.u32 s26, $0x1;
	_ =	strace $0x8000004C;
	[dreg:$0x1] =	wrdreg $0xFFFFFFFF  }
0xa7: {  	s28 =	simm.s32 $_size_execute0_lowered;
	s2 =	sadd.s32 s2, s4;
	[dreg:$0x0] =	wrdreg $0x0  }
0xa8: {  	s4 =	sshll.u32 s28, $0x1;
	[dreg:$0x2] =	wrdreg s2  }
0xa9: {  	[dreg:$0x3] =	wrdreg s4  }
0xaa: {  	[dreg:$0x4] =	wrdreg $0xC0  }
0xab: {  	_ =	task [dreg:s6], $0x5FFFF  }
0xac: {  	[dreg:$0x1] =	wrdreg $0xFFFFFFFF  }
0xad: {  	[dreg:$0x0] =	wrdreg $0x60  }
0xae: {  	[dreg:$0x2] =	wrdreg s24  }
0xaf: {  	[dreg:$0x3] =	wrdreg $0x9  }
0xb0: {  	_ =	task.clear_ibuf [dreg:s6], $0x4FFFF;
	_ =	strace $0x9000004C  }
0xb1: {  	s29 =	simm.s32 $0x9;
	_ =	strace $0x8000004E  }
0xb2: {  	_ =	swait.ge [sflag:s29], $0x1  }
0xb3: {  	[sflag:s29] =	ssyncadd.s32 $0xFFFFFFFF  }
0xb4: {  	_ =	strace $0x9000004E  }
0xb5: {  	_ =	sfence  }
0xb6: {  	s30 =	sld [smem:$0x0];
	_ =	sdelay $0x2  }
0xb7: {  	s31 =	sshll.u32 s1, $0xD;
	s1 =	sshrl.u32 s1, $0x2  }
0xb8: {  	s3 =	sand.u32 $0x4000, s31;
	s1 =	sadd.s32 s1, s30  }
0xb9: {  	s0 =	sor.u32 s3, s0;
	s1 =	sshll.u32 s1, $0x11  }
0xba: {  	s0 =	sor.u32 s1, s0  }
0xbb: {  	s0 =	sadd.s32 $0x8F2B, s0  }
0xbc: {  	[sflag:s0] =	ssyncadd.remote.s32 $0x1  }
0xbd: {  	_ =	sfence.sel $0xFFFF  }
0xbe: {  	[dreg:$0x0] =	wrdreg $0xFFFFFFFF;
	(pc) =	sbr.abs _section_cstart, $3  }
0xbf: {  	[dreg:$0x1] =	wrdreg $0xFFFFFFFF  }
0xc0: {  	_ =	task.clear_ibuf [dreg:s6], $0x2FFFF;
	_ =	strace $0x9FFFFFFF  }
0xc1: {  	(tm) =	ssettm $0x7FFFFFFF  }
tec
execute0_lowered:
.L_overlay_start_1:
0x0: {  	(tag) =	ssettag $0x1  }
0x1: {  	s4 =	rddreg [dreg:$0x0]  }
0x2: {  	s0 =	rddreg [dreg:$0x1];
	s2 =	simm.s32 $0x0;
	s3 =	srdreg.scid  }
0x3: {  	s1 =	stileid.u32;
	s10 =	simm.s32 $0x100;
	s11 =	simm.s32 $0xC8  }
0x4: {  	s12 =	simm.s32 $0x200;
	s13 =	simm.s32 $0x6600;
	s14 =	simm.s32 $0x1  }
0x5: {  	s15 =	simm.s32 $0x2;
	s16 =	simm.s32 $0x0;
	s6 =	smul.u32 $0x2710, s1  }
0x6: {  	[smem:$0x7FF] =	sst s2;
	s5 =	sand.u32 $0x1, s3;
	s8 =	smul.u32 $0x27100, s1  }
0x7: {  	s3 =	sadd.s32 $0xA600, s4;
	s7 =	smul.u32 $0x1388, s5;
	s9 =	ssub.s32 $0x2, s5  }
0x8: {  	_ =	strace $0x8000004D;
	s5 =	smul.u32 $0x13880, s5;
	s29 =	sshrl.u32 s9, $0x1  }
0x9: {  	s8 =	sadd.s32 s8, s4;
	s6 =	sadd.s32 s7, s6;
	s7 =	ssub.s32 s9, s29  }
0xa: {  	s31 =	sadd.s32 s5, s8;
	s9 =	simm.s32 $0x3;
	s6 =	sshrl.u32 s6, $0x3  }
0xb: {  	s5 =	sadd.s32 $0xB0C00, s31;
	s30 =	sadd.s32 s6, s4;
	s4 =	smax.u32 s7, $0x1  }
0xc: {  	s6 =	sadd.s32 $0x321C00, s31;
	s7 =	sadd.s32 $0xABC00, s30;
	s8 =	sadd.s32 $0xA6C00, s30  }
.LBB2_1:
0xd: {  	s17 =	sadd.s32 $0x0, s8  }
0xe: {  	[tilespmem:s2], [sflag:$0x3] =	stream.linear.gather [hbm4b:s17+s2], $0xC8, $0x38;
	[tilespmem:$0xCA00] =	vst v63  }
0xf: {  	_ =	swait.ge [sflag:s9], $0xC8  }
0x10: {  	[sflag:s9] =	ssyncset.done $0x0  }
0x11: {  	s31 =	sadd.s32 $0x0, s7;
	[sflag:s9] =	ssyncadd.s32 $0xFFFFFF38  }
0x12: {  	[tilespmem:s10], [sflag:$0x3] =	stream.linear.gather [hbm4b:s31+s2], $0xC8, $0x38;
	[tilespmem:$0xCA00] =	vst v63  }
0x13: {  	_ =	swait.ge [sflag:s9], $0xC8  }
0x14: {  	[sflag:s9] =	ssyncset.done $0x0  }
0x15: {  	[sflag:s9] =	ssyncadd.s32 $0xFFFFFF38  }
0x16: {  	[tilespmem:s12], [sflag:$0x1] =	stream.indirect.gather [hbm4b:s3+s11], $0x80, s2, s11, $0xb8;
	[tilespmem:$0xCA00] =	vst v63  }
0x17: {  	_ = 	snop  }
0x18: {  	[tilespmem:s13], [sflag:$0x2] =	stream.indirect.gather [hbm4b:s3+s11], $0x80, s10, s11, $0xb8;
	[tilespmem:$0xCA00] =	vst v63  }
0x19: {  	_ =	swait.ge [sflag:s14], $0x6400  }
0x1a: {  	[sflag:s14] =	ssyncset.done $0x0  }
0x1b: {  	[sflag:s14] =	ssyncadd.s32 $0xFFFF9C00  }
0x1c: {  	_ =	swait.ge [sflag:s15], $0x6400  }
0x1d: {  	[sflag:s15] =	ssyncset.done $0x0  }
0x1e: {  	[sflag:s15] =	ssyncadd.s32 $0xFFFF9C00  }
0x1f: {  	[hbm4b:s5+s2] =	stream.linear.scatter [tilespmem:s12], [sflag:$0x3], $0x6400, $0x38;
	[tilespmem:$0xCA00] =	vst v63  }
0x20: {  	_ =	swait.ge [sflag:s9], $0x6400  }
0x21: {  	[sflag:s9] =	ssyncset.done $0x0  }
0x22: {  	[sflag:s9] =	ssyncadd.s32 $0xFFFF9C00  }
0x23: {  	[hbm4b:s6+s2] =	stream.linear.scatter [tilespmem:s13], [sflag:$0x3], $0x6400, $0x38;
	[tilespmem:$0xCA00] =	vst v63  }
0x24: {  	s19 =	simm.s32 $0x19;
	s20 =	simm.s32 $0x32;
	_ =	swait.ge [sflag:s9], $0x6400  }
0x25: {  	s18 =	sadd.s32 $0xC80, s5;
	s17 =	sadd.s32 $0xC80, s6;
	[sflag:s9] =	ssyncset.done $0x0  }
.LBB2_2:
0x26: {  	s21 =	sadd.s32 s19, s8  }
0x27: {  	[sflag:s9] =	ssyncadd.s32 $0xFFFF9C00;
	s22 =	smov.u32 s20;
	s23 =	sadd.s32 $0x19, s20  }
0x28: {  	[tilespmem:s2], [sflag:$0x3] =	stream.linear.gather [hbm4b:s21+s2], $0xC8, $0x38;
	[tilespmem:$0xCA00] =	vst v63  }
0x29: {  	p0 =	sne.s32 s20, $0x258;
	_ =	swait.ge [sflag:s9], $0xC8  }
0x2a: {  	[sflag:s9] =	ssyncset.done $0x0  }
0x2b: {  	s20 =	sadd.s32 s19, s7;
	s19 =	smov.u32 s22;
	[sflag:s9] =	ssyncadd.s32 $0xFFFFFF38  }
0x2c: {  	[tilespmem:s10], [sflag:$0x3] =	stream.linear.gather [hbm4b:s20+s2], $0xC8, $0x38;
	[tilespmem:$0xCA00] =	vst v63  }
0x2d: {  	_ =	swait.ge [sflag:s9], $0xC8  }
0x2e: {  	[sflag:s9] =	ssyncset.done $0x0  }
0x2f: {  	[sflag:s9] =	ssyncadd.s32 $0xFFFFFF38  }
0x30: {  	[tilespmem:s12], [sflag:$0x1] =	stream.indirect.gather [hbm4b:s3+s11], $0x80, s2, s11, $0xb8;
	[tilespmem:$0xCA00] =	vst v63  }
0x31: {  	_ = 	snop  }
0x32: {  	[tilespmem:s13], [sflag:$0x2] =	stream.indirect.gather [hbm4b:s3+s11], $0x80, s10, s11, $0xb8;
	[tilespmem:$0xCA00] =	vst v63  }
0x33: {  	_ =	swait.ge [sflag:s14], $0x6400  }
0x34: {  	[sflag:s14] =	ssyncset.done $0x0  }
0x35: {  	[sflag:s14] =	ssyncadd.s32 $0xFFFF9C00  }
0x36: {  	_ =	swait.ge [sflag:s15], $0x6400  }
0x37: {  	[sflag:s15] =	ssyncset.done $0x0  }
0x38: {  	[sflag:s15] =	ssyncadd.s32 $0xFFFF9C00  }
0x39: {  	[hbm4b:s18+s2] =	stream.linear.scatter [tilespmem:s12], [sflag:$0x3], $0x6400, $0x38;
	[tilespmem:$0xCA00] =	vst v63  }
0x3a: {  	_ =	swait.ge [sflag:s9], $0x6400  }
.Ltmp0:
0x3b: {  	[sflag:s9] =	ssyncset.done $0x0;
	(pc) =	sbr.rel @p0 .LBB2_2-.Ltmp0, $4  }
0x3c: {  	[sflag:s9] =	ssyncadd.s32 $0xFFFF9C00  }
0x3d: {  	[hbm4b:s17+s2] =	stream.linear.scatter [tilespmem:s13], [sflag:$0x3], $0x6400, $0x38;
	[tilespmem:$0xCA00] =	vst v63  }
0x3e: {  	s20 =	smov.u32 s23;
	_ =	swait.ge [sflag:s9], $0x6400  }
0x3f: {  	s18 =	sadd.s32 $0xC80, s18;
	s17 =	sadd.s32 $0xC80, s17;
	[sflag:s9] =	ssyncset.done $0x0  }
0x40: {  	s20 =	sadd.s32 s19, s8;
	[sflag:s9] =	ssyncadd.s32 $0xFFFF9C00  }
0x41: {  	[tilespmem:s2], [sflag:$0x3] =	stream.linear.gather [hbm4b:s20+s2], $0xC8, $0x38;
	[tilespmem:$0xCA00] =	vst v63  }
0x42: {  	_ =	swait.ge [sflag:s9], $0xC8  }
0x43: {  	[sflag:s9] =	ssyncset.done $0x0  }
0x44: {  	s31 =	sadd.s32 s19, s7;
	[sflag:s9] =	ssyncadd.s32 $0xFFFFFF38  }
0x45: {  	[tilespmem:s10], [sflag:$0x3] =	stream.linear.gather [hbm4b:s31+s2], $0xC8, $0x38;
	[tilespmem:$0xCA00] =	vst v63  }
0x46: {  	_ =	swait.ge [sflag:s9], $0xC8  }
0x47: {  	[sflag:s9] =	ssyncset.done $0x0  }
0x48: {  	[sflag:s9] =	ssyncadd.s32 $0xFFFFFF38  }
0x49: {  	[tilespmem:s12], [sflag:$0x1] =	stream.indirect.gather [hbm4b:s3+s11], $0x80, s2, s11, $0xb8;
	[tilespmem:$0xCA00] =	vst v63  }
0x4a: {  	_ = 	snop  }
0x4b: {  	[tilespmem:s13], [sflag:$0x2] =	stream.indirect.gather [hbm4b:s3+s11], $0x80, s10, s11, $0xb8;
	[tilespmem:$0xCA00] =	vst v63  }
0x4c: {  	_ =	swait.ge [sflag:s14], $0x6400  }
0x4d: {  	[sflag:s14] =	ssyncset.done $0x0  }
0x4e: {  	[sflag:s14] =	ssyncadd.s32 $0xFFFF9C00  }
0x4f: {  	_ =	swait.ge [sflag:s15], $0x6400  }
0x50: {  	[sflag:s15] =	ssyncset.done $0x0  }
0x51: {  	[sflag:s15] =	ssyncadd.s32 $0xFFFF9C00  }
0x52: {  	[hbm4b:s18+s2] =	stream.linear.scatter [tilespmem:s12], [sflag:$0x3], $0x6400, $0x38;
	[tilespmem:$0xCA00] =	vst v63  }
0x53: {  	s16 =	sadd.s32 $0x1, s16;
	_ =	swait.ge [sflag:s9], $0x6400  }
0x54: {  	p0 =	sne.s32 s16, s4;
	[sflag:s9] =	ssyncset.done $0x0  }
.Ltmp1:
0x55: {  	[sflag:s9] =	ssyncadd.s32 $0xFFFF9C00;
	(pc) =	sbr.rel @p0 .LBB2_1-.Ltmp1, $4  }
0x56: {  	[hbm4b:s17+s2] =	stream.linear.scatter [tilespmem:s13], [sflag:$0x3], $0x6400, $0x38;
	[tilespmem:$0xCA00] =	vst v63  }
0x57: {  	_ =	swait.ge [sflag:s9], $0x6400  }
0x58: {  	[sflag:s9] =	ssyncset.done $0x0  }
0x59: {  	[sflag:s9] =	ssyncadd.s32 $0xFFFF9C00  }
0x5a: {  	_ =	sfence.sel $0x180000  }
0x5b: {  	[bflag:$0x0] =	sbarrier.arrive $0xFFFF  }
0x5c: {  	p0 =	sne.s32 s1, $0x0;
	_ =	strace $0x9000004D  }
0x5d: {  	s0 =	sadd.s32 @!p0 $0x100000, s0;
	[bflag:$0x2] =	sbarrier.arrive $0xFFFF  }
0x5e: {  	[sflag:s0] =	ssyncadd.tile.s32 @!p0 $0x1;
	_ =	shalt  }
.Lfunc_end2:
_tile_overlayer_lowered:
.L_overlay_start_2:
0x5f: {  	(tag) =	ssettag $0x2  }
0x60: {  	s0 =	rddreg [dreg:$0x0];
	s2 =	stileid.u32  }
0x61: {  	s1 =	rddreg [dreg:$0x1];
	p0 =	sne.s32 s2, $0x0  }
0x62: {  	s3 =	rddreg [dreg:$0x2];
	[bflag:$0x3] =	sbarrier.arrive $0xFFFF;
	s2 =	simm.s32 @!p0 $0x1C03  }
0x63: {  	[timem:s3], [sflag:s2] =	dma.local @!p0 [hbm:s0], s1  }
0x64: {  	s0 =	simm.s32 @!p0 $0x3  }
0x65: {  	_ =	swait.ge @!p0 [sflag:s0], s1  }
0x66: {  	s1 =	ssub.s32 @!p0 $0x0, s1;
	[sflag:s0] =	ssyncset.done @!p0 $0x0  }
0x67: {  	[sflag:s0] =	ssyncadd.s32 @!p0 s1  }
0x68: {  	[bflag:$0x3] =	sbarrier.arrive $0xFFFF  }
0x69: {  	_ =	shalt  }

// kernel: kernel.6.cloned.1.call-start
scs
__scs_entry_jumppad:
0x0: {  	(pc) =	sbr.rel $0x88, $3  }
0x1: {  	(tag) =	ssettag $0x0;
	lr =	simm.s32 $0x1  }
0x2: {  	[smem:$0x3F8E] =	sst lr;
	_ =	strace $0xD0000000  }
0x3: {  	_ = 	snop  }
0x4: {  	_ = 	snop  }
0x5: {  	_ = 	snop  }
0x6: {  	_ = 	snop  }
0x7: {  	_ = 	snop  }
__scs_overlays_trampoline_lowered:
0x8: {  	[smem:$0x3F9D] =	sst s0  }
0x9: {  	[smem:$0x3F9E] =	sst s1  }
0xa: {  	[smem:$0x3F9F] =	sst s2  }
0xb: {  	[smem:$0x3FA0] =	sst s3  }
0xc: {  	[smem:$0x3FA1] =	sst s4  }
0xd: {  	[smem:$0x3FA2] =	sst s5  }
0xe: {  	[smem:$0x3FA3] =	sst s6  }
0xf: {  	[smem:$0x3FA4] =	sst s7  }
0x10: {  	[smem:$0x3FA5] =	sst s8  }
0x11: {  	[smem:$0x3FA6] =	sst s9;
	s0 =	simm.s32 @!p0 $0x0  }
0x12: {  	s1 =	sld [smem:$0x3F8C];
	s0 =	simm.s32 @p0 $0x1  }
0x13: {  	[smem:$0x3FA7] =	sst s0;
	s0 =	simm.s32 @!p1 $0x0  }
0x14: {  	s2 =	sld [smem:$0x3F8B];
	s0 =	simm.s32 @p1 $0x1  }
0x15: {  	[smem:$0x3FA8] =	sst s0;
	s0 =	simm.s32 @!p2 $0x0  }
0x16: {  	s3 =	sld [smem:$0x3FDB];
	s0 =	simm.s32 @p2 $0x1  }
0x17: {  	s4 =	simm.s32 $0x1BF5;
	[smem:$0x3FAA] =	sst s0  }
0x18: {  	s0 =	sld [smem:$0x3F8D];
	_ =	swait.ge [sflag:s4], $0x0  }
0x19: {  	s7 =	sld [smem:$0x3F8E]  }
0x1a: {  	s8 =	sadd.s32 $0xFFFFE003, lr  }
0x1b: {  	s9 =	sadd.s32 $0xFFFFFEF7, lr;
	s5 =	simm.s32 $0xFFFFFFFF;
	p2 =	slt.u32 s8, $0xFFFFF086  }
0x1c: {  	p1 =	slt.u32 s9, $0xF7A;
	s5 =	simm.s32 @!p2 $0x0  }
0x1d: {  	s5 =	simm.s32 @p1 $0x1;
	p0 =	seq.s32 s7, s2  }
0x1e: {  	s7 =	smul.u32 @!p0 $0xF7A, s2;
	p2 =	seq.s32 @!p0 s5, $0x0  }
0x1f: {  	s9 =	smul.u32 $0xF7A, s1;
	s8 =	simm.s32 @!p0 $0x1BF5;
	p2 =	por !p2, p0  }
0x20: {  	[sflag:s8] =	ssyncset.s32 @!p0 $0xFFFFF086;
	s6 =	sadd.s32 @!p0 s3, s7;
	s7 =	simm.s32 @!p0 $0x108  }
0x21: {  	s3 =	sadd.s32 s3, s9;
	s6 =	sadd.s32 @!p0 $0x88, s6;
	s7 =	simm.s32 @p2 $0x1082  }
0x22: {  	[simem:s7], [sflag:s8] =	dma.local @!p0 [hbm:s6], $0xF7A  }
0x23: {  	s9 =	sor.u32 $0xD0000000, s2;
	s6 =	simm.s32 $0x108;
	_ =	swait.ge @!p0 [sflag:s8], $0x0  }
0x24: {  	s3 =	sadd.s32 $0x88, s3;
	s6 =	simm.s32 @!p1 $0x1082;
	[sflag:s4] =	ssyncset.s32 $0xFFFFF086  }
0x25: {  	[simem:s6], [sflag:s4] =	dma.local [hbm:s3], $0xF7A  }
0x26: {  	[smem:$0x3F8E] =	sst s1;
	(tag) =	ssettag s2;
	_ =	strace s9  }
0x27: {  	s1 =	sld [smem:$0x3F9E]  }
0x28: {  	s2 =	sld [smem:$0x3F9F]  }
0x29: {  	s4 =	sld [smem:$0x3FA1]  }
0x2a: {  	p0 =	seq.s32 s5, $0x0;
	s5 =	sld [smem:$0x3FA2]  }
0x2b: {  	s6 =	sld [smem:$0x3FA3]  }
0x2c: {  	s7 =	sld [smem:$0x3FA4]  }
0x2d: {  	s3 =	simm.s32 $0x108;
	s8 =	sld [smem:$0x3FA5]  }
0x2e: {  	s3 =	simm.s32 @!p0 $0x1082;
	s9 =	sld [smem:$0x3FA6]  }
0x2f: {  	lr =	sadd.s32 s0, s3;
	s0 =	sld [smem:$0x3F9D]  }
0x30: {  	s3 =	sld [smem:$0x3FA0]  }
0x31: {  	[smem:$0x3FA9] =	sst s10  }
0x32: {  	s10 =	sld [smem:$0x3FA7];
	_ =	sdelay $0x3  }
0x33: {  	p0 =	seq.s32 s10, $0x1;
	s10 =	sld [smem:$0x3FA9];
	_ =	sdelay $0x3  }
0x34: {  	[smem:$0x3FA9] =	sst s10  }
0x35: {  	s10 =	sld [smem:$0x3FA8];
	_ =	sdelay $0x3  }
0x36: {  	p1 =	seq.s32 s10, $0x1;
	s10 =	sld [smem:$0x3FA9];
	_ =	sdelay $0x3  }
0x37: {  	[smem:$0x3FA9] =	sst s10  }
0x38: {  	s10 =	sld [smem:$0x3FAA]  }
0x39: {  	_ = 	snop;
	(pc) =	sbr.ind lr, $3  }
0x3a: {  	_ = 	snop  }
0x3b: {  	_ = 	snop  }
0x3c: {  	p2 =	seq.s32 s10, $0x1;
	s10 =	sld [smem:$0x3FA9]  }
0x3d: {  	_ =	shalt  }
0x3e: {  	_ =	shalt  }
0x3f: {  	_ =	shalt  }
0x40: {  	_ =	shalt  }
0x41: {  	_ =	shalt  }
0x42: {  	_ =	shalt  }
0x43: {  	_ =	shalt  }
0x44: {  	_ =	shalt  }
0x45: {  	_ =	shalt  }
0x46: {  	_ =	shalt  }
0x47: {  	_ =	shalt  }
0x48: {  	_ =	shalt  }
0x49: {  	_ =	shalt  }
0x4a: {  	_ =	shalt  }
0x4b: {  	_ =	shalt  }
0x4c: {  	_ =	shalt  }
0x4d: {  	_ =	shalt  }
0x4e: {  	_ =	shalt  }
0x4f: {  	_ =	shalt  }
0x50: {  	_ =	shalt  }
0x51: {  	_ =	shalt  }
0x52: {  	_ =	shalt  }
0x53: {  	_ =	shalt  }
0x54: {  	_ =	shalt  }
0x55: {  	_ =	shalt  }
0x56: {  	_ =	shalt  }
0x57: {  	_ =	shalt  }
0x58: {  	_ =	shalt  }
0x59: {  	_ =	shalt  }
0x5a: {  	_ =	shalt  }
0x5b: {  	_ =	shalt  }
0x5c: {  	_ =	shalt  }
0x5d: {  	_ =	shalt  }
0x5e: {  	_ =	shalt  }
0x5f: {  	_ =	shalt  }
0x60: {  	_ =	shalt  }
0x61: {  	_ =	shalt  }
0x62: {  	_ =	shalt  }
0x63: {  	_ =	shalt  }
0x64: {  	_ =	shalt  }
0x65: {  	_ =	shalt  }
0x66: {  	_ =	shalt  }
0x67: {  	_ =	shalt  }
0x68: {  	_ =	shalt  }
0x69: {  	_ =	shalt  }
0x6a: {  	_ =	shalt  }
0x6b: {  	_ =	shalt  }
0x6c: {  	_ =	shalt  }
0x6d: {  	_ =	shalt  }
0x6e: {  	_ =	shalt  }
0x6f: {  	_ =	shalt  }
0x70: {  	_ =	shalt  }
0x71: {  	_ =	shalt  }
0x72: {  	_ =	shalt  }
0x73: {  	_ =	shalt  }
0x74: {  	_ =	shalt  }
0x75: {  	_ =	shalt  }
0x76: {  	_ =	shalt  }
0x77: {  	_ =	shalt  }
0x78: {  	_ =	shalt  }
0x79: {  	_ =	shalt  }
0x7a: {  	_ =	shalt  }
0x7b: {  	_ =	shalt  }
0x7c: {  	_ =	shalt  }
0x7d: {  	_ =	shalt  }
0x7e: {  	_ =	shalt  }
0x7f: {  	_ =	shalt  }
0x80: {  	_ =	shalt  }
0x81: {  	_ =	shalt  }
0x82: {  	_ =	shalt  }
0x83: {  	_ =	shalt  }
0x84: {  	_ =	shalt  }
0x85: {  	_ =	shalt  }
0x86: {  	_ =	shalt  }
0x87: {  	_ =	shalt  }
.Lfunc_end0:
.L_simem_size_0:
called_computation.4_lowered:
.L_overlay_start_0:
0x88: {  	s2 =	sld [smem:$0x3FD9]  }
0x89: {  	s3 =	sld [smem:$0x3FFE];
	_ =	sdelay $0x1  }
0x8a: {  	s1 =	srdreg.scid  }
0x8b: {  	s0 =	sand.u32 $0x1, s1  }
0x8c: {  	s16 =	sshll.u32 s0, $0xA;
	s2 =	sadd.s32 s3, s2  }
0x8d: {  	s2 =	sadd.s32 s2, s16  }
0x8e: {  	[smem:$0x3FB5] =	sst s2  }
0x8f: {  	_ = 	snop  }
0x90: {  	(tm) =	ssettm $0x1  }
0x91: {  	s17 =	sld [smem:$0x3FFB];
	_ =	sdelay $0x3  }
0x92: {  	_ =	strace s17  }
0x93: {  	s2 =	sld [smem:$0x3FFC];
	_ =	sdelay $0x3  }
0x94: {  	_ =	strace s2  }
0x95: {  	s2 =	sld [smem:$0x3FFD];
	_ =	sdelay $0x3  }
0x96: {  	_ =	strace s2  }
0x97: {  	_ =	strace $0x8FFFFFFF  }
0x98: {  	s18 =	sld [smem:$0x3FDB];
	_ =	sdelay $0x1  }
0x99: {  	s19 =	simm.s32 $_scs_section_size  }
0x9a: {  	s4 =	simm.s32 $_size__tile_overlayer_lowered;
	s5 =	simm.s32 $_tile_overlayer_lowered  }
0x9b: {  	s22 =	simm.s32 $0x1BFF;
	s21 =	sshll.u32 s5, $0x1;
	s2 =	sadd.s32 s19, s18  }
0x9c: {  	s6 =	simm.s32 $0x0;
	s20 =	sshll.u32 s4, $0x1;
	s4 =	sadd.s32 s21, s2  }
0x9d: {  	[timem:s6], [sflag:s22] =	dma.local [hbm:s4], s20  }
0x9e: {  	_ =	swait.ge [sflag:s22], s20  }
0x9f: {  	s3 =	ssub.s32 $0x0, s20;
	[sflag:s22] =	ssyncset.done $0x0  }
0xa0: {  	[sflag:s22] =	ssyncadd.s32 s3;
	_ =	sdelay $0x1  }
0xa1: {  	s23 =	simm.s32 $0x1B8B  }
0xa2: {  	_ =	swait.ge [sflag:s23], $0x1  }
0xa3: {  	[sflag:s23] =	ssyncset.done $0x0  }
0xa4: {  	s25 =	simm.s32 $0x1B8E;
	s24 =	sld [smem:$0x3FFE];
	[sflag:s23] =	ssyncadd.s32 $0xFFFFFFFF  }
0xa5: {  	s26 =	simm.s32 $execute0_lowered;
	[smem:$0x3FD2] =	sst s25  }
0xa6: {  	s4 =	sshll.u32 s26, $0x1;
	_ =	strace $0x80000046;
	[dreg:$0x1] =	wrdreg $0xFFFFFFFF  }
0xa7: {  	s28 =	simm.s32 $_size_execute0_lowered;
	s2 =	sadd.s32 s2, s4;
	[dreg:$0x0] =	wrdreg $0x0  }
0xa8: {  	s4 =	sshll.u32 s28, $0x1;
	[dreg:$0x2] =	wrdreg s2  }
0xa9: {  	[dreg:$0x3] =	wrdreg s4  }
0xaa: {  	[dreg:$0x4] =	wrdreg $0xC0  }
0xab: {  	_ =	task [dreg:s6], $0x5FFFF  }
0xac: {  	[dreg:$0x1] =	wrdreg $0xFFFFFFFF  }
0xad: {  	[dreg:$0x0] =	wrdreg $0x60  }
0xae: {  	[dreg:$0x2] =	wrdreg s24  }
0xaf: {  	[dreg:$0x3] =	wrdreg $0x8000  }
0xb0: {  	[dreg:$0x4] =	wrdreg $0xA780  }
0xb1: {  	[dreg:$0x5] =	wrdreg $0x9  }
0xb2: {  	_ =	task.clear_ibuf [dreg:s6], $0x6FFFF;
	_ =	strace $0x90000046  }
0xb3: {  	s29 =	simm.s32 $0x9;
	_ =	strace $0x80000048  }
0xb4: {  	_ =	swait.ge [sflag:s29], $0x1  }
0xb5: {  	[sflag:s29] =	ssyncadd.s32 $0xFFFFFFFF  }
0xb6: {  	_ =	strace $0x90000048  }
0xb7: {  	_ =	sfence  }
0xb8: {  	s30 =	sld [smem:$0x0];
	_ =	sdelay $0x2  }
0xb9: {  	s31 =	sshll.u32 s1, $0xD;
	s1 =	sshrl.u32 s1, $0x2  }
0xba: {  	s3 =	sand.u32 $0x4000, s31;
	s1 =	sadd.s32 s1, s30  }
0xbb: {  	s0 =	sor.u32 s3, s0;
	s1 =	sshll.u32 s1, $0x11  }
0xbc: {  	s0 =	sor.u32 s1, s0  }
0xbd: {  	s0 =	sadd.s32 $0x8F2B, s0  }
0xbe: {  	[sflag:s0] =	ssyncadd.remote.s32 $0x1  }
0xbf: {  	_ =	sfence.sel $0xFFFF  }
0xc0: {  	[dreg:$0x0] =	wrdreg $0xFFFFFFFF;
	(pc) =	sbr.abs _section_cstart, $3  }
0xc1: {  	[dreg:$0x1] =	wrdreg $0xFFFFFFFF  }
0xc2: {  	_ =	task.clear_ibuf [dreg:s6], $0x2FFFF;
	_ =	strace $0x9FFFFFFF  }
0xc3: {  	(tm) =	ssettm $0x7FFFFFFF  }
tec
execute0_lowered:
.L_overlay_start_1:
0x0: {  	(tag) =	ssettag $0x1  }
0x1: {  	s23 =	rddreg [dreg:$0x0]  }
0x2: {  	s1 =	rddreg [dreg:$0x1]  }
0x3: {  	s2 =	rddreg [dreg:$0x2]  }
0x4: {  	s0 =	rddreg [dreg:$0x3];
	s3 =	simm.s32 $0x0  }
0x5: {  	s11 =	stileid.u32;
	s5 =	simm.s32 $0x400;
	[smem:$0x7FF] =	sst s3  }
0x6: {  	s6 =	simm.s32 $0x1;
	s4 =	sadd.s32 $0xA600, s23;
	_ =	strace $0x80000047  }
0x7: {  	[tilespmem:s5], [sflag:$0x1] =	stream.linear.gather [hbm4b:s4+s3], $0x400, $0x38;
	[tilespmem:$0xCF0] =	vst v63  }
0x8: {  	p0 =	sne.s32 s11, $0x0;
	_ =	swait.ge [sflag:s6], $0x400  }
0x9: {  	s8 =	sadd.s32 $0xA000, s23;
	s7 =	simm.s32 @!p0 $0x1;
	[sflag:s6] =	ssyncset.done $0x0  }
0xa: {  	s9 =	sshrl.u32 @!p0 s1, $0x3;
	s10 =	simm.s32 @!p0 $0x1C01;
	[sflag:s6] =	ssyncadd.s32 $0xFFFFFC00  }
0xb: {  	[spmem:s9], [sflag:s10] =	dma.local @!p0 [hbm:s8], $0x4F0  }
0xc: {  	s12 =	srdreg.scid;
	_ =	swait.ge @!p0 [sflag:s7], $0x4F0  }
0xd: {  	s24 =	sand.u32 $0x1, s12;
	s11 =	sshll.u32 s11, $0x1;
	[sflag:s7] =	ssyncset.done @!p0 $0x0  }
0xe: {  	s12 =	sor.u32 s24, s11;
	s11 =	sshrl.u32 @!p0 s2, $0x3;
	[sflag:s7] =	ssyncadd.s32 @!p0 $0xFFFFFB10  }
0xf: {  	[spmem:s11], [sflag:s10] =	dma.local @!p0 [hbm:s8], $0x4F0  }
0x10: {  	s19 =	smul.u32 $0x1388, s12;
	_ =	swait.ge @!p0 [sflag:s7], $0x4F0  }
0x11: {  	[sflag:s7] =	ssyncset.done @!p0 $0x0  }
0x12: {  	s21 =	sadd.s32 $0x5000, s23;
	s22 =	sshrl.u32 s19, $0x3;
	[sflag:s7] =	ssyncadd.s32 @!p0 $0xFFFFFB10  }
0x13: {  	s12 =	sadd.s32 s21, s22;
	[bflag:$0x0] =	sbarrier.arrive $0xFFFF  }
0x14: {  	[tilespmem:s3], [sflag:$0x1] =	stream.linear.gather [hbm4b:s12+s3], $0x3E8, $0x38;
	[tilespmem:$0xCF0] =	vst v63  }
0x15: {  	_ =	swait.ge [sflag:s6], $0x3E8  }
0x16: {  	[sflag:s6] =	ssyncset.done $0x0  }
0x17: {  	s13 =	simm.s32 $0x3E8;
	[sflag:s6] =	ssyncadd.s32 $0xFFFFFC18  }
0x18: {  	[spmem:s1] =	stream.indirect.scatter.add.f32 [tilespmem:s5], [sflag:$0x1], $0x1, s3, s13, $0xb8;
	[tilespmem:$0xCF0] =	vst v63  }
0x19: {  	_ =	swait.ge [sflag:s6], $0x3E8  }
0x1a: {  	[sflag:s6] =	ssyncset.done $0x0  }
0x1b: {  	[sflag:s6] =	ssyncadd.s32 $0xFFFFFC18  }
0x1c: {  	[spmem:s2] =	stream.indirect.scatter.add.f32 [tilespmem:s5], [sflag:$0x1], $0x1, s3, s13, $0xb8;
	[tilespmem:$0xCF0] =	vst v63  }
0x1d: {  	_ =	swait.ge [sflag:s6], $0x3E8  }
0x1e: {  	[sflag:s6] =	ssyncset.done $0x0  }
0x1f: {  	s14 =	sadd.s32 s23, s22;
	[sflag:s6] =	ssyncadd.s32 $0xFFFFFC18  }
0x20: {  	[tilespmem:s3], [sflag:$0x1] =	stream.linear.gather [hbm4b:s14+s3], $0x3E8, $0x38;
	[tilespmem:$0xCF0] =	vst v63  }
0x21: {  	_ =	swait.ge [sflag:s6], $0x3E8  }
0x22: {  	[sflag:s6] =	ssyncset.done $0x0  }
0x23: {  	[sflag:s6] =	ssyncadd.s32 $0xFFFFFC18  }
0x24: {  	[spmem:s2] =	stream.indirect.scatter.add.f32 [tilespmem:s5], [sflag:$0x1], $0x1, s3, s13, $0xb8;
	[tilespmem:$0xCF0] =	vst v63  }
0x25: {  	s15 =	sadd.s32 $0x3E8, s19;
	_ =	swait.ge [sflag:s6], $0x3E8  }
0x26: {  	s16 =	sshrl.u32 s15, $0x3;
	[sflag:s6] =	ssyncset.done $0x0  }
0x27: {  	s15 =	sadd.s32 s21, s16;
	[sflag:s6] =	ssyncadd.s32 $0xFFFFFC18  }
0x28: {  	[tilespmem:s3], [sflag:$0x1] =	stream.linear.gather [hbm4b:s15+s3], $0x3E8, $0x38;
	[tilespmem:$0xCF0] =	vst v63  }
0x29: {  	_ =	swait.ge [sflag:s6], $0x3E8  }
0x2a: {  	[sflag:s6] =	ssyncset.done $0x0  }
0x2b: {  	[sflag:s6] =	ssyncadd.s32 $0xFFFFFC18  }
0x2c: {  	[spmem:s1] =	stream.indirect.scatter.add.f32 [tilespmem:s5], [sflag:$0x1], $0x1, s3, s13, $0xb8;
	[tilespmem:$0xCF0] =	vst v63  }
0x2d: {  	_ =	swait.ge [sflag:s6], $0x3E8  }
0x2e: {  	[sflag:s6] =	ssyncset.done $0x0  }
0x2f: {  	[sflag:s6] =	ssyncadd.s32 $0xFFFFFC18  }
0x30: {  	[spmem:s2] =	stream.indirect.scatter.add.f32 [tilespmem:s5], [sflag:$0x1], $0x1, s3, s13, $0xb8;
	[tilespmem:$0xCF0] =	vst v63  }
0x31: {  	_ =	swait.ge [sflag:s6], $0x3E8  }
0x32: {  	[sflag:s6] =	ssyncset.done $0x0  }
0x33: {  	s16 =	sadd.s32 s23, s16;
	[sflag:s6] =	ssyncadd.s32 $0xFFFFFC18  }
0x34: {  	[tilespmem:s3], [sflag:$0x1] =	stream.linear.gather [hbm4b:s16+s3], $0x3E8, $0x38;
	[tilespmem:$0xCF0] =	vst v63  }
0x35: {  	_ =	swait.ge [sflag:s6], $0x3E8  }
0x36: {  	[sflag:s6] =	ssyncset.done $0x0  }
0x37: {  	[sflag:s6] =	ssyncadd.s32 $0xFFFFFC18  }
0x38: {  	[spmem:s2] =	stream.indirect.scatter.add.f32 [tilespmem:s5], [sflag:$0x1], $0x1, s3, s13, $0xb8;
	[tilespmem:$0xCF0] =	vst v63  }
0x39: {  	_ =	swait.ge [sflag:s6], $0x3E8  }
0x3a: {  	s18 =	sadd.s32 $0xFA, s22;
	[sflag:s6] =	ssyncset.done $0x0  }
0x3b: {  	s17 =	sadd.s32 s21, s18;
	[sflag:s6] =	ssyncadd.s32 $0xFFFFFC18  }
0x3c: {  	[tilespmem:s3], [sflag:$0x1] =	stream.linear.gather [hbm4b:s17+s3], $0x3E8, $0x38;
	[tilespmem:$0xCF0] =	vst v63  }
0x3d: {  	_ =	swait.ge [sflag:s6], $0x3E8  }
0x3e: {  	[sflag:s6] =	ssyncset.done $0x0  }
0x3f: {  	[sflag:s6] =	ssyncadd.s32 $0xFFFFFC18  }
0x40: {  	[spmem:s1] =	stream.indirect.scatter.add.f32 [tilespmem:s5], [sflag:$0x1], $0x1, s3, s13, $0xb8;
	[tilespmem:$0xCF0] =	vst v63  }
0x41: {  	_ =	swait.ge [sflag:s6], $0x3E8  }
0x42: {  	[sflag:s6] =	ssyncset.done $0x0  }
0x43: {  	[sflag:s6] =	ssyncadd.s32 $0xFFFFFC18  }
0x44: {  	[spmem:s2] =	stream.indirect.scatter.add.f32 [tilespmem:s5], [sflag:$0x1], $0x1, s3, s13, $0xb8;
	[tilespmem:$0xCF0] =	vst v63  }
0x45: {  	_ =	swait.ge [sflag:s6], $0x3E8  }
0x46: {  	[sflag:s6] =	ssyncset.done $0x0  }
0x47: {  	s18 =	sadd.s32 s23, s18;
	[sflag:s6] =	ssyncadd.s32 $0xFFFFFC18  }
0x48: {  	[tilespmem:s3], [sflag:$0x1] =	stream.linear.gather [hbm4b:s18+s3], $0x3E8, $0x38;
	[tilespmem:$0xCF0] =	vst v63  }
0x49: {  	_ =	swait.ge [sflag:s6], $0x3E8  }
0x4a: {  	[sflag:s6] =	ssyncset.done $0x0  }
0x4b: {  	[sflag:s6] =	ssyncadd.s32 $0xFFFFFC18  }
0x4c: {  	[spmem:s2] =	stream.indirect.scatter.add.f32 [tilespmem:s5], [sflag:$0x1], $0x1, s3, s13, $0xb8;
	[tilespmem:$0xCF0] =	vst v63  }
0x4d: {  	s19 =	sadd.s32 $0xBB8, s19;
	_ =	swait.ge [sflag:s6], $0x3E8  }
0x4e: {  	s20 =	sshrl.u32 s19, $0x3;
	[sflag:s6] =	ssyncset.done $0x0  }
0x4f: {  	s19 =	sadd.s32 s21, s20;
	[sflag:s6] =	ssyncadd.s32 $0xFFFFFC18  }
0x50: {  	[tilespmem:s3], [sflag:$0x1] =	stream.linear.gather [hbm4b:s19+s3], $0x3E8, $0x38;
	[tilespmem:$0xCF0] =	vst v63  }
0x51: {  	_ =	swait.ge [sflag:s6], $0x3E8  }
0x52: {  	[sflag:s6] =	ssyncset.done $0x0  }
0x53: {  	[sflag:s6] =	ssyncadd.s32 $0xFFFFFC18  }
0x54: {  	[spmem:s1] =	stream.indirect.scatter.add.f32 [tilespmem:s5], [sflag:$0x1], $0x1, s3, s13, $0xb8;
	[tilespmem:$0xCF0] =	vst v63  }
0x55: {  	_ =	swait.ge [sflag:s6], $0x3E8  }
0x56: {  	[sflag:s6] =	ssyncset.done $0x0  }
0x57: {  	[sflag:s6] =	ssyncadd.s32 $0xFFFFFC18  }
0x58: {  	[spmem:s2] =	stream.indirect.scatter.add.f32 [tilespmem:s5], [sflag:$0x1], $0x1, s3, s13, $0xb8;
	[tilespmem:$0xCF0] =	vst v63  }
0x59: {  	_ =	swait.ge [sflag:s6], $0x3E8  }
0x5a: {  	[sflag:s6] =	ssyncset.done $0x0  }
0x5b: {  	s20 =	sadd.s32 s23, s20;
	[sflag:s6] =	ssyncadd.s32 $0xFFFFFC18  }
0x5c: {  	[tilespmem:s3], [sflag:$0x1] =	stream.linear.gather [hbm4b:s20+s3], $0x3E8, $0x38;
	[tilespmem:$0xCF0] =	vst v63  }
0x5d: {  	_ =	swait.ge [sflag:s6], $0x3E8  }
0x5e: {  	[sflag:s6] =	ssyncset.done $0x0  }
0x5f: {  	[sflag:s6] =	ssyncadd.s32 $0xFFFFFC18  }
0x60: {  	[spmem:s2] =	stream.indirect.scatter.add.f32 [tilespmem:s5], [sflag:$0x1], $0x1, s3, s13, $0xb8;
	[tilespmem:$0xCF0] =	vst v63  }
0x61: {  	_ =	swait.ge [sflag:s6], $0x3E8  }
0x62: {  	s22 =	sadd.s32 $0x1F4, s22;
	[sflag:s6] =	ssyncset.done $0x0  }
0x63: {  	s21 =	sadd.s32 s21, s22;
	[sflag:s6] =	ssyncadd.s32 $0xFFFFFC18  }
0x64: {  	[tilespmem:s3], [sflag:$0x1] =	stream.linear.gather [hbm4b:s21+s3], $0x3E8, $0x38;
	[tilespmem:$0xCF0] =	vst v63  }
0x65: {  	_ =	swait.ge [sflag:s6], $0x3E8  }
0x66: {  	[sflag:s6] =	ssyncset.done $0x0  }
0x67: {  	[sflag:s6] =	ssyncadd.s32 $0xFFFFFC18  }
0x68: {  	[spmem:s1] =	stream.indirect.scatter.add.f32 [tilespmem:s5], [sflag:$0x1], $0x1, s3, s13, $0xb8;
	[tilespmem:$0xCF0] =	vst v63  }
0x69: {  	_ =	swait.ge [sflag:s6], $0x3E8  }
0x6a: {  	[sflag:s6] =	ssyncset.done $0x0  }
0x6b: {  	[sflag:s6] =	ssyncadd.s32 $0xFFFFFC18  }
0x6c: {  	[spmem:s2] =	stream.indirect.scatter.add.f32 [tilespmem:s5], [sflag:$0x1], $0x1, s3, s13, $0xb8;
	[tilespmem:$0xCF0] =	vst v63  }
0x6d: {  	_ =	swait.ge [sflag:s6], $0x3E8  }
0x6e: {  	[sflag:s6] =	ssyncset.done $0x0  }
0x6f: {  	s22 =	sadd.s32 s23, s22;
	[sflag:s6] =	ssyncadd.s32 $0xFFFFFC18  }
0x70: {  	[tilespmem:s3], [sflag:$0x1] =	stream.linear.gather [hbm4b:s22+s3], $0x3E8, $0x38;
	[tilespmem:$0xCF0] =	vst v63  }
0x71: {  	_ =	swait.ge [sflag:s6], $0x3E8  }
0x72: {  	[sflag:s6] =	ssyncset.done $0x0  }
0x73: {  	s25 =	sshll.u32 s24, $0x4;
	s28 =	ssub.s32 $0x2, s24;
	[sflag:s6] =	ssyncadd.s32 $0xFFFFFC18  }
0x74: {  	[spmem:s2] =	stream.indirect.scatter.add.f32 [tilespmem:s5], [sflag:$0x1], $0x1, s3, s13, $0xb8;
	[tilespmem:$0xCF0] =	vst v63  }
0x75: {  	s24 =	simm.s32 @!p0 $0x20;
	s29 =	sshrl.u32 s28, $0x1;
	_ =	swait.ge [sflag:s6], $0x3E8  }
0x76: {  	s26 =	sadd.s32 s25, s23;
	s28 =	ssub.s32 s28, s29;
	[sflag:s6] =	ssyncset.done $0x0  }
0x77: {  	s25 =	simm.s32 @!p0 $0x10;
	s28 =	smax.u32 s28, $0x1;
	[sflag:s6] =	ssyncadd.s32 $0xFFFFFC18  }
0x78: {  	s28 =	sadd.s32 $0xFFFFFFFF, s28;
	s23 =	sadd.s32 $0xA800, s26;
	[bflag:$0x0] =	sbarrier.arrive $0xFFFF  }
0x79: {  	[hbm:s23@s24], [sflag:s10] =	dma.strided @!p0 [spmem:s9@s25], $0x4F0, s7, $0x10   }
0x7a: {  	p1 =	sne.s32 s28, $0x0;
	_ =	swait.ge @!p0 [sflag:s7], $0x4F0  }
.Ltmp0:
0x7b: {  	[sflag:s7] =	ssyncset.done @!p0 $0x0;
	(pc) =	sbr.rel @!p1 .LBB2_2-.Ltmp0, $4  }
0x7c: {  	s26 =	sadd.s32 $0xB200, s26;
	[sflag:s7] =	ssyncadd.s32 @!p0 $0xFFFFFB10  }
0x7d: {  	[hbm:s26@s24], [sflag:s10] =	dma.strided @!p0 [spmem:s11@s25], $0x4F0, s7, $0x10   }
0x7e: {  	_ =	swait.ge @!p0 [sflag:s7], $0x4F0  }
0x7f: {  	[sflag:s7] =	ssyncset.done @!p0 $0x0  }
.LBB2_1:
0x80: {  	s28 =	sadd.s32 $0xFFFFFFFF, s28;
	[sflag:s7] =	ssyncadd.s32 @!p0 $0xFFFFFB10  }
0x81: {  	[tilespmem:s5], [sflag:$0x1] =	stream.linear.gather [hbm4b:s4+s3], $0x400, $0x38;
	[tilespmem:$0xCF0] =	vst v63  }
0x82: {  	p1 =	sne.s32 s28, $0x0;
	_ =	swait.ge [sflag:s6], $0x400  }
0x83: {  	[sflag:s6] =	ssyncset.done $0x0  }
0x84: {  	[sflag:s6] =	ssyncadd.s32 $0xFFFFFC00  }
0x85: {  	[spmem:s9], [sflag:s10] =	dma.local @!p0 [hbm:s8], $0x4F0  }
0x86: {  	_ =	swait.ge @!p0 [sflag:s7], $0x4F0  }
0x87: {  	[sflag:s7] =	ssyncset.done @!p0 $0x0  }
0x88: {  	[sflag:s7] =	ssyncadd.s32 @!p0 $0xFFFFFB10  }
0x89: {  	[spmem:s11], [sflag:s10] =	dma.local @!p0 [hbm:s8], $0x4F0  }
0x8a: {  	_ =	swait.ge @!p0 [sflag:s7], $0x4F0  }
0x8b: {  	[sflag:s7] =	ssyncset.done @!p0 $0x0  }
0x8c: {  	[sflag:s7] =	ssyncadd.s32 @!p0 $0xFFFFFB10  }
0x8d: {  	[bflag:$0x0] =	sbarrier.arrive $0xFFFF  }
0x8e: {  	[tilespmem:s3], [sflag:$0x1] =	stream.linear.gather [hbm4b:s12+s3], $0x3E8, $0x38;
	[tilespmem:$0xCF0] =	vst v63  }
0x8f: {  	_ =	swait.ge [sflag:s6], $0x3E8  }
0x90: {  	[sflag:s6] =	ssyncset.done $0x0  }
0x91: {  	[sflag:s6] =	ssyncadd.s32 $0xFFFFFC18  }
0x92: {  	[spmem:s1] =	stream.indirect.scatter.add.f32 [tilespmem:s5], [sflag:$0x1], $0x1, s3, s13, $0xb8;
	[tilespmem:$0xCF0] =	vst v63  }
0x93: {  	_ =	swait.ge [sflag:s6], $0x3E8  }
0x94: {  	[sflag:s6] =	ssyncset.done $0x0  }
0x95: {  	[sflag:s6] =	ssyncadd.s32 $0xFFFFFC18  }
0x96: {  	[spmem:s2] =	stream.indirect.scatter.add.f32 [tilespmem:s5], [sflag:$0x1], $0x1, s3, s13, $0xb8;
	[tilespmem:$0xCF0] =	vst v63  }
0x97: {  	_ =	swait.ge [sflag:s6], $0x3E8  }
0x98: {  	[sflag:s6] =	ssyncset.done $0x0  }
0x99: {  	[sflag:s6] =	ssyncadd.s32 $0xFFFFFC18  }
0x9a: {  	[tilespmem:s3], [sflag:$0x1] =	stream.linear.gather [hbm4b:s14+s3], $0x3E8, $0x38;
	[tilespmem:$0xCF0] =	vst v63  }
0x9b: {  	_ =	swait.ge [sflag:s6], $0x3E8  }
0x9c: {  	[sflag:s6] =	ssyncset.done $0x0  }
0x9d: {  	[sflag:s6] =	ssyncadd.s32 $0xFFFFFC18  }
0x9e: {  	[spmem:s2] =	stream.indirect.scatter.add.f32 [tilespmem:s5], [sflag:$0x1], $0x1, s3, s13, $0xb8;
	[tilespmem:$0xCF0] =	vst v63  }
0x9f: {  	_ =	swait.ge [sflag:s6], $0x3E8  }
0xa0: {  	[sflag:s6] =	ssyncset.done $0x0  }
0xa1: {  	[sflag:s6] =	ssyncadd.s32 $0xFFFFFC18  }
0xa2: {  	[tilespmem:s3], [sflag:$0x1] =	stream.linear.gather [hbm4b:s15+s3], $0x3E8, $0x38;
	[tilespmem:$0xCF0] =	vst v63  }
0xa3: {  	_ =	swait.ge [sflag:s6], $0x3E8  }
0xa4: {  	[sflag:s6] =	ssyncset.done $0x0  }
0xa5: {  	[sflag:s6] =	ssyncadd.s32 $0xFFFFFC18  }
0xa6: {  	[spmem:s1] =	stream.indirect.scatter.add.f32 [tilespmem:s5], [sflag:$0x1], $0x1, s3, s13, $0xb8;
	[tilespmem:$0xCF0] =	vst v63  }
0xa7: {  	_ =	swait.ge [sflag:s6], $0x3E8  }
0xa8: {  	[sflag:s6] =	ssyncset.done $0x0  }
0xa9: {  	[sflag:s6] =	ssyncadd.s32 $0xFFFFFC18  }
0xaa: {  	[spmem:s2] =	stream.indirect.scatter.add.f32 [tilespmem:s5], [sflag:$0x1], $0x1, s3, s13, $0xb8;
	[tilespmem:$0xCF0] =	vst v63  }
0xab: {  	_ =	swait.ge [sflag:s6], $0x3E8  }
0xac: {  	[sflag:s6] =	ssyncset.done $0x0  }
0xad: {  	[sflag:s6] =	ssyncadd.s32 $0xFFFFFC18  }
0xae: {  	[tilespmem:s3], [sflag:$0x1] =	stream.linear.gather [hbm4b:s16+s3], $0x3E8, $0x38;
	[tilespmem:$0xCF0] =	vst v63  }
0xaf: {  	_ =	swait.ge [sflag:s6], $0x3E8  }
0xb0: {  	[sflag:s6] =	ssyncset.done $0x0  }
0xb1: {  	[sflag:s6] =	ssyncadd.s32 $0xFFFFFC18  }
0xb2: {  	[spmem:s2] =	stream.indirect.scatter.add.f32 [tilespmem:s5], [sflag:$0x1], $0x1, s3, s13, $0xb8;
	[tilespmem:$0xCF0] =	vst v63  }
0xb3: {  	_ =	swait.ge [sflag:s6], $0x3E8  }
0xb4: {  	[sflag:s6] =	ssyncset.done $0x0  }
0xb5: {  	[sflag:s6] =	ssyncadd.s32 $0xFFFFFC18  }
0xb6: {  	[tilespmem:s3], [sflag:$0x1] =	stream.linear.gather [hbm4b:s17+s3], $0x3E8, $0x38;
	[tilespmem:$0xCF0] =	vst v63  }
0xb7: {  	_ =	swait.ge [sflag:s6], $0x3E8  }
0xb8: {  	[sflag:s6] =	ssyncset.done $0x0  }
0xb9: {  	[sflag:s6] =	ssyncadd.s32 $0xFFFFFC18  }
0xba: {  	[spmem:s1] =	stream.indirect.scatter.add.f32 [tilespmem:s5], [sflag:$0x1], $0x1, s3, s13, $0xb8;
	[tilespmem:$0xCF0] =	vst v63  }
0xbb: {  	_ =	swait.ge [sflag:s6], $0x3E8  }
0xbc: {  	[sflag:s6] =	ssyncset.done $0x0  }
0xbd: {  	[sflag:s6] =	ssyncadd.s32 $0xFFFFFC18  }
0xbe: {  	[spmem:s2] =	stream.indirect.scatter.add.f32 [tilespmem:s5], [sflag:$0x1], $0x1, s3, s13, $0xb8;
	[tilespmem:$0xCF0] =	vst v63  }
0xbf: {  	_ =	swait.ge [sflag:s6], $0x3E8  }
0xc0: {  	[sflag:s6] =	ssyncset.done $0x0  }
0xc1: {  	[sflag:s6] =	ssyncadd.s32 $0xFFFFFC18  }
0xc2: {  	[tilespmem:s3], [sflag:$0x1] =	stream.linear.gather [hbm4b:s18+s3], $0x3E8, $0x38;
	[tilespmem:$0xCF0] =	vst v63  }
0xc3: {  	_ =	swait.ge [sflag:s6], $0x3E8  }
0xc4: {  	[sflag:s6] =	ssyncset.done $0x0  }
0xc5: {  	[sflag:s6] =	ssyncadd.s32 $0xFFFFFC18  }
0xc6: {  	[spmem:s2] =	stream.indirect.scatter.add.f32 [tilespmem:s5], [sflag:$0x1], $0x1, s3, s13, $0xb8;
	[tilespmem:$0xCF0] =	vst v63  }
0xc7: {  	_ =	swait.ge [sflag:s6], $0x3E8  }
0xc8: {  	[sflag:s6] =	ssyncset.done $0x0  }
0xc9: {  	[sflag:s6] =	ssyncadd.s32 $0xFFFFFC18  }
0xca: {  	[tilespmem:s3], [sflag:$0x1] =	stream.linear.gather [hbm4b:s19+s3], $0x3E8, $0x38;
	[tilespmem:$0xCF0] =	vst v63  }
0xcb: {  	_ =	swait.ge [sflag:s6], $0x3E8  }
0xcc: {  	[sflag:s6] =	ssyncset.done $0x0  }
0xcd: {  	[sflag:s6] =	ssyncadd.s32 $0xFFFFFC18  }
0xce: {  	[spmem:s1] =	stream.indirect.scatter.add.f32 [tilespmem:s5], [sflag:$0x1], $0x1, s3, s13, $0xb8;
	[tilespmem:$0xCF0] =	vst v63  }
0xcf: {  	_ =	swait.ge [sflag:s6], $0x3E8  }
0xd0: {  	[sflag:s6] =	ssyncset.done $0x0  }
0xd1: {  	[sflag:s6] =	ssyncadd.s32 $0xFFFFFC18  }
0xd2: {  	[spmem:s2] =	stream.indirect.scatter.add.f32 [tilespmem:s5], [sflag:$0x1], $0x1, s3, s13, $0xb8;
	[tilespmem:$0xCF0] =	vst v63  }
0xd3: {  	_ =	swait.ge [sflag:s6], $0x3E8  }
0xd4: {  	[sflag:s6] =	ssyncset.done $0x0  }
0xd5: {  	[sflag:s6] =	ssyncadd.s32 $0xFFFFFC18  }
0xd6: {  	[tilespmem:s3], [sflag:$0x1] =	stream.linear.gather [hbm4b:s20+s3], $0x3E8, $0x38;
	[tilespmem:$0xCF0] =	vst v63  }
0xd7: {  	_ =	swait.ge [sflag:s6], $0x3E8  }
0xd8: {  	[sflag:s6] =	ssyncset.done $0x0  }
0xd9: {  	[sflag:s6] =	ssyncadd.s32 $0xFFFFFC18  }
0xda: {  	[spmem:s2] =	stream.indirect.scatter.add.f32 [tilespmem:s5], [sflag:$0x1], $0x1, s3, s13, $0xb8;
	[tilespmem:$0xCF0] =	vst v63  }
0xdb: {  	_ =	swait.ge [sflag:s6], $0x3E8  }
0xdc: {  	[sflag:s6] =	ssyncset.done $0x0  }
0xdd: {  	[sflag:s6] =	ssyncadd.s32 $0xFFFFFC18  }
0xde: {  	[tilespmem:s3], [sflag:$0x1] =	stream.linear.gather [hbm4b:s21+s3], $0x3E8, $0x38;
	[tilespmem:$0xCF0] =	vst v63  }
0xdf: {  	_ =	swait.ge [sflag:s6], $0x3E8  }
0xe0: {  	[sflag:s6] =	ssyncset.done $0x0  }
0xe1: {  	[sflag:s6] =	ssyncadd.s32 $0xFFFFFC18  }
0xe2: {  	[spmem:s1] =	stream.indirect.scatter.add.f32 [tilespmem:s5], [sflag:$0x1], $0x1, s3, s13, $0xb8;
	[tilespmem:$0xCF0] =	vst v63  }
0xe3: {  	_ =	swait.ge [sflag:s6], $0x3E8  }
0xe4: {  	[sflag:s6] =	ssyncset.done $0x0  }
0xe5: {  	[sflag:s6] =	ssyncadd.s32 $0xFFFFFC18  }
0xe6: {  	[spmem:s2] =	stream.indirect.scatter.add.f32 [tilespmem:s5], [sflag:$0x1], $0x1, s3, s13, $0xb8;
	[tilespmem:$0xCF0] =	vst v63  }
0xe7: {  	_ =	swait.ge [sflag:s6], $0x3E8  }
0xe8: {  	[sflag:s6] =	ssyncset.done $0x0  }
0xe9: {  	[sflag:s6] =	ssyncadd.s32 $0xFFFFFC18  }
0xea: {  	[tilespmem:s3], [sflag:$0x1] =	stream.linear.gather [hbm4b:s22+s3], $0x3E8, $0x38;
	[tilespmem:$0xCF0] =	vst v63  }
0xeb: {  	_ =	swait.ge [sflag:s6], $0x3E8  }
0xec: {  	[sflag:s6] =	ssyncset.done $0x0  }
0xed: {  	[sflag:s6] =	ssyncadd.s32 $0xFFFFFC18  }
0xee: {  	[spmem:s2] =	stream.indirect.scatter.add.f32 [tilespmem:s5], [sflag:$0x1], $0x1, s3, s13, $0xb8;
	[tilespmem:$0xCF0] =	vst v63  }
0xef: {  	_ =	swait.ge [sflag:s6], $0x3E8  }
0xf0: {  	[sflag:s6] =	ssyncset.done $0x0  }
0xf1: {  	[sflag:s6] =	ssyncadd.s32 $0xFFFFFC18  }
0xf2: {  	[bflag:$0x0] =	sbarrier.arrive $0xFFFF  }
0xf3: {  	[hbm:s23@s24], [sflag:s10] =	dma.strided @!p0 [spmem:s9@s25], $0x4F0, s7, $0x10   }
0xf4: {  	_ =	swait.ge @!p0 [sflag:s7], $0x4F0  }
.Ltmp1:
0xf5: {  	[sflag:s7] =	ssyncset.done @!p0 $0x0;
	(pc) =	sbr.rel @p1 .LBB2_1-.Ltmp1, $4  }
0xf6: {  	[sflag:s7] =	ssyncadd.s32 @!p0 $0xFFFFFB10  }
0xf7: {  	[hbm:s26@s24], [sflag:s10] =	dma.strided @!p0 [spmem:s11@s25], $0x4F0, s7, $0x10   }
0xf8: {  	_ =	swait.ge @!p0 [sflag:s7], $0x4F0  }
0xf9: {  	[sflag:s7] =	ssyncset.done @!p0 $0x0  }
.LBB2_2:
0xfa: {  	[sflag:s7] =	ssyncadd.s32 @!p0 $0xFFFFFB10  }
0xfb: {  	_ =	sfence.sel $0x180000  }
0xfc: {  	[bflag:$0x0] =	sbarrier.arrive $0xFFFF  }
0xfd: {  	_ =	strace $0x90000047  }
0xfe: {  	s0 =	sadd.s32 @!p0 $0x100000, s0;
	[bflag:$0x2] =	sbarrier.arrive $0xFFFF  }
0xff: {  	[sflag:s0] =	ssyncadd.tile.s32 @!p0 $0x1;
	_ =	shalt  }
.Lfunc_end2:
_tile_overlayer_lowered:
.L_overlay_start_2:
0x100: {  	(tag) =	ssettag $0x2  }
0x101: {  	s0 =	rddreg [dreg:$0x0];
	s2 =	stileid.u32  }
0x102: {  	s1 =	rddreg [dreg:$0x1];
	p0 =	sne.s32 s2, $0x0  }
0x103: {  	s3 =	rddreg [dreg:$0x2];
	[bflag:$0x3] =	sbarrier.arrive $0xFFFF;
	s2 =	simm.s32 @!p0 $0x1C01  }
0x104: {  	[timem:s3], [sflag:s2] =	dma.local @!p0 [hbm:s0], s1  }
0x105: {  	s0 =	simm.s32 @!p0 $0x1  }
0x106: {  	_ =	swait.ge @!p0 [sflag:s0], s1  }
0x107: {  	s1 =	ssub.s32 @!p0 $0x0, s1;
	[sflag:s0] =	ssyncset.done @!p0 $0x0  }
0x108: {  	[sflag:s0] =	ssyncadd.s32 @!p0 s1  }
0x109: {  	[bflag:$0x3] =	sbarrier.arrive $0xFFFF  }
0x10a: {  	_ =	shalt  }

// kernel: kernel.9.cloned.1.call-start
scs
__scs_entry_jumppad:
0x0: {  	(pc) =	sbr.rel $0x88, $3  }
0x1: {  	(tag) =	ssettag $0x0;
	lr =	simm.s32 $0x1  }
0x2: {  	[smem:$0x3F8E] =	sst lr;
	_ =	strace $0xD0000000  }
0x3: {  	_ = 	snop  }
0x4: {  	_ = 	snop  }
0x5: {  	_ = 	snop  }
0x6: {  	_ = 	snop  }
0x7: {  	_ = 	snop  }
__scs_overlays_trampoline_lowered:
0x8: {  	[smem:$0x3F9D] =	sst s0  }
0x9: {  	[smem:$0x3F9E] =	sst s1  }
0xa: {  	[smem:$0x3F9F] =	sst s2  }
0xb: {  	[smem:$0x3FA0] =	sst s3  }
0xc: {  	[smem:$0x3FA1] =	sst s4  }
0xd: {  	[smem:$0x3FA2] =	sst s5  }
0xe: {  	[smem:$0x3FA3] =	sst s6  }
0xf: {  	[smem:$0x3FA4] =	sst s7  }
0x10: {  	[smem:$0x3FA5] =	sst s8  }
0x11: {  	[smem:$0x3FA6] =	sst s9;
	s0 =	simm.s32 @!p0 $0x0  }
0x12: {  	s1 =	sld [smem:$0x3F8C];
	s0 =	simm.s32 @p0 $0x1  }
0x13: {  	[smem:$0x3FA7] =	sst s0;
	s0 =	simm.s32 @!p1 $0x0  }
0x14: {  	s2 =	sld [smem:$0x3F8B];
	s0 =	simm.s32 @p1 $0x1  }
0x15: {  	[smem:$0x3FA8] =	sst s0;
	s0 =	simm.s32 @!p2 $0x0  }
0x16: {  	s3 =	sld [smem:$0x3FDB];
	s0 =	simm.s32 @p2 $0x1  }
0x17: {  	s4 =	simm.s32 $0x1BF5;
	[smem:$0x3FAA] =	sst s0  }
0x18: {  	s0 =	sld [smem:$0x3F8D];
	_ =	swait.ge [sflag:s4], $0x0  }
0x19: {  	s7 =	sld [smem:$0x3F8E]  }
0x1a: {  	s8 =	sadd.s32 $0xFFFFE003, lr  }
0x1b: {  	s9 =	sadd.s32 $0xFFFFFEF7, lr;
	s5 =	simm.s32 $0xFFFFFFFF;
	p2 =	slt.u32 s8, $0xFFFFF086  }
0x1c: {  	p1 =	slt.u32 s9, $0xF7A;
	s5 =	simm.s32 @!p2 $0x0  }
0x1d: {  	s5 =	simm.s32 @p1 $0x1;
	p0 =	seq.s32 s7, s2  }
0x1e: {  	s7 =	smul.u32 @!p0 $0xF7A, s2;
	p2 =	seq.s32 @!p0 s5, $0x0  }
0x1f: {  	s9 =	smul.u32 $0xF7A, s1;
	s8 =	simm.s32 @!p0 $0x1BF5;
	p2 =	por !p2, p0  }
0x20: {  	[sflag:s8] =	ssyncset.s32 @!p0 $0xFFFFF086;
	s6 =	sadd.s32 @!p0 s3, s7;
	s7 =	simm.s32 @!p0 $0x108  }
0x21: {  	s3 =	sadd.s32 s3, s9;
	s6 =	sadd.s32 @!p0 $0x88, s6;
	s7 =	simm.s32 @p2 $0x1082  }
0x22: {  	[simem:s7], [sflag:s8] =	dma.local @!p0 [hbm:s6], $0xF7A  }
0x23: {  	s9 =	sor.u32 $0xD0000000, s2;
	s6 =	simm.s32 $0x108;
	_ =	swait.ge @!p0 [sflag:s8], $0x0  }
0x24: {  	s3 =	sadd.s32 $0x88, s3;
	s6 =	simm.s32 @!p1 $0x1082;
	[sflag:s4] =	ssyncset.s32 $0xFFFFF086  }
0x25: {  	[simem:s6], [sflag:s4] =	dma.local [hbm:s3], $0xF7A  }
0x26: {  	[smem:$0x3F8E] =	sst s1;
	(tag) =	ssettag s2;
	_ =	strace s9  }
0x27: {  	s1 =	sld [smem:$0x3F9E]  }
0x28: {  	s2 =	sld [smem:$0x3F9F]  }
0x29: {  	s4 =	sld [smem:$0x3FA1]  }
0x2a: {  	p0 =	seq.s32 s5, $0x0;
	s5 =	sld [smem:$0x3FA2]  }
0x2b: {  	s6 =	sld [smem:$0x3FA3]  }
0x2c: {  	s7 =	sld [smem:$0x3FA4]  }
0x2d: {  	s3 =	simm.s32 $0x108;
	s8 =	sld [smem:$0x3FA5]  }
0x2e: {  	s3 =	simm.s32 @!p0 $0x1082;
	s9 =	sld [smem:$0x3FA6]  }
0x2f: {  	lr =	sadd.s32 s0, s3;
	s0 =	sld [smem:$0x3F9D]  }
0x30: {  	s3 =	sld [smem:$0x3FA0]  }
0x31: {  	[smem:$0x3FA9] =	sst s10  }
0x32: {  	s10 =	sld [smem:$0x3FA7];
	_ =	sdelay $0x3  }
0x33: {  	p0 =	seq.s32 s10, $0x1;
	s10 =	sld [smem:$0x3FA9];
	_ =	sdelay $0x3  }
0x34: {  	[smem:$0x3FA9] =	sst s10  }
0x35: {  	s10 =	sld [smem:$0x3FA8];
	_ =	sdelay $0x3  }
0x36: {  	p1 =	seq.s32 s10, $0x1;
	s10 =	sld [smem:$0x3FA9];
	_ =	sdelay $0x3  }
0x37: {  	[smem:$0x3FA9] =	sst s10  }
0x38: {  	s10 =	sld [smem:$0x3FAA]  }
0x39: {  	_ = 	snop;
	(pc) =	sbr.ind lr, $3  }
0x3a: {  	_ = 	snop  }
0x3b: {  	_ = 	snop  }
0x3c: {  	p2 =	seq.s32 s10, $0x1;
	s10 =	sld [smem:$0x3FA9]  }
0x3d: {  	_ =	shalt  }
0x3e: {  	_ =	shalt  }
0x3f: {  	_ =	shalt  }
0x40: {  	_ =	shalt  }
0x41: {  	_ =	shalt  }
0x42: {  	_ =	shalt  }
0x43: {  	_ =	shalt  }
0x44: {  	_ =	shalt  }
0x45: {  	_ =	shalt  }
0x46: {  	_ =	shalt  }
0x47: {  	_ =	shalt  }
0x48: {  	_ =	shalt  }
0x49: {  	_ =	shalt  }
0x4a: {  	_ =	shalt  }
0x4b: {  	_ =	shalt  }
0x4c: {  	_ =	shalt  }
0x4d: {  	_ =	shalt  }
0x4e: {  	_ =	shalt  }
0x4f: {  	_ =	shalt  }
0x50: {  	_ =	shalt  }
0x51: {  	_ =	shalt  }
0x52: {  	_ =	shalt  }
0x53: {  	_ =	shalt  }
0x54: {  	_ =	shalt  }
0x55: {  	_ =	shalt  }
0x56: {  	_ =	shalt  }
0x57: {  	_ =	shalt  }
0x58: {  	_ =	shalt  }
0x59: {  	_ =	shalt  }
0x5a: {  	_ =	shalt  }
0x5b: {  	_ =	shalt  }
0x5c: {  	_ =	shalt  }
0x5d: {  	_ =	shalt  }
0x5e: {  	_ =	shalt  }
0x5f: {  	_ =	shalt  }
0x60: {  	_ =	shalt  }
0x61: {  	_ =	shalt  }
0x62: {  	_ =	shalt  }
0x63: {  	_ =	shalt  }
0x64: {  	_ =	shalt  }
0x65: {  	_ =	shalt  }
0x66: {  	_ =	shalt  }
0x67: {  	_ =	shalt  }
0x68: {  	_ =	shalt  }
0x69: {  	_ =	shalt  }
0x6a: {  	_ =	shalt  }
0x6b: {  	_ =	shalt  }
0x6c: {  	_ =	shalt  }
0x6d: {  	_ =	shalt  }
0x6e: {  	_ =	shalt  }
0x6f: {  	_ =	shalt  }
0x70: {  	_ =	shalt  }
0x71: {  	_ =	shalt  }
0x72: {  	_ =	shalt  }
0x73: {  	_ =	shalt  }
0x74: {  	_ =	shalt  }
0x75: {  	_ =	shalt  }
0x76: {  	_ =	shalt  }
0x77: {  	_ =	shalt  }
0x78: {  	_ =	shalt  }
0x79: {  	_ =	shalt  }
0x7a: {  	_ =	shalt  }
0x7b: {  	_ =	shalt  }
0x7c: {  	_ =	shalt  }
0x7d: {  	_ =	shalt  }
0x7e: {  	_ =	shalt  }
0x7f: {  	_ =	shalt  }
0x80: {  	_ =	shalt  }
0x81: {  	_ =	shalt  }
0x82: {  	_ =	shalt  }
0x83: {  	_ =	shalt  }
0x84: {  	_ =	shalt  }
0x85: {  	_ =	shalt  }
0x86: {  	_ =	shalt  }
0x87: {  	_ =	shalt  }
.Lfunc_end0:
.L_simem_size_0:
called_computation.5_lowered:
.L_overlay_start_0:
0x88: {  	s2 =	sld [smem:$0x3FD9]  }
0x89: {  	s3 =	sld [smem:$0x3FFE];
	_ =	sdelay $0x1  }
0x8a: {  	s1 =	srdreg.scid  }
0x8b: {  	s0 =	sand.u32 $0x1, s1  }
0x8c: {  	s16 =	sshll.u32 s0, $0xA;
	s2 =	sadd.s32 s3, s2  }
0x8d: {  	s2 =	sadd.s32 s2, s16  }
0x8e: {  	[smem:$0x3FB5] =	sst s2  }
0x8f: {  	_ = 	snop  }
0x90: {  	(tm) =	ssettm $0x1  }
0x91: {  	s17 =	sld [smem:$0x3FFB];
	_ =	sdelay $0x3  }
0x92: {  	_ =	strace s17  }
0x93: {  	s2 =	sld [smem:$0x3FFC];
	_ =	sdelay $0x3  }
0x94: {  	_ =	strace s2  }
0x95: {  	s2 =	sld [smem:$0x3FFD];
	_ =	sdelay $0x3  }
0x96: {  	_ =	strace s2  }
0x97: {  	_ =	strace $0x8FFFFFFF  }
0x98: {  	s18 =	sld [smem:$0x3FDB];
	_ =	sdelay $0x1  }
0x99: {  	s19 =	simm.s32 $_scs_section_size  }
0x9a: {  	s4 =	simm.s32 $_size__tile_overlayer_lowered;
	s5 =	simm.s32 $_tile_overlayer_lowered  }
0x9b: {  	s22 =	simm.s32 $0x1BFF;
	s21 =	sshll.u32 s5, $0x1;
	s2 =	sadd.s32 s19, s18  }
0x9c: {  	s6 =	simm.s32 $0x0;
	s20 =	sshll.u32 s4, $0x1;
	s4 =	sadd.s32 s21, s2  }
0x9d: {  	[timem:s6], [sflag:s22] =	dma.local [hbm:s4], s20  }
0x9e: {  	_ =	swait.ge [sflag:s22], s20  }
0x9f: {  	s3 =	ssub.s32 $0x0, s20;
	[sflag:s22] =	ssyncset.done $0x0  }
0xa0: {  	[sflag:s22] =	ssyncadd.s32 s3;
	_ =	sdelay $0x1  }
0xa1: {  	s23 =	simm.s32 $0x1B8B  }
0xa2: {  	_ =	swait.ge [sflag:s23], $0x1  }
0xa3: {  	[sflag:s23] =	ssyncset.done $0x0  }
0xa4: {  	s25 =	simm.s32 $0x1B8E;
	s24 =	sld [smem:$0x3FFE];
	[sflag:s23] =	ssyncadd.s32 $0xFFFFFFFF  }
0xa5: {  	s26 =	simm.s32 $execute0_lowered;
	[smem:$0x3FD2] =	sst s25  }
0xa6: {  	s4 =	sshll.u32 s26, $0x1;
	_ =	strace $0x80000049;
	[dreg:$0x1] =	wrdreg $0xFFFFFFFF  }
0xa7: {  	s28 =	simm.s32 $_size_execute0_lowered;
	s2 =	sadd.s32 s2, s4;
	[dreg:$0x0] =	wrdreg $0x0  }
0xa8: {  	s4 =	sshll.u32 s28, $0x1;
	[dreg:$0x2] =	wrdreg s2  }
0xa9: {  	[dreg:$0x3] =	wrdreg s4  }
0xaa: {  	[dreg:$0x4] =	wrdreg $0xC0  }
0xab: {  	_ =	task [dreg:s6], $0x5FFFF  }
0xac: {  	[dreg:$0x1] =	wrdreg $0xFFFFFFFF  }
0xad: {  	[dreg:$0x0] =	wrdreg $0x60  }
0xae: {  	[dreg:$0x2] =	wrdreg s24  }
0xaf: {  	[dreg:$0x3] =	wrdreg $0x66000  }
0xb0: {  	[dreg:$0x4] =	wrdreg $0x9  }
0xb1: {  	_ =	task.clear_ibuf [dreg:s6], $0x5FFFF;
	_ =	strace $0x90000049  }
0xb2: {  	s29 =	simm.s32 $0x9;
	_ =	strace $0x8000004B  }
0xb3: {  	_ =	swait.ge [sflag:s29], $0x1  }
0xb4: {  	[sflag:s29] =	ssyncadd.s32 $0xFFFFFFFF  }
0xb5: {  	_ =	strace $0x9000004B  }
0xb6: {  	_ =	sfence  }
0xb7: {  	s30 =	sld [smem:$0x0];
	_ =	sdelay $0x2  }
0xb8: {  	s31 =	sshll.u32 s1, $0xD;
	s1 =	sshrl.u32 s1, $0x2  }
0xb9: {  	s3 =	sand.u32 $0x4000, s31;
	s1 =	sadd.s32 s1, s30  }
0xba: {  	s0 =	sor.u32 s3, s0;
	s1 =	sshll.u32 s1, $0x11  }
0xbb: {  	s0 =	sor.u32 s1, s0  }
0xbc: {  	s0 =	sadd.s32 $0x8F2B, s0  }
0xbd: {  	[sflag:s0] =	ssyncadd.remote.s32 $0x1  }
0xbe: {  	_ =	sfence.sel $0xFFFF  }
0xbf: {  	[dreg:$0x0] =	wrdreg $0xFFFFFFFF;
	(pc) =	sbr.abs _section_cstart, $3  }
0xc0: {  	[dreg:$0x1] =	wrdreg $0xFFFFFFFF  }
0xc1: {  	_ =	task.clear_ibuf [dreg:s6], $0x2FFFF;
	_ =	strace $0x9FFFFFFF  }
0xc2: {  	(tm) =	ssettm $0x7FFFFFFF  }
0xc3: {  	_ =	shalt  }
tec
execute0_lowered:
.L_overlay_start_1:
0x0: {  	(tag) =	ssettag $0x1  }
0x1: {  	s7 =	rddreg [dreg:$0x0]  }
0x2: {  	s1 =	rddreg [dreg:$0x1]  }
0x3: {  	s0 =	rddreg [dreg:$0x2]  }
0x4: {  	s3 =	srdreg.scid;
	s17 =	stileid.u32  }
0x5: {  	s2 =	simm.s32 $0x0;
	s15 =	simm.s32 $0x100;
	s19 =	simm.s32 $0x0  }
0x6: {  	s5 =	sand.u32 $0x1, s3;
	s6 =	smul.u32 $0x4F000, s17;
	[smem:$0x7FF] =	sst s2  }
0x7: {  	s9 =	smul.u32 $0x2780, s17;
	s3 =	sadd.s32 $0xA600, s7;
	s4 =	sadd.s32 $0x31800, s7  }
0x8: {  	s12 =	smul.u32 $0x2710, s17;
	s14 =	sadd.s32 $0x58A00, s7;
	s16 =	sadd.s32 $0x128400, s1  }
0x9: {  	p0 =	sne.s32 s17, $0x0;
	p1 =	seq.s32 s17, $0xF;
	s8 =	smul.u32 $0x27100, s5  }
0xa: {  	_ =	strace $0x8000004A;
	s10 =	smul.u32 $0x138800, s5;
	s11 =	ssub.s32 $0x2, s5  }
0xb: {  	s5 =	smul.u32 $0x1388, s5;
	s16 =	sshrl.u32 @p1 s16, $0x3;
	s17 =	sshll.u32 @!p1 s17, $0x6  }
0xc: {  	s13 =	sshrl.u32 s11, $0x1;
	s6 =	sshrl.u32 s6, $0x2;
	s17 =	sor.u32 @!p1 $0x1C02, s17  }
0xd: {  	s11 =	ssub.s32 s11, s13;
	s18 =	sadd.s32 s6, s1;
	s26 =	sadd.s32 s9, s8  }
0xe: {  	s28 =	sshrl.u32 s10, $0x3;
	s29 =	sadd.s32 s5, s12;
	s10 =	sshrl.u32 @!p0 s1, $0x3  }
0xf: {  	s12 =	simm.s32 $0xC8;
	s13 =	simm.s32 $0x200;
	s5 =	sadd.s32 s14, s26  }
0x10: {  	s30 =	sadd.s32 s14, s28;
	s31 =	sshrl.u32 s29, $0x3;
	s8 =	smax.u32 s11, $0x1  }
0x11: {  	s11 =	simm.s32 $0x2;
	s14 =	simm.s32 $0x1;
	s7 =	sadd.s32 s31, s7  }
0x12: {  	s18 =	sshrl.u32 @!p1 s18, $0x3;
	s6 =	sadd.s32 $0x25080, s30;
	s9 =	sadd.s32 $0x5000, s7  }
.LBB2_1:
0x13: {  	s20 =	simm.s32 @!p0 $0x1C02  }
0x14: {  	[spmem:s10], [sflag:s20] =	dma.local @!p0 [hbm:s4], $0x27100  }
0x15: {  	s20 =	simm.s32 @!p0 $0x2  }
0x16: {  	_ =	swait.ge @!p0 [sflag:s20], $0x27100  }
0x17: {  	[sflag:s20] =	ssyncset.done @!p0 $0x0  }
0x18: {  	[sflag:s20] =	ssyncadd.s32 @!p0 $0xFFFD8F00  }
0x19: {  	s30 =	sadd.s32 $0x0, s9;
	[bflag:$0x0] =	sbarrier.arrive $0xFFFF  }
0x1a: {  	[tilespmem:s2], [sflag:$0x2] =	stream.linear.gather [hbm4b:s30+s2], $0xC8, $0x38;
	[tilespmem:$0x19E80] =	vst v63  }
0x1b: {  	_ =	swait.ge [sflag:s11], $0xC8  }
0x1c: {  	[sflag:s11] =	ssyncset.done $0x0  }
0x1d: {  	[sflag:s11] =	ssyncadd.s32 $0xFFFFFF38  }
0x1e: {  	[tilespmem:s13], [sflag:$0x1] =	stream.indirect.gather [hbm4b:s3+s12], $0x80, s2, s12, $0xb8;
	[tilespmem:$0x19E80] =	vst v63  }
0x1f: {  	_ =	swait.ge [sflag:s14], $0x6400  }
0x20: {  	[sflag:s14] =	ssyncset.done $0x0  }
0x21: {  	s31 =	sadd.s32 $0x0, s7;
	[sflag:s14] =	ssyncadd.s32 $0xFFFF9C00  }
0x22: {  	[tilespmem:s15], [sflag:$0x2] =	stream.linear.gather [hbm4b:s31+s2], $0xC8, $0x38;
	[tilespmem:$0x19E80] =	vst v63  }
0x23: {  	_ =	swait.ge [sflag:s11], $0xC8  }
0x24: {  	[sflag:s11] =	ssyncset.done $0x0  }
0x25: {  	[sflag:s11] =	ssyncadd.s32 $0xFFFFFF38  }
0x26: {  	[spmem:s1] =	stream.indirect.scatter.add.f32 [tilespmem:s13], [sflag:$0x2], $0x80, s15, s12, $0xb8;
	[tilespmem:$0x19E80] =	vst v63  }
0x27: {  	_ =	swait.ge [sflag:s11], $0x6400  }
0x28: {  	s21 =	simm.s32 $0x32;
	s20 =	simm.s32 $0x19;
	[sflag:s11] =	ssyncset.done $0x0  }
.LBB2_2:
0x29: {  	s22 =	sadd.s32 s20, s9  }
0x2a: {  	[sflag:s11] =	ssyncadd.s32 $0xFFFF9C00;
	s23 =	smov.u32 s21;
	s24 =	sadd.s32 $0x19, s21  }
0x2b: {  	[tilespmem:s2], [sflag:$0x2] =	stream.linear.gather [hbm4b:s22+s2], $0xC8, $0x38;
	[tilespmem:$0x19E80] =	vst v63  }
0x2c: {  	p2 =	sne.s32 s21, $0x258;
	_ =	swait.ge [sflag:s11], $0xC8  }
0x2d: {  	[sflag:s11] =	ssyncset.done $0x0  }
0x2e: {  	[sflag:s11] =	ssyncadd.s32 $0xFFFFFF38  }
0x2f: {  	[tilespmem:s13], [sflag:$0x1] =	stream.indirect.gather [hbm4b:s3+s12], $0x80, s2, s12, $0xb8;
	[tilespmem:$0x19E80] =	vst v63  }
0x30: {  	_ =	swait.ge [sflag:s14], $0x6400  }
0x31: {  	[sflag:s14] =	ssyncset.done $0x0  }
0x32: {  	s21 =	sadd.s32 s20, s7;
	s20 =	smov.u32 s23;
	[sflag:s14] =	ssyncadd.s32 $0xFFFF9C00  }
0x33: {  	[tilespmem:s15], [sflag:$0x2] =	stream.linear.gather [hbm4b:s21+s2], $0xC8, $0x38;
	[tilespmem:$0x19E80] =	vst v63  }
0x34: {  	_ =	swait.ge [sflag:s11], $0xC8  }
.Ltmp0:
0x35: {  	[sflag:s11] =	ssyncset.done $0x0;
	(pc) =	sbr.rel @p2 .LBB2_2-.Ltmp0, $4  }
0x36: {  	[sflag:s11] =	ssyncadd.s32 $0xFFFFFF38  }
0x37: {  	[spmem:s1] =	stream.indirect.scatter.add.f32 [tilespmem:s13], [sflag:$0x2], $0x80, s15, s12, $0xb8;
	[tilespmem:$0x19E80] =	vst v63  }
0x38: {  	_ =	swait.ge [sflag:s11], $0x6400  }
0x39: {  	s21 =	smov.u32 s24;
	[sflag:s11] =	ssyncset.done $0x0  }
0x3a: {  	s21 =	sadd.s32 s20, s9;
	[sflag:s11] =	ssyncadd.s32 $0xFFFF9C00  }
0x3b: {  	[tilespmem:s2], [sflag:$0x2] =	stream.linear.gather [hbm4b:s21+s2], $0xC8, $0x38;
	[tilespmem:$0x19E80] =	vst v63  }
0x3c: {  	_ =	swait.ge [sflag:s11], $0xC8  }
0x3d: {  	[sflag:s11] =	ssyncset.done $0x0  }
0x3e: {  	[sflag:s11] =	ssyncadd.s32 $0xFFFFFF38  }
0x3f: {  	[tilespmem:s13], [sflag:$0x1] =	stream.indirect.gather [hbm4b:s3+s12], $0x80, s2, s12, $0xb8;
	[tilespmem:$0x19E80] =	vst v63  }
0x40: {  	_ =	swait.ge [sflag:s14], $0x6400  }
0x41: {  	[sflag:s14] =	ssyncset.done $0x0  }
0x42: {  	s31 =	sadd.s32 s20, s7;
	[sflag:s14] =	ssyncadd.s32 $0xFFFF9C00  }
0x43: {  	[tilespmem:s15], [sflag:$0x2] =	stream.linear.gather [hbm4b:s31+s2], $0xC8, $0x38;
	[tilespmem:$0x19E80] =	vst v63  }
0x44: {  	_ =	swait.ge [sflag:s11], $0xC8  }
0x45: {  	[sflag:s11] =	ssyncset.done $0x0  }
0x46: {  	[sflag:s11] =	ssyncadd.s32 $0xFFFFFF38  }
0x47: {  	[spmem:s1] =	stream.indirect.scatter.add.f32 [tilespmem:s13], [sflag:$0x2], $0x80, s15, s12, $0xb8;
	[tilespmem:$0x19E80] =	vst v63  }
0x48: {  	_ =	swait.ge [sflag:s11], $0x6400  }
0x49: {  	[sflag:s11] =	ssyncset.done $0x0  }
0x4a: {  	[sflag:s11] =	ssyncadd.s32 $0xFFFF9C00  }
0x4b: {  	s20 =	simm.s32 @p1 $0x1FC2;
	[bflag:$0x0] =	sbarrier.arrive $0xFFFF  }
0x4c: {  	[hbm:s6], [sflag:s20] =	dma.local @p1 [spmem:s16], $0x2080  }
0x4d: {  	s20 =	simm.s32 @p1 $0x2  }
0x4e: {  	s19 =	sadd.s32 $0x1, s19;
	_ =	swait.ge @p1 [sflag:s20], $0x2080  }
0x4f: {  	p2 =	sne.s32 s19, s8;
	[sflag:s20] =	ssyncset.done @p1 $0x0  }
.Ltmp1:
0x50: {  	[sflag:s20] =	ssyncadd.s32 @p1 $0xFFFFDF80;
	s20 =	simm.s32 @!p1 $0x2;
	(pc) =	sbr.rel @p2 .LBB2_1-.Ltmp1, $4  }
0x51: {  	[hbm:s5], [sflag:s17] =	dma.local @!p1 [spmem:s18], $0x2780  }
0x52: {  	_ =	swait.ge @!p1 [sflag:s20], $0x2780  }
0x53: {  	[sflag:s20] =	ssyncset.done @!p1 $0x0  }
0x54: {  	[sflag:s20] =	ssyncadd.s32 @!p1 $0xFFFFD880  }
0x55: {  	_ =	sfence.sel $0x180000  }
0x56: {  	[bflag:$0x0] =	sbarrier.arrive $0xFFFF  }
0x57: {  	_ =	strace $0x9000004A  }
0x58: {  	s0 =	sadd.s32 @!p0 $0x100000, s0;
	[bflag:$0x2] =	sbarrier.arrive $0xFFFF  }
0x59: {  	[sflag:s0] =	ssyncadd.tile.s32 @!p0 $0x1;
	_ =	shalt  }
.Lfunc_end2:
_tile_overlayer_lowered:
.L_overlay_start_2:
0x5a: {  	(tag) =	ssettag $0x2  }
0x5b: {  	s0 =	rddreg [dreg:$0x0];
	s2 =	stileid.u32  }
0x5c: {  	s1 =	rddreg [dreg:$0x1];
	p0 =	sne.s32 s2, $0x0  }
0x5d: {  	s3 =	rddreg [dreg:$0x2];
	[bflag:$0x3] =	sbarrier.arrive $0xFFFF;
	s2 =	simm.s32 @!p0 $0x1C02  }
0x5e: {  	[timem:s3], [sflag:s2] =	dma.local @!p0 [hbm:s0], s1  }
0x5f: {  	s0 =	simm.s32 @!p0 $0x2  }
0x60: {  	_ =	swait.ge @!p0 [sflag:s0], s1  }
0x61: {  	s1 =	ssub.s32 @!p0 $0x0, s1;
	[sflag:s0] =	ssyncset.done @!p0 $0x0  }
0x62: {  	[sflag:s0] =	ssyncadd.s32 @!p0 s1  }
0x63: {  	[bflag:$0x3] =	sbarrier.arrive $0xFFFF  }
0x64: {  	_ =	shalt  }

// kernel: scatter_offload_async_start.1
scs
__scs_entry_jumppad:
0x0: {  	(pc) =	sbr.rel $0x88, $3  }
0x1: {  	(tag) =	ssettag $0x0;
	lr =	simm.s32 $0x1  }
0x2: {  	[smem:$0x3F8E] =	sst lr;
	_ =	strace $0xD0000000  }
0x3: {  	_ = 	snop  }
0x4: {  	_ = 	snop  }
0x5: {  	_ = 	snop  }
0x6: {  	_ = 	snop  }
0x7: {  	_ = 	snop  }
__scs_overlays_trampoline_lowered:
0x8: {  	[smem:$0x3F9D] =	sst s0  }
0x9: {  	[smem:$0x3F9E] =	sst s1  }
0xa: {  	[smem:$0x3F9F] =	sst s2  }
0xb: {  	[smem:$0x3FA0] =	sst s3  }
0xc: {  	[smem:$0x3FA1] =	sst s4  }
0xd: {  	[smem:$0x3FA2] =	sst s5  }
0xe: {  	[smem:$0x3FA3] =	sst s6  }
0xf: {  	[smem:$0x3FA4] =	sst s7  }
0x10: {  	[smem:$0x3FA5] =	sst s8  }
0x11: {  	[smem:$0x3FA6] =	sst s9;
	s0 =	simm.s32 @!p0 $0x0  }
0x12: {  	s1 =	sld [smem:$0x3F8C];
	s0 =	simm.s32 @p0 $0x1  }
0x13: {  	[smem:$0x3FA7] =	sst s0;
	s0 =	simm.s32 @!p1 $0x0  }
0x14: {  	s2 =	sld [smem:$0x3F8B];
	s0 =	simm.s32 @p1 $0x1  }
0x15: {  	[smem:$0x3FA8] =	sst s0;
	s0 =	simm.s32 @!p2 $0x0  }
0x16: {  	s3 =	sld [smem:$0x3FDB];
	s0 =	simm.s32 @p2 $0x1  }
0x17: {  	s4 =	simm.s32 $0x1BF5;
	[smem:$0x3FAA] =	sst s0  }
0x18: {  	s0 =	sld [smem:$0x3F8D];
	_ =	swait.ge [sflag:s4], $0x0  }
0x19: {  	s7 =	sld [smem:$0x3F8E]  }
0x1a: {  	s8 =	sadd.s32 $0xFFFFE003, lr  }
0x1b: {  	s9 =	sadd.s32 $0xFFFFFEF7, lr;
	s5 =	simm.s32 $0xFFFFFFFF;
	p2 =	slt.u32 s8, $0xFFFFF086  }
0x1c: {  	p1 =	slt.u32 s9, $0xF7A;
	s5 =	simm.s32 @!p2 $0x0  }
0x1d: {  	s5 =	simm.s32 @p1 $0x1;
	p0 =	seq.s32 s7, s2  }
0x1e: {  	s7 =	smul.u32 @!p0 $0xF7A, s2;
	p2 =	seq.s32 @!p0 s5, $0x0  }
0x1f: {  	s9 =	smul.u32 $0xF7A, s1;
	s8 =	simm.s32 @!p0 $0x1BF5;
	p2 =	por !p2, p0  }
0x20: {  	[sflag:s8] =	ssyncset.s32 @!p0 $0xFFFFF086;
	s6 =	sadd.s32 @!p0 s3, s7;
	s7 =	simm.s32 @!p0 $0x108  }
0x21: {  	s3 =	sadd.s32 s3, s9;
	s6 =	sadd.s32 @!p0 $0x88, s6;
	s7 =	simm.s32 @p2 $0x1082  }
0x22: {  	[simem:s7], [sflag:s8] =	dma.local @!p0 [hbm:s6], $0xF7A  }
0x23: {  	s9 =	sor.u32 $0xD0000000, s2;
	s6 =	simm.s32 $0x108;
	_ =	swait.ge @!p0 [sflag:s8], $0x0  }
0x24: {  	s3 =	sadd.s32 $0x88, s3;
	s6 =	simm.s32 @!p1 $0x1082;
	[sflag:s4] =	ssyncset.s32 $0xFFFFF086  }
0x25: {  	[simem:s6], [sflag:s4] =	dma.local [hbm:s3], $0xF7A  }
0x26: {  	[smem:$0x3F8E] =	sst s1;
	(tag) =	ssettag s2;
	_ =	strace s9  }
0x27: {  	s1 =	sld [smem:$0x3F9E]  }
0x28: {  	s2 =	sld [smem:$0x3F9F]  }
0x29: {  	s4 =	sld [smem:$0x3FA1]  }
0x2a: {  	p0 =	seq.s32 s5, $0x0;
	s5 =	sld [smem:$0x3FA2]  }
0x2b: {  	s6 =	sld [smem:$0x3FA3]  }
0x2c: {  	s7 =	sld [smem:$0x3FA4]  }
0x2d: {  	s3 =	simm.s32 $0x108;
	s8 =	sld [smem:$0x3FA5]  }
0x2e: {  	s3 =	simm.s32 @!p0 $0x1082;
	s9 =	sld [smem:$0x3FA6]  }
0x2f: {  	lr =	sadd.s32 s0, s3;
	s0 =	sld [smem:$0x3F9D]  }
0x30: {  	s3 =	sld [smem:$0x3FA0]  }
0x31: {  	[smem:$0x3FA9] =	sst s10  }
0x32: {  	s10 =	sld [smem:$0x3FA7];
	_ =	sdelay $0x3  }
0x33: {  	p0 =	seq.s32 s10, $0x1;
	s10 =	sld [smem:$0x3FA9];
	_ =	sdelay $0x3  }
0x34: {  	[smem:$0x3FA9] =	sst s10  }
0x35: {  	s10 =	sld [smem:$0x3FA8];
	_ =	sdelay $0x3  }
0x36: {  	p1 =	seq.s32 s10, $0x1;
	s10 =	sld [smem:$0x3FA9];
	_ =	sdelay $0x3  }
0x37: {  	[smem:$0x3FA9] =	sst s10  }
0x38: {  	s10 =	sld [smem:$0x3FAA]  }
0x39: {  	_ = 	snop;
	(pc) =	sbr.ind lr, $3  }
0x3a: {  	_ = 	snop  }
0x3b: {  	_ = 	snop  }
0x3c: {  	p2 =	seq.s32 s10, $0x1;
	s10 =	sld [smem:$0x3FA9]  }
0x3d: {  	_ =	shalt  }
0x3e: {  	_ =	shalt  }
0x3f: {  	_ =	shalt  }
0x40: {  	_ =	shalt  }
0x41: {  	_ =	shalt  }
0x42: {  	_ =	shalt  }
0x43: {  	_ =	shalt  }
0x44: {  	_ =	shalt  }
0x45: {  	_ =	shalt  }
0x46: {  	_ =	shalt  }
0x47: {  	_ =	shalt  }
0x48: {  	_ =	shalt  }
0x49: {  	_ =	shalt  }
0x4a: {  	_ =	shalt  }
0x4b: {  	_ =	shalt  }
0x4c: {  	_ =	shalt  }
0x4d: {  	_ =	shalt  }
0x4e: {  	_ =	shalt  }
0x4f: {  	_ =	shalt  }
0x50: {  	_ =	shalt  }
0x51: {  	_ =	shalt  }
0x52: {  	_ =	shalt  }
0x53: {  	_ =	shalt  }
0x54: {  	_ =	shalt  }
0x55: {  	_ =	shalt  }
0x56: {  	_ =	shalt  }
0x57: {  	_ =	shalt  }
0x58: {  	_ =	shalt  }
0x59: {  	_ =	shalt  }
0x5a: {  	_ =	shalt  }
0x5b: {  	_ =	shalt  }
0x5c: {  	_ =	shalt  }
0x5d: {  	_ =	shalt  }
0x5e: {  	_ =	shalt  }
0x5f: {  	_ =	shalt  }
0x60: {  	_ =	shalt  }
0x61: {  	_ =	shalt  }
0x62: {  	_ =	shalt  }
0x63: {  	_ =	shalt  }
0x64: {  	_ =	shalt  }
0x65: {  	_ =	shalt  }
0x66: {  	_ =	shalt  }
0x67: {  	_ =	shalt  }
0x68: {  	_ =	shalt  }
0x69: {  	_ =	shalt  }
0x6a: {  	_ =	shalt  }
0x6b: {  	_ =	shalt  }
0x6c: {  	_ =	shalt  }
0x6d: {  	_ =	shalt  }
0x6e: {  	_ =	shalt  }
0x6f: {  	_ =	shalt  }
0x70: {  	_ =	shalt  }
0x71: {  	_ =	shalt  }
0x72: {  	_ =	shalt  }
0x73: {  	_ =	shalt  }
0x74: {  	_ =	shalt  }
0x75: {  	_ =	shalt  }
0x76: {  	_ =	shalt  }
0x77: {  	_ =	shalt  }
0x78: {  	_ =	shalt  }
0x79: {  	_ =	shalt  }
0x7a: {  	_ =	shalt  }
0x7b: {  	_ =	shalt  }
0x7c: {  	_ =	shalt  }
0x7d: {  	_ =	shalt  }
0x7e: {  	_ =	shalt  }
0x7f: {  	_ =	shalt  }
0x80: {  	_ =	shalt  }
0x81: {  	_ =	shalt  }
0x82: {  	_ =	shalt  }
0x83: {  	_ =	shalt  }
0x84: {  	_ =	shalt  }
0x85: {  	_ =	shalt  }
0x86: {  	_ =	shalt  }
0x87: {  	_ =	shalt  }
.Lfunc_end0:
.L_simem_size_0:
called_computation.1_lowered:
.L_overlay_start_0:
0x88: {  	s2 =	sld [smem:$0x3FD9]  }
0x89: {  	s3 =	sld [smem:$0x3FFE];
	_ =	sdelay $0x1  }
0x8a: {  	s1 =	srdreg.scid  }
0x8b: {  	s0 =	sand.u32 $0x1, s1  }
0x8c: {  	s15 =	sshll.u32 s0, $0xA;
	s2 =	sadd.s32 s3, s2  }
0x8d: {  	s2 =	sadd.s32 s2, s15  }
0x8e: {  	[smem:$0x3FB5] =	sst s2  }
0x8f: {  	_ = 	snop  }
0x90: {  	(tm) =	ssettm $0x1  }
0x91: {  	s16 =	sld [smem:$0x3FFB];
	_ =	sdelay $0x3  }
0x92: {  	_ =	strace s16  }
0x93: {  	s2 =	sld [smem:$0x3FFC];
	_ =	sdelay $0x3  }
0x94: {  	_ =	strace s2  }
0x95: {  	s2 =	sld [smem:$0x3FFD];
	_ =	sdelay $0x3  }
0x96: {  	_ =	strace s2  }
0x97: {  	_ =	strace $0x8FFFFFFF  }
0x98: {  	s17 =	sld [smem:$0x3FDB];
	_ =	sdelay $0x1  }
0x99: {  	s18 =	simm.s32 $_scs_section_size  }
0x9a: {  	s4 =	simm.s32 $_size__tile_overlayer_lowered;
	s5 =	simm.s32 $_tile_overlayer_lowered  }
0x9b: {  	s21 =	simm.s32 $0x1BFF;
	s20 =	sshll.u32 s5, $0x1;
	s2 =	sadd.s32 s18, s17  }
0x9c: {  	s6 =	simm.s32 $0x0;
	s19 =	sshll.u32 s4, $0x1;
	s4 =	sadd.s32 s20, s2  }
0x9d: {  	[timem:s6], [sflag:s21] =	dma.local [hbm:s4], s19  }
0x9e: {  	_ =	swait.ge [sflag:s21], s19  }
0x9f: {  	s3 =	ssub.s32 $0x0, s19;
	[sflag:s21] =	ssyncset.done $0x0  }
0xa0: {  	[sflag:s21] =	ssyncadd.s32 s3;
	_ =	sdelay $0x1  }
0xa1: {  	s22 =	simm.s32 $0x1B8B  }
0xa2: {  	_ =	swait.ge [sflag:s22], $0x1  }
0xa3: {  	[sflag:s22] =	ssyncset.done $0x0  }
0xa4: {  	s23 =	sld [smem:$0x3FFE];
	[sflag:s22] =	ssyncadd.s32 $0xFFFFFFFF  }
0xa5: {  	s25 =	simm.s32 $0x1B8E;
	s24 =	sld [smem:$0x0]  }
0xa6: {  	s26 =	simm.s32 $execute0_lowered;
	[smem:$0x3FD2] =	sst s25  }
0xa7: {  	s5 =	sshll.u32 s26, $0x1;
	_ =	strace $0x80000052;
	[dreg:$0x1] =	wrdreg $0xFFFFFFFF  }
0xa8: {  	s28 =	simm.s32 $_size_execute0_lowered;
	s2 =	sadd.s32 s2, s5;
	[dreg:$0x0] =	wrdreg $0x0  }
0xa9: {  	s5 =	sshll.u32 s28, $0x1;
	[dreg:$0x2] =	wrdreg s2  }
0xaa: {  	[dreg:$0x3] =	wrdreg s5  }
0xab: {  	[dreg:$0x4] =	wrdreg $0xC0  }
0xac: {  	_ =	task [dreg:s6], $0x5FFFF  }
0xad: {  	[dreg:$0x1] =	wrdreg $0xFFFFFFFF  }
0xae: {  	[dreg:$0x0] =	wrdreg $0x60  }
0xaf: {  	[dreg:$0x2] =	wrdreg s23  }
0xb0: {  	[dreg:$0x3] =	wrdreg s1  }
0xb1: {  	[dreg:$0x4] =	wrdreg s24  }
0xb2: {  	[dreg:$0x5] =	wrdreg $0x9  }
0xb3: {  	_ =	task.clear_ibuf [dreg:s6], $0x6FFFF;
	_ =	strace $0x90000052  }
0xb4: {  	s29 =	simm.s32 $0x9;
	_ =	strace $0x80000054  }
0xb5: {  	_ =	swait.ge [sflag:s29], $0x1  }
0xb6: {  	[sflag:s29] =	ssyncadd.s32 $0xFFFFFFFF  }
0xb7: {  	_ =	strace $0x90000054  }
0xb8: {  	_ =	sfence  }
0xb9: {  	s30 =	sld [smem:$0x0];
	_ =	sdelay $0x2  }
0xba: {  	s31 =	sshll.u32 s1, $0xD;
	s1 =	sshrl.u32 s1, $0x2  }
0xbb: {  	s3 =	sand.u32 $0x4000, s31;
	s1 =	sadd.s32 s1, s30  }
0xbc: {  	s0 =	sor.u32 s3, s0;
	s1 =	sshll.u32 s1, $0x11  }
0xbd: {  	s0 =	sor.u32 s1, s0  }
0xbe: {  	s0 =	sadd.s32 $0x8F2B, s0  }
0xbf: {  	[sflag:s0] =	ssyncadd.remote.s32 $0x1  }
0xc0: {  	_ =	sfence.sel $0xFFFF  }
0xc1: {  	[dreg:$0x0] =	wrdreg $0xFFFFFFFF;
	(pc) =	sbr.abs _section_cstart, $3  }
0xc2: {  	[dreg:$0x1] =	wrdreg $0xFFFFFFFF  }
0xc3: {  	_ =	task.clear_ibuf [dreg:s6], $0x2FFFF;
	_ =	strace $0x9FFFFFFF  }
0xc4: {  	(tm) =	ssettm $0x7FFFFFFF  }
0xc5: {  	_ =	shalt  }
tec
execute0_lowered:
.L_overlay_start_1:
0x0: {  	(tag) =	ssettag $0x1  }
0x1: {  	s2 =	rddreg [dreg:$0x0]  }
0x2: {  	s4 =	rddreg [dreg:$0x1];
	_ =	strace $0x80000053;
	s0 =	simm.s32 $0x1  }
0x3: {  	s3 =	simm.s32 $0x88;
	v0 =	vimm.s32 $0x0;
	[sflag:s0] =	ssyncpa.u1 $0x0  }
0x4: {  	[tilespmem:s3+$0x30] =	vst v0  }
0x5: {  	s1 =	sadd.s32 $0x3B800, s2;
	s0 =	sadd.s32 $0x62A00, s2;
	s6 =	sadd.s32 $0x592C00, s2;
	[tilespmem:s3+$0x20] =	vst v0  }
0x6: {  	s2 =	sadd.s32 $0x67A00, s2;
	s7 =	sand.u32 $0x1, s4;
	s4 =	simm.s32 $0x40;
	[tilespmem:s3+$0x10] =	vst v0  }
.LBB2_1:
0x7: {  	s4 =	sadd.s32 $0x40, s4  }
0x8: {  	[tilespmem:s3+$0x0] =	vst v0;
	s3 =	sadd.s32 $0x40, s3;
	p0 =	slt.u32 s4, $0x5040  }
.Ltmp0:
0x9: {  	(pc) =	sbr.rel @p0 .LBB2_1-.Ltmp0, $4  }
0xa: {  	_ = 	snop  }
0xb: {  	[tilespmem:s3+$0x30] =	vst v0  }
0xc: {  	[tilespmem:s3+$0x20] =	vst v0  }
0xd: {  	[tilespmem:s3+$0x10] =	vst v0  }
0xe: {  	s8 =	stileid.u32  }
0xf: {  	s4 =	smul.u32 $0xF, s8  }
0x10: {  	s5 =	smin.u32 s8, $0xA  }
0x11: {  	s4 =	sadd.s32 s5, s4  }
0x12: {  	p0 =	slt.u32 s8, $0xA;
	s12 =	smul.u32 $0x140, s4;
	s4 =	simm.s32 $0x1400  }
0x13: {  	s4 =	simm.s32 @!p0 $0x12C0  }
0x14: {  	s25 =	simm.s32 $0x2;
	s4 =	sadd.s32 s4, s12  }
0x15: {  	s28 =	simm.s32 $0x9;
	s9 =	simm.s32 $0xA;
	s14 =	smin.u32 s4, $0x13880  }
0x16: {  	s30 =	simm.s32 $0xB;
	[dreg:$0x4] =	wrdreg s7;
	s4 =	ssub.s32 s14, s12  }
0x17: {  	s31 =	smul.u32 $0x2710, s7;
	s13 =	simm.s32 $0x1;
	p0 =	sgt.s32 s4, $0x0  }
0x18: {  	s19 =	simm.s32 $0x0;
	s20 =	simm.s32 $0xA808;
	s4 =	simm.s32 @!p0 $0x0  }
0x19: {  	s21 =	simm.s32 $0xFFFFFFFF;
	p1 =	por $0x0, $0x0;
	s26 =	smulhi.u32 $0x66666667, s4  }
0x1a: {  	[tilespmem:s3+$0x0] =	vst v0;
	s23 =	simm.s32 $0x0;
	[sflag:s25] =	ssyncpa.u1 $0x0;
	s18 =	sshll.u32 s8, $0x7  }
0x1b: {  	s0 =	sadd.s32 s31, s0;
	[dreg:$0xa] =	wrdreg s18;
	s3 =	sshrl.u32 s26, $0x7  }
0x1c: {  	v0 =	vimm.s32 $0xFFFFFFFF;
	s17 =	sadd.s32 s31, s2;
	[dreg:$0x9] =	wrdreg s0;
	s29 =	smul.u32 $0x140, s3  }
0x1d: {  	s25 =	simm.s32 $0x0;
	[tilespmem:$0xA108] =	vst v0;
	[sflag:s28] =	ssyncpa.u1 $0x0;
	[dreg:$0x8] =	wrdreg s17  }
.Ltmp1:
0x1e: {  	p0 =	sne.s32 s4, s29;
	s4 =	simm.s32 $0x1;
	(pc) =	sbr.rel .LBB2_3-.Ltmp1, $4  }
0x1f: {  	[sflag:s9] =	ssyncpa.u1 $0x0;
	[dreg:$0x5] =	wrdreg s12;
	s4 =	simm.s32 @!p0 $0x0  }
0x20: {  	[sflag:s30] =	ssyncpa.u1 $0x0;
	[dreg:$0x6] =	wrdreg s14;
	s15 =	sadd.s32 s4, s3  }
0x21: {  	s24 =	smov.u32 s12;
	s22 =	sadd.s32 $0x1, s15;
	[dreg:$0x7] =	wrdreg s15  }
0x22: {  	v0 =	vlaneseq.u32;
	s26 =	simm.s32 $0x0;
	p0 =	por $0x1, $0x1;
	[dreg:$0xb] =	wrdreg s22  }
.LBB2_22:
0x23: {  	s0 =	sshrl.u32 s3, $0x2  }
.LBB2_24:
0x24: {  	s3 =	simm.s32 $0xC  }
0x25: {  	_ =	swait.ge [sflag:s3], s0  }
0x26: {  	s31 =	ssub.s32 $0x0, s0;
	v1 =	vmov s4;
	vm0 =	veq.s32 v0, $0x0;
	[sflag:s3] =	ssyncset.done $0x0  }
0x27: {  	vm15 =	veq.s32 v0, $0x2;
	v1 =	vsel vm0, s2, v1;
	[sflag:s3] =	ssyncadd.s32 s31  }
0x28: {  	v1 =	vsel vm15, s26, v1;
	[sflag:s3] =	ssyncpa.u1 $0x1  }
0x29: {  	[tilespmem:$0xA108] =	vst v1  }
.LBB2_25:
0x2a: {  	s0 =	sadd.s32 $0x140, s24  }
0x2b: {  	s2 =	smov.u32 s12;
	p2 =	slt.s32 s0, s14  }
0x2c: {  	s2 =	smov.u32 @p2 s0;
	p2 =	sne.s32 s25, s22  }
.Ltmp2:
0x2d: {  	_ = 	snop;
	(pc) =	sbr.rel @!p2 .LBB2_26-.Ltmp2, $4  }
0x2e: {  	_ = 	snop  }
0x2f: {  	s26 =	smov.u32 s23;
	s31 =	sadd.s32 $0x1, s25;
	p0 =	por !p0, !p0  }
0x30: {  	s23 =	smov.u32 s24;
	s20 =	sadd.s32 $0x140, s20;
	s21 =	sadd.s32 $0x1, s21  }
0x31: {  	p1 =	por !p1, !p1;
	s25 =	smov.u32 s31;
	s24 =	smov.u32 s2  }
.LBB2_3:
0x32: {  	p2 =	sge.u32 s25, s15  }
0x33: {  	s0 =	smulhi.u32 @!p2 $0xAAAAAAAB, s25  }
0x34: {  	s2 =	smov.u32 s24;
	p3 =	sgt.s32 @!p2 s24, $0x13740  }
0x35: {  	s3 =	sshra.s32 @!p2 s24, $0x1F;
	p3 =	por !p3, p2;
	s0 =	sshrl.u32 @!p2 s0, $0x1  }
0x36: {  	s3 =	sand.u32 @!p2 s3, s24;
	s2 =	simm.s32 @p3 $0x13740;
	s0 =	smul.u32 @!p2 $0x3, s0  }
0x37: {  	s2 =	ssub.s32 @!p2 s2, s3  }
0x38: {  	s2 =	sadd.s32 @!p2 $0xFFFEC8C0, s2;
	s0 =	ssub.s32 @!p2 s25, s0  }
0x39: {  	s3 =	sshll.u32 @!p2 s2, $0x2;
	p3 =	sgt.s32 @!p2 s2, $0x13F;
	s0 =	smul.u32 @!p2 $0x500, s0  }
0x3a: {  	s4 =	sand.u32 @!p2 $0x7, s24;
	s2 =	ssub.s32 @!p2 $0x500, s3;
	p3 =	por !p3, p2  }
0x3b: {  	s3 =	sshrl.u32 @!p2 s24, $0x3;
	s2 =	sshrl.u32 @!p2 s2, $0x2;
	s0 =	sshrl.u32 @!p2 s0, $0x2  }
0x3c: {  	s3 =	sadd.s32 @!p2 s3, s17;
	s2 =	simm.s32 @!p3 $0x0;
	s0 =	sadd.s32 @!p2 $0xA948, s0  }
0x3d: {  	[tilespmem:s0], [sflag:$0xA] =	stream.linear.gather @!p2 [hbm4b:s3+s4], s2, $0x38;
	[tilespmem:$0x1EF88] =	vst v63  }
0x3e: {  	s0 =	sadd.s32 $0xFFFFFFFF, s25  }
0x3f: {  	p2 =	sge.u32 s0, s15  }
.Ltmp3:
0x40: {  	_ = 	snop;
	(pc) =	sbr.rel @p2 .LBB2_7-.Ltmp3, $1  }
0x41: {  	_ =	sdelay $0x3  }
0x42: {  	p2 =	sgt.s32 s23, $0x13740;
	s2 =	smov.u32 s23;
	s3 =	sshra.s32 s23, $0x1F  }
0x43: {  	s2 =	simm.s32 @!p2 $0x13740;
	s3 =	sand.u32 s3, s23  }
0x44: {  	s17 =	smulhi.u32 $0xAAAAAAAB, s21;
	s2 =	ssub.s32 s2, s3  }
0x45: {  	s0 =	sand.u32 $0x1, s0;
	s2 =	sadd.s32 $0xFFFEC8C0, s2  }
0x46: {  	s5 =	simm.s32 $0xA;
	s3 =	sshrl.u32 s17, $0x1;
	s4 =	sshll.u32 s2, $0x2  }
0x47: {  	s7 =	sshrl.u32 s23, $0x3;
	s3 =	smul.u32 $0xFFFFF100, s3;
	s4 =	ssub.s32 $0x500, s4  }
0x48: {  	s18 =	smul.u32 $0x500, s0;
	p2 =	sgt.s32 s2, $0x13F;
	s2 =	sshrl.u32 s4, $0x2  }
0x49: {  	s9 =	sand.u32 $0x7, s23;
	s3 =	sshra.s32 s3, $0x2;
	s2 =	simm.s32 @p2 $0x0  }
0x4a: {  	s0 =	sadd.s32 s3, s20;
	s4 =	sshrl.u32 s18, $0x2;
	_ =	swait.ge [sflag:s5], s2  }
0x4b: {  	s22 =	ssub.s32 $0x0, s2;
	[sflag:s5] =	ssyncset.done $0x0;
	s8 =	rddreg [dreg:$0x9]  }
0x4c: {  	s4 =	sadd.s32 $0xAD08, s4;
	[sflag:s5] =	ssyncadd.s32 s22;
	s3 =	sadd.s32 s7, s8  }
0x4d: {  	[tilespmem:s4], [sflag:$0xB] =	stream.linear.gather [hbm4b:s3+s9], s2, $0x38;
	[tilespmem:$0x1EF88] =	vst v63  }
0x4e: {  	v1 =	vld.msk [tilespmem:s0+$0x0], $0xffff;
	_ =	sdelay $0x4  }
0x4f: {  	v1 =	vshll.u32 v1, $0x4  }
0x50: {  	(v2sf) =	vpush v1, $0x0  }
0x51: {  	(v2sf) =	vpush v1, $0x1  }
0x52: {  	(v2sf) =	vpush v1, $0x2;
	_ =	sdelay $0x3  }
0x53: {  	(v2sf) =	vpush v1, $0x3;
	_ =	sdelay $0x1  }
0x54: {  	(v2sf) =	vpush v1, $0x4  }
0x55: {  	s2 =	simm.s32 $0x1;
	(v2sf) =	vpush v1, $0x5  }
0x56: {  	s2 =	simm.s32 @!p0 $0x0  }
0x57: {  	s2 =	smul.u32 $0x28000, s2;
	(v2sf) =	vpush v1, $0x6;
	_ =	sdelay $0x1  }
0x58: {  	s2 =	sshrl.u32 s2, $0x2  }
0x59: {  	s28 =	sadd.s32 $0xB708, s2  }
0x5a: {  	s12 =	sadd.s32 $0xFFFFF880, s28;
	s17 =	sadd.s32 $0xFFFFF900, s28;
	s10 =	spop (v2sf);
	(v2sf) =	vpush v1, $0x7  }
0x5b: {  	s18 =	sadd.s32 $0xFFFFF980, s28;
	s11 =	sand.u32 $0x1FFFFFF0, s10;
	s14 =	spop (v2sf)  }
0x5c: {  	(v2sf) =	vpush v1, $0x8;
	s2 =	sadd.s32 s6, s11;
	s15 =	sand.u32 $0x1FFFFFF0, s14;
	s16 =	spop (v2sf)  }
0x5d: {  	[tilespmem:s12], [sflag:$0x9] =	stream.linear.gather [hbm4b:s2+s19], $0x40, $0x38;
	[tilespmem:$0x1EF88] =	vst v63  }
0x5e: {  	s5 =	sadd.s32 $0xFFFFFA00, s28;
	s2 =	sadd.s32 s6, s15;
	s3 =	sand.u32 $0x1FFFFFF0, s16  }
0x5f: {  	(v2sf) =	vpush v1, $0x9;
	[tilespmem:s17], [sflag:$0x9] =	stream.linear.gather [hbm4b:s2+s19], $0x40, $0x38;
	[tilespmem:$0x1EF88] =	vst v63  }
0x60: {  	s7 =	sadd.s32 $0xFFFFFA80, s28;
	s22 =	spop (v2sf);
	s3 =	sadd.s32 s6, s3  }
0x61: {  	(v2sf) =	vpush v1, $0xA;
	[tilespmem:s18], [sflag:$0x9] =	stream.linear.gather [hbm4b:s3+s19], $0x40, $0x38;
	[tilespmem:$0x1EF88] =	vst v63  }
0x62: {  	s11 =	sadd.s32 $0xFFFFFB00, s28;
	s4 =	spop (v2sf);
	(v2sf) =	vpush v1, $0xB;
	s3 =	sand.u32 $0x1FFFFFF0, s22  }
0x63: {  	s8 =	spop (v2sf);
	s2 =	sadd.s32 s6, s3;
	s3 =	sand.u32 $0x1FFFFFF0, s4  }
0x64: {  	(v2sf) =	vpush v1, $0xC;
	[tilespmem:s5], [sflag:$0x9] =	stream.linear.gather [hbm4b:s2+s19], $0x40, $0x38;
	[tilespmem:$0x1EF88] =	vst v63  }
0x65: {  	s9 =	sand.u32 $0x1FFFFFF0, s8;
	s10 =	spop (v2sf);
	s3 =	sadd.s32 s6, s3  }
0x66: {  	(v2sf) =	vpush v1, $0xD;
	[tilespmem:s7], [sflag:$0x9] =	stream.linear.gather [hbm4b:s3+s19], $0x40, $0x38;
	[tilespmem:$0x1EF88] =	vst v63  }
0x67: {  	s12 =	sadd.s32 $0xFFFFFB80, s28;
	s2 =	sadd.s32 s6, s9;
	s3 =	sand.u32 $0x1FFFFFF0, s10  }
0x68: {  	[tilespmem:s11], [sflag:$0x9] =	stream.linear.gather [hbm4b:s2+s19], $0x40, $0x38;
	[tilespmem:$0x1EF88] =	vst v63  }
0x69: {  	s17 =	sadd.s32 $0xFFFFFC00, s28;
	s3 =	sadd.s32 s6, s3;
	s14 =	spop (v2sf)  }
0x6a: {  	[tilespmem:s12], [sflag:$0x9] =	stream.linear.gather [hbm4b:s3+s19], $0x40, $0x38;
	(v2sf) =	vpush v1, $0xE;
	[tilespmem:$0x1EF88] =	vst v63  }
0x6b: {  	s18 =	sadd.s32 $0xFFFFFC80, s28;
	s15 =	sand.u32 $0x1FFFFFF0, s14;
	s16 =	spop (v2sf)  }
0x6c: {  	s5 =	sadd.s32 $0xFFFFFD00, s28;
	(v2sf) =	vpush v1, $0xF;
	s2 =	sadd.s32 s6, s15;
	s3 =	sand.u32 $0x1FFFFFF0, s16  }
0x6d: {  	[tilespmem:s17], [sflag:$0x9] =	stream.linear.gather [hbm4b:s2+s19], $0x40, $0x38;
	[tilespmem:$0x1EF88] =	vst v63  }
0x6e: {  	s7 =	sadd.s32 $0xFFFFFD80, s28;
	s22 =	spop (v2sf);
	s3 =	sadd.s32 s6, s3  }
0x6f: {  	[tilespmem:s18], [sflag:$0x9] =	stream.linear.gather [hbm4b:s3+s19], $0x40, $0x38;
	[tilespmem:$0x1EF88] =	vst v63  }
0x70: {  	s11 =	sadd.s32 $0xFFFFFE00, s28;
	s4 =	spop (v2sf);
	s3 =	sand.u32 $0x1FFFFFF0, s22  }
0x71: {  	s8 =	spop (v2sf);
	s2 =	sadd.s32 s6, s3;
	s3 =	sand.u32 $0x1FFFFFF0, s4  }
0x72: {  	[tilespmem:s5], [sflag:$0x9] =	stream.linear.gather [hbm4b:s2+s19], $0x40, $0x38;
	[tilespmem:$0x1EF88] =	vst v63  }
0x73: {  	s9 =	sand.u32 $0x1FFFFFF0, s8;
	s10 =	spop (v2sf);
	s3 =	sadd.s32 s6, s3  }
0x74: {  	[tilespmem:s7], [sflag:$0x9] =	stream.linear.gather [hbm4b:s3+s19], $0x40, $0x38;
	[tilespmem:$0x1EF88] =	vst v63  }
0x75: {  	s14 =	spop (v2sf);
	s2 =	sadd.s32 s6, s9;
	s3 =	sand.u32 $0x1FFFFFF0, s10  }
0x76: {  	[tilespmem:s11], [sflag:$0x9] =	stream.linear.gather [hbm4b:s2+s19], $0x40, $0x38;
	[tilespmem:$0x1EF88] =	vst v63  }
0x77: {  	s12 =	sadd.s32 $0xFFFFFE80, s28;
	s15 =	sand.u32 $0x1FFFFFF0, s14;
	s3 =	sadd.s32 s6, s3  }
0x78: {  	[tilespmem:s12], [sflag:$0x9] =	stream.linear.gather [hbm4b:s3+s19], $0x40, $0x38;
	[tilespmem:$0x1EF88] =	vst v63  }
0x79: {  	s17 =	sadd.s32 $0xFFFFFF00, s28;
	s2 =	sadd.s32 s6, s15;
	s16 =	spop (v2sf)  }
0x7a: {  	[tilespmem:s17], [sflag:$0x9] =	stream.linear.gather [hbm4b:s2+s19], $0x40, $0x38;
	[tilespmem:$0x1EF88] =	vst v63  }
0x7b: {  	s29 =	simm.s32 $0x0;
	s3 =	sand.u32 $0x1FFFFFF0, s16;
	s18 =	spop (v2sf)  }
0x7c: {  	s22 =	sadd.s32 $0xFFFFFF80, s28;
	s3 =	sadd.s32 s6, s3;
	s2 =	sand.u32 $0x1FFFFFF0, s18  }
0x7d: {  	[tilespmem:s22], [sflag:$0x9] =	stream.linear.gather [hbm4b:s3+s19], $0x40, $0x38;
	[tilespmem:$0x1EF88] =	vst v63  }
0x7e: {  	s31 =	sadd.s32 $0x10, s0;
	s30 =	sadd.s32 $0x800, s28;
	s2 =	sadd.s32 s6, s2  }
.LBB2_5:
0x7f: {  	[tilespmem:s28], [sflag:$0x9] =	stream.linear.gather [hbm4b:s2+s19], $0x40, $0x38;
	[tilespmem:$0x1EF88] =	vst v63  }
0x80: {  	s29 =	sadd.s32 $0x10, s29;
	s28 =	smov.u32 s30  }
0x81: {  	p2 =	slt.u32 s29, $0x130;
	v1 =	vld.msk [tilespmem:s31+$0x0], $0xffff;
	_ =	sdelay $0x4  }
0x82: {  	v1 =	vshll.u32 v1, $0x4  }
0x83: {  	(v2sf) =	vpush v1, $0x0  }
0x84: {  	(v2sf) =	vpush v1, $0x1  }
0x85: {  	(v2sf) =	vpush v1, $0x2;
	_ =	sdelay $0x1  }
0x86: {  	(v2sf) =	vpush v1, $0x3;
	_ =	sdelay $0x1  }
0x87: {  	(v2sf) =	vpush v1, $0x4;
	_ =	sdelay $0x1  }
0x88: {  	(v2sf) =	vpush v1, $0x5;
	_ =	sdelay $0x1  }
0x89: {  	(v2sf) =	vpush v1, $0x6  }
0x8a: {  	s4 =	sadd.s32 $0xFFFFFE80, s30;
	s0 =	sadd.s32 $0xFFFFFF00, s30  }
0x8b: {  	s3 =	sadd.s32 $0xFFFFFD00, s30;
	s2 =	sadd.s32 $0xFFFFFD80, s30;
	s5 =	sadd.s32 $0xFFFFFE00, s30;
	(v2sf) =	vpush v1, $0x7  }
0x8c: {  	s10 =	sadd.s32 $0xFFFFFB80, s30;
	s9 =	sadd.s32 $0xFFFFFC00, s30;
	s16 =	sadd.s32 $0xFFFFFC80, s30  }
0x8d: {  	s11 =	sadd.s32 $0xFFFFFA00, s30;
	s12 =	sadd.s32 $0xFFFFFA80, s30;
	s15 =	sadd.s32 $0xFFFFFB00, s30;
	(v2sf) =	vpush v1, $0x8  }
0x8e: {  	s18 =	sadd.s32 $0xFFFFF900, s30;
	s7 =	sadd.s32 $0xFFFFF980, s30;
	s22 =	spop (v2sf)  }
0x8f: {  	s8 =	sadd.s32 $0xFFFFF880, s30;
	s22 =	sand.u32 $0x1FFFFFF0, s22;
	s14 =	spop (v2sf);
	(v2sf) =	vpush v1, $0x9  }
0x90: {  	s22 =	sadd.s32 s6, s22;
	s14 =	sand.u32 $0x1FFFFFF0, s14;
	s17 =	spop (v2sf)  }
0x91: {  	[tilespmem:s8], [sflag:$0x9] =	stream.linear.gather [hbm4b:s22+s19], $0x40, $0x38;
	(v2sf) =	vpush v1, $0xA;
	[tilespmem:$0x1EF88] =	vst v63  }
0x92: {  	s8 =	sadd.s32 s6, s14;
	s14 =	sand.u32 $0x1FFFFFF0, s17;
	s17 =	spop (v2sf)  }
0x93: {  	[tilespmem:s18], [sflag:$0x9] =	stream.linear.gather [hbm4b:s8+s19], $0x40, $0x38;
	(v2sf) =	vpush v1, $0xB;
	[tilespmem:$0x1EF88] =	vst v63  }
0x94: {  	s8 =	sadd.s32 s6, s14;
	s14 =	sand.u32 $0x1FFFFFF0, s17;
	s17 =	spop (v2sf)  }
0x95: {  	[tilespmem:s7], [sflag:$0x9] =	stream.linear.gather [hbm4b:s8+s19], $0x40, $0x38;
	(v2sf) =	vpush v1, $0xC;
	[tilespmem:$0x1EF88] =	vst v63  }
0x96: {  	s7 =	sadd.s32 s6, s14;
	s8 =	sand.u32 $0x1FFFFFF0, s17;
	s14 =	spop (v2sf)  }
0x97: {  	[tilespmem:s11], [sflag:$0x9] =	stream.linear.gather [hbm4b:s7+s19], $0x40, $0x38;
	(v2sf) =	vpush v1, $0xD;
	[tilespmem:$0x1EF88] =	vst v63  }
0x98: {  	s7 =	sadd.s32 s6, s8;
	s8 =	sand.u32 $0x1FFFFFF0, s14;
	s11 =	spop (v2sf)  }
0x99: {  	[tilespmem:s12], [sflag:$0x9] =	stream.linear.gather [hbm4b:s7+s19], $0x40, $0x38;
	(v2sf) =	vpush v1, $0xE;
	[tilespmem:$0x1EF88] =	vst v63  }
0x9a: {  	s7 =	sadd.s32 s6, s8;
	s8 =	sand.u32 $0x1FFFFFF0, s11;
	s11 =	spop (v2sf)  }
0x9b: {  	[tilespmem:s15], [sflag:$0x9] =	stream.linear.gather [hbm4b:s7+s19], $0x40, $0x38;
	(v2sf) =	vpush v1, $0xF;
	[tilespmem:$0x1EF88] =	vst v63  }
0x9c: {  	s7 =	sadd.s32 s6, s8;
	s8 =	sand.u32 $0x1FFFFFF0, s11;
	s11 =	spop (v2sf)  }
0x9d: {  	[tilespmem:s10], [sflag:$0x9] =	stream.linear.gather [hbm4b:s7+s19], $0x40, $0x38;
	[tilespmem:$0x1EF88] =	vst v63  }
0x9e: {  	s7 =	sadd.s32 s6, s8;
	s8 =	sand.u32 $0x1FFFFFF0, s11;
	s10 =	spop (v2sf)  }
0x9f: {  	[tilespmem:s9], [sflag:$0x9] =	stream.linear.gather [hbm4b:s7+s19], $0x40, $0x38;
	[tilespmem:$0x1EF88] =	vst v63  }
0xa0: {  	s7 =	sadd.s32 s6, s8;
	s8 =	sand.u32 $0x1FFFFFF0, s10;
	s9 =	spop (v2sf)  }
0xa1: {  	[tilespmem:s16], [sflag:$0x9] =	stream.linear.gather [hbm4b:s7+s19], $0x40, $0x38;
	[tilespmem:$0x1EF88] =	vst v63  }
0xa2: {  	s7 =	sadd.s32 s6, s8;
	s8 =	sand.u32 $0x1FFFFFF0, s9;
	s9 =	spop (v2sf)  }
0xa3: {  	[tilespmem:s3], [sflag:$0x9] =	stream.linear.gather [hbm4b:s7+s19], $0x40, $0x38;
	[tilespmem:$0x1EF88] =	vst v63  }
0xa4: {  	s3 =	sadd.s32 s6, s8;
	s7 =	sand.u32 $0x1FFFFFF0, s9;
	s8 =	spop (v2sf)  }
0xa5: {  	[tilespmem:s2], [sflag:$0x9] =	stream.linear.gather [hbm4b:s3+s19], $0x40, $0x38;
	[tilespmem:$0x1EF88] =	vst v63  }
0xa6: {  	s2 =	sadd.s32 s6, s7;
	s3 =	sand.u32 $0x1FFFFFF0, s8;
	s7 =	spop (v2sf)  }
0xa7: {  	[tilespmem:s5], [sflag:$0x9] =	stream.linear.gather [hbm4b:s2+s19], $0x40, $0x38;
	[tilespmem:$0x1EF88] =	vst v63  }
0xa8: {  	s2 =	sadd.s32 s6, s3;
	s3 =	sand.u32 $0x1FFFFFF0, s7;
	s5 =	spop (v2sf)  }
0xa9: {  	[tilespmem:s4], [sflag:$0x9] =	stream.linear.gather [hbm4b:s2+s19], $0x40, $0x38;
	[tilespmem:$0x1EF88] =	vst v63  }
0xaa: {  	s2 =	sadd.s32 s6, s3  }
.Ltmp4:
0xab: {  	s3 =	sand.u32 $0x1FFFFFF0, s5;
	s4 =	spop (v2sf);
	(pc) =	sbr.rel @p2 .LBB2_5-.Ltmp4, $4  }
0xac: {  	[tilespmem:s0], [sflag:$0x9] =	stream.linear.gather [hbm4b:s2+s19], $0x40, $0x38;
	[tilespmem:$0x1EF88] =	vst v63  }
0xad: {  	s0 =	sadd.s32 s6, s3;
	s2 =	sadd.s32 $0xFFFFFF80, s30;
	s3 =	sand.u32 $0x1FFFFFF0, s4  }
0xae: {  	[tilespmem:s2], [sflag:$0x9] =	stream.linear.gather [hbm4b:s0+s19], $0x40, $0x38;
	[tilespmem:$0x1EF88] =	vst v63  }
0xaf: {  	s31 =	sadd.s32 $0x10, s31;
	s30 =	sadd.s32 $0x800, s30;
	s2 =	sadd.s32 s6, s3  }
0xb0: {  	[tilespmem:s28], [sflag:$0x9] =	stream.linear.gather [hbm4b:s2+s19], $0x40, $0x38;
	[tilespmem:$0x1EF88] =	vst v63  }
0xb1: {  	s12 =	rddreg [dreg:$0x5]  }
0xb2: {  	s14 =	rddreg [dreg:$0x6]  }
0xb3: {  	s15 =	rddreg [dreg:$0x7]  }
0xb4: {  	s17 =	rddreg [dreg:$0x8]  }
0xb5: {  	s18 =	rddreg [dreg:$0xa]  }
0xb6: {  	s22 =	rddreg [dreg:$0xb]  }
.LBB2_7:
0xb7: {  	p2 =	slt.u32 s25, $0x2  }
.Ltmp5:
0xb8: {  	_ = 	snop;
	(pc) =	sbr.rel @p2 .LBB2_25-.Ltmp5, $1  }
0xb9: {  	_ =	sdelay $0x3  }
0xba: {  	p2 =	sgt.s32 s26, $0x13740;
	s0 =	smov.u32 s26;
	s2 =	sshra.s32 s26, $0x1F  }
0xbb: {  	s0 =	simm.s32 @!p2 $0x13740;
	s2 =	sand.u32 s2, s26  }
0xbc: {  	s0 =	ssub.s32 s0, s2  }
0xbd: {  	s0 =	sadd.s32 $0xFFFEC8C0, s0  }
0xbe: {  	s3 =	simm.s32 $0x9;
	s29 =	sshll.u32 s0, $0x2  }
0xbf: {  	_ =	swait.ge [sflag:s3], $0x5000;
	s2 =	ssub.s32 $0x500, s29  }
0xc0: {  	[sflag:s3] =	ssyncset.done $0x0;
	p2 =	sgt.s32 s0, $0x13F;
	s0 =	sshrl.u32 s2, $0x2  }
0xc1: {  	s30 =	simm.s32 $0xB;
	[sflag:s3] =	ssyncadd.s32 $0xFFFFB000;
	s0 =	simm.s32 @p2 $0x0  }
0xc2: {  	_ =	swait.ge [sflag:s30], s0  }
0xc3: {  	s0 =	ssub.s32 $0x0, s0;
	[sflag:s30] =	ssyncset.done $0x0  }
0xc4: {  	[sflag:s30] =	ssyncadd.s32 s0  }
0xc5: {  	v1 =	vld [tilespmem:$0xA108];
	_ =	sdelay $0x4  }
0xc6: {  	(v2sf) =	vpush v1, $0x0  }
0xc7: {  	(v2sf) =	vpush v1, $0x1  }
0xc8: {  	(v2sf) =	vpush v1, $0x2;
	_ =	sdelay $0x3  }
0xc9: {  	s0 =	sadd.s32 $0x140, s26  }
0xca: {  	s4 =	ssub.s32 $0x27100, s26;
	p2 =	slt.s32 s14, s0  }
0xcb: {  	s0 =	smov.u32 @p2 s14;
	p2 =	sgt.s32 s4, $0x0  }
0xcc: {  	s0 =	ssub.s32 s0, s26;
	s4 =	simm.s32 @!p2 $0x0  }
0xcd: {  	p2 =	slt.s32 s4, s0  }
0xce: {  	s0 =	smov.u32 @p2 s4  }
0xcf: {  	s2 =	simm.s32 $0x1;
	p2 =	slt.s32 s0, $0x1  }
.Ltmp6:
0xd0: {  	s2 =	simm.s32 @!p1 $0x0;
	(pc) =	sbr.rel @p2 .LBB2_12-.Ltmp6, $4  }
0xd1: {  	s7 =	smul.u32 $0x500, s2  }
0xd2: {  	s3 =	spop (v2sf)  }
0xd3: {  	s31 =	sshrl.u32 s7, $0x2;
	s5 =	spop (v2sf)  }
0xd4: {  	s28 =	sadd.s32 $0xAD08, s31;
	s26 =	spop (v2sf)  }
0xd5: {  	s4 =	smin.u32 s0, $0x10  }
0xd6: {  	v1 =	vmov s4  }
0xd7: {  	p3 =	sgt.s32 s0, $0x10;
	vm1 =	vgt.u32 v1, v0  }
.Ltmp7:
0xd8: {  	_ = 	snop;
	(pc) =	sbr.rel @!p3 .LBB2_11-.Ltmp7, $2  }
0xd9: {  	_ =	sdelay $0x2  }
0xda: {  	s9 =	simm.s32 $0x10;
	s10 =	sadd.s32 $0xFFFFFFF0, s0;
	s4 =	smov.u32 s28;
	vm0 =	vmmov vm1  }
.LBB2_10:
0xdb: {  	s7 =	smin.u32 s10, $0x10;
	s9 =	sadd.s32 $0x10, s9;
	v1 =	vld.msk [tilespmem:s4+$0x0 ss:$0x1], vm1  }
0xdc: {  	v2 =	vmov s7;
	p3 =	slt.s32 s9, s0  }
0xdd: {  	vm1 =	vgt.u32 v2, v0  }
.Ltmp8:
0xde: {  	(pc) =	sbr.rel @p3 .LBB2_10-.Ltmp8, $3  }
0xdf: {  	_ =	sdelay $0x1  }
0xe0: {  	v1 =	vshll.u32 v1, $0x4  }
0xe1: {  	s10 =	sadd.s32 $0xFFFFFFF0, s10;
	[tilespmem:s4+$0x0] =	vst.msk vm0, v1;
	s4 =	sadd.s32 $0x10, s4;
	vm0 =	vmmov vm1  }
.LBB2_11:
0xe2: {  	_ =	sdelay $0x4  }
0xe3: {  	v1 =	vld.msk [tilespmem:s4+$0x0 ss:$0x1], vm1;
	_ =	sdelay $0x4  }
0xe4: {  	v1 =	vshll.u32 v1, $0x4  }
0xe5: {  	[tilespmem:s4+$0x0] =	vst.msk vm0, v1  }
.LBB2_12:
0xe6: {  	s4 =	sand.u32 $0x1, s25  }
0xe7: {  	s4 =	smul.u32 $0x140, s4  }
0xe8: {  	p3 =	sne.s32 s5, $0xFFFFFFFF  }
0xe9: {  	v1 =	vld.msk @!p3 [tilespmem:s4+$0xAD08], $0x1;
	_ =	sdelay $0x4  }
0xea: {  	(v2sf) =	vpush @!p3 v1, $0x0;
	_ =	sdelay $0xc  }
.Ltmp9:
0xeb: {  	_ = 	snop;
	(pc) =	sbr.rel @p2 .LBB2_23-.Ltmp9, $4  }
0xec: {  	_ = 	snop  }
0xed: {  	s29 =	spop @!p3 (v2sf)  }
0xee: {  	s31 =	simm.s32 $0xC;
	s26 =	simm.s32 @!p3 $0x0;
	s4 =	smov.u32 s29  }
0xef: {  	[sflag:s31] =	ssyncpa.u1 $0x0;
	s29 =	smov.u32 @p3 s3;
	s4 =	smov.u32 @p3 s5  }
0xf0: {  	v1 =	vld.msk [tilespmem:s28+$0x0], $0x1;
	_ =	sdelay $0x4  }
0xf1: {  	(v2sf) =	vpush v1, $0x0;
	_ =	sdelay $0xe  }
0xf2: {  	s2 =	smul.u32 $0x28000, s2;
	s5 =	spop (v2sf)  }
0xf3: {  	s31 =	ssub.s32 $0x0, s0;
	p2 =	seq.s32 s29, s5  }
0xf4: {  	s3 =	smov.u32 s29;
	s2 =	sshrl.u32 s2, $0x2;
	p3 =	sgt.s32 @!p2 s29, $0x0  }
0xf5: {  	s30 =	sadd.s32 $0xAFA8, s2;
	s2 =	sadd.s32 $0x1, s31;
	p3 =	por !p3, p2  }
0xf6: {  	s3 =	simm.s32 @p3 $0x0;
	p3 =	seq.s32 s2, $0x0  }
.Ltmp10:
0xf7: {  	_ = 	snop;
	(pc) =	sbr.rel @p3 .LBB2_15-.Ltmp10, $4  }
0xf8: {  	_ = 	snop  }
0xf9: {  	s0 =	simm.s32 $0x0;
	s9 =	simm.s32 @!p2 $0x1;
	s3 =	smin.u32 @!p2 s3, $0x270F8  }
0xfa: {  	s10 =	simm.s32 @!p2 $0x50C8;
	s9 =	smov.u32 @p2 s0;
	s7 =	sand.u32 @!p2 $0x3FFF8, s3  }
0xfb: {  	s16 =	sand.u32 @!p2 $0x7, s3;
	s3 =	sadd.s32 $0x1, s28;
	s11 =	sadd.s32 @!p2 s1, s7  }
.LBB2_14:
0xfc: {  	s7 =	smov.u32 s9  }
0xfd: {  	[tilespmem:s10], [sflag:$0x2] =	stream.linear.gather @!p2 [hbm4b:s11+s16], $0x40, $0x38;
	[tilespmem:$0x1EF88] =	vst v63  }
0xfe: {  	s2 =	sadd.s32 $0x1, s2;
	s8 =	smov.u32 s5;
	v1 =	vld.msk [tilespmem:s3+$0x0], $0x1  }
0xff: {  	p3 =	seq.s32 s2, $0x0;
	_ =	sdelay $0x3  }
0x100: {  	(v2sf) =	vpush v1, $0x0;
	_ =	sdelay $0xe  }
0x101: {  	s5 =	spop (v2sf)  }
0x102: {  	p2 =	seq.s32 s8, s5  }
0x103: {  	p4 =	sgt.s32 @!p2 s8, $0x0;
	s10 =	sshll.u32 @!p2 s9, $0x8;
	s9 =	sadd.s32 @!p2 $0x1, s9  }
.Ltmp11:
0x104: {  	p4 =	por !p4, p2;
	s10 =	sshra.s32 @!p2 s10, $0x2;
	(pc) =	sbr.rel @!p3 .LBB2_14-.Ltmp11, $4  }
0x105: {  	s9 =	smov.u32 @p2 s7;
	s8 =	simm.s32 @p4 $0x0;
	s10 =	sadd.s32 @!p2 $0x50C8, s10  }
0x106: {  	s7 =	smin.u32 @!p2 s8, $0x270F8  }
0x107: {  	s8 =	sand.u32 @!p2 $0x3FFF8, s7;
	s16 =	sand.u32 @!p2 $0x7, s7  }
0x108: {  	s3 =	sadd.s32 $0x1, s3;
	s11 =	sadd.s32 @!p2 s1, s8  }
.LBB2_15:
0x109: {  	[tilespmem:s10], [sflag:$0x2] =	stream.linear.gather @!p2 [hbm4b:s11+s16], $0x40, $0x38;
	[tilespmem:$0x1EF88] =	vst v63  }
.Ltmp12:
0x10a: {  	s2 =	sshll.u32 s9, $0x6;
	(pc) =	sbr.rel .LBB2_16-.Ltmp12, $4  }
0x10b: {  	s3 =	simm.s32 $0x2;
	s2 =	sand.u32 $0x3FFFFFC0, s2  }
0x10c: {  	_ =	swait.ge [sflag:s3], s2  }
0x10d: {  	s2 =	ssub.s32 $0x0, s2;
	[sflag:s3] =	ssyncset.done $0x0  }
0x10e: {  	[sflag:s3] =	ssyncadd.s32 s2;
	s3 =	simm.s32 $0x0  }
.LBB2_17:
0x10f: {  	v1 =	vld [tilespmem:s30+$0xFFFFFFE0];
	_ =	sdelay $0x4  }
0x110: {  	[tilespmem:s5+$0x88] =	vst.add.f32.msk $0xffff, v1  }
0x111: {  	v1 =	vld [tilespmem:s30+$0xFFFFFFF0];
	_ =	sdelay $0x4  }
0x112: {  	[tilespmem:s5+$0x98] =	vst.add.f32.msk $0xffff, v1  }
0x113: {  	v1 =	vld [tilespmem:s30+$0x0];
	_ =	sdelay $0x4  }
0x114: {  	[tilespmem:s5+$0xA8] =	vst.add.f32.msk $0xffff, v1  }
0x115: {  	v1 =	vld [tilespmem:s30+$0x10];
	_ =	sdelay $0x4  }
0x116: {  	[tilespmem:s5+$0xB8] =	vst.add.f32.msk $0xffff, v1  }
.LBB2_21:
0x117: {  	s31 =	sadd.s32 $0x1, s31  }
0x118: {  	p2 =	seq.s32 s31, $0x0  }
.Ltmp13:
0x119: {  	_ = 	snop;
	(pc) =	sbr.rel @p2 .LBB2_22-.Ltmp13, $2  }
0x11a: {  	_ =	sdelay $0x2  }
0x11b: {  	s30 =	sadd.s32 $0x80, s30;
	s28 =	sadd.s32 $0x1, s28;
	s29 =	smov.u32 s2  }
.LBB2_16:
0x11c: {  	v1 =	vld.msk [tilespmem:s28+$0x0], $0x1;
	_ =	sdelay $0x4  }
0x11d: {  	(v2sf) =	vpush v1, $0x0;
	_ =	sdelay $0xe  }
0x11e: {  	s2 =	spop (v2sf)  }
0x11f: {  	p2 =	sne.s32 s29, s2  }
.Ltmp14:
0x120: {  	_ = 	snop;
	(pc) =	sbr.rel @!p2 .LBB2_17-.Ltmp14, $3  }
0x121: {  	_ =	sdelay $0x1  }
0x122: {  	s5 =	sshll.u32 s26, $0x8  }
0x123: {  	s5 =	sshra.s32 s5, $0x2  }
0x124: {  	p2 =	seq.s32 s29, s4  }
.Ltmp15:
0x125: {  	_ = 	snop;
	(pc) =	sbr.rel @!p2 .LBB2_19-.Ltmp15, $1  }
0x126: {  	_ =	sdelay $0x3  }
.Ltmp16:
0x127: {  	s5 =	sadd.s32 $0x88, s5;
	(pc) =	sbr.rel .LBB2_20-.Ltmp16, $4  }
0x128: {  	[spmem:s18] =	stream.linear.scatter [tilespmem:s5], [sflag:$0x1], $0x40, $0x38;
	[tilespmem:$0x1EF88] =	vst v63  }
0x129: {  	_ =	swait.ge [sflag:s13], $0x40  }
0x12a: {  	[sflag:s13] =	ssyncset.done $0x0  }
0x12b: {  	[sflag:s13] =	ssyncadd.s32 $0xFFFFFFC0  }
.LBB2_19:
0x12c: {  	s7 =	sshll.u32 s0, $0x8  }
0x12d: {  	s7 =	sshra.s32 s7, $0x2  }
0x12e: {  	v1 =	vld [tilespmem:s7+$0x50C8];
	_ =	sdelay $0x4  }
0x12f: {  	[tilespmem:s5+$0x88] =	vst.add.f32.msk $0xffff, v1  }
0x130: {  	v1 =	vld [tilespmem:s7+$0x50D8];
	_ =	sdelay $0x4  }
0x131: {  	[tilespmem:s5+$0x98] =	vst.add.f32.msk $0xffff, v1  }
0x132: {  	v1 =	vld [tilespmem:s7+$0x50E8];
	_ =	sdelay $0x4  }
0x133: {  	[tilespmem:s5+$0xA8] =	vst.add.f32.msk $0xffff, v1  }
0x134: {  	v1 =	vld [tilespmem:s7+$0x50F8];
	_ =	sdelay $0x2  }
0x135: {  	p2 =	sgt.u32 s29, $0x270F8  }
0x136: {  	s7 =	sand.u32 @!p2 $0x3FFF8, s29  }
0x137: {  	s8 =	sadd.s32 $0x88, s5;
	[tilespmem:s5+$0xB8] =	vst.add.f32.msk $0xffff, v1;
	s5 =	sadd.s32 @!p2 s1, s7;
	s7 =	sand.u32 @!p2 $0x7, s29  }
0x138: {  	[hbm4b:s5+s7] =	stream.linear.scatter @!p2 [tilespmem:s8], [sflag:$0xC], $0x40, $0x38;
	[tilespmem:$0x1EF88] =	vst v63  }
0x139: {  	s5 =	simm.s32 $0x0  }
0x13a: {  	s5 =	simm.s32 @!p2 $0x100  }
0x13b: {  	s3 =	sadd.s32 s5, s3  }
.LBB2_20:
0x13c: {  	s5 =	sadd.s32 $0x1, s26  }
0x13d: {  	s7 =	smulhi.u32 $0xCCCCCCCD, s5;
	_ =	sdelay $0x1  }
0x13e: {  	v1 =	vld [tilespmem:s30+$0xFFFFFFE0];
	s7 =	sshrl.u32 s7, $0x8  }
0x13f: {  	s7 =	smul.u32 $0x140, s7;
	_ =	sdelay $0x1  }
0x140: {  	s26 =	ssub.s32 s5, s7  }
0x141: {  	s5 =	sshll.u32 s26, $0x6  }
0x142: {  	[tilespmem:s5+$0x88] =	vst v1  }
0x143: {  	v1 =	vld [tilespmem:s30+$0xFFFFFFF0];
	_ =	sdelay $0x4  }
0x144: {  	[tilespmem:s5+$0x98] =	vst v1  }
0x145: {  	v1 =	vld [tilespmem:s30+$0x0];
	_ =	sdelay $0x4  }
0x146: {  	[tilespmem:s5+$0xA8] =	vst v1  }
0x147: {  	v1 =	vld [tilespmem:s30+$0x10]  }
.Ltmp17:
0x148: {  	_ = 	snop;
	(pc) =	sbr.rel .LBB2_21-.Ltmp17, $2  }
0x149: {  	_ =	sdelay $0x2  }
0x14a: {  	s0 =	sadd.s32 $0x1, s0;
	[tilespmem:s5+$0xB8] =	vst v1  }
.LBB2_23:
.Ltmp18:
0x14b: {  	(pc) =	sbr.rel .LBB2_24-.Ltmp18, $4  }
0x14c: {  	_ = 	snop  }
0x14d: {  	s0 =	simm.s32 $0x2  }
0x14e: {  	_ =	swait.ge [sflag:s0], $0x0  }
0x14f: {  	s2 =	smov.u32 s29;
	[sflag:s0] =	ssyncset.done $0x0;
	s0 =	simm.s32 $0x0  }
.LBB2_26:
0x150: {  	_ =	sfence.sel $0x180000  }
0x151: {  	s0 =	simm.s32 $0x9;
	[bflag:$0x0] =	sbarrier.arrive $0xFFFF  }
0x152: {  	s24 =	simm.s32 $0xA;
	[sflag:s0] =	ssyncpa.u1 $0x1  }
0x153: {  	s25 =	simm.s32 $0xB;
	[sflag:s24] =	ssyncpa.u1 $0x1  }
0x154: {  	s26 =	simm.s32 $0x2;
	[sflag:s25] =	ssyncpa.u1 $0x1  }
0x155: {  	[sflag:s26] =	ssyncpa.u1 $0x1  }
0x156: {  	v0 =	vld [tilespmem:$0xA108];
	_ =	sdelay $0x4  }
0x157: {  	(v2sf) =	vpush v0, $0x0  }
0x158: {  	(v2sf) =	vpush v0, $0x1;
	_ =	sdelay $0x1  }
0x159: {  	(v2sf) =	vpush v0, $0x2;
	_ =	sdelay $0xb  }
0x15a: {  	s0 =	spop (v2sf)  }
0x15b: {  	s2 =	spop (v2sf)  }
0x15c: {  	s3 =	smov.u32 s0;
	p0 =	sne.s32 s0, s2  }
0x15d: {  	s4 =	spop (v2sf);
	s3 =	simm.s32 @!p0 $0xFFFFFFFF  }
0x15e: {  	v2 =	vimm.s32 $0x1;
	v3 =	vlaneseq.u32;
	p0 =	seq.s32 s4, $0xFFFFFFFF;
	v1 =	vmov s3  }
0x15f: {  	s14 =	stileid.u32;
	v0 =	vperm.xlane v0, v2;
	p1 =	sne.s32 @!p0 s0, s2;
	v1 =	vperm.xlane v1, v3  }
0x160: {  	vm0 =	vcmask $0x3F04;
	s6 =	simm.s32 $0xA108;
	s0 =	simm.s32 @!p0 $0x1;
	p1 =	por !p1, p0  }
0x161: {  	s3 =	sshll.u32 s14, $0x1;
	s2 =	sshll.u32 @!p0 s4, $0x8;
	s0 =	simm.s32 @p1 $0x0;
	v0 =	vsel vm0, v1, v0  }
0x162: {  	s5 =	sor.u32 $0x800, s3;
	s2 =	sshra.s32 @!p0 s2, $0x2;
	s0 =	sor.u32 @!p0 s0, s3;
	[tilespmem:$0xA108] =	vst v0  }
0x163: {  	[spmem:s5] =	stream.linear.scatter [tilespmem:s6], [sflag:$0x1], $0x2, $0x38;
	[tilespmem:$0x1EF88] =	vst v63  }
0x164: {  	s2 =	sadd.s32 @!p0 $0x88, s2;
	s0 =	sshll.u32 @!p0 s0, $0x6  }
0x165: {  	[spmem:s0] =	stream.linear.scatter @!p0 [tilespmem:s2], [sflag:$0x1], $0x40, $0x38;
	[tilespmem:$0x1EF88] =	vst v63  }
0x166: {  	s0 =	simm.s32 @!p0 $0x42  }
0x167: {  	s28 =	simm.s32 $0x1;
	s0 =	simm.s32 @p0 $0x2  }
0x168: {  	_ =	swait.ge [sflag:s28], s0  }
0x169: {  	s0 =	ssub.s32 $0x0, s0;
	[sflag:s28] =	ssyncset.done $0x0  }
0x16a: {  	p0 =	sne.s32 s14, $0x0;
	[sflag:s28] =	ssyncadd.s32 s0  }
.Ltmp19:
0x16b: {  	_ =	sfence.stream.spmem;
	(pc) =	sbr.rel @p0 .LBB2_43-.Ltmp19, $4  }
0x16c: {  	s29 =	simm.s32 $0x3;
	[bflag:$0x0] =	sbarrier.arrive $0xFFFF  }
0x16d: {  	s30 =	simm.s32 $0x4;
	[sflag:s29] =	ssyncpa.u1 $0x1  }
0x16e: {  	s31 =	simm.s32 $0x3C;
	[sflag:s30] =	ssyncpa.u1 $0x1  }
0x16f: {  	s13 =	rddreg [dreg:$0x4];
	[sflag:s31] =	ssyncpa.u1 $0x1  }
0x170: {  	_ =	sfence.stream.spmem;
	s0 =	simm.s32 $0x5  }
0x171: {  	s2 =	simm.s32 $0x800;
	s3 =	simm.s32 $0xA118;
	[sflag:s0] =	ssyncpa.u1 $0x0  }
0x172: {  	[tilespmem:s3], [sflag:$0x5] =	stream.linear.gather [spmem:s2], $0x20, $0x38;
	[tilespmem:$0x1EF88] =	vst v63  }
0x173: {  	s26 =	simm.s32 $0x0;
	s28 =	simm.s32 $0xA138  }
0x174: {  	[tilespmem:s28], [sflag:$0x5] =	stream.linear.gather [spmem:s26], $0x800, $0x38;
	[tilespmem:$0x1EF88] =	vst v63  }
0x175: {  	_ =	swait.ge [sflag:s0], $0x820  }
0x176: {  	[sflag:s0] =	ssyncset.done $0x0  }
0x177: {  	s29 =	simm.s32 $0x0;
	[sflag:s0] =	ssyncadd.s32 $0xFFFFF7E0  }
0x178: {  	v0 =	vld.msk [tilespmem:s29+$0xA118], $0x1;
	_ =	sdelay $0x1  }
0x179: {  	s30 =	simm.s32 $0x1  }
0x17a: {  	v1 =	vld.msk [tilespmem:s30+$0xA118], $0x1;
	_ =	sdelay $0x1  }
0x17b: {  	(v2sf) =	vpush v0, $0x0;
	_ =	sdelay $0x2  }
0x17c: {  	(v2sf) =	vpush v1, $0x0;
	_ =	sdelay $0x2  }
0x17d: {  	s31 =	simm.s32 $0x2  }
0x17e: {  	v0 =	vld.msk [tilespmem:s31+$0xA118], $0x1;
	_ =	sdelay $0x2  }
0x17f: {  	s2 =	simm.s32 $0xFFFFFFFF;
	s3 =	simm.s32 $0xFFFFFFFF;
	s0 =	simm.s32 $0xC  }
.LBB2_28:
0x180: {  	s4 =	smov.u32 s3;
	s5 =	smov.u32 s2  }
0x181: {  	s2 =	sshra.s32 s0, $0x2;
	p1 =	sne.s32 s0, $0x7C;
	s0 =	sadd.s32 $0x4, s0;
	(v2sf) =	vpush v0, $0x0  }
0x182: {  	v0 =	vld.msk [tilespmem:s2+$0xA118], $0x1  }
.Ltmp20:
0x183: {  	(pc) =	sbr.rel @p1 .LBB2_28-.Ltmp20, $4  }
0x184: {  	s3 =	spop (v2sf)  }
0x185: {  	p2 =	sne.s32 s5, $0xFFFFFFFF;
	s2 =	smov.u32 s3  }
0x186: {  	p3 =	seq.s32 s3, $0xFFFFFFFF;
	s2 =	smov.u32 @p2 s5  }
0x187: {  	s3 =	smov.u32 @p3 s4;
	s2 =	smov.u32 @p3 s5  }
0x188: {  	(v2sf) =	vpush v0, $0x0;
	_ =	sdelay $0x8  }
0x189: {  	s0 =	spop (v2sf)  }
0x18a: {  	p1 =	sne.s32 s2, $0xFFFFFFFF;
	s4 =	smov.u32 s0  }
0x18b: {  	s6 =	simm.s32 $0x0;
	p2 =	seq.s32 s0, $0xFFFFFFFF;
	s4 =	smov.u32 @p1 s2  }
0x18c: {  	s9 =	simm.s32 $0xA0C8;
	s4 =	smov.u32 @p2 s2;
	s2 =	spop (v2sf)  }
0x18d: {  	s0 =	smov.u32 @p2 s3;
	p1 =	sne.s32 s4, $0xFFFFFFFF;
	s5 =	smov.u32 s2  }
.Ltmp21:
0x18e: {  	p2 =	seq.s32 s2, $0xFFFFFFFF;
	s5 =	smov.u32 @p1 s4;
	(pc) =	sbr.rel .LBB2_30-.Ltmp21, $4  }
0x18f: {  	s10 =	simm.s32 $0x0;
	s5 =	smov.u32 @p2 s4;
	s7 =	spop (v2sf)  }
0x190: {  	s2 =	smov.u32 @p2 s0;
	p1 =	sne.s32 s5, $0xFFFFFFFF;
	s8 =	smov.u32 s7  }
0x191: {  	s0 =	simm.s32 $0x6;
	p2 =	seq.s32 s7, $0xFFFFFFFF;
	s8 =	smov.u32 @p1 s5  }
0x192: {  	[sflag:s0] =	ssyncpa.u1 $0x0;
	s7 =	smov.u32 @p2 s2;
	s8 =	smov.u32 @p2 s5  }
.LBB2_36:
0x193: {  	p1 =	sgt.u32 s2, $0x270F8  }
0x194: {  	p2 =	seq.s32 @!p1 s2, s8  }
0x195: {  	p1 =	por p1, p2  }
0x196: {  	p2 =	sne.s32 @!p1 s2, s7  }
0x197: {  	p1 =	por p1, !p2  }
0x198: {  	s2 =	sshll.u32 @p1 s10, $0x8  }
0x199: {  	s3 =	sand.u32 @!p1 $0x3FFF8, s2  }
0x19a: {  	s2 =	sand.u32 @!p1 $0x7, s2;
	s3 =	sadd.s32 @!p1 s1, s3  }
0x19b: {  	[tilespmem:s9], [sflag:$0x6] =	stream.linear.gather @!p1 [hbm4b:s3+s2], $0x40, $0x38;
	[tilespmem:$0x1EF88] =	vst v63  }
0x19c: {  	_ =	swait.ge @!p1 [sflag:s0], $0x40  }
0x19d: {  	[sflag:s0] =	ssyncset.done @!p1 $0x0  }
0x19e: {  	[sflag:s0] =	ssyncadd.s32 @!p1 $0xFFFFFFC0  }
0x19f: {  	v1 =	vld @!p1 [tilespmem:$0xA0C8];
	_ =	sdelay $0x2  }
0x1a0: {  	s2 =	sshll.u32 @!p1 s10, $0x8  }
0x1a1: {  	s3 =	sshrl.u32 @!p1 s2, $0x2  }
0x1a2: {  	[tilespmem:s3+$0xA138] =	vst.add.f32.msk @!p1 $0xffff, v1  }
0x1a3: {  	v1 =	vld @!p1 [tilespmem:$0xA0D8];
	_ =	sdelay $0x4  }
0x1a4: {  	[tilespmem:s3+$0xA148] =	vst.add.f32.msk @!p1 $0xffff, v1  }
0x1a5: {  	v1 =	vld @!p1 [tilespmem:$0xA0E8];
	_ =	sdelay $0x4  }
0x1a6: {  	[tilespmem:s3+$0xA158] =	vst.add.f32.msk @!p1 $0xffff, v1  }
0x1a7: {  	v1 =	vld @!p1 [tilespmem:$0xA0F8];
	_ =	sdelay $0x4  }
0x1a8: {  	[tilespmem:s3+$0xA168] =	vst.add.f32.msk @!p1 $0xffff, v1  }
0x1a9: {  	s2 =	sshrl.u32 s2, $0x2;
	[tilespmem:s6+$0xA118] =	vst.msk $0x1, v0  }
0x1aa: {  	v0 =	vld [tilespmem:s2+$0xA138];
	_ =	sdelay $0x2  }
0x1ab: {  	s31 =	sshll.u32 s6, $0x8  }
0x1ac: {  	s3 =	sshra.s32 s31, $0x2  }
0x1ad: {  	[tilespmem:s3+$0xA138] =	vst v0  }
0x1ae: {  	v0 =	vld [tilespmem:s2+$0xA148];
	_ =	sdelay $0x4  }
0x1af: {  	[tilespmem:s3+$0xA148] =	vst v0  }
0x1b0: {  	v0 =	vld [tilespmem:s2+$0xA158];
	_ =	sdelay $0x4  }
0x1b1: {  	[tilespmem:s3+$0xA158] =	vst v0  }
0x1b2: {  	v0 =	vld [tilespmem:s2+$0xA168];
	_ =	sdelay $0x4  }
0x1b3: {  	s6 =	sadd.s32 $0x1, s6;
	[tilespmem:s3+$0xA168] =	vst v0  }
.LBB2_37:
0x1b4: {  	s10 =	sadd.s32 $0x1, s10  }
0x1b5: {  	p1 =	sne.s32 s10, $0x20  }
.Ltmp22:
0x1b6: {  	_ = 	snop;
	(pc) =	sbr.rel @!p1 .LBB2_38-.Ltmp22, $1  }
0x1b7: {  	_ =	sdelay $0x3  }
.LBB2_30:
0x1b8: {  	v0 =	vld.msk [tilespmem:s10+$0xA118], $0x1;
	_ =	sdelay $0x4  }
0x1b9: {  	(v2sf) =	vpush v0, $0x0;
	_ =	sdelay $0xe  }
0x1ba: {  	s2 =	spop (v2sf)  }
0x1bb: {  	p1 =	seq.s32 s2, $0xFFFFFFFF  }
.Ltmp23:
0x1bc: {  	_ = 	snop;
	(pc) =	sbr.rel @p1 .LBB2_37-.Ltmp23, $1  }
0x1bd: {  	_ =	sdelay $0x3  }
0x1be: {  	p1 =	slt.s32 s6, $0x1  }
.Ltmp24:
0x1bf: {  	_ = 	snop;
	(pc) =	sbr.rel @p1 .LBB2_36-.Ltmp24, $1  }
0x1c0: {  	_ =	sdelay $0x3  }
0x1c1: {  	s3 =	simm.s32 $0xA118;
	p1 =	por $0x0, $0x0  }
0x1c2: {  	v1 =	vld.msk @!p1 [tilespmem:s3+$0x0], $0x1;
	_ =	sdelay $0x4  }
0x1c3: {  	(v2sf) =	vpush @!p1 v1, $0x0;
	_ =	sdelay $0xd  }
0x1c4: {  	p3 =	sne.s32 s6, $0x1  }
.Ltmp25:
0x1c5: {  	s4 =	spop @!p1 (v2sf);
	(pc) =	sbr.rel @!p3 .LBB2_34-.Ltmp25, $4  }
0x1c6: {  	p2 =	seq.s32 @!p1 s2, s4  }
0x1c7: {  	s4 =	simm.s32 $0x0;
	p2 =	por !p2, p1  }
0x1c8: {  	s11 =	simm.s32 $0xFFFFFFFF;
	s4 =	simm.s32 @p2 $0xFFFFFFFF  }
0x1c9: {  	s5 =	simm.s32 $0x1;
	s4 =	smov.u32 @p1 s11  }
.LBB2_33:
0x1ca: {  	s11 =	smov.u32 s4;
	p1 =	sne.s32 s4, $0xFFFFFFFF  }
0x1cb: {  	s3 =	sadd.s32 $0x1, s3;
	s4 =	smov.u32 s5;
	s5 =	sadd.s32 $0x1, s5  }
0x1cc: {  	p2 =	sne.s32 s6, s5;
	v1 =	vld.msk @!p1 [tilespmem:s3+$0x0], $0x1;
	_ =	sdelay $0x4  }
0x1cd: {  	(v2sf) =	vpush @!p1 v1, $0x0;
	_ =	sdelay $0xe  }
.Ltmp26:
0x1ce: {  	s12 =	spop @!p1 (v2sf);
	(pc) =	sbr.rel @p2 .LBB2_33-.Ltmp26, $4  }
0x1cf: {  	p3 =	seq.s32 @!p1 s2, s12  }
0x1d0: {  	p3 =	por !p3, p1  }
0x1d1: {  	s4 =	simm.s32 @p3 $0xFFFFFFFF  }
0x1d2: {  	s4 =	smov.u32 @p1 s11  }
.LBB2_34:
0x1d3: {  	p1 =	seq.s32 s4, $0xFFFFFFFF  }
.Ltmp27:
0x1d4: {  	_ = 	snop;
	(pc) =	sbr.rel @p1 .LBB2_36-.Ltmp27, $1  }
0x1d5: {  	_ =	sdelay $0x3  }
0x1d6: {  	s2 =	sshll.u32 s10, $0x6  }
0x1d7: {  	s2 =	sand.u32 $0x3FFFFFC0, s2  }
0x1d8: {  	v0 =	vld [tilespmem:s2+$0xA138];
	_ =	sdelay $0x2  }
0x1d9: {  	s3 =	sshll.u32 s4, $0x8  }
0x1da: {  	s3 =	sshra.s32 s3, $0x2  }
0x1db: {  	[tilespmem:s3+$0xA138] =	vst.add.f32.msk $0xffff, v0  }
0x1dc: {  	v0 =	vld [tilespmem:s2+$0xA148];
	_ =	sdelay $0x4  }
0x1dd: {  	[tilespmem:s3+$0xA148] =	vst.add.f32.msk $0xffff, v0  }
0x1de: {  	v0 =	vld [tilespmem:s2+$0xA158];
	_ =	sdelay $0x4  }
0x1df: {  	[tilespmem:s3+$0xA158] =	vst.add.f32.msk $0xffff, v0  }
0x1e0: {  	v0 =	vld [tilespmem:s2+$0xA168]  }
.Ltmp28:
0x1e1: {  	_ = 	snop;
	(pc) =	sbr.rel .LBB2_37-.Ltmp28, $2  }
0x1e2: {  	_ =	sdelay $0x2  }
0x1e3: {  	[tilespmem:s3+$0xA168] =	vst.add.f32.msk $0xffff, v0  }
.LBB2_38:
0x1e4: {  	s0 =	simm.s32 $0x6;
	p1 =	seq.s32 s6, $0x0  }
0x1e5: {  	[sflag:s0] =	ssyncpa.u1 $0x1;
	v0 =	vimm.s32 @p1 $0xFFFFFFFF  }
0x1e6: {  	s0 =	sadd.s32 $0xFFFFFFFF, s6;
	[tilespmem:$0xA938] =	vst @p1 v0  }
0x1e7: {  	v0 =	vld.msk @!p1 [tilespmem:s0+$0xA118], $0x1;
	_ =	sdelay $0x1  }
0x1e8: {  	v1 =	vld.msk @!p1 [tilespmem:$0xA118], $0x1;
	_ =	sdelay $0x2  }
0x1e9: {  	p2 =	seq.s32 @!p1 s0, $0x0;
	v0 =	vbroadcast @!p1 v0, $0x0  }
0x1ea: {  	vm0 =	vmmov @!p1 $0x1;
	p2 =	por !p2, p1  }
0x1eb: {  	v1 =	vnsel @!p1 vm0, $0xFFFFFFFF, v1;
	vm0 =	vcmask @!p1 $0x308;
	v0 =	vpsel !p2, $0xFFFFFFFF, v0  }
0x1ec: {  	p2 =	sne.s32 @!p1 s8, s7;
	v0 =	vsel @!p1 vm0, v1, v0  }
0x1ed: {  	s2 =	simm.s32 @!p1 $0xA138;
	s3 =	simm.s32 @!p1 $0x0;
	p3 =	por !p2, p1;
	[tilespmem:$0xA938] =	vst @!p1 v0  }
0x1ee: {  	[spmem:s3] =	stream.linear.scatter @!p1 [tilespmem:s2], [sflag:$0x1], $0x40, $0x38;
	[tilespmem:$0x1EF88] =	vst v63  }
0x1ef: {  	s2 =	sshll.u32 @!p3 s0, $0x8  }
0x1f0: {  	s2 =	sshra.s32 @!p3 s2, $0x2  }
0x1f1: {  	s3 =	simm.s32 @!p3 $0x40;
	s2 =	sadd.s32 @!p3 $0xA138, s2  }
0x1f2: {  	[spmem:s3] =	stream.linear.scatter @!p3 [tilespmem:s2], [sflag:$0x1], $0x40, $0x38;
	[tilespmem:$0x1EF88] =	vst v63  }
0x1f3: {  	s2 =	simm.s32 @!p3 $0x1  }
0x1f4: {  	_ =	swait.ge @!p3 [sflag:s2], $0x80  }
0x1f5: {  	p1 =	por p2, p1;
	[sflag:s2] =	ssyncset.done @!p3 $0x0  }
0x1f6: {  	[sflag:s2] =	ssyncadd.s32 @!p3 $0xFFFFFF80;
	s2 =	simm.s32 @!p1 $0x1  }
0x1f7: {  	_ =	swait.ge @!p1 [sflag:s2], $0x40  }
0x1f8: {  	s29 =	simm.s32 $0xA938;
	[sflag:s2] =	ssyncset.done @!p1 $0x0  }
0x1f9: {  	s30 =	simm.s32 $0x800;
	s31 =	simm.s32 $0x1;
	[sflag:s2] =	ssyncadd.s32 @!p1 $0xFFFFFFC0  }
0x1fa: {  	[spmem:s30] =	stream.linear.scatter [tilespmem:s29], [sflag:$0x1], $0x10, $0x38;
	[tilespmem:$0x1EF88] =	vst v63  }
0x1fb: {  	_ =	swait.ge [sflag:s31], $0x10  }
0x1fc: {  	[sflag:s31] =	ssyncset.done $0x0  }
0x1fd: {  	p1 =	seq.s32 s13, $0x0;
	s9 =	rddreg [dreg:$0x1];
	[sflag:s31] =	ssyncadd.s32 $0xFFFFFFF0  }
0x1fe: {  	s3 =	sshll.u32 @p1 s9, $0xE;
	s8 =	rddreg [dreg:$0x2]  }
0x1ff: {  	s2 =	sadd.s32 @p1 $0x15C3C, s3;
	s3 =	sshll.u32 @p1 s8, $0x11  }
0x200: {  	_ =	sfence.stream.spmem;
	s2 =	sor.u32 @p1 s3, s2  }
0x201: {  	[sflag:s2] =	ssyncadd.remote.s32 @p1 $0x1;
	s2 =	simm.s32 @p1 $0x4  }
0x202: {  	s4 =	simm.s32 @!p1 $0x3C;
	s3 =	sand.u32 $0xFFFFFFFE, s9;
	_ =	swait.ge @p1 [sflag:s2], $0x12  }
0x203: {  	s5 =	simm.s32 @!p1 $0x0;
	s3 =	sadd.s32 @!p1 $0x4, s3;
	[sflag:s2] =	ssyncset.done @p1 $0x0  }
0x204: {  	s7 =	simm.s32 @!p1 $0x80;
	[sflag:s2] =	ssyncadd.s32 @p1 $0xFFFFFFEE;
	s2 =	sshll.u32 @!p1 s3, $0x1A  }
0x205: {  	s3 =	sshll.u32 @!p1 s3, $0xD;
	s2 =	sor.u32 @!p1 s2, s8;
	_ =	swait.eq @!p1 [sflag:s4], $0x1  }
0x206: {  	s3 =	sor.u32 @!p1 $0x1C04, s3;
	s4 =	simm.s32 @!p1 $0x1C03;
	s2 =	sor.u32 @!p1 $0x80004000, s2  }
0x207: {  	[spmem:s7], [sflag:s3] =	dma.general @!p1 [spmem:s5], [sflag:s4], length:$0x10, [dreg:$0x0], stride_count:$0x0, ici_dest:s2, dma_misc:DstOpCode:WRITE  }
0x208: {  	p2 =	slt.s32 s0, $0x2;
	s5 =	simm.s32 @!p1 $0x100;
	s7 =	simm.s32 @!p1 $0x102  }
0x209: {  	[spmem:s7], [sflag:s3] =	dma.general @!p1 [spmem:s5], [sflag:s4], length:$0x2, [dreg:$0x0], stride_count:$0x0, ici_dest:s2, dma_misc:DstOpCode:WRITE  }
.Ltmp29:
0x20a: {  	s2 =	simm.s32 @!p1 $0x3;
	(pc) =	sbr.rel @p2 .LBB2_42-.Ltmp29, $4  }
0x20b: {  	s3 =	sshll.u32 @!p1 s9, $0xE;
	_ =	swait.ge @!p1 [sflag:s2], $0x12  }
0x20c: {  	s4 =	sshll.u32 @!p1 s8, $0x11;
	s3 =	sadd.s32 @!p1 $0x11C3C, s3;
	[sflag:s2] =	ssyncset.done @!p1 $0x0  }
0x20d: {  	[sflag:s2] =	ssyncadd.s32 @!p1 $0xFFFFFFEE;
	s2 =	sor.u32 @!p1 s4, s3  }
0x20e: {  	s0 =	simm.s32 $0x0;
	[sflag:s2] =	ssyncadd.remote.s32 @!p1 $0xFFFFFFFF  }
0x20f: {  	s0 =	simm.s32 $0xA119  }
0x210: {  	v0 =	vld.msk [tilespmem:s0+$0x0], $0x1;
	_ =	sdelay $0x4  }
0x211: {  	(v2sf) =	vpush v0, $0x0;
	_ =	sdelay $0xc  }
0x212: {  	s2 =	sadd.s32 $0xFFFFFFFE, s6  }
0x213: {  	s2 =	sadd.s32 $0xFFFFFFFF, s2  }
0x214: {  	p2 =	sne.s32 s2, $0x0;
	s3 =	spop (v2sf)  }
.Ltmp30:
0x215: {  	p1 =	sgt.u32 s3, $0x270F8;
	(pc) =	sbr.rel @!p2 .LBB2_41-.Ltmp30, $4  }
0x216: {  	s5 =	simm.s32 $0x0;
	s4 =	sand.u32 @!p1 $0x3FFF8, s3  }
0x217: {  	s0 =	simm.s32 $0xA178;
	s3 =	sand.u32 @!p1 $0x7, s3;
	s4 =	sadd.s32 @!p1 s1, s4  }
0x218: {  	[hbm4b:s4+s3] =	stream.linear.scatter @!p1 [tilespmem:s0], [sflag:$0x5], $0x40, $0x38;
	[tilespmem:$0x1EF88] =	vst v63  }
0x219: {  	s5 =	simm.s32 @!p1 $0x100;
	s3 =	simm.s32 $0x0;
	s4 =	simm.s32 $0xA11A  }
.LBB2_40:
0x21a: {  	v0 =	vld.msk [tilespmem:s4+$0x0], $0x1;
	s2 =	sadd.s32 $0xFFFFFFFF, s2;
	s3 =	sadd.s32 s3, s5  }
0x21b: {  	p1 =	sne.s32 s2, $0x0;
	_ =	sdelay $0x3  }
0x21c: {  	(v2sf) =	vpush v0, $0x0;
	_ =	sdelay $0xe  }
.Ltmp31:
0x21d: {  	s6 =	spop (v2sf);
	(pc) =	sbr.rel @p1 .LBB2_40-.Ltmp31, $4  }
0x21e: {  	s5 =	simm.s32 $0x0;
	p2 =	sgt.u32 s6, $0x270F8  }
0x21f: {  	s0 =	sadd.s32 $0x40, s0;
	s5 =	simm.s32 @!p2 $0x100;
	s7 =	sand.u32 @!p2 $0x3FFF8, s6  }
0x220: {  	s4 =	sadd.s32 $0x1, s4;
	s6 =	sand.u32 @!p2 $0x7, s6;
	s7 =	sadd.s32 @!p2 s1, s7  }
0x221: {  	[hbm4b:s7+s6] =	stream.linear.scatter @!p2 [tilespmem:s0], [sflag:$0x5], $0x40, $0x38;
	[tilespmem:$0x1EF88] =	vst v63  }
.LBB2_41:
0x222: {  	s0 =	sadd.s32 s3, s5  }
0x223: {  	s0 =	sshrl.u32 s0, $0x2  }
.LBB2_42:
0x224: {  	s2 =	simm.s32 $0x5  }
0x225: {  	_ =	swait.ge [sflag:s2], s0  }
0x226: {  	s31 =	ssub.s32 $0x0, s0;
	[sflag:s2] =	ssyncset.done $0x0  }
0x227: {  	[sflag:s2] =	ssyncadd.s32 s31  }
0x228: {  	[sflag:s2] =	ssyncpa.u1 $0x1  }
.LBB2_43:
0x229: {  	s0 =	sor.u32 s13, s14  }
0x22a: {  	p1 =	sne.s32 s0, $0x0  }
.Ltmp32:
0x22b: {  	_ = 	snop;
	(pc) =	sbr.rel @p1 .LBB2_58-.Ltmp32, $3  }
0x22c: {  	_ =	sdelay $0x1  }
0x22d: {  	[bflag:$0x0] =	sbarrier.arrive $0xFFFF  }
0x22e: {  	_ =	sfence  }
0x22f: {  	s2 =	simm.s32 $0x7  }
0x230: {  	s0 =	simm.s32 $0x800;
	s3 =	simm.s32 $0xA118;
	[sflag:s2] =	ssyncpa.u1 $0x0  }
0x231: {  	[tilespmem:s3], [sflag:$0x7] =	stream.linear.gather [spmem:s0], $0x20, $0x38;
	[tilespmem:$0x1EF88] =	vst v63  }
0x232: {  	s30 =	simm.s32 $0xA138;
	s0 =	simm.s32 $0x0  }
0x233: {  	[tilespmem:s30], [sflag:$0x7] =	stream.linear.gather [spmem:s0], $0x800, $0x38;
	[tilespmem:$0x1EF88] =	vst v63  }
.Ltmp33:
0x234: {  	_ = 	snop;
	(pc) =	sbr.rel .LBB2_45-.Ltmp33, $4  }
0x235: {  	_ =	swait.ge [sflag:s2], $0x820  }
0x236: {  	[sflag:s2] =	ssyncset.done $0x0  }
0x237: {  	s31 =	simm.s32 $0x8;
	[sflag:s2] =	ssyncadd.s32 $0xFFFFF7E0  }
0x238: {  	s2 =	simm.s32 $0x0;
	[sflag:s31] =	ssyncpa.u1 $0x0  }
.LBB2_51:
0x239: {  	p1 =	slt.u32 s3, $0x270F9  }
0x23a: {  	s4 =	sand.u32 @p1 $0x3FFF8, s3  }
0x23b: {  	s3 =	sand.u32 @p1 $0x7, s3;
	s5 =	simm.s32 @p1 $0xA0C8;
	s4 =	sadd.s32 @p1 s1, s4  }
0x23c: {  	[tilespmem:s5], [sflag:$0x8] =	stream.linear.gather @p1 [hbm4b:s4+s3], $0x40, $0x38;
	[tilespmem:$0x1EF88] =	vst v63  }
0x23d: {  	s3 =	simm.s32 @p1 $0x8  }
0x23e: {  	_ =	swait.ge @p1 [sflag:s3], $0x40  }
0x23f: {  	[sflag:s3] =	ssyncset.done @p1 $0x0  }
0x240: {  	[sflag:s3] =	ssyncadd.s32 @p1 $0xFFFFFFC0  }
0x241: {  	v1 =	vld @p1 [tilespmem:$0xA0C8];
	_ =	sdelay $0x2  }
0x242: {  	s3 =	sshll.u32 @p1 s2, $0x8  }
0x243: {  	s4 =	sshrl.u32 @p1 s3, $0x2  }
0x244: {  	[tilespmem:s4+$0xA138] =	vst.add.f32.msk @p1 $0xffff, v1  }
0x245: {  	v1 =	vld @p1 [tilespmem:$0xA0D8];
	_ =	sdelay $0x4  }
0x246: {  	[tilespmem:s4+$0xA148] =	vst.add.f32.msk @p1 $0xffff, v1  }
0x247: {  	v1 =	vld @p1 [tilespmem:$0xA0E8];
	_ =	sdelay $0x4  }
0x248: {  	[tilespmem:s4+$0xA158] =	vst.add.f32.msk @p1 $0xffff, v1  }
0x249: {  	v1 =	vld @p1 [tilespmem:$0xA0F8];
	_ =	sdelay $0x3  }
0x24a: {  	s5 =	sshll.u32 @!p1 s2, $0x8  }
0x24b: {  	s5 =	smov.u32 @p1 s3;
	[tilespmem:s4+$0xA168] =	vst.add.f32.msk @p1 $0xffff, v1  }
0x24c: {  	s3 =	sshrl.u32 s5, $0x2;
	[tilespmem:s0+$0xA118] =	vst.msk $0x1, v0  }
0x24d: {  	v0 =	vld [tilespmem:s3+$0xA138];
	_ =	sdelay $0x2  }
0x24e: {  	s31 =	sshll.u32 s0, $0x8  }
0x24f: {  	s4 =	sshra.s32 s31, $0x2  }
0x250: {  	[tilespmem:s4+$0xA138] =	vst v0  }
0x251: {  	v0 =	vld [tilespmem:s3+$0xA148];
	_ =	sdelay $0x4  }
0x252: {  	[tilespmem:s4+$0xA148] =	vst v0  }
0x253: {  	v0 =	vld [tilespmem:s3+$0xA158];
	_ =	sdelay $0x4  }
0x254: {  	[tilespmem:s4+$0xA158] =	vst v0  }
0x255: {  	v0 =	vld [tilespmem:s3+$0xA168];
	_ =	sdelay $0x4  }
0x256: {  	s0 =	sadd.s32 $0x1, s0;
	[tilespmem:s4+$0xA168] =	vst v0  }
.LBB2_52:
0x257: {  	s2 =	sadd.s32 $0x1, s2  }
0x258: {  	p1 =	sne.s32 s2, $0x20  }
.Ltmp34:
0x259: {  	_ = 	snop;
	(pc) =	sbr.rel @!p1 .LBB2_53-.Ltmp34, $1  }
0x25a: {  	_ =	sdelay $0x3  }
.LBB2_45:
0x25b: {  	v0 =	vld.msk [tilespmem:s2+$0xA118], $0x1;
	_ =	sdelay $0x4  }
0x25c: {  	(v2sf) =	vpush v0, $0x0;
	_ =	sdelay $0xe  }
0x25d: {  	s3 =	spop (v2sf)  }
0x25e: {  	p1 =	seq.s32 s3, $0xFFFFFFFF  }
.Ltmp35:
0x25f: {  	_ = 	snop;
	(pc) =	sbr.rel @p1 .LBB2_52-.Ltmp35, $1  }
0x260: {  	_ =	sdelay $0x3  }
0x261: {  	p1 =	slt.s32 s0, $0x1  }
.Ltmp36:
0x262: {  	_ = 	snop;
	(pc) =	sbr.rel @p1 .LBB2_51-.Ltmp36, $1  }
0x263: {  	_ =	sdelay $0x3  }
0x264: {  	s4 =	simm.s32 $0xA118;
	p1 =	por $0x0, $0x0  }
0x265: {  	v1 =	vld.msk @!p1 [tilespmem:s4+$0x0], $0x1;
	_ =	sdelay $0x4  }
0x266: {  	(v2sf) =	vpush @!p1 v1, $0x0;
	_ =	sdelay $0xd  }
0x267: {  	p3 =	sne.s32 s0, $0x1  }
.Ltmp37:
0x268: {  	s5 =	spop @!p1 (v2sf);
	(pc) =	sbr.rel @!p3 .LBB2_49-.Ltmp37, $4  }
0x269: {  	p2 =	seq.s32 @!p1 s3, s5  }
0x26a: {  	s5 =	simm.s32 $0x0;
	p2 =	por !p2, p1  }
0x26b: {  	s7 =	simm.s32 $0xFFFFFFFF;
	s5 =	simm.s32 @p2 $0xFFFFFFFF  }
0x26c: {  	s6 =	simm.s32 $0x1;
	s5 =	smov.u32 @p1 s7  }
.LBB2_48:
0x26d: {  	s7 =	smov.u32 s5;
	p1 =	sne.s32 s5, $0xFFFFFFFF  }
0x26e: {  	s4 =	sadd.s32 $0x1, s4;
	s5 =	smov.u32 s6;
	s6 =	sadd.s32 $0x1, s6  }
0x26f: {  	p2 =	sne.s32 s0, s6;
	v1 =	vld.msk @!p1 [tilespmem:s4+$0x0], $0x1;
	_ =	sdelay $0x4  }
0x270: {  	(v2sf) =	vpush @!p1 v1, $0x0;
	_ =	sdelay $0xe  }
.Ltmp38:
0x271: {  	s8 =	spop @!p1 (v2sf);
	(pc) =	sbr.rel @p2 .LBB2_48-.Ltmp38, $4  }
0x272: {  	p3 =	seq.s32 @!p1 s3, s8  }
0x273: {  	p3 =	por !p3, p1  }
0x274: {  	s5 =	simm.s32 @p3 $0xFFFFFFFF  }
0x275: {  	s5 =	smov.u32 @p1 s7  }
.LBB2_49:
0x276: {  	p1 =	seq.s32 s5, $0xFFFFFFFF  }
.Ltmp39:
0x277: {  	_ = 	snop;
	(pc) =	sbr.rel @p1 .LBB2_51-.Ltmp39, $1  }
0x278: {  	_ =	sdelay $0x3  }
0x279: {  	s3 =	sshll.u32 s2, $0x6  }
0x27a: {  	s3 =	sand.u32 $0x3FFFFFC0, s3  }
0x27b: {  	v0 =	vld [tilespmem:s3+$0xA138];
	_ =	sdelay $0x2  }
0x27c: {  	s4 =	sshll.u32 s5, $0x8  }
0x27d: {  	s4 =	sshra.s32 s4, $0x2  }
0x27e: {  	[tilespmem:s4+$0xA138] =	vst.add.f32.msk $0xffff, v0  }
0x27f: {  	v0 =	vld [tilespmem:s3+$0xA148];
	_ =	sdelay $0x4  }
0x280: {  	[tilespmem:s4+$0xA148] =	vst.add.f32.msk $0xffff, v0  }
0x281: {  	v0 =	vld [tilespmem:s3+$0xA158];
	_ =	sdelay $0x4  }
0x282: {  	[tilespmem:s4+$0xA158] =	vst.add.f32.msk $0xffff, v0  }
0x283: {  	v0 =	vld [tilespmem:s3+$0xA168]  }
.Ltmp40:
0x284: {  	_ = 	snop;
	(pc) =	sbr.rel .LBB2_52-.Ltmp40, $2  }
0x285: {  	_ =	sdelay $0x2  }
0x286: {  	[tilespmem:s4+$0xA168] =	vst.add.f32.msk $0xffff, v0  }
.LBB2_53:
0x287: {  	p1 =	slt.s32 s0, $0x1  }
.Ltmp41:
0x288: {  	_ = 	snop;
	(pc) =	sbr.rel @p1 .LBB2_57-.Ltmp41, $3  }
0x289: {  	_ =	sdelay $0x1  }
0x28a: {  	s2 =	simm.s32 $0x8  }
0x28b: {  	[sflag:s2] =	ssyncpa.u1 $0x1;
	s2 =	simm.s32 $0x0  }
0x28c: {  	s3 =	simm.s32 $0xA118  }
0x28d: {  	v0 =	vld.msk [tilespmem:s3+$0x0], $0x1;
	_ =	sdelay $0x4  }
0x28e: {  	(v2sf) =	vpush v0, $0x0;
	_ =	sdelay $0xe  }
0x28f: {  	s0 =	sadd.s32 $0xFFFFFFFF, s0;
	s4 =	spop (v2sf)  }
0x290: {  	p2 =	sne.s32 s0, $0x0;
	p1 =	sgt.u32 s4, $0x270F8  }
.Ltmp42:
0x291: {  	s5 =	sand.u32 @!p1 $0x3FFF8, s4;
	(pc) =	sbr.rel @!p2 .LBB2_56-.Ltmp42, $4  }
0x292: {  	s3 =	simm.s32 $0xA138;
	s4 =	sand.u32 @!p1 $0x7, s4;
	s5 =	sadd.s32 @!p1 s1, s5  }
0x293: {  	[hbm4b:s5+s4] =	stream.linear.scatter @!p1 [tilespmem:s3], [sflag:$0x7], $0x40, $0x38;
	[tilespmem:$0x1EF88] =	vst v63  }
0x294: {  	s5 =	simm.s32 $0x0  }
0x295: {  	s4 =	simm.s32 $0xA119;
	s5 =	simm.s32 @!p1 $0x100  }
.LBB2_55:
0x296: {  	v0 =	vld.msk [tilespmem:s4+$0x0], $0x1;
	s0 =	sadd.s32 $0xFFFFFFFF, s0;
	s2 =	sadd.s32 s2, s5  }
0x297: {  	p1 =	sne.s32 s0, $0x0;
	_ =	sdelay $0x3  }
0x298: {  	(v2sf) =	vpush v0, $0x0;
	_ =	sdelay $0xe  }
.Ltmp43:
0x299: {  	s6 =	spop (v2sf);
	(pc) =	sbr.rel @p1 .LBB2_55-.Ltmp43, $4  }
0x29a: {  	s5 =	simm.s32 $0x0;
	p2 =	sgt.u32 s6, $0x270F8  }
0x29b: {  	s3 =	sadd.s32 $0x40, s3;
	s5 =	simm.s32 @!p2 $0x100;
	s7 =	sand.u32 @!p2 $0x3FFF8, s6  }
0x29c: {  	s4 =	sadd.s32 $0x1, s4;
	s6 =	sand.u32 @!p2 $0x7, s6;
	s7 =	sadd.s32 @!p2 s1, s7  }
0x29d: {  	[hbm4b:s7+s6] =	stream.linear.scatter @!p2 [tilespmem:s3], [sflag:$0x7], $0x40, $0x38;
	[tilespmem:$0x1EF88] =	vst v63  }
.LBB2_56:
0x29e: {  	s0 =	sadd.s32 s2, s5  }
0x29f: {  	s2 =	sshrl.u32 s0, $0x2  }
.LBB2_57:
0x2a0: {  	s0 =	simm.s32 $0x7  }
0x2a1: {  	_ =	swait.ge [sflag:s0], s2  }
0x2a2: {  	s1 =	ssub.s32 $0x0, s2;
	[sflag:s0] =	ssyncset.done $0x0  }
0x2a3: {  	[sflag:s0] =	ssyncadd.s32 s1  }
0x2a4: {  	[sflag:s0] =	ssyncpa.u1 $0x1  }
.LBB2_58:
0x2a5: {  	_ =	sfence;
	s0 =	simm.s32 $0x1  }
0x2a6: {  	[sflag:s0] =	ssyncpa.u1 $0x1  }
0x2a7: {  	_ =	strace $0x90000053  }
0x2a8: {  	[bflag:$0x2] =	sbarrier.arrive $0xFFFF  }
0x2a9: {  	s0 =	rddreg [dreg:$0x3]  }
0x2aa: {  	s0 =	sadd.s32 @!p0 $0x100000, s0  }
0x2ab: {  	[sflag:s0] =	ssyncadd.tile.s32 @!p0 $0x1;
	_ =	shalt  }
.Lfunc_end2:
_tile_overlayer_lowered:
.L_overlay_start_2:
0x2ac: {  	(tag) =	ssettag $0x2  }
0x2ad: {  	s0 =	rddreg [dreg:$0x0];
	s2 =	stileid.u32  }
0x2ae: {  	s1 =	rddreg [dreg:$0x1];
	p0 =	sne.s32 s2, $0x0  }
0x2af: {  	s3 =	rddreg [dreg:$0x2];
	[bflag:$0x3] =	sbarrier.arrive $0xFFFF;
	s2 =	simm.s32 @!p0 $0x1C01  }
0x2b0: {  	[timem:s3], [sflag:s2] =	dma.local @!p0 [hbm:s0], s1  }
0x2b1: {  	s0 =	simm.s32 @!p0 $0x1  }
0x2b2: {  	_ =	swait.ge @!p0 [sflag:s0], s1  }
0x2b3: {  	s1 =	ssub.s32 @!p0 $0x0, s1;
	[sflag:s0] =	ssyncset.done @!p0 $0x0  }
0x2b4: {  	[sflag:s0] =	ssyncadd.s32 @!p0 s1  }
0x2b5: {  	[bflag:$0x3] =	sbarrier.arrive $0xFFFF  }
0x2b6: {  	_ =	shalt  }

// kernel: scatter_offload_async_start.2
scs
__scs_entry_jumppad:
0x0: {  	(pc) =	sbr.rel $0x88, $3  }
0x1: {  	(tag) =	ssettag $0x0;
	lr =	simm.s32 $0x1  }
0x2: {  	[smem:$0x3F8E] =	sst lr;
	_ =	strace $0xD0000000  }
0x3: {  	_ = 	snop  }
0x4: {  	_ = 	snop  }
0x5: {  	_ = 	snop  }
0x6: {  	_ = 	snop  }
0x7: {  	_ = 	snop  }
__scs_overlays_trampoline_lowered:
0x8: {  	[smem:$0x3F9D] =	sst s0  }
0x9: {  	[smem:$0x3F9E] =	sst s1  }
0xa: {  	[smem:$0x3F9F] =	sst s2  }
0xb: {  	[smem:$0x3FA0] =	sst s3  }
0xc: {  	[smem:$0x3FA1] =	sst s4  }
0xd: {  	[smem:$0x3FA2] =	sst s5  }
0xe: {  	[smem:$0x3FA3] =	sst s6  }
0xf: {  	[smem:$0x3FA4] =	sst s7  }
0x10: {  	[smem:$0x3FA5] =	sst s8  }
0x11: {  	[smem:$0x3FA6] =	sst s9;
	s0 =	simm.s32 @!p0 $0x0  }
0x12: {  	s1 =	sld [smem:$0x3F8C];
	s0 =	simm.s32 @p0 $0x1  }
0x13: {  	[smem:$0x3FA7] =	sst s0;
	s0 =	simm.s32 @!p1 $0x0  }
0x14: {  	s2 =	sld [smem:$0x3F8B];
	s0 =	simm.s32 @p1 $0x1  }
0x15: {  	[smem:$0x3FA8] =	sst s0;
	s0 =	simm.s32 @!p2 $0x0  }
0x16: {  	s3 =	sld [smem:$0x3FDB];
	s0 =	simm.s32 @p2 $0x1  }
0x17: {  	s4 =	simm.s32 $0x1BF5;
	[smem:$0x3FAA] =	sst s0  }
0x18: {  	s0 =	sld [smem:$0x3F8D];
	_ =	swait.ge [sflag:s4], $0x0  }
0x19: {  	s7 =	sld [smem:$0x3F8E]  }
0x1a: {  	s8 =	sadd.s32 $0xFFFFE003, lr  }
0x1b: {  	s9 =	sadd.s32 $0xFFFFFEF7, lr;
	s5 =	simm.s32 $0xFFFFFFFF;
	p2 =	slt.u32 s8, $0xFFFFF086  }
0x1c: {  	p1 =	slt.u32 s9, $0xF7A;
	s5 =	simm.s32 @!p2 $0x0  }
0x1d: {  	s5 =	simm.s32 @p1 $0x1;
	p0 =	seq.s32 s7, s2  }
0x1e: {  	s7 =	smul.u32 @!p0 $0xF7A, s2;
	p2 =	seq.s32 @!p0 s5, $0x0  }
0x1f: {  	s9 =	smul.u32 $0xF7A, s1;
	s8 =	simm.s32 @!p0 $0x1BF5;
	p2 =	por !p2, p0  }
0x20: {  	[sflag:s8] =	ssyncset.s32 @!p0 $0xFFFFF086;
	s6 =	sadd.s32 @!p0 s3, s7;
	s7 =	simm.s32 @!p0 $0x108  }
0x21: {  	s3 =	sadd.s32 s3, s9;
	s6 =	sadd.s32 @!p0 $0x88, s6;
	s7 =	simm.s32 @p2 $0x1082  }
0x22: {  	[simem:s7], [sflag:s8] =	dma.local @!p0 [hbm:s6], $0xF7A  }
0x23: {  	s9 =	sor.u32 $0xD0000000, s2;
	s6 =	simm.s32 $0x108;
	_ =	swait.ge @!p0 [sflag:s8], $0x0  }
0x24: {  	s3 =	sadd.s32 $0x88, s3;
	s6 =	simm.s32 @!p1 $0x1082;
	[sflag:s4] =	ssyncset.s32 $0xFFFFF086  }
0x25: {  	[simem:s6], [sflag:s4] =	dma.local [hbm:s3], $0xF7A  }
0x26: {  	[smem:$0x3F8E] =	sst s1;
	(tag) =	ssettag s2;
	_ =	strace s9  }
0x27: {  	s1 =	sld [smem:$0x3F9E]  }
0x28: {  	s2 =	sld [smem:$0x3F9F]  }
0x29: {  	s4 =	sld [smem:$0x3FA1]  }
0x2a: {  	p0 =	seq.s32 s5, $0x0;
	s5 =	sld [smem:$0x3FA2]  }
0x2b: {  	s6 =	sld [smem:$0x3FA3]  }
0x2c: {  	s7 =	sld [smem:$0x3FA4]  }
0x2d: {  	s3 =	simm.s32 $0x108;
	s8 =	sld [smem:$0x3FA5]  }
0x2e: {  	s3 =	simm.s32 @!p0 $0x1082;
	s9 =	sld [smem:$0x3FA6]  }
0x2f: {  	lr =	sadd.s32 s0, s3;
	s0 =	sld [smem:$0x3F9D]  }
0x30: {  	s3 =	sld [smem:$0x3FA0]  }
0x31: {  	[smem:$0x3FA9] =	sst s10  }
0x32: {  	s10 =	sld [smem:$0x3FA7];
	_ =	sdelay $0x3  }
0x33: {  	p0 =	seq.s32 s10, $0x1;
	s10 =	sld [smem:$0x3FA9];
	_ =	sdelay $0x3  }
0x34: {  	[smem:$0x3FA9] =	sst s10  }
0x35: {  	s10 =	sld [smem:$0x3FA8];
	_ =	sdelay $0x3  }
0x36: {  	p1 =	seq.s32 s10, $0x1;
	s10 =	sld [smem:$0x3FA9];
	_ =	sdelay $0x3  }
0x37: {  	[smem:$0x3FA9] =	sst s10  }
0x38: {  	s10 =	sld [smem:$0x3FAA]  }
0x39: {  	_ = 	snop;
	(pc) =	sbr.ind lr, $3  }
0x3a: {  	_ = 	snop  }
0x3b: {  	_ = 	snop  }
0x3c: {  	p2 =	seq.s32 s10, $0x1;
	s10 =	sld [smem:$0x3FA9]  }
0x3d: {  	_ =	shalt  }
0x3e: {  	_ =	shalt  }
0x3f: {  	_ =	shalt  }
0x40: {  	_ =	shalt  }
0x41: {  	_ =	shalt  }
0x42: {  	_ =	shalt  }
0x43: {  	_ =	shalt  }
0x44: {  	_ =	shalt  }
0x45: {  	_ =	shalt  }
0x46: {  	_ =	shalt  }
0x47: {  	_ =	shalt  }
0x48: {  	_ =	shalt  }
0x49: {  	_ =	shalt  }
0x4a: {  	_ =	shalt  }
0x4b: {  	_ =	shalt  }
0x4c: {  	_ =	shalt  }
0x4d: {  	_ =	shalt  }
0x4e: {  	_ =	shalt  }
0x4f: {  	_ =	shalt  }
0x50: {  	_ =	shalt  }
0x51: {  	_ =	shalt  }
0x52: {  	_ =	shalt  }
0x53: {  	_ =	shalt  }
0x54: {  	_ =	shalt  }
0x55: {  	_ =	shalt  }
0x56: {  	_ =	shalt  }
0x57: {  	_ =	shalt  }
0x58: {  	_ =	shalt  }
0x59: {  	_ =	shalt  }
0x5a: {  	_ =	shalt  }
0x5b: {  	_ =	shalt  }
0x5c: {  	_ =	shalt  }
0x5d: {  	_ =	shalt  }
0x5e: {  	_ =	shalt  }
0x5f: {  	_ =	shalt  }
0x60: {  	_ =	shalt  }
0x61: {  	_ =	shalt  }
0x62: {  	_ =	shalt  }
0x63: {  	_ =	shalt  }
0x64: {  	_ =	shalt  }
0x65: {  	_ =	shalt  }
0x66: {  	_ =	shalt  }
0x67: {  	_ =	shalt  }
0x68: {  	_ =	shalt  }
0x69: {  	_ =	shalt  }
0x6a: {  	_ =	shalt  }
0x6b: {  	_ =	shalt  }
0x6c: {  	_ =	shalt  }
0x6d: {  	_ =	shalt  }
0x6e: {  	_ =	shalt  }
0x6f: {  	_ =	shalt  }
0x70: {  	_ =	shalt  }
0x71: {  	_ =	shalt  }
0x72: {  	_ =	shalt  }
0x73: {  	_ =	shalt  }
0x74: {  	_ =	shalt  }
0x75: {  	_ =	shalt  }
0x76: {  	_ =	shalt  }
0x77: {  	_ =	shalt  }
0x78: {  	_ =	shalt  }
0x79: {  	_ =	shalt  }
0x7a: {  	_ =	shalt  }
0x7b: {  	_ =	shalt  }
0x7c: {  	_ =	shalt  }
0x7d: {  	_ =	shalt  }
0x7e: {  	_ =	shalt  }
0x7f: {  	_ =	shalt  }
0x80: {  	_ =	shalt  }
0x81: {  	_ =	shalt  }
0x82: {  	_ =	shalt  }
0x83: {  	_ =	shalt  }
0x84: {  	_ =	shalt  }
0x85: {  	_ =	shalt  }
0x86: {  	_ =	shalt  }
0x87: {  	_ =	shalt  }
.Lfunc_end0:
.L_simem_size_0:
called_computation.2_lowered:
.L_overlay_start_0:
0x88: {  	s0 =	sld [smem:$0x3FD9]  }
0x89: {  	s1 =	sld [smem:$0x3FFE];
	_ =	sdelay $0x3  }
0x8a: {  	s0 =	sadd.s32 s1, s0  }
0x8b: {  	[smem:$0x3FB5] =	sst s0  }
0x8c: {  	_ = 	snop  }
0x8d: {  	(tm) =	ssettm $0x1  }
0x8e: {  	s15 =	sld [smem:$0x3FFB];
	_ =	sdelay $0x3  }
0x8f: {  	_ =	strace s15  }
0x90: {  	s0 =	sld [smem:$0x3FFC];
	_ =	sdelay $0x3  }
0x91: {  	_ =	strace s0  }
0x92: {  	s0 =	sld [smem:$0x3FFD];
	_ =	sdelay $0x3  }
0x93: {  	_ =	strace s0  }
0x94: {  	_ =	strace $0x8FFFFFFF  }
0x95: {  	s16 =	sld [smem:$0x3FDB];
	_ =	sdelay $0x1  }
0x96: {  	s17 =	simm.s32 $_scs_section_size  }
0x97: {  	s2 =	simm.s32 $_size__tile_overlayer_lowered;
	s3 =	simm.s32 $_tile_overlayer_lowered  }
0x98: {  	s20 =	simm.s32 $0x1BFF;
	s19 =	sshll.u32 s3, $0x1;
	s0 =	sadd.s32 s17, s16  }
0x99: {  	s4 =	simm.s32 $0x0;
	s18 =	sshll.u32 s2, $0x1;
	s2 =	sadd.s32 s19, s0  }
0x9a: {  	[timem:s4], [sflag:s20] =	dma.local [hbm:s2], s18  }
0x9b: {  	_ =	swait.ge [sflag:s20], s18  }
0x9c: {  	s1 =	ssub.s32 $0x0, s18;
	[sflag:s20] =	ssyncset.done $0x0  }
0x9d: {  	[sflag:s20] =	ssyncadd.s32 s1;
	_ =	sdelay $0x1  }
0x9e: {  	s21 =	simm.s32 $0x1B8B  }
0x9f: {  	_ =	swait.ge [sflag:s21], $0x1  }
0xa0: {  	[sflag:s21] =	ssyncset.done $0x0  }
0xa1: {  	s23 =	simm.s32 $0x1B8E;
	s22 =	sld [smem:$0x3FFE];
	[sflag:s21] =	ssyncadd.s32 $0xFFFFFFFF  }
0xa2: {  	s24 =	simm.s32 $execute0_lowered;
	[smem:$0x3FD2] =	sst s23  }
0xa3: {  	s2 =	sshll.u32 s24, $0x1;
	_ =	strace $0x80000055;
	[dreg:$0x1] =	wrdreg $0xFFFFFFFF  }
0xa4: {  	s25 =	simm.s32 $_size_execute0_lowered;
	s0 =	sadd.s32 s0, s2;
	[dreg:$0x0] =	wrdreg $0x0  }
0xa5: {  	s2 =	sshll.u32 s25, $0x1;
	[dreg:$0x2] =	wrdreg s0  }
0xa6: {  	[dreg:$0x3] =	wrdreg s2  }
0xa7: {  	[dreg:$0x4] =	wrdreg $0xC0  }
0xa8: {  	_ =	task [dreg:s4], $0x5FFFF  }
0xa9: {  	[dreg:$0x1] =	wrdreg $0xFFFFFFFF  }
0xaa: {  	[dreg:$0x0] =	wrdreg $0x60  }
0xab: {  	[dreg:$0x2] =	wrdreg s22  }
0xac: {  	[dreg:$0x3] =	wrdreg $0x9  }
0xad: {  	_ =	task.clear_ibuf [dreg:s4], $0x4FFFF;
	_ =	strace $0x90000055  }
0xae: {  	s26 =	simm.s32 $0x9;
	_ =	strace $0x80000057  }
0xaf: {  	_ =	swait.ge [sflag:s26], $0x1  }
0xb0: {  	[sflag:s26] =	ssyncadd.s32 $0xFFFFFFFF  }
0xb1: {  	_ =	strace $0x90000057  }
0xb2: {  	_ =	sfence  }
0xb3: {  	s28 =	sld [smem:$0x0];
	_ =	sdelay $0x1  }
0xb4: {  	s29 =	srdreg.scid  }
0xb5: {  	s30 =	sshll.u32 s29, $0xD;
	s31 =	sshrl.u32 s29, $0x2  }
0xb6: {  	s1 =	sand.u32 $0x1, s29;
	s2 =	sand.u32 $0x4000, s30;
	s0 =	sadd.s32 s31, s28  }
0xb7: {  	s1 =	sor.u32 s2, s1;
	s0 =	sshll.u32 s0, $0x11  }
0xb8: {  	s0 =	sor.u32 s0, s1  }
0xb9: {  	s0 =	sadd.s32 $0x8F2B, s0  }
0xba: {  	[sflag:s0] =	ssyncadd.remote.s32 $0x1  }
0xbb: {  	_ =	sfence.sel $0xFFFF  }
0xbc: {  	[dreg:$0x0] =	wrdreg $0xFFFFFFFF;
	(pc) =	sbr.abs _section_cstart, $3  }
0xbd: {  	[dreg:$0x1] =	wrdreg $0xFFFFFFFF  }
0xbe: {  	_ =	task.clear_ibuf [dreg:s4], $0x2FFFF;
	_ =	strace $0x9FFFFFFF  }
0xbf: {  	(tm) =	ssettm $0x7FFFFFFF  }
tec
execute0_lowered:
.L_overlay_start_1:
0x0: {  	(tag) =	ssettag $0x1  }
0x1: {  	s1 =	rddreg [dreg:$0x0]  }
0x2: {  	s14 =	stileid.u32;
	_ =	strace $0x80000056;
	s0 =	simm.s32 $0x1  }
0x3: {  	v1 =	vimm.s32 $0xFFFFFFFF;
	s2 =	smin.u32 s14, $0x4;
	[sflag:s0] =	ssyncpa.u1 $0x0  }
0x4: {  	s2 =	sadd.s32 s14, s2;
	[tilespmem:$0x10] =	vst v1  }
0x5: {  	v0 =	vimm.f32 $0.0e+00;
	p0 =	slt.u32 s14, $0x4;
	[tilespmem:$0x20] =	vst v1;
	s3 =	smul.u32 $0x1F40, s2;
	s2 =	simm.s32 $0x3E80  }
0x6: {  	[tilespmem:$0x30] =	vst v0;
	s2 =	simm.s32 @!p0 $0x1F40  }
0x7: {  	[tilespmem:$0x40] =	vst v0;
	s2 =	sadd.s32 s2, s3  }
0x8: {  	[tilespmem:$0x50] =	vst v0;
	s4 =	smin.u32 s2, $0x27100  }
0x9: {  	s7 =	simm.s32 $0x2;
	s8 =	simm.s32 $0x8;
	[tilespmem:$0x60] =	vst v1;
	s2 =	ssub.s32 s4, s3  }
0xa: {  	s31 =	simm.s32 $0x9;
	s16 =	simm.s32 $0x0;
	[tilespmem:$0x70] =	vst v1;
	p0 =	sgt.s32 s2, $0x0  }
0xb: {  	s17 =	simm.s32 $0xF0;
	s18 =	simm.s32 $0xFFFFFFFF;
	[tilespmem:$0x80] =	vst v1;
	s2 =	simm.s32 @!p0 $0x0  }
0xc: {  	s19 =	simm.s32 $0xFFFFC280;
	s20 =	simm.s32 $0xFFFFFFFE;
	v1 =	vimm.s32 $0x0;
	[tilespmem:$0xB0] =	vst v0;
	s5 =	smulhi.u32 $0x10624DD3, s2  }
0xd: {  	s21 =	simm.s32 $0xF;
	s25 =	simm.s32 $0x0;
	s24 =	simm.s32 $0x0;
	[tilespmem:$0x90] =	vst v1  }
0xe: {  	[tilespmem:$0xA0] =	vst v1;
	[sflag:s7] =	ssyncpa.u1 $0x0;
	s7 =	simm.s32 $0x7;
	s9 =	sshrl.u32 s5, $0x9  }
0xf: {  	s6 =	sadd.s32 $0x31200, s1;
	[sflag:s7] =	ssyncpa.u1 $0x0;
	s10 =	smul.u32 $0x1F40, s9  }
.Ltmp0:
0x10: {  	[sflag:s8] =	ssyncpa.u1 $0x0;
	s23 =	smov.u32 s3;
	(pc) =	sbr.rel .LBB2_1-.Ltmp0, $4  }
0x11: {  	[sflag:s31] =	ssyncpa.u1 $0x0;
	s5 =	sadd.s32 $0x5000, s1;
	p0 =	sne.s32 s2, s10  }
0x12: {  	s10 =	sshll.u32 s14, $0x1;
	s14 =	sshllo.u32 s14, $0x1;
	s0 =	simm.s32 @!p0 $0x0  }
0x13: {  	vm0 =	vmmov $0xffff;
	v2 =	vlaneseq.u32;
	s13 =	sor.u32 $0x81, s10;
	s15 =	sor.u32 $0x80, s10;
	s9 =	sadd.s32 s0, s9  }
0x14: {  	vm1 =	vmxor vm1, vm1;
	vm2 =	vmmov $0x1;
	vm3 =	vcmask $0x3F3C;
	p0 =	por $0x0, $0x0;
	s11 =	sadd.s32 $0x1, s9;
	s12 =	sadd.s32 $0x2, s9  }
.LBB2_9:
0x15: {  	p1 =	slt.u32 s24, $0x3  }
0x16: {  	s0 =	simm.s32 @!p1 $0x2  }
0x17: {  	_ =	swait.ge @!p1 [sflag:s0], $0x1F40  }
0x18: {  	[sflag:s0] =	ssyncset.done @!p1 $0x0  }
0x19: {  	[sflag:s0] =	ssyncadd.s32 @!p1 $0xFFFFE0C0;
	s0 =	simm.s32 @!p1 $0x9  }
0x1a: {  	_ =	swait.ge @!p1 [sflag:s0], $0x10  }
0x1b: {  	[sflag:s0] =	ssyncset.done @!p1 $0x0  }
0x1c: {  	[sflag:s0] =	ssyncadd.s32 @!p1 $0xFFFFFFF0;
	p1 =	sne.s32 s24, s12  }
.Ltmp1:
0x1d: {  	s2 =	sadd.s32 $0x1F40, s23;
	(pc) =	sbr.rel @!p1 .LBB2_10-.Ltmp1, $4  }
0x1e: {  	s22 =	smov.u32 s3;
	s31 =	sadd.s32 $0x1, s24;
	s17 =	sadd.s32 $0x1F40, s17  }
0x1f: {  	s18 =	sadd.s32 $0x1, s18;
	s25 =	smov.u32 s23;
	p2 =	slt.s32 s2, s4  }
0x20: {  	p0 =	por !p0, !p0;
	s19 =	sadd.s32 $0x1F40, s19;
	s22 =	smov.u32 @p2 s2  }
0x21: {  	s20 =	sadd.s32 $0x1, s20;
	s23 =	smov.u32 s22;
	s24 =	smov.u32 s31  }
.LBB2_1:
0x22: {  	p1 =	sge.u32 s24, s9  }
0x23: {  	s0 =	smulhi.u32 @!p1 $0xAAAAAAAB, s24;
	_ =	sdelay $0x1  }
0x24: {  	s0 =	sshrl.u32 @!p1 s0, $0x1  }
0x25: {  	s0 =	smul.u32 @!p1 $0x3, s0;
	_ =	sdelay $0x1  }
0x26: {  	s0 =	ssub.s32 @!p1 s24, s0  }
0x27: {  	s0 =	smul.u32 @!p1 $0x7D00, s0;
	_ =	sdelay $0x1  }
0x28: {  	s2 =	sshrl.u32 @!p1 s23, $0x3;
	s0 =	sshrl.u32 @!p1 s0, $0x2  }
0x29: {  	s22 =	sand.u32 @!p1 $0x7, s23;
	s2 =	sadd.s32 @!p1 s5, s2;
	s0 =	sadd.s32 @!p1 $0x100, s0  }
0x2a: {  	[tilespmem:s0], [sflag:$0x7] =	stream.linear.gather @!p1 [hbm4b:s2+s22], $0x1F40, $0x38;
	[tilespmem:$0x11A60] =	vst v63  }
0x2b: {  	s0 =	sadd.s32 $0xFFFFFFFF, s24  }
0x2c: {  	p1 =	sge.u32 s0, s9  }
.Ltmp2:
0x2d: {  	_ = 	snop;
	(pc) =	sbr.rel @p1 .LBB2_5-.Ltmp2, $1  }
0x2e: {  	_ =	sdelay $0x3  }
0x2f: {  	s2 =	smulhi.u32 $0xAAAAAAAB, s0;
	_ =	sdelay $0x1  }
0x30: {  	s2 =	sshrl.u32 s2, $0x1  }
0x31: {  	s2 =	smul.u32 $0x3, s2;
	_ =	sdelay $0x1  }
0x32: {  	s2 =	ssub.s32 s0, s2  }
0x33: {  	s2 =	smul.u32 $0x7D00, s2  }
0x34: {  	_ =	swait.ge [sflag:s7], $0x1F40  }
0x35: {  	[sflag:s7] =	ssyncset.done $0x0;
	s2 =	sshrl.u32 s2, $0x2  }
0x36: {  	[sflag:s7] =	ssyncadd.s32 $0xFFFFE0C0;
	(ifvalue) =	ssetifvalue $0xFFFFFFFF;
	v3 =	vld.msk [tilespmem:s2+$0x100 ss:$0x1], $0xffff;
	_ =	sdelay $0x2  }
0x37: {  	s30 =	smulhi.u32 $0xAAAAAAAB, s18;
	p1 =	sne.s32 s24, $0x1  }
0x38: {  	v4 =	vimm.s32 @!p1 $0x0  }
0x39: {  	s2 =	sshrl.u32 s30, $0x1;
	v4 =	vperm.xlane @!p1 v3, v4  }
0x3a: {  	s22 =	sshll.u32 s24, $0x4;
	s2 =	smul.u32 $0xFFFE8900, s2;
	vm4 =	vlt.u32 v3, $0x2800  }
0x3b: {  	s22 =	sand.u32 $0x10, s22;
	v3 =	vnsel vm4, $0xFFFFFFFE, v3;
	vm4 =	vlt.u32 @!p1 v4, $0x2800  }
0x3c: {  	s2 =	sshra.s32 s2, $0x2;
	[tilespmem:s22+$0x60] =	vst v3;
	v3 =	vnsel @!p1 vm4, $0xFFFFFFFE, v4  }
0x3d: {  	s28 =	sadd.s32 s2, s17;
	[tilespmem:$0x80] =	vst @!p1 v3  }
0x3e: {  	v3 =	vld.msk [tilespmem:s28+$0x0 ss:$0x1], $0xffff;
	_ =	sdelay $0x4  }
0x3f: {  	(xrf1) =	vunique.msk.u32 $0xffff, v3;
	_ =	sdelay $0xd  }
0x40: {  	v4 =	vimm.s32 $0xFFFFFFFF;
	v5, _, _ =	vpop (xrf1)  }
0x41: {  	vm5 =	vne.s32 v3, v4;
	vm4 =	veq.s32 v5, v2  }
0x42: {  	vm6 =	vlt.u32 v3, $0x2800;
	vm4 =	vmand vm5, vm4  }
0x43: {  	vm4 =	vmand vm6, vm4  }
0x44: {  	v4 =	vnsel vm4, $0xFFFFFFFF, v3  }
0x45: {  	s31 =	sand.u32 $0x1, s0  }
0x46: {  	s0 =	simm.s32 $0x1F40;
	p1 =	seq.s32 s31, $0x1  }
0x47: {  	s0 =	simm.s32 @!p1 $0x0  }
0x48: {  	s26 =	sadd.s32 $0x7DF0, s0;
	(ifvalue) =	ssetifvalue $0xFFFFFFFF  }
0x49: {  	v3 =	vperm.xlane v3, v1;
	[tilespmem:s26], [sflag:$0x8] =	stream.indirect_vreg.gather [hbm4b:s1+s16], $0x1, v4, vm0, $0x4038;
	v4 =	vnsel vm6, $0xFFFFFFFE, v4;
	[tilespmem:$0x11A60] =	vst v63  }
0x4a: {  	s2 =	simm.s32 $0x0;
	s22 =	sadd.s32 $0xFFFFFFF0, s28;
	[tilespmem:s28+$0x0] =	vst v4  }
.LBB2_3:
0x4b: {  	v4 =	vld.msk [tilespmem:s22+$0x0 ss:$0x1], $0xffff;
	s2 =	sadd.s32 $0x10, s2;
	v5 =	vmov v3;
	s28 =	smov.u32 s22  }
0x4c: {  	p1 =	slt.u32 s2, $0x1F30;
	_ =	sdelay $0x4  }
0x4d: {  	v3 =	vperm.xlane v4, v1;
	(xrf1) =	vunique.msk.u32 $0xffff, v4;
	_ =	sdelay $0xd  }
0x4e: {  	v6, _, _ =	vpop (xrf1)  }
0x4f: {  	vm5 =	vne.s32 v4, v5;
	vm4 =	veq.s32 v6, v2  }
0x50: {  	vm6 =	vlt.u32 v4, $0x2800;
	vm4 =	vmand vm5, vm4  }
0x51: {  	vm4 =	vmand vm6, vm4  }
0x52: {  	v4 =	vnsel vm4, $0xFFFFFFFF, v4  }
.Ltmp3:
0x53: {  	v5 =	vnsel vm6, $0xFFFFFFFE, v4;
	(pc) =	sbr.rel @p1 .LBB2_3-.Ltmp3, $3  }
0x54: {  	_ =	sdelay $0x1  }
0x55: {  	s22 =	sadd.s32 $0xFFFFFFF0, s22;
	s26 =	sadd.s32 $0xFFFFFFF0, s26;
	(ifvalue) =	ssetifvalue $0xFFFFFFFF  }
0x56: {  	[tilespmem:s26], [sflag:$0x8] =	stream.indirect_vreg.gather [hbm4b:s1+s16], $0x1, v4, vm0, $0x4038;
	[tilespmem:s28+$0x0] =	vst v5  }
0x57: {  	s2 =	sshrl.u32 s25, $0x3  }
0x58: {  	s0 =	sadd.s32 $0x9D40, s0;
	s2 =	sadd.s32 s6, s2  }
0x59: {  	[tilespmem:s0], [sflag:$0x8] =	stream.linear.gather [hbm:s2], $0x1F40, $0x38;
	[tilespmem:$0x11A60] =	vst v63  }
.LBB2_5:
0x5a: {  	p1 =	slt.u32 s24, $0x2  }
0x5b: {  	p2 =	sge.u32 @!p1 s24, s12  }
0x5c: {  	p1 =	por p1, p2  }
.Ltmp4:
0x5d: {  	_ = 	snop;
	(pc) =	sbr.rel @p1 .LBB2_9-.Ltmp4, $1  }
0x5e: {  	_ =	sdelay $0x3  }
0x5f: {  	s0 =	sadd.s32 $0xFFFFFFFE, s24  }
0x60: {  	s2 =	smulhi.u32 $0xAAAAAAAB, s0;
	_ =	sdelay $0x1  }
0x61: {  	s2 =	sshrl.u32 s2, $0x1  }
0x62: {  	s2 =	smul.u32 $0x3, s2;
	_ =	sdelay $0x1  }
0x63: {  	s0 =	ssub.s32 s0, s2  }
0x64: {  	_ =	swait.ge [sflag:s8], $0x3E80;
	s0 =	smul.u32 $0x1F40, s0  }
0x65: {  	p1 =	sne.s32 s24, s11;
	[sflag:s8] =	ssyncset.done $0x0  }
0x66: {  	[sflag:s8] =	ssyncadd.s32 $0xFFFFC180;
	s2 =	sadd.s32 @!p1 $0x203F, s0  }
0x67: {  	[spmem:s13] =	stream.linear.scatter @!p1 [tilespmem:s2], [sflag:$0x1], $0x1, $0x38;
	[tilespmem:$0x11A60] =	vst v63  }
0x68: {  	s2 =	simm.s32 @!p1 $0x1  }
0x69: {  	_ =	swait.ge @!p1 [sflag:s2], $0x1  }
0x6a: {  	s22 =	sshll.u32 s24, $0x4;
	[sflag:s2] =	ssyncset.done @!p1 $0x0  }
0x6b: {  	s25 =	sand.u32 $0x10, s22;
	[sflag:s2] =	ssyncadd.s32 @!p1 $0xFFFFFFFF  }
0x6c: {  	s2 =	sxor.u32 $0x10, s25;
	v4 =	vld [tilespmem:s25+$0x10]  }
0x6d: {  	v5 =	vld [tilespmem:s2+$0x60]  }
0x6e: {  	v3 =	vld [tilespmem:$0x80];
	_ =	sdelay $0x2  }
0x6f: {  	(v2sf) =	vpush v4, $0x0  }
0x70: {  	(v2sf) =	vpush v5, $0x0  }
0x71: {  	(v2sf) =	vpush v3, $0x0;
	_ =	sdelay $0xc  }
0x72: {  	s22 =	spop (v2sf)  }
0x73: {  	s26 =	spop (v2sf)  }
0x74: {  	s28 =	spop (v2sf)  }
0x75: {  	p2 =	seq.s32 s22, s26;
	p3 =	seq.s32 s28, s22  }
0x76: {  	p3 =	por p2, p3  }
0x77: {  	s26 =	sand.u32 $0x1, s24;
	v4 =	vpsel p3, $0xFFFFFFFF, v4  }
0x78: {  	s29 =	smul.u32 $0x1F40, s26;
	[tilespmem:s25+$0x10] =	vst.msk $0x1, v4  }
0x79: {  	v4 =	vld [tilespmem:$0x30]  }
0x7a: {  	v5 =	vld [tilespmem:s29+$0x9D40]  }
0x7b: {  	v6 =	vld [tilespmem:s25+$0x40];
	_ =	sdelay $0x3  }
0x7c: {  	vm4 =	vmmov vm1;
	v5 =	vadd.f32 v5, v4  }
0x7d: {  	vm5 =	vmmov vm2;
	vm4 =	vmmov @p2 vm2;
	s22 =	sshll.u32 s26, $0x4;
	v4 =	vadd.f32 v6, v4  }
0x7e: {  	s26 =	sor.u32 $0x11A40, s22;
	vm5 =	vmmov @p3 vm1;
	[tilespmem:s29+$0x9D40] =	vst.msk vm4, v5  }
0x7f: {  	[tilespmem:s26+$0x0] =	vst.msk vm5, v4  }
0x80: {  	v4 =	vld [tilespmem:s29+$0x7DF0];
	_ =	sdelay $0x3  }
0x81: {  	v5 =	vimm.f32 $0.0e+00  }
0x82: {  	v4 =	vshift.insert v4, v5, s21  }
0x83: {  	s22 =	sor.u32 $0x40, s2  }
0x84: {  	[tilespmem:s22+$0x0] =	vst.msk $0x1, v4  }
0x85: {  	[tilespmem:s29+$0x7DFF] =	vst.msk $0x1, v5  }
0x86: {  	v4 =	vld [tilespmem:s0+$0x2030];
	_ =	sdelay $0x1  }
0x87: {  	s22 =	smulhi.u32 $0xAAAAAAAB, s20;
	s0 =	simm.s32 $0x1  }
0x88: {  	s0 =	simm.s32 @!p0 $0x0  }
0x89: {  	s22 =	sshrl.u32 s22, $0x1;
	s0 =	smul.u32 $0x7D00, s0  }
0x8a: {  	s22 =	smul.u32 $0xFFFE8900, s22;
	v4 =	vshift.insert v4, v1, s21  }
0x8b: {  	s0 =	sshrl.u32 s0, $0x2  }
0x8c: {  	s22 =	sshra.s32 s22, $0x2;
	s30 =	sadd.s32 $0x9D40, s0;
	[tilespmem:s2+$0x10] =	vst.msk $0x1, v4  }
0x8d: {  	s22 =	sadd.s32 s22, s19;
	v6 =	vld [tilespmem:s30+$0x0]  }
0x8e: {  	v7 =	vld [tilespmem:s22+$0x0];
	_ =	sdelay $0x3  }
0x8f: {  	v5 =	vadd.f32 v6, v5  }
0x90: {  	vm4 =	vne.s32 v7, $0xFFFFFFFF  }
0x91: {  	(xrf2) =	vadd.seg.scan.f32 vm4, v5;
	_ =	sdelay $0x3  }
0x92: {  	s31 =	sadd.s32 $0x5EC0, s0;
	v5 =	vperm.xlane v4, v1  }
0x93: {  	v6 =	vld [tilespmem:s31+$0x0]  }
0x94: {  	vm5 =	veq.s32 v7, v3;
	vm6 =	veq.s32 v7, v5  }
0x95: {  	vm7 =	vgt.u32 v7, $0xFFFFFFFD;
	vm6 =	vmor vm6, vm5  }
0x96: {  	vm6 =	vmor vm6, vm7  }
0x97: {  	v9 =	vld [tilespmem:$0xA0];
	v7 =	vsel vm6, $0xFFFFFFFF, v7  }
0x98: {  	v10 =	vld [tilespmem:$0x90];
	v6 =	vsel vm5, $0x0, v6;
	v8, _, _ =	vpop (xrf2)  }
0x99: {  	v6 =	vadd.f32 v8, v6  }
0x9a: {  	s0 =	sadd.s32 $0xDBC0, s0  }
0x9b: {  	vm4 =	vmand vm4, vm3;
	[tilespmem:s0+$0x0] =	vst v6;
	(ifvalue) =	ssetifvalue $0xFFFFFFFF  }
0x9c: {  	vm6 =	veq.s32 v9, $0x1;
	[hbm4b:s1+s16] =	stream.indirect_vreg.scatter [tilespmem:s0], [sflag:$0x2], $0x1, v7, vm0, $0x4038;
	v7 =	vsel vm4, $0x0, v8;
	[tilespmem:$0x11A60] =	vst v63  }
0x9d: {  	s2 =	simm.s32 $0x0;
	s22 =	sadd.s32 $0x10, s22;
	vm4 =	vmor vm6, vm5;
	v6 =	vsel vm5, v8, v10;
	v7 =	vshift.insert v7, v0, s21  }
.LBB2_7:
0x9e: {  	v8 =	vld [tilespmem:s22+$0x0];
	s30 =	sadd.s32 $0x10, s30  }
0x9f: {  	s31 =	sadd.s32 $0x10, s31;
	v9 =	vld [tilespmem:s30+$0x0]  }
0xa0: {  	s2 =	sadd.s32 $0x10, s2;
	v10 =	vld [tilespmem:s31+$0x0]  }
0xa1: {  	p2 =	slt.u32 s2, $0x1F30;
	_ =	sdelay $0x2  }
0xa2: {  	v7 =	vadd.f32 v9, v7  }
0xa3: {  	vm5 =	vne.s32 v8, $0xFFFFFFFF  }
0xa4: {  	vm6 =	vmand vm5, vm3;
	(xrf2) =	vadd.seg.scan.f32 vm5, v7;
	_ =	sdelay $0x5  }
0xa5: {  	vm7 =	veq.s32 v8, v5;
	vm5 =	veq.s32 v8, v3  }
0xa6: {  	vm8 =	vgt.u32 v8, $0xFFFFFFFD;
	vm4 =	vmor vm4, vm5;
	vm7 =	vmor vm7, vm5  }
0xa7: {  	vm7 =	vmor vm7, vm8  }
0xa8: {  	v8 =	vsel vm7, $0xFFFFFFFF, v8  }
.Ltmp5:
0xa9: {  	v7 =	vsel vm5, $0x0, v10;
	v9, _, _ =	vpop (xrf2);
	(pc) =	sbr.rel @p2 .LBB2_7-.Ltmp5, $4  }
0xaa: {  	v6 =	vsel vm5, v9, v6;
	v10 =	vadd.f32 v9, v7;
	v7 =	vsel vm6, $0x0, v9  }
0xab: {  	s0 =	sadd.s32 $0x10, s0;
	v7 =	vshift.insert v7, v0, s21  }
0xac: {  	s22 =	sadd.s32 $0x10, s22;
	[tilespmem:s0+$0x0] =	vst v10;
	(ifvalue) =	ssetifvalue $0xFFFFFFFF  }
0xad: {  	[hbm4b:s1+s16] =	stream.indirect_vreg.scatter [tilespmem:s0], [sflag:$0x2], $0x1, v8, vm0, $0x4038;
	[tilespmem:$0x11A60] =	vst v63  }
0xae: {  	v3 =	vld [tilespmem:s29+$0xFAF0];
	_ =	sdelay $0x4  }
0xaf: {  	v3 =	vshift.insert v3, v0, s21  }
0xb0: {  	s0 =	simm.s32 $0x30  }
0xb1: {  	[tilespmem:s0+$0x0] =	vst.msk $0x1, v3  }
0xb2: {  	v3 =	vsel vm4, $0x1, v1;
	[tilespmem:$0x90] =	vst v6  }
0xb3: {  	s0 =	sadd.s32 @!p1 $0xFAFF, s29;
	[tilespmem:$0xA0] =	vst v3  }
0xb4: {  	[spmem:s14] =	stream.linear.scatter @!p1 [tilespmem:s0], [sflag:$0x1], $0x1, $0x38;
	[tilespmem:$0x11A60] =	vst v63  }
0xb5: {  	s0 =	simm.s32 @!p1 $0x1  }
0xb6: {  	v3 =	vmctz.xlane @!p1 vm4;
	_ =	swait.ge @!p1 [sflag:s0], $0x1  }
0xb7: {  	(v2sf) =	vpush @!p1 v4, $0x0  }
0xb8: {  	(v2sf) =	vpush @!p1 v3, $0x0;
	_ =	sdelay $0xd  }
0xb9: {  	s2 =	spop @!p1 (v2sf)  }
0xba: {  	s22 =	spop @!p1 (v2sf)  }
0xbb: {  	p2 =	sne.s32 @!p1 s28, s2;
	p3 =	slt.s32 @!p1 s22, $0xF  }
0xbc: {  	[sflag:s0] =	ssyncset.done @!p1 $0x0;
	p2 =	por p2, p1;
	p3 =	por !p3, p1  }
0xbd: {  	[sflag:s0] =	ssyncadd.s32 @!p1 $0xFFFFFFFF;
	v3 =	vimm.s32 @!p2 $0xFFFFFFFF;
	s22 =	simm.s32 @p3 $0xF  }
0xbe: {  	[tilespmem:$0x80] =	vst @!p2 v3;
	s2 =	sadd.s32 @!p1 $0x90, s22  }
0xbf: {  	[spmem:s10] =	stream.linear.scatter @!p1 [tilespmem:s2], [sflag:$0x1], $0x1, $0x38;
	[tilespmem:$0x11A60] =	vst v63  }
0xc0: {  	_ =	swait.ge @!p1 [sflag:s0], $0x1  }
0xc1: {  	[sflag:s0] =	ssyncset.done @!p1 $0x0  }
0xc2: {  	s2 =	simm.s32 @!p1 $0x80;
	[sflag:s0] =	ssyncadd.s32 @!p1 $0xFFFFFFFF  }
0xc3: {  	[spmem:s15] =	stream.linear.scatter @!p1 [tilespmem:s2], [sflag:$0x1], $0x1, $0x38;
	[tilespmem:$0x11A60] =	vst v63  }
0xc4: {  	_ =	swait.ge @!p1 [sflag:s0], $0x1  }
0xc5: {  	[sflag:s0] =	ssyncset.done @!p1 $0x0  }
0xc6: {  	[sflag:s0] =	ssyncadd.s32 @!p1 $0xFFFFFFFF;
	(ifvalue) =	ssetifvalue $0xFFFFFFFF;
	v3 =	vld [tilespmem:s25+$0x10];
	_ =	sdelay $0x3  }
.Ltmp6:
0xc7: {  	_ = 	snop;
	(pc) =	sbr.rel .LBB2_9-.Ltmp6, $3  }
0xc8: {  	_ =	sdelay $0x1  }
0xc9: {  	(ifvalue) =	ssetifvalue $0xFFFFFFFF  }
0xca: {  	[hbm4b:s1+s16] =	stream.indirect_vreg.scatter [tilespmem:s26], [sflag:$0x9], $0x1, v3, vm0, $0x4038;
	[tilespmem:$0x11A60] =	vst v63  }
.LBB2_10:
0xcb: {  	_ =	sfence.sel $0x180000  }
0xcc: {  	s0 =	simm.s32 $0x7;
	[bflag:$0x0] =	sbarrier.arrive $0xFFFF  }
0xcd: {  	s26 =	simm.s32 $0x8;
	[sflag:s0] =	ssyncpa.u1 $0x1  }
0xce: {  	s28 =	simm.s32 $0x9;
	[sflag:s26] =	ssyncpa.u1 $0x1  }
0xcf: {  	[sflag:s28] =	ssyncpa.u1 $0x1  }
0xd0: {  	_ =	sfence.stream.spmem  }
0xd1: {  	s29 =	simm.s32 $0x3;
	[bflag:$0x0] =	sbarrier.arrive $0xFFFF  }
0xd2: {  	s30 =	simm.s32 $0x4;
	[sflag:s29] =	ssyncpa.u1 $0x1  }
0xd3: {  	s31 =	simm.s32 $0x3C;
	s2 =	stileid.u32;
	[sflag:s30] =	ssyncpa.u1 $0x1  }
0xd4: {  	p0 =	sne.s32 s2, $0x0;
	[sflag:s31] =	ssyncpa.u1 $0x1  }
0xd5: {  	s0 =	simm.s32 @p0 $0x1;
	_ =	sfence @p0  }
0xd6: {  	[sflag:s0] =	ssyncpa.u1 @p0 $0x1;
	s0 =	simm.s32 @p0 $0x2  }
0xd7: {  	[sflag:s0] =	ssyncpa.u1 @p0 $0x1  }
0xd8: {  	_ =	strace @p0 $0x90000056  }
0xd9: {  	[bflag:$0x2] =	sbarrier.arrive @p0 $0xFFFF  }
0xda: {  	_ =	shalt @p0  }
.LBB2_11:
0xdb: {  	_ =	sfence.stream.spmem;
	s0 =	simm.s32 $0x5  }
0xdc: {  	s2 =	simm.s32 $0x80;
	s3 =	simm.s32 $0xC0;
	[sflag:s0] =	ssyncpa.u1 $0x0  }
0xdd: {  	[tilespmem:s3], [sflag:$0x5] =	stream.linear.gather [spmem:s2], $0x20, $0x38;
	[tilespmem:$0x11A60] =	vst v63  }
0xde: {  	s2 =	simm.s32 $0x0;
	s3 =	simm.s32 $0xE0  }
0xdf: {  	[tilespmem:s3], [sflag:$0x5] =	stream.linear.gather [spmem:s2], $0x20, $0x38;
	[tilespmem:$0x11A60] =	vst v63  }
.Ltmp7:
0xe0: {  	_ = 	snop;
	(pc) =	sbr.rel .LBB2_12-.Ltmp7, $4  }
0xe1: {  	_ =	swait.ge [sflag:s0], $0x40  }
0xe2: {  	[sflag:s0] =	ssyncset.done $0x0  }
0xe3: {  	s31 =	simm.s32 $0x6;
	[sflag:s0] =	ssyncadd.s32 $0xFFFFFFC0  }
0xe4: {  	s4 =	simm.s32 $0x0;
	[sflag:s31] =	ssyncpa.u1 $0x0  }
.LBB2_17:
0xe5: {  	p0 =	sgt.u32 s5, $0x27FF  }
0xe6: {  	s0 =	sshrl.u32 @!p0 s5, $0x3  }
0xe7: {  	s5 =	sand.u32 @!p0 $0x7, s5;
	s6 =	simm.s32 @!p0 $0xB0;
	s0 =	sadd.s32 @!p0 s1, s0  }
0xe8: {  	[tilespmem:s6], [sflag:$0x6] =	stream.linear.gather @!p0 [hbm4b:s0+s5], $0x1, $0x38;
	[tilespmem:$0x11A60] =	vst v63  }
0xe9: {  	s0 =	simm.s32 @!p0 $0x6  }
0xea: {  	_ =	swait.ge @!p0 [sflag:s0], $0x1  }
0xeb: {  	[sflag:s0] =	ssyncset.done @!p0 $0x0  }
0xec: {  	[sflag:s0] =	ssyncadd.s32 @!p0 $0xFFFFFFFF  }
0xed: {  	v2 =	vmov @!p0 s4;
	v1 =	vld.msk @!p0 [tilespmem:$0xB0], $0x1;
	_ =	sdelay $0x3  }
0xee: {  	s0 =	simm.s32 @!p0 $0xE0  }
0xef: {  	[tilespmem:v2+s0+$0x0], v1 =	vst.idx.ret.add.f32.msk @!p0 $0x1, v1  }
0xf0: {  	[tilespmem:s2+$0xC0] =	vst.msk $0x1, v0  }
0xf1: {  	v0 =	vld.msk [tilespmem:s4+$0xE0], $0x1;
	_ =	sdelay $0x4  }
0xf2: {  	[tilespmem:s2+$0xE0] =	vst.msk $0x1, v0;
	s2 =	sadd.s32 $0x1, s2  }
.LBB2_19:
0xf3: {  	s4 =	sadd.s32 $0x1, s4  }
0xf4: {  	p0 =	sne.s32 s4, $0x20  }
.Ltmp8:
0xf5: {  	_ = 	snop;
	(pc) =	sbr.rel @!p0 .LBB2_20-.Ltmp8, $1  }
0xf6: {  	_ =	sdelay $0x3  }
.LBB2_12:
0xf7: {  	v0 =	vld.msk [tilespmem:s4+$0xC0], $0x1;
	_ =	sdelay $0x4  }
0xf8: {  	(v2sf) =	vpush v0, $0x0;
	_ =	sdelay $0xe  }
0xf9: {  	s5 =	spop (v2sf)  }
0xfa: {  	p0 =	seq.s32 s5, $0xFFFFFFFF  }
.Ltmp9:
0xfb: {  	_ = 	snop;
	(pc) =	sbr.rel @p0 .LBB2_19-.Ltmp9, $1  }
0xfc: {  	_ =	sdelay $0x3  }
0xfd: {  	p0 =	slt.s32 s2, $0x1  }
.Ltmp10:
0xfe: {  	_ = 	snop;
	(pc) =	sbr.rel @p0 .LBB2_17-.Ltmp10, $1  }
0xff: {  	_ =	sdelay $0x3  }
0x100: {  	s0 =	simm.s32 $0xC0;
	p0 =	por $0x0, $0x0  }
0x101: {  	v1 =	vld.msk @!p0 [tilespmem:s0+$0x0], $0x1;
	_ =	sdelay $0x4  }
0x102: {  	(v2sf) =	vpush @!p0 v1, $0x0;
	_ =	sdelay $0xd  }
0x103: {  	p2 =	sne.s32 s2, $0x1  }
.Ltmp11:
0x104: {  	s6 =	spop @!p0 (v2sf);
	(pc) =	sbr.rel @!p2 .LBB2_16-.Ltmp11, $4  }
0x105: {  	p1 =	seq.s32 @!p0 s5, s6  }
0x106: {  	s6 =	simm.s32 $0x0;
	p1 =	por !p1, p0  }
0x107: {  	s8 =	simm.s32 $0xFFFFFFFF;
	s6 =	simm.s32 @p1 $0xFFFFFFFF  }
0x108: {  	s7 =	simm.s32 $0x1;
	s6 =	smov.u32 @p0 s8  }
.LBB2_15:
0x109: {  	s8 =	smov.u32 s6;
	p0 =	sne.s32 s6, $0xFFFFFFFF  }
0x10a: {  	s0 =	sadd.s32 $0x1, s0;
	s6 =	smov.u32 s7;
	s7 =	sadd.s32 $0x1, s7  }
0x10b: {  	p1 =	sne.s32 s2, s7;
	v1 =	vld.msk @!p0 [tilespmem:s0+$0x0], $0x1;
	_ =	sdelay $0x4  }
0x10c: {  	(v2sf) =	vpush @!p0 v1, $0x0;
	_ =	sdelay $0xe  }
.Ltmp12:
0x10d: {  	s9 =	spop @!p0 (v2sf);
	(pc) =	sbr.rel @p1 .LBB2_15-.Ltmp12, $4  }
0x10e: {  	p2 =	seq.s32 @!p0 s5, s9  }
0x10f: {  	p2 =	por !p2, p0  }
0x110: {  	s6 =	simm.s32 @p2 $0xFFFFFFFF  }
0x111: {  	s6 =	smov.u32 @p0 s8  }
.LBB2_16:
0x112: {  	p0 =	sne.s32 s6, $0xFFFFFFFF  }
.Ltmp13:
0x113: {  	_ = 	snop;
	(pc) =	sbr.rel @!p0 .LBB2_17-.Ltmp13, $1  }
0x114: {  	_ =	sdelay $0x3  }
0x115: {  	v0 =	vld.msk [tilespmem:s4+$0xE0], $0x1;
	v1 =	vmov s6  }
.Ltmp14:
0x116: {  	_ = 	snop;
	(pc) =	sbr.rel .LBB2_19-.Ltmp14, $2  }
0x117: {  	_ =	sdelay $0x2  }
0x118: {  	[tilespmem:v1+s3+$0x0], v0 =	vst.idx.ret.add.f32.msk $0x1, v0  }
.LBB2_20:
0x119: {  	p0 =	slt.s32 s2, $0x1  }
.Ltmp15:
0x11a: {  	_ = 	snop;
	(pc) =	sbr.rel @p0 .LBB2_24-.Ltmp15, $3  }
0x11b: {  	_ =	sdelay $0x1  }
0x11c: {  	s0 =	simm.s32 $0x6  }
0x11d: {  	s3 =	simm.s32 $0x0;
	[sflag:s0] =	ssyncpa.u1 $0x1  }
0x11e: {  	s0 =	simm.s32 $0xC0  }
0x11f: {  	v0 =	vld.msk [tilespmem:s0+$0x0], $0x1;
	_ =	sdelay $0x4  }
0x120: {  	(v2sf) =	vpush v0, $0x0;
	_ =	sdelay $0xe  }
0x121: {  	s2 =	sadd.s32 $0xFFFFFFFF, s2;
	s4 =	spop (v2sf)  }
0x122: {  	p1 =	sne.s32 s2, $0x0;
	p0 =	sgt.u32 s4, $0x27FF  }
.Ltmp16:
0x123: {  	s5 =	sshrl.u32 @!p0 s4, $0x3;
	(pc) =	sbr.rel @!p1 .LBB2_23-.Ltmp16, $4  }
0x124: {  	s0 =	simm.s32 $0xE0;
	s4 =	sand.u32 @!p0 $0x7, s4;
	s5 =	sadd.s32 @!p0 s1, s5  }
0x125: {  	[hbm4b:s5+s4] =	stream.linear.scatter @!p0 [tilespmem:s0], [sflag:$0x5], $0x1, $0x38;
	[tilespmem:$0x11A60] =	vst v63  }
0x126: {  	s5 =	simm.s32 $0x0  }
0x127: {  	s4 =	simm.s32 $0xC1;
	s5 =	simm.s32 @!p0 $0x4  }
.LBB2_22:
0x128: {  	v0 =	vld.msk [tilespmem:s4+$0x0], $0x1;
	s2 =	sadd.s32 $0xFFFFFFFF, s2;
	s3 =	sadd.s32 s3, s5  }
0x129: {  	p0 =	sne.s32 s2, $0x0;
	_ =	sdelay $0x3  }
0x12a: {  	(v2sf) =	vpush v0, $0x0;
	_ =	sdelay $0xe  }
.Ltmp17:
0x12b: {  	s6 =	spop (v2sf);
	(pc) =	sbr.rel @p0 .LBB2_22-.Ltmp17, $4  }
0x12c: {  	s5 =	simm.s32 $0x0;
	p1 =	sgt.u32 s6, $0x27FF  }
0x12d: {  	s0 =	sadd.s32 $0x1, s0;
	s5 =	simm.s32 @!p1 $0x4;
	s7 =	sshrl.u32 @!p1 s6, $0x3  }
0x12e: {  	s4 =	sadd.s32 $0x1, s4;
	s6 =	sand.u32 @!p1 $0x7, s6;
	s7 =	sadd.s32 @!p1 s1, s7  }
0x12f: {  	[hbm4b:s7+s6] =	stream.linear.scatter @!p1 [tilespmem:s0], [sflag:$0x5], $0x1, $0x38;
	[tilespmem:$0x11A60] =	vst v63  }
.LBB2_23:
0x130: {  	s0 =	sadd.s32 s3, s5  }
0x131: {  	s3 =	sshrl.u32 s0, $0x2  }
.LBB2_24:
0x132: {  	s0 =	simm.s32 $0x5  }
0x133: {  	_ =	swait.ge [sflag:s0], s3  }
0x134: {  	s1 =	ssub.s32 $0x0, s3;
	[sflag:s0] =	ssyncset.done $0x0  }
0x135: {  	[sflag:s0] =	ssyncadd.s32 s1  }
0x136: {  	[sflag:s0] =	ssyncpa.u1 $0x1  }
0x137: {  	s29 =	simm.s32 $0x1;
	_ =	sfence  }
0x138: {  	s30 =	simm.s32 $0x2;
	[sflag:s29] =	ssyncpa.u1 $0x1  }
0x139: {  	[sflag:s30] =	ssyncpa.u1 $0x1  }
0x13a: {  	_ =	strace $0x90000056  }
0x13b: {  	[bflag:$0x2] =	sbarrier.arrive $0xFFFF  }
0x13c: {  	s31 =	rddreg [dreg:$0x1]  }
0x13d: {  	s0 =	sadd.s32 $0x100000, s31  }
0x13e: {  	[sflag:s0] =	ssyncadd.tile.s32 $0x1;
	_ =	shalt  }
.Lfunc_end2:
_tile_overlayer_lowered:
.L_overlay_start_2:
0x13f: {  	(tag) =	ssettag $0x2  }
0x140: {  	s0 =	rddreg [dreg:$0x0];
	s2 =	stileid.u32  }
0x141: {  	s1 =	rddreg [dreg:$0x1];
	p0 =	sne.s32 s2, $0x0  }
0x142: {  	s3 =	rddreg [dreg:$0x2];
	[bflag:$0x3] =	sbarrier.arrive $0xFFFF;
	s2 =	simm.s32 @!p0 $0x1C01  }
0x143: {  	[timem:s3], [sflag:s2] =	dma.local @!p0 [hbm:s0], s1  }
0x144: {  	s0 =	simm.s32 @!p0 $0x1  }
0x145: {  	_ =	swait.ge @!p0 [sflag:s0], s1  }
0x146: {  	s1 =	ssub.s32 @!p0 $0x0, s1;
	[sflag:s0] =	ssyncset.done @!p0 $0x0  }
0x147: {  	[sflag:s0] =	ssyncadd.s32 @!p0 s1  }
0x148: {  	[bflag:$0x3] =	sbarrier.arrive $0xFFFF  }
0x149: {  	_ =	shalt  }

// kernel: scatter_offload_async_start.3
scs
__scs_entry_jumppad:
0x0: {  	(pc) =	sbr.rel $0x88, $3  }
0x1: {  	(tag) =	ssettag $0x0;
	lr =	simm.s32 $0x1  }
0x2: {  	[smem:$0x3F8E] =	sst lr;
	_ =	strace $0xD0000000  }
0x3: {  	_ = 	snop  }
0x4: {  	_ = 	snop  }
0x5: {  	_ = 	snop  }
0x6: {  	_ = 	snop  }
0x7: {  	_ = 	snop  }
__scs_overlays_trampoline_lowered:
0x8: {  	[smem:$0x3F9D] =	sst s0  }
0x9: {  	[smem:$0x3F9E] =	sst s1  }
0xa: {  	[smem:$0x3F9F] =	sst s2  }
0xb: {  	[smem:$0x3FA0] =	sst s3  }
0xc: {  	[smem:$0x3FA1] =	sst s4  }
0xd: {  	[smem:$0x3FA2] =	sst s5  }
0xe: {  	[smem:$0x3FA3] =	sst s6  }
0xf: {  	[smem:$0x3FA4] =	sst s7  }
0x10: {  	[smem:$0x3FA5] =	sst s8  }
0x11: {  	[smem:$0x3FA6] =	sst s9;
	s0 =	simm.s32 @!p0 $0x0  }
0x12: {  	s1 =	sld [smem:$0x3F8C];
	s0 =	simm.s32 @p0 $0x1  }
0x13: {  	[smem:$0x3FA7] =	sst s0;
	s0 =	simm.s32 @!p1 $0x0  }
0x14: {  	s2 =	sld [smem:$0x3F8B];
	s0 =	simm.s32 @p1 $0x1  }
0x15: {  	[smem:$0x3FA8] =	sst s0;
	s0 =	simm.s32 @!p2 $0x0  }
0x16: {  	s3 =	sld [smem:$0x3FDB];
	s0 =	simm.s32 @p2 $0x1  }
0x17: {  	s4 =	simm.s32 $0x1BF5;
	[smem:$0x3FAA] =	sst s0  }
0x18: {  	s0 =	sld [smem:$0x3F8D];
	_ =	swait.ge [sflag:s4], $0x0  }
0x19: {  	s7 =	sld [smem:$0x3F8E]  }
0x1a: {  	s8 =	sadd.s32 $0xFFFFE003, lr  }
0x1b: {  	s9 =	sadd.s32 $0xFFFFFEF7, lr;
	s5 =	simm.s32 $0xFFFFFFFF;
	p2 =	slt.u32 s8, $0xFFFFF086  }
0x1c: {  	p1 =	slt.u32 s9, $0xF7A;
	s5 =	simm.s32 @!p2 $0x0  }
0x1d: {  	s5 =	simm.s32 @p1 $0x1;
	p0 =	seq.s32 s7, s2  }
0x1e: {  	s7 =	smul.u32 @!p0 $0xF7A, s2;
	p2 =	seq.s32 @!p0 s5, $0x0  }
0x1f: {  	s9 =	smul.u32 $0xF7A, s1;
	s8 =	simm.s32 @!p0 $0x1BF5;
	p2 =	por !p2, p0  }
0x20: {  	[sflag:s8] =	ssyncset.s32 @!p0 $0xFFFFF086;
	s6 =	sadd.s32 @!p0 s3, s7;
	s7 =	simm.s32 @!p0 $0x108  }
0x21: {  	s3 =	sadd.s32 s3, s9;
	s6 =	sadd.s32 @!p0 $0x88, s6;
	s7 =	simm.s32 @p2 $0x1082  }
0x22: {  	[simem:s7], [sflag:s8] =	dma.local @!p0 [hbm:s6], $0xF7A  }
0x23: {  	s9 =	sor.u32 $0xD0000000, s2;
	s6 =	simm.s32 $0x108;
	_ =	swait.ge @!p0 [sflag:s8], $0x0  }
0x24: {  	s3 =	sadd.s32 $0x88, s3;
	s6 =	simm.s32 @!p1 $0x1082;
	[sflag:s4] =	ssyncset.s32 $0xFFFFF086  }
0x25: {  	[simem:s6], [sflag:s4] =	dma.local [hbm:s3], $0xF7A  }
0x26: {  	[smem:$0x3F8E] =	sst s1;
	(tag) =	ssettag s2;
	_ =	strace s9  }
0x27: {  	s1 =	sld [smem:$0x3F9E]  }
0x28: {  	s2 =	sld [smem:$0x3F9F]  }
0x29: {  	s4 =	sld [smem:$0x3FA1]  }
0x2a: {  	p0 =	seq.s32 s5, $0x0;
	s5 =	sld [smem:$0x3FA2]  }
0x2b: {  	s6 =	sld [smem:$0x3FA3]  }
0x2c: {  	s7 =	sld [smem:$0x3FA4]  }
0x2d: {  	s3 =	simm.s32 $0x108;
	s8 =	sld [smem:$0x3FA5]  }
0x2e: {  	s3 =	simm.s32 @!p0 $0x1082;
	s9 =	sld [smem:$0x3FA6]  }
0x2f: {  	lr =	sadd.s32 s0, s3;
	s0 =	sld [smem:$0x3F9D]  }
0x30: {  	s3 =	sld [smem:$0x3FA0]  }
0x31: {  	[smem:$0x3FA9] =	sst s10  }
0x32: {  	s10 =	sld [smem:$0x3FA7];
	_ =	sdelay $0x3  }
0x33: {  	p0 =	seq.s32 s10, $0x1;
	s10 =	sld [smem:$0x3FA9];
	_ =	sdelay $0x3  }
0x34: {  	[smem:$0x3FA9] =	sst s10  }
0x35: {  	s10 =	sld [smem:$0x3FA8];
	_ =	sdelay $0x3  }
0x36: {  	p1 =	seq.s32 s10, $0x1;
	s10 =	sld [smem:$0x3FA9];
	_ =	sdelay $0x3  }
0x37: {  	[smem:$0x3FA9] =	sst s10  }
0x38: {  	s10 =	sld [smem:$0x3FAA]  }
0x39: {  	_ = 	snop;
	(pc) =	sbr.ind lr, $3  }
0x3a: {  	_ = 	snop  }
0x3b: {  	_ = 	snop  }
0x3c: {  	p2 =	seq.s32 s10, $0x1;
	s10 =	sld [smem:$0x3FA9]  }
0x3d: {  	_ =	shalt  }
0x3e: {  	_ =	shalt  }
0x3f: {  	_ =	shalt  }
0x40: {  	_ =	shalt  }
0x41: {  	_ =	shalt  }
0x42: {  	_ =	shalt  }
0x43: {  	_ =	shalt  }
0x44: {  	_ =	shalt  }
0x45: {  	_ =	shalt  }
0x46: {  	_ =	shalt  }
0x47: {  	_ =	shalt  }
0x48: {  	_ =	shalt  }
0x49: {  	_ =	shalt  }
0x4a: {  	_ =	shalt  }
0x4b: {  	_ =	shalt  }
0x4c: {  	_ =	shalt  }
0x4d: {  	_ =	shalt  }
0x4e: {  	_ =	shalt  }
0x4f: {  	_ =	shalt  }
0x50: {  	_ =	shalt  }
0x51: {  	_ =	shalt  }
0x52: {  	_ =	shalt  }
0x53: {  	_ =	shalt  }
0x54: {  	_ =	shalt  }
0x55: {  	_ =	shalt  }
0x56: {  	_ =	shalt  }
0x57: {  	_ =	shalt  }
0x58: {  	_ =	shalt  }
0x59: {  	_ =	shalt  }
0x5a: {  	_ =	shalt  }
0x5b: {  	_ =	shalt  }
0x5c: {  	_ =	shalt  }
0x5d: {  	_ =	shalt  }
0x5e: {  	_ =	shalt  }
0x5f: {  	_ =	shalt  }
0x60: {  	_ =	shalt  }
0x61: {  	_ =	shalt  }
0x62: {  	_ =	shalt  }
0x63: {  	_ =	shalt  }
0x64: {  	_ =	shalt  }
0x65: {  	_ =	shalt  }
0x66: {  	_ =	shalt  }
0x67: {  	_ =	shalt  }
0x68: {  	_ =	shalt  }
0x69: {  	_ =	shalt  }
0x6a: {  	_ =	shalt  }
0x6b: {  	_ =	shalt  }
0x6c: {  	_ =	shalt  }
0x6d: {  	_ =	shalt  }
0x6e: {  	_ =	shalt  }
0x6f: {  	_ =	shalt  }
0x70: {  	_ =	shalt  }
0x71: {  	_ =	shalt  }
0x72: {  	_ =	shalt  }
0x73: {  	_ =	shalt  }
0x74: {  	_ =	shalt  }
0x75: {  	_ =	shalt  }
0x76: {  	_ =	shalt  }
0x77: {  	_ =	shalt  }
0x78: {  	_ =	shalt  }
0x79: {  	_ =	shalt  }
0x7a: {  	_ =	shalt  }
0x7b: {  	_ =	shalt  }
0x7c: {  	_ =	shalt  }
0x7d: {  	_ =	shalt  }
0x7e: {  	_ =	shalt  }
0x7f: {  	_ =	shalt  }
0x80: {  	_ =	shalt  }
0x81: {  	_ =	shalt  }
0x82: {  	_ =	shalt  }
0x83: {  	_ =	shalt  }
0x84: {  	_ =	shalt  }
0x85: {  	_ =	shalt  }
0x86: {  	_ =	shalt  }
0x87: {  	_ =	shalt  }
.Lfunc_end0:
.L_simem_size_0:
called_computation.3_lowered:
.L_overlay_start_0:
0x88: {  	s2 =	sld [smem:$0x3FD9]  }
0x89: {  	s3 =	sld [smem:$0x3FFE];
	_ =	sdelay $0x1  }
0x8a: {  	s1 =	srdreg.scid  }
0x8b: {  	s0 =	sand.u32 $0x1, s1  }
0x8c: {  	s17 =	sshll.u32 s0, $0xA;
	s2 =	sadd.s32 s3, s2  }
0x8d: {  	s2 =	sadd.s32 s2, s17  }
0x8e: {  	[smem:$0x3FB5] =	sst s2  }
0x8f: {  	_ = 	snop  }
0x90: {  	(tm) =	ssettm $0x1  }
0x91: {  	s18 =	sld [smem:$0x3FFB];
	_ =	sdelay $0x3  }
0x92: {  	_ =	strace s18  }
0x93: {  	s2 =	sld [smem:$0x3FFC];
	_ =	sdelay $0x3  }
0x94: {  	_ =	strace s2  }
0x95: {  	s2 =	sld [smem:$0x3FFD];
	_ =	sdelay $0x3  }
0x96: {  	_ =	strace s2  }
0x97: {  	_ =	strace $0x8FFFFFFF  }
0x98: {  	s19 =	sld [smem:$0x3FDB];
	_ =	sdelay $0x1  }
0x99: {  	s20 =	simm.s32 $_scs_section_size  }
0x9a: {  	s4 =	simm.s32 $_size__tile_overlayer_lowered;
	s5 =	simm.s32 $_tile_overlayer_lowered  }
0x9b: {  	s6 =	simm.s32 $0x1BFF;
	s21 =	sshll.u32 s5, $0x1;
	s3 =	sadd.s32 s20, s19  }
0x9c: {  	s22 =	simm.s32 $0x0;
	s4 =	sshll.u32 s4, $0x1;
	s5 =	sadd.s32 s21, s3  }
0x9d: {  	[timem:s22], [sflag:s6] =	dma.local [hbm:s5], s4  }
0x9e: {  	_ =	swait.ge [sflag:s6], s4  }
0x9f: {  	s4 =	ssub.s32 $0x0, s4;
	[sflag:s6] =	ssyncset.done $0x0  }
0xa0: {  	[sflag:s6] =	ssyncadd.s32 s4;
	_ =	sdelay $0x1  }
0xa1: {  	s23 =	simm.s32 $0x1B8B  }
0xa2: {  	_ =	swait.ge [sflag:s23], $0x1  }
0xa3: {  	[sflag:s23] =	ssyncset.done $0x0  }
0xa4: {  	[sflag:s23] =	ssyncadd.s32 $0xFFFFFFFF  }
0xa5: {  	s4 =	sld [smem:$0x0]  }
0xa6: {  	s5 =	sand.u32 $0xFFFFFFFE, s1  }
0xa7: {  	p0 =	sne.s32 s1, s5  }
0xa8: {  	s5 =	sshll.u32 @p0 s5, $0xE  }
0xa9: {  	s5 =	sadd.s32 @p0 $0x11B8D, s5;
	s6 =	sshll.u32 @p0 s4, $0x11  }
0xaa: {  	s5 =	sor.u32 @p0 s6, s5  }
0xab: {  	[sflag:s5] =	ssyncadd.remote.s32 @p0 $0x1;
	_ =	sdelay $0x1  }
0xac: {  	s5 =	simm.s32 @p0 $0x1B8D  }
0xad: {  	_ =	swait.eq @p0 [sflag:s5], $0x1  }
0xae: {  	[sflag:s5] =	ssyncadd.s32 @p0 $0xFFFFFFFF  }
0xaf: {  	s6 =	sshll.u32 @!p0 s1, $0xE  }
0xb0: {  	s6 =	sor.u32 @!p0 $0x4000, s6;
	s5 =	simm.s32 @!p0 $0x1B8D  }
0xb1: {  	s7 =	sshll.u32 @!p0 s4, $0x11;
	s6 =	sadd.s32 @!p0 $0x11B8D, s6;
	_ =	swait.eq @!p0 [sflag:s5], $0x1  }
0xb2: {  	[sflag:s5] =	ssyncadd.s32 @!p0 $0xFFFFFFFF;
	s5 =	sor.u32 @!p0 s7, s6  }
0xb3: {  	s25 =	simm.s32 $0x1B8E;
	s24 =	sld [smem:$0x3FFE];
	[sflag:s5] =	ssyncadd.remote.s32 @!p0 $0x1  }
0xb4: {  	s26 =	simm.s32 $execute0_lowered;
	[smem:$0x3FD2] =	sst s25  }
0xb5: {  	s6 =	sshll.u32 s26, $0x1;
	_ =	strace $0x80000058;
	[dreg:$0x1] =	wrdreg $0xFFFFFFFF  }
0xb6: {  	s28 =	simm.s32 $_size_execute0_lowered;
	s3 =	sadd.s32 s3, s6;
	[dreg:$0x0] =	wrdreg $0x0  }
0xb7: {  	s6 =	sshll.u32 s28, $0x1;
	[dreg:$0x2] =	wrdreg s3  }
0xb8: {  	[dreg:$0x3] =	wrdreg s6  }
0xb9: {  	[dreg:$0x4] =	wrdreg $0xC0  }
0xba: {  	_ =	task [dreg:s22], $0x5FFFF  }
0xbb: {  	[dreg:$0x1] =	wrdreg $0xFFFFFFFF  }
0xbc: {  	[dreg:$0x0] =	wrdreg $0x60  }
0xbd: {  	[dreg:$0x2] =	wrdreg s24  }
0xbe: {  	[dreg:$0x3] =	wrdreg s1  }
0xbf: {  	[dreg:$0x4] =	wrdreg s4  }
0xc0: {  	[dreg:$0x5] =	wrdreg $0xA  }
0xc1: {  	_ =	task.clear_ibuf [dreg:s22], $0x6FFFF;
	_ =	strace $0x90000058  }
0xc2: {  	s29 =	simm.s32 $0xA;
	_ =	strace $0x8000005A  }
0xc3: {  	_ =	swait.ge [sflag:s29], $0x1  }
0xc4: {  	[sflag:s29] =	ssyncadd.s32 $0xFFFFFFFF  }
0xc5: {  	_ =	strace $0x9000005A  }
0xc6: {  	_ =	sfence  }
0xc7: {  	s30 =	sld [smem:$0x0];
	_ =	sdelay $0x2  }
0xc8: {  	s31 =	sshll.u32 s1, $0xD;
	s1 =	sshrl.u32 s1, $0x2  }
0xc9: {  	s4 =	sand.u32 $0x4000, s31;
	s1 =	sadd.s32 s1, s30  }
0xca: {  	s0 =	sor.u32 s4, s0;
	s1 =	sshll.u32 s1, $0x11  }
0xcb: {  	s0 =	sor.u32 s1, s0  }
0xcc: {  	s0 =	sadd.s32 $0x8F2B, s0  }
0xcd: {  	[sflag:s0] =	ssyncadd.remote.s32 $0x1  }
0xce: {  	_ =	sfence.sel $0xFFFF  }
0xcf: {  	[dreg:$0x0] =	wrdreg $0xFFFFFFFF;
	(pc) =	sbr.abs _section_cstart, $3  }
0xd0: {  	[dreg:$0x1] =	wrdreg $0xFFFFFFFF  }
0xd1: {  	_ =	task.clear_ibuf [dreg:s22], $0x2FFFF;
	_ =	strace $0x9FFFFFFF  }
0xd2: {  	(tm) =	ssettm $0x7FFFFFFF  }
0xd3: {  	_ =	shalt  }
tec
execute0_lowered:
.L_overlay_start_1:
0x0: {  	(tag) =	ssettag $0x1  }
0x1: {  	s2 =	rddreg [dreg:$0x0]  }
0x2: {  	s3 =	rddreg [dreg:$0x1];
	_ =	strace $0x80000059;
	s0 =	simm.s32 $0x1  }
0x3: {  	v0 =	vimm.s32 $0x0;
	[sflag:s0] =	ssyncpa.u1 $0x0;
	s0 =	simm.s32 $0x108  }
0x4: {  	[tilespmem:s0+$0x70] =	vst v0  }
0x5: {  	[tilespmem:s0+$0x60] =	vst v0  }
0x6: {  	[tilespmem:s0+$0x50] =	vst v0  }
0x7: {  	[tilespmem:s0+$0x40] =	vst v0  }
0x8: {  	[tilespmem:s0+$0x30] =	vst v0  }
0x9: {  	s1 =	sadd.s32 $0xA000, s2;
	s15 =	sadd.s32 $0x62A00, s2;
	s6 =	sadd.s32 $0x6CA00, s2;
	[tilespmem:s0+$0x20] =	vst v0  }
0xa: {  	s14 =	sadd.s32 $0x67A00, s2;
	s5 =	sand.u32 $0x1, s3;
	s3 =	simm.s32 $0x40;
	[tilespmem:s0+$0x10] =	vst v0  }
.LBB2_1:
0xb: {  	s3 =	sadd.s32 $0x40, s3;
	[tilespmem:s0+$0x0] =	vst v0;
	s0 =	sadd.s32 $0x80, s0  }
0xc: {  	p0 =	slt.u32 s3, $0x3C40;
	[tilespmem:s0+$0x70] =	vst v0  }
0xd: {  	[tilespmem:s0+$0x60] =	vst v0  }
.Ltmp0:
0xe: {  	[tilespmem:s0+$0x50] =	vst v0;
	(pc) =	sbr.rel @p0 .LBB2_1-.Ltmp0, $4  }
0xf: {  	[tilespmem:s0+$0x40] =	vst v0  }
0x10: {  	[tilespmem:s0+$0x30] =	vst v0  }
0x11: {  	[tilespmem:s0+$0x20] =	vst v0  }
0x12: {  	[tilespmem:s0+$0x10] =	vst v0  }
0x13: {  	s9 =	stileid.u32  }
0x14: {  	s2 =	smul.u32 $0x14, s9  }
0x15: {  	s3 =	smin.u32 s9, $0xE  }
0x16: {  	s2 =	sadd.s32 s3, s2  }
0x17: {  	p0 =	slt.u32 s9, $0xE;
	s7 =	smul.u32 $0xF0, s2;
	s2 =	simm.s32 $0x13B0  }
0x18: {  	s2 =	simm.s32 @!p0 $0x12C0  }
0x19: {  	s2 =	sadd.s32 s2, s7  }
0x1a: {  	s8 =	smin.u32 s2, $0x13880  }
0x1b: {  	s2 =	ssub.s32 s8, s7  }
0x1c: {  	p0 =	sgt.s32 s2, $0x0  }
0x1d: {  	s29 =	simm.s32 $0x2;
	s10 =	simm.s32 $0x9;
	s2 =	simm.s32 @!p0 $0x0  }
0x1e: {  	s4 =	simm.s32 $0xA;
	s11 =	simm.s32 $0xB;
	s28 =	smulhi.u32 $0x88888889, s2  }
0x1f: {  	[dreg:$0x4] =	wrdreg s5;
	s31 =	smul.u32 $0x2710, s5;
	s12 =	simm.s32 $0x1  }
0x20: {  	s22 =	simm.s32 $0x0;
	s18 =	simm.s32 $0xC;
	s30 =	sshrl.u32 s28, $0x7  }
0x21: {  	s20 =	simm.s32 $0x0;
	s21 =	simm.s32 $0x0;
	s3 =	smul.u32 $0xF0, s30  }
.Ltmp1:
0x22: {  	[tilespmem:s0+$0x0] =	vst v0;
	v0 =	vimm.s32 $0xFFFFFFFF;
	[sflag:s29] =	ssyncpa.u1 $0x0;
	s16 =	sshll.u32 s9, $0x8;
	(pc) =	sbr.rel .LBB2_3-.Ltmp1, $4  }
0x23: {  	[tilespmem:$0xF208] =	vst v0;
	[sflag:s10] =	ssyncpa.u1 $0x0;
	p0 =	sne.s32 s2, s3;
	s2 =	simm.s32 $0x1  }
0x24: {  	s14 =	sadd.s32 s31, s14;
	[sflag:s4] =	ssyncpa.u1 $0x0;
	s2 =	simm.s32 @!p0 $0x0  }
0x25: {  	s15 =	sadd.s32 s31, s15;
	[sflag:s11] =	ssyncpa.u1 $0x0;
	s13 =	sadd.s32 s2, s30  }
0x26: {  	v0 =	vlaneseq.u32;
	s19 =	smov.u32 s7;
	p0 =	por $0x0, $0x0;
	s17 =	sadd.s32 $0x1, s13  }
.LBB2_18:
0x27: {  	s0 =	sshrl.u32 s31, $0x2  }
.LBB2_20:
0x28: {  	_ =	swait.ge [sflag:s18], s0  }
0x29: {  	s31 =	ssub.s32 $0x0, s0;
	v1 =	vmov s24;
	vm0 =	veq.s32 v0, $0x0;
	[sflag:s18] =	ssyncset.done $0x0  }
0x2a: {  	vm15 =	veq.s32 v0, $0x2;
	v1 =	vsel vm0, s30, v1;
	[sflag:s18] =	ssyncadd.s32 s31  }
0x2b: {  	v1 =	vsel vm15, s22, v1;
	[sflag:s18] =	ssyncpa.u1 $0x1  }
0x2c: {  	[tilespmem:$0xF208] =	vst v1  }
.LBB2_21:
0x2d: {  	s0 =	sadd.s32 $0xF0, s19  }
0x2e: {  	s2 =	smov.u32 s7;
	p1 =	slt.s32 s0, s8  }
0x2f: {  	s2 =	smov.u32 @p1 s0;
	p1 =	sne.s32 s21, s17  }
.Ltmp2:
0x30: {  	_ = 	snop;
	(pc) =	sbr.rel @!p1 .LBB2_22-.Ltmp2, $3  }
0x31: {  	_ =	sdelay $0x1  }
0x32: {  	s22 =	smov.u32 s20;
	s31 =	sadd.s32 $0x1, s21;
	s20 =	smov.u32 s19  }
0x33: {  	p0 =	por !p0, !p0;
	s21 =	smov.u32 s31;
	s19 =	smov.u32 s2  }
.LBB2_3:
0x34: {  	p1 =	sge.u32 s21, s13  }
0x35: {  	s0 =	smulhi.u32 @!p1 $0xAAAAAAAB, s21  }
0x36: {  	s2 =	smov.u32 s19;
	p2 =	sgt.s32 @!p1 s19, $0x13790  }
0x37: {  	s3 =	sshra.s32 @!p1 s19, $0x1F;
	p2 =	por !p2, p1;
	s0 =	sshrl.u32 @!p1 s0, $0x1  }
0x38: {  	s3 =	sand.u32 @!p1 s3, s19;
	s2 =	simm.s32 @p2 $0x13790;
	s0 =	smul.u32 @!p1 $0x3, s0  }
0x39: {  	s2 =	ssub.s32 @!p1 s2, s3  }
0x3a: {  	s2 =	sadd.s32 @!p1 $0xFFFEC870, s2;
	s0 =	ssub.s32 @!p1 s21, s0  }
0x3b: {  	s3 =	sshll.u32 @!p1 s2, $0x2;
	p2 =	sgt.s32 @!p1 s2, $0xEF;
	s0 =	smul.u32 @!p1 $0x3C0, s0  }
0x3c: {  	s4 =	sand.u32 @!p1 $0x7, s19;
	s2 =	ssub.s32 @!p1 $0x3C0, s3;
	p2 =	por !p2, p1  }
0x3d: {  	s3 =	sshrl.u32 @!p1 s19, $0x3;
	s2 =	sshrl.u32 @!p1 s2, $0x2;
	s0 =	sshrl.u32 @!p1 s0, $0x2  }
0x3e: {  	s3 =	sadd.s32 @!p1 s3, s14;
	s2 =	simm.s32 @!p2 $0x0;
	s0 =	sadd.s32 @!p1 $0x10248, s0  }
0x3f: {  	[tilespmem:s0], [sflag:$0xA] =	stream.linear.gather @!p1 [hbm4b:s3+s4], s2, $0x38;
	[tilespmem:$0x1F6F8] =	vst v63  }
0x40: {  	s0 =	sadd.s32 $0xFFFFFFFF, s21  }
0x41: {  	p1 =	sge.u32 s0, s13  }
0x42: {  	p2 =	sgt.s32 @!p1 s20, $0x13790  }
0x43: {  	s2 =	smov.u32 s20;
	s3 =	sshra.s32 @!p1 s20, $0x1F;
	p2 =	por !p2, p1  }
0x44: {  	s3 =	sand.u32 @!p1 s3, s20;
	s2 =	simm.s32 @p2 $0x13790  }
0x45: {  	s2 =	ssub.s32 @!p1 s2, s3  }
0x46: {  	s2 =	sadd.s32 @!p1 $0xFFFEC870, s2  }
0x47: {  	s4 =	sand.u32 @!p1 $0x1, s0;
	s3 =	sshll.u32 @!p1 s2, $0x2  }
0x48: {  	p2 =	sgt.s32 @!p1 s2, $0xEF;
	s2 =	ssub.s32 @!p1 $0x3C0, s3;
	s3 =	smulhi.u32 @!p1 $0xAAAAAAAB, s0  }
0x49: {  	s23 =	smul.u32 @!p1 $0x3C0, s4;
	p2 =	por !p2, p1;
	s2 =	sshrl.u32 @!p1 s2, $0x2  }
0x4a: {  	s5 =	simm.s32 @!p1 $0xA;
	s2 =	simm.s32 @!p2 $0x0;
	s3 =	sshrl.u32 @!p1 s3, $0x1  }
0x4b: {  	s23 =	sshrl.u32 @!p1 s23, $0x2;
	_ =	swait.ge @!p1 [sflag:s5], s2;
	s3 =	smul.u32 @!p1 $0x3, s3  }
0x4c: {  	s23 =	sadd.s32 @!p1 $0x10518, s23;
	s24 =	ssub.s32 @!p1 $0x0, s2;
	[sflag:s5] =	ssyncset.done @!p1 $0x0  }
0x4d: {  	[sflag:s5] =	ssyncadd.s32 @!p1 s24;
	s5 =	sshrl.u32 @!p1 s20, $0x3;
	s0 =	ssub.s32 @!p1 s0, s3  }
0x4e: {  	s24 =	sand.u32 @!p1 $0x7, s20;
	s5 =	sadd.s32 @!p1 s5, s15;
	s0 =	smul.u32 @!p1 $0x3C0, s0  }
0x4f: {  	[tilespmem:s23], [sflag:$0xB] =	stream.linear.gather @!p1 [hbm4b:s5+s24], s2, $0x38;
	[tilespmem:$0x1F6F8] =	vst v63  }
0x50: {  	s3 =	ssub.s32 @!p1 $0x13880, s20;
	s2 =	smul.u32 @!p1 $0x1E000, s4  }
0x51: {  	p2 =	slt.s32 @!p1 s3, $0xF0  }
0x52: {  	p2 =	por !p2, p1;
	s0 =	sshrl.u32 @!p1 s0, $0x2;
	s2 =	sshrl.u32 @!p1 s2, $0x2  }
0x53: {  	s3 =	simm.s32 @p2 $0xF0;
	s0 =	sadd.s32 @!p1 $0x10248, s0;
	s2 =	sor.u32 @!p1 $0x106F8, s2  }
0x54: {  	[tilespmem:s2], [sflag:$0x9] =	stream.indirect.gather @!p1 [hbm4b:s6+s3], $0x80, s0, s3, $0xb8;
	[tilespmem:$0x1F6F8] =	vst v63  }
0x55: {  	p1 =	slt.u32 s21, $0x2  }
.Ltmp3:
0x56: {  	_ = 	snop;
	(pc) =	sbr.rel @p1 .LBB2_21-.Ltmp3, $1  }
0x57: {  	_ =	sdelay $0x3  }
0x58: {  	p1 =	sgt.s32 s22, $0x13790  }
0x59: {  	s0 =	smov.u32 s22;
	s2 =	sshra.s32 s22, $0x1F;
	s3 =	ssub.s32 $0x13880, s22  }
0x5a: {  	s0 =	simm.s32 @!p1 $0x13790;
	s2 =	sand.u32 s2, s22;
	p1 =	slt.s32 s3, $0xF0  }
0x5b: {  	s0 =	ssub.s32 s0, s2;
	s3 =	simm.s32 @!p1 $0xF0  }
0x5c: {  	s0 =	sadd.s32 $0xFFFEC870, s0;
	s25 =	sshll.u32 s3, $0x7  }
0x5d: {  	s26 =	sshll.u32 s0, $0x2;
	s2 =	sand.u32 $0x3FFFFF80, s25  }
0x5e: {  	p1 =	sgt.s32 s0, $0xEF;
	s29 =	ssub.s32 $0x3C0, s26;
	_ =	swait.ge [sflag:s10], s2  }
0x5f: {  	s2 =	ssub.s32 $0x0, s2;
	[sflag:s10] =	ssyncset.done $0x0;
	s0 =	sshrl.u32 s29, $0x2  }
0x60: {  	[sflag:s10] =	ssyncadd.s32 s2;
	s0 =	simm.s32 @p1 $0x0  }
0x61: {  	_ =	swait.ge [sflag:s11], s0  }
0x62: {  	s0 =	ssub.s32 $0x0, s0;
	[sflag:s11] =	ssyncset.done $0x0  }
0x63: {  	[sflag:s11] =	ssyncadd.s32 s0  }
0x64: {  	v1 =	vld [tilespmem:$0xF208];
	_ =	sdelay $0x4  }
0x65: {  	(v2sf) =	vpush v1, $0x0  }
0x66: {  	(v2sf) =	vpush v1, $0x1  }
0x67: {  	(v2sf) =	vpush v1, $0x2;
	_ =	sdelay $0x3  }
0x68: {  	s0 =	sadd.s32 $0xF0, s22  }
0x69: {  	s2 =	ssub.s32 $0x27100, s22;
	p1 =	slt.s32 s8, s0  }
0x6a: {  	s0 =	smov.u32 @p1 s8;
	p1 =	sgt.s32 s2, $0x0  }
0x6b: {  	s26 =	ssub.s32 s0, s22;
	s2 =	simm.s32 @!p1 $0x0  }
0x6c: {  	p1 =	slt.s32 s2, s26  }
0x6d: {  	s26 =	smov.u32 @p1 s2  }
0x6e: {  	s25 =	simm.s32 $0x1;
	p1 =	slt.s32 s26, $0x1  }
.Ltmp4:
0x6f: {  	s25 =	simm.s32 @!p0 $0x0;
	(pc) =	sbr.rel @p1 .LBB2_8-.Ltmp4, $4  }
0x70: {  	s31 =	smul.u32 $0x3C0, s25  }
0x71: {  	s28 =	spop (v2sf)  }
0x72: {  	s0 =	sshrl.u32 s31, $0x2;
	s30 =	spop (v2sf)  }
0x73: {  	s23 =	sadd.s32 $0x10518, s0;
	s22 =	spop (v2sf)  }
0x74: {  	s0 =	smin.u32 s26, $0x10  }
0x75: {  	v1 =	vmov s0  }
0x76: {  	p2 =	sgt.s32 s26, $0x10;
	vm1 =	vgt.u32 v1, v0  }
.Ltmp5:
0x77: {  	_ = 	snop;
	(pc) =	sbr.rel @!p2 .LBB2_7-.Ltmp5, $2  }
0x78: {  	_ =	sdelay $0x2  }
0x79: {  	s4 =	simm.s32 $0x10;
	s24 =	sadd.s32 $0xFFFFFFF0, s26;
	s0 =	smov.u32 s23;
	vm0 =	vmmov vm1  }
.LBB2_6:
0x7a: {  	s2 =	smin.u32 s24, $0x10;
	s4 =	sadd.s32 $0x10, s4;
	v1 =	vld.msk [tilespmem:s0+$0x0 ss:$0x1], vm1  }
0x7b: {  	v2 =	vmov s2;
	p2 =	slt.s32 s4, s26  }
0x7c: {  	vm1 =	vgt.u32 v2, v0  }
.Ltmp6:
0x7d: {  	(pc) =	sbr.rel @p2 .LBB2_6-.Ltmp6, $3  }
0x7e: {  	_ =	sdelay $0x1  }
0x7f: {  	v1 =	vshll.u32 v1, $0x4  }
0x80: {  	s24 =	sadd.s32 $0xFFFFFFF0, s24;
	[tilespmem:s0+$0x0] =	vst.msk vm0, v1;
	s0 =	sadd.s32 $0x10, s0;
	vm0 =	vmmov vm1  }
.LBB2_7:
0x81: {  	_ =	sdelay $0x4  }
0x82: {  	v1 =	vld.msk [tilespmem:s0+$0x0 ss:$0x1], vm1;
	_ =	sdelay $0x4  }
0x83: {  	v1 =	vshll.u32 v1, $0x4  }
0x84: {  	[tilespmem:s0+$0x0] =	vst.msk vm0, v1  }
.LBB2_8:
0x85: {  	s0 =	sand.u32 $0x1, s21  }
0x86: {  	s0 =	smul.u32 $0xF0, s0  }
0x87: {  	p2 =	sne.s32 s30, $0xFFFFFFFF  }
0x88: {  	v1 =	vld.msk @!p2 [tilespmem:s0+$0x10518], $0x1;
	_ =	sdelay $0x4  }
0x89: {  	(v2sf) =	vpush @!p2 v1, $0x0;
	_ =	sdelay $0xc  }
.Ltmp7:
0x8a: {  	_ = 	snop;
	(pc) =	sbr.rel @p1 .LBB2_19-.Ltmp7, $4  }
0x8b: {  	_ = 	snop  }
0x8c: {  	s29 =	spop @!p2 (v2sf)  }
0x8d: {  	s22 =	simm.s32 @!p2 $0x0;
	s24 =	smov.u32 s29  }
0x8e: {  	[sflag:s18] =	ssyncpa.u1 $0x0;
	s29 =	smov.u32 @p2 s28;
	s24 =	smov.u32 @p2 s30  }
0x8f: {  	v1 =	vld.msk [tilespmem:s23+$0x0], $0x1;
	_ =	sdelay $0x4  }
0x90: {  	(v2sf) =	vpush v1, $0x0;
	_ =	sdelay $0xe  }
0x91: {  	s2 =	smul.u32 $0x1E000, s25;
	s0 =	spop (v2sf)  }
0x92: {  	s26 =	ssub.s32 $0x0, s26;
	p1 =	seq.s32 s29, s0  }
0x93: {  	s30 =	sadd.s32 $0x1, s26;
	s2 =	sshrl.u32 s2, $0x2;
	p2 =	sgt.s32 @!p1 s29, $0x0  }
0x94: {  	s25 =	sor.u32 $0x10738, s2;
	s2 =	smov.u32 s29;
	p2 =	por !p2, p1  }
0x95: {  	s2 =	simm.s32 @p2 $0x0;
	p2 =	seq.s32 s30, $0x0  }
.Ltmp8:
0x96: {  	_ = 	snop;
	(pc) =	sbr.rel @p2 .LBB2_11-.Ltmp8, $4  }
0x97: {  	_ = 	snop  }
0x98: {  	s28 =	simm.s32 $0x0;
	s31 =	sadd.s32 $0x1, s23;
	s2 =	smin.u32 @!p1 s2, $0x270F0  }
0x99: {  	s4 =	simm.s32 @!p1 $0x1;
	s5 =	simm.s32 @!p1 $0x7988;
	s3 =	sand.u32 @!p1 $0x3FFF8, s2  }
0x9a: {  	s4 =	smov.u32 @p1 s28;
	s2 =	sand.u32 @!p1 $0x7, s2;
	s3 =	sadd.s32 @!p1 s1, s3  }
.LBB2_10:
0x9b: {  	s9 =	smov.u32 s4  }
0x9c: {  	[tilespmem:s5], [sflag:$0x2] =	stream.linear.gather @!p1 [hbm4b:s3+s2], $0x80, $0x38;
	[tilespmem:$0x1F6F8] =	vst v63  }
0x9d: {  	s30 =	sadd.s32 $0x1, s30;
	s2 =	smov.u32 s0;
	v1 =	vld.msk [tilespmem:s31+$0x0], $0x1  }
0x9e: {  	p2 =	seq.s32 s30, $0x0;
	_ =	sdelay $0x3  }
0x9f: {  	(v2sf) =	vpush v1, $0x0;
	_ =	sdelay $0xe  }
0xa0: {  	s0 =	spop (v2sf)  }
0xa1: {  	p1 =	seq.s32 s2, s0  }
0xa2: {  	p3 =	sgt.s32 @!p1 s2, $0x0;
	s3 =	sshll.u32 @!p1 s4, $0x9;
	s4 =	sadd.s32 @!p1 $0x1, s4  }
.Ltmp9:
0xa3: {  	p3 =	por !p3, p1;
	s3 =	sshra.s32 @!p1 s3, $0x2;
	(pc) =	sbr.rel @!p2 .LBB2_10-.Ltmp9, $4  }
0xa4: {  	s4 =	smov.u32 @p1 s9;
	s2 =	simm.s32 @p3 $0x0;
	s5 =	sadd.s32 @!p1 $0x7988, s3  }
0xa5: {  	s2 =	smin.u32 @!p1 s2, $0x270F0  }
0xa6: {  	s3 =	sand.u32 @!p1 $0x3FFF8, s2;
	s2 =	sand.u32 @!p1 $0x7, s2  }
0xa7: {  	s31 =	sadd.s32 $0x1, s31;
	s3 =	sadd.s32 @!p1 s1, s3  }
.LBB2_11:
0xa8: {  	[tilespmem:s5], [sflag:$0x2] =	stream.linear.gather @!p1 [hbm4b:s3+s2], $0x80, $0x38;
	[tilespmem:$0x1F6F8] =	vst v63  }
.Ltmp10:
0xa9: {  	s0 =	sshll.u32 s4, $0x7;
	(pc) =	sbr.rel .LBB2_12-.Ltmp10, $4  }
0xaa: {  	s30 =	simm.s32 $0x2;
	s0 =	sand.u32 $0x3FFFFF80, s0  }
0xab: {  	_ =	swait.ge [sflag:s30], s0  }
0xac: {  	s0 =	ssub.s32 $0x0, s0;
	[sflag:s30] =	ssyncset.done $0x0  }
0xad: {  	s31 =	simm.s32 $0x0;
	[sflag:s30] =	ssyncadd.s32 s0  }
.LBB2_13:
0xae: {  	v1 =	vld [tilespmem:s25+$0xFFFFFFC0];
	_ =	sdelay $0x3  }
0xaf: {  	s0 =	sshra.s32 s0, $0x2  }
0xb0: {  	[tilespmem:s0+$0x108] =	vst.add.f32.msk $0xffff, v1  }
0xb1: {  	v1 =	vld [tilespmem:s25+$0xFFFFFFD0];
	_ =	sdelay $0x4  }
0xb2: {  	[tilespmem:s0+$0x118] =	vst.add.f32.msk $0xffff, v1  }
0xb3: {  	v1 =	vld [tilespmem:s25+$0xFFFFFFE0];
	_ =	sdelay $0x4  }
0xb4: {  	[tilespmem:s0+$0x128] =	vst.add.f32.msk $0xffff, v1  }
0xb5: {  	v1 =	vld [tilespmem:s25+$0xFFFFFFF0];
	_ =	sdelay $0x4  }
0xb6: {  	[tilespmem:s0+$0x138] =	vst.add.f32.msk $0xffff, v1  }
0xb7: {  	v1 =	vld [tilespmem:s25+$0x0];
	_ =	sdelay $0x4  }
0xb8: {  	[tilespmem:s0+$0x148] =	vst.add.f32.msk $0xffff, v1  }
0xb9: {  	v1 =	vld [tilespmem:s25+$0x10];
	_ =	sdelay $0x4  }
0xba: {  	[tilespmem:s0+$0x158] =	vst.add.f32.msk $0xffff, v1  }
0xbb: {  	v1 =	vld [tilespmem:s25+$0x20];
	_ =	sdelay $0x4  }
0xbc: {  	[tilespmem:s0+$0x168] =	vst.add.f32.msk $0xffff, v1  }
0xbd: {  	v1 =	vld [tilespmem:s25+$0x30];
	_ =	sdelay $0x4  }
0xbe: {  	[tilespmem:s0+$0x178] =	vst.add.f32.msk $0xffff, v1  }
.LBB2_17:
0xbf: {  	s26 =	sadd.s32 $0x1, s26  }
0xc0: {  	p1 =	seq.s32 s26, $0x0  }
.Ltmp11:
0xc1: {  	_ = 	snop;
	(pc) =	sbr.rel @p1 .LBB2_18-.Ltmp11, $2  }
0xc2: {  	_ =	sdelay $0x2  }
0xc3: {  	s23 =	sadd.s32 $0x1, s23;
	s25 =	sadd.s32 $0x80, s25;
	s29 =	smov.u32 s30  }
.LBB2_12:
0xc4: {  	v1 =	vld.msk [tilespmem:s23+$0x0], $0x1;
	_ =	sdelay $0x4  }
0xc5: {  	(v2sf) =	vpush v1, $0x0;
	_ =	sdelay $0xe  }
0xc6: {  	s30 =	spop (v2sf)  }
0xc7: {  	p1 =	sne.s32 s29, s30  }
.Ltmp12:
0xc8: {  	_ = 	snop;
	(pc) =	sbr.rel @!p1 .LBB2_13-.Ltmp12, $2  }
0xc9: {  	_ =	sdelay $0x2  }
0xca: {  	s0 =	sshll.u32 s22, $0x9  }
0xcb: {  	p1 =	seq.s32 s29, s24  }
.Ltmp13:
0xcc: {  	_ = 	snop;
	(pc) =	sbr.rel @!p1 .LBB2_15-.Ltmp13, $1  }
0xcd: {  	_ =	sdelay $0x3  }
0xce: {  	s0 =	sshra.s32 s0, $0x2  }
.Ltmp14:
0xcf: {  	s0 =	sadd.s32 $0x108, s0;
	(pc) =	sbr.rel .LBB2_16-.Ltmp14, $4  }
0xd0: {  	[spmem:s16] =	stream.linear.scatter [tilespmem:s0], [sflag:$0x1], $0x80, $0x38;
	[tilespmem:$0x1F6F8] =	vst v63  }
0xd1: {  	_ =	swait.ge [sflag:s12], $0x80  }
0xd2: {  	[sflag:s12] =	ssyncset.done $0x0  }
0xd3: {  	[sflag:s12] =	ssyncadd.s32 $0xFFFFFF80  }
.LBB2_15:
0xd4: {  	s2 =	sshll.u32 s28, $0x9  }
0xd5: {  	s2 =	sshra.s32 s2, $0x2  }
0xd6: {  	v1 =	vld [tilespmem:s2+$0x7988];
	_ =	sdelay $0x3  }
0xd7: {  	s0 =	sshra.s32 s0, $0x2  }
0xd8: {  	[tilespmem:s0+$0x108] =	vst.add.f32.msk $0xffff, v1  }
0xd9: {  	v1 =	vld [tilespmem:s2+$0x7998];
	_ =	sdelay $0x4  }
0xda: {  	[tilespmem:s0+$0x118] =	vst.add.f32.msk $0xffff, v1  }
0xdb: {  	v1 =	vld [tilespmem:s2+$0x79A8];
	_ =	sdelay $0x4  }
0xdc: {  	[tilespmem:s0+$0x128] =	vst.add.f32.msk $0xffff, v1  }
0xdd: {  	v1 =	vld [tilespmem:s2+$0x79B8];
	_ =	sdelay $0x4  }
0xde: {  	[tilespmem:s0+$0x138] =	vst.add.f32.msk $0xffff, v1  }
0xdf: {  	v1 =	vld [tilespmem:s2+$0x79C8];
	_ =	sdelay $0x4  }
0xe0: {  	[tilespmem:s0+$0x148] =	vst.add.f32.msk $0xffff, v1  }
0xe1: {  	v1 =	vld [tilespmem:s2+$0x79D8];
	_ =	sdelay $0x4  }
0xe2: {  	[tilespmem:s0+$0x158] =	vst.add.f32.msk $0xffff, v1  }
0xe3: {  	v1 =	vld [tilespmem:s2+$0x79E8];
	_ =	sdelay $0x4  }
0xe4: {  	[tilespmem:s0+$0x168] =	vst.add.f32.msk $0xffff, v1  }
0xe5: {  	v1 =	vld [tilespmem:s2+$0x79F8];
	_ =	sdelay $0x2  }
0xe6: {  	p1 =	sgt.u32 s29, $0x270F0  }
0xe7: {  	s2 =	sand.u32 @!p1 $0x3FFF8, s29  }
0xe8: {  	s3 =	sadd.s32 $0x108, s0;
	[tilespmem:s0+$0x178] =	vst.add.f32.msk $0xffff, v1;
	s0 =	sadd.s32 @!p1 s1, s2;
	s2 =	sand.u32 @!p1 $0x7, s29  }
0xe9: {  	[hbm4b:s0+s2] =	stream.linear.scatter @!p1 [tilespmem:s3], [sflag:$0xC], $0x80, $0x38;
	[tilespmem:$0x1F6F8] =	vst v63  }
0xea: {  	s0 =	simm.s32 $0x0  }
0xeb: {  	s0 =	simm.s32 @!p1 $0x200  }
0xec: {  	s31 =	sadd.s32 s0, s31  }
.LBB2_16:
0xed: {  	s0 =	sadd.s32 $0x1, s22  }
0xee: {  	s2 =	smulhi.u32 $0x88888889, s0;
	_ =	sdelay $0x1  }
0xef: {  	v1 =	vld [tilespmem:s25+$0xFFFFFFC0];
	s2 =	sshrl.u32 s2, $0x7  }
0xf0: {  	s2 =	smul.u32 $0xF0, s2;
	_ =	sdelay $0x1  }
0xf1: {  	s22 =	ssub.s32 s0, s2  }
0xf2: {  	s0 =	sshll.u32 s22, $0x7  }
0xf3: {  	[tilespmem:s0+$0x108] =	vst v1  }
0xf4: {  	v1 =	vld [tilespmem:s25+$0xFFFFFFD0];
	_ =	sdelay $0x4  }
0xf5: {  	[tilespmem:s0+$0x118] =	vst v1  }
0xf6: {  	v1 =	vld [tilespmem:s25+$0xFFFFFFE0];
	_ =	sdelay $0x4  }
0xf7: {  	[tilespmem:s0+$0x128] =	vst v1  }
0xf8: {  	v1 =	vld [tilespmem:s25+$0xFFFFFFF0];
	_ =	sdelay $0x4  }
0xf9: {  	[tilespmem:s0+$0x138] =	vst v1  }
0xfa: {  	v1 =	vld [tilespmem:s25+$0x0];
	_ =	sdelay $0x4  }
0xfb: {  	[tilespmem:s0+$0x148] =	vst v1  }
0xfc: {  	v1 =	vld [tilespmem:s25+$0x10];
	_ =	sdelay $0x4  }
0xfd: {  	[tilespmem:s0+$0x158] =	vst v1  }
0xfe: {  	v1 =	vld [tilespmem:s25+$0x20];
	_ =	sdelay $0x4  }
0xff: {  	[tilespmem:s0+$0x168] =	vst v1  }
0x100: {  	v1 =	vld [tilespmem:s25+$0x30]  }
.Ltmp15:
0x101: {  	_ = 	snop;
	(pc) =	sbr.rel .LBB2_17-.Ltmp15, $2  }
0x102: {  	_ =	sdelay $0x2  }
0x103: {  	s28 =	sadd.s32 $0x1, s28;
	[tilespmem:s0+$0x178] =	vst v1  }
.LBB2_19:
.Ltmp16:
0x104: {  	(pc) =	sbr.rel .LBB2_20-.Ltmp16, $4  }
0x105: {  	_ = 	snop  }
0x106: {  	s0 =	simm.s32 $0x2  }
0x107: {  	_ =	swait.ge [sflag:s0], $0x0  }
0x108: {  	s30 =	smov.u32 s29;
	[sflag:s0] =	ssyncset.done $0x0;
	s0 =	simm.s32 $0x0  }
.LBB2_22:
0x109: {  	_ =	sfence.sel $0x180000  }
0x10a: {  	s0 =	simm.s32 $0x9;
	[bflag:$0x0] =	sbarrier.arrive $0xFFFF  }
0x10b: {  	s24 =	simm.s32 $0xA;
	[sflag:s0] =	ssyncpa.u1 $0x1  }
0x10c: {  	s25 =	simm.s32 $0xB;
	[sflag:s24] =	ssyncpa.u1 $0x1  }
0x10d: {  	s26 =	simm.s32 $0x2;
	[sflag:s25] =	ssyncpa.u1 $0x1  }
0x10e: {  	[sflag:s26] =	ssyncpa.u1 $0x1  }
0x10f: {  	v0 =	vld [tilespmem:$0xF208];
	_ =	sdelay $0x4  }
0x110: {  	(v2sf) =	vpush v0, $0x0  }
0x111: {  	(v2sf) =	vpush v0, $0x1;
	_ =	sdelay $0x1  }
0x112: {  	(v2sf) =	vpush v0, $0x2;
	_ =	sdelay $0xb  }
0x113: {  	s0 =	spop (v2sf)  }
0x114: {  	s2 =	spop (v2sf)  }
0x115: {  	s3 =	smov.u32 s0;
	p0 =	sne.s32 s0, s2  }
0x116: {  	s4 =	spop (v2sf);
	s3 =	simm.s32 @!p0 $0xFFFFFFFF  }
0x117: {  	v2 =	vimm.s32 $0x1;
	v3 =	vlaneseq.u32;
	p0 =	seq.s32 s4, $0xFFFFFFFF;
	v1 =	vmov s3  }
0x118: {  	s16 =	stileid.u32;
	v0 =	vperm.xlane v0, v2;
	p1 =	sne.s32 @!p0 s0, s2;
	v1 =	vperm.xlane v1, v3  }
0x119: {  	vm0 =	vcmask $0x3F04;
	s6 =	simm.s32 $0xF208;
	s0 =	simm.s32 @!p0 $0x1;
	p1 =	por !p1, p0  }
0x11a: {  	s3 =	sshll.u32 s16, $0x1;
	s2 =	sshll.u32 @!p0 s4, $0x9;
	s0 =	simm.s32 @p1 $0x0;
	v0 =	vsel vm0, v1, v0  }
0x11b: {  	s5 =	sor.u32 $0x1000, s3;
	s2 =	sshra.s32 @!p0 s2, $0x2;
	s0 =	sor.u32 @!p0 s0, s3;
	[tilespmem:$0xF208] =	vst v0  }
0x11c: {  	[spmem:s5] =	stream.linear.scatter [tilespmem:s6], [sflag:$0x1], $0x2, $0x38;
	[tilespmem:$0x1F6F8] =	vst v63  }
0x11d: {  	s2 =	sadd.s32 @!p0 $0x108, s2;
	s0 =	sshll.u32 @!p0 s0, $0x7  }
0x11e: {  	[spmem:s0] =	stream.linear.scatter @!p0 [tilespmem:s2], [sflag:$0x1], $0x80, $0x38;
	[tilespmem:$0x1F6F8] =	vst v63  }
0x11f: {  	s0 =	simm.s32 @!p0 $0x82  }
0x120: {  	s28 =	simm.s32 $0x1;
	s0 =	simm.s32 @p0 $0x2  }
0x121: {  	_ =	swait.ge [sflag:s28], s0  }
0x122: {  	s0 =	ssub.s32 $0x0, s0;
	[sflag:s28] =	ssyncset.done $0x0  }
0x123: {  	p0 =	sne.s32 s16, $0x0;
	[sflag:s28] =	ssyncadd.s32 s0  }
.Ltmp17:
0x124: {  	_ =	sfence.stream.spmem;
	(pc) =	sbr.rel @p0 .LBB2_39-.Ltmp17, $4  }
0x125: {  	s29 =	simm.s32 $0x3;
	[bflag:$0x0] =	sbarrier.arrive $0xFFFF  }
0x126: {  	s30 =	simm.s32 $0x4;
	[sflag:s29] =	ssyncpa.u1 $0x1  }
0x127: {  	s31 =	simm.s32 $0x3C;
	[sflag:s30] =	ssyncpa.u1 $0x1  }
0x128: {  	s15 =	rddreg [dreg:$0x4];
	[sflag:s31] =	ssyncpa.u1 $0x1  }
0x129: {  	_ =	sfence.stream.spmem;
	s0 =	simm.s32 $0x5  }
0x12a: {  	s2 =	simm.s32 $0x1000;
	s3 =	simm.s32 $0xF218;
	[sflag:s0] =	ssyncpa.u1 $0x0  }
0x12b: {  	[tilespmem:s3], [sflag:$0x5] =	stream.linear.gather [spmem:s2], $0x20, $0x38;
	[tilespmem:$0x1F6F8] =	vst v63  }
0x12c: {  	s26 =	simm.s32 $0x0;
	s28 =	simm.s32 $0xF238  }
0x12d: {  	[tilespmem:s28], [sflag:$0x5] =	stream.linear.gather [spmem:s26], $0x1000, $0x38;
	[tilespmem:$0x1F6F8] =	vst v63  }
0x12e: {  	_ =	swait.ge [sflag:s0], $0x1020  }
0x12f: {  	[sflag:s0] =	ssyncset.done $0x0  }
0x130: {  	s29 =	simm.s32 $0x0;
	[sflag:s0] =	ssyncadd.s32 $0xFFFFEFE0  }
0x131: {  	v0 =	vld.msk [tilespmem:s29+$0xF218], $0x1;
	_ =	sdelay $0x1  }
0x132: {  	s30 =	simm.s32 $0x1  }
0x133: {  	v1 =	vld.msk [tilespmem:s30+$0xF218], $0x1;
	_ =	sdelay $0x1  }
0x134: {  	(v2sf) =	vpush v0, $0x0;
	_ =	sdelay $0x2  }
0x135: {  	(v2sf) =	vpush v1, $0x0;
	_ =	sdelay $0x2  }
0x136: {  	s31 =	simm.s32 $0x2  }
0x137: {  	v0 =	vld.msk [tilespmem:s31+$0xF218], $0x1;
	_ =	sdelay $0x2  }
0x138: {  	s4 =	simm.s32 $0xFFFFFFFF;
	s5 =	simm.s32 $0xFFFFFFFF;
	s0 =	simm.s32 $0xC  }
.LBB2_24:
0x139: {  	s2 =	smov.u32 s5;
	s3 =	smov.u32 s4  }
0x13a: {  	s4 =	sshra.s32 s0, $0x2;
	p1 =	sne.s32 s0, $0x7C;
	s0 =	sadd.s32 $0x4, s0;
	(v2sf) =	vpush v0, $0x0  }
0x13b: {  	v0 =	vld.msk [tilespmem:s4+$0xF218], $0x1  }
.Ltmp18:
0x13c: {  	(pc) =	sbr.rel @p1 .LBB2_24-.Ltmp18, $4  }
0x13d: {  	s5 =	spop (v2sf)  }
0x13e: {  	p2 =	sne.s32 s3, $0xFFFFFFFF;
	s4 =	smov.u32 s5  }
0x13f: {  	p3 =	seq.s32 s5, $0xFFFFFFFF;
	s4 =	smov.u32 @p2 s3  }
0x140: {  	s5 =	smov.u32 @p3 s2;
	s4 =	smov.u32 @p3 s3  }
0x141: {  	(v2sf) =	vpush v0, $0x0;
	_ =	sdelay $0x8  }
0x142: {  	s0 =	spop (v2sf)  }
0x143: {  	p1 =	sne.s32 s4, $0xFFFFFFFF;
	s2 =	smov.u32 s0  }
0x144: {  	s9 =	simm.s32 $0x6;
	p2 =	seq.s32 s0, $0xFFFFFFFF;
	s2 =	smov.u32 @p1 s4  }
0x145: {  	s6 =	simm.s32 $0x0;
	s2 =	smov.u32 @p2 s4;
	s3 =	spop (v2sf)  }
0x146: {  	s0 =	smov.u32 @p2 s5;
	p1 =	sne.s32 s2, $0xFFFFFFFF;
	s4 =	smov.u32 s3  }
.Ltmp19:
0x147: {  	p2 =	seq.s32 s3, $0xFFFFFFFF;
	s4 =	smov.u32 @p1 s2;
	(pc) =	sbr.rel .LBB2_26-.Ltmp19, $4  }
0x148: {  	s10 =	simm.s32 $0xF188;
	s4 =	smov.u32 @p2 s2;
	s7 =	spop (v2sf)  }
0x149: {  	s11 =	simm.s32 $0x0;
	p1 =	sne.s32 s4, $0xFFFFFFFF;
	s8 =	smov.u32 s7  }
0x14a: {  	s3 =	smov.u32 @p2 s0;
	p2 =	seq.s32 s7, $0xFFFFFFFF;
	s8 =	smov.u32 @p1 s4  }
0x14b: {  	[sflag:s9] =	ssyncpa.u1 $0x0;
	s7 =	smov.u32 @p2 s3;
	s8 =	smov.u32 @p2 s4  }
.LBB2_32:
0x14c: {  	p1 =	sgt.u32 s12, $0x270F0  }
0x14d: {  	p2 =	seq.s32 @!p1 s12, s8  }
0x14e: {  	p1 =	por p1, p2  }
0x14f: {  	p2 =	sne.s32 @!p1 s12, s7  }
0x150: {  	p1 =	por p1, !p2  }
0x151: {  	s0 =	sshll.u32 @p1 s11, $0x9  }
0x152: {  	s0 =	sand.u32 @!p1 $0x3FFF8, s12  }
0x153: {  	s2 =	sand.u32 @!p1 $0x7, s12;
	s0 =	sadd.s32 @!p1 s1, s0  }
0x154: {  	[tilespmem:s10], [sflag:$0x6] =	stream.linear.gather @!p1 [hbm4b:s0+s2], $0x80, $0x38;
	[tilespmem:$0x1F6F8] =	vst v63  }
0x155: {  	_ =	swait.ge @!p1 [sflag:s9], $0x80  }
0x156: {  	[sflag:s9] =	ssyncset.done @!p1 $0x0  }
0x157: {  	[sflag:s9] =	ssyncadd.s32 @!p1 $0xFFFFFF80  }
0x158: {  	v1 =	vld @!p1 [tilespmem:$0xF188];
	_ =	sdelay $0x2  }
0x159: {  	s0 =	sshll.u32 @!p1 s11, $0x9  }
0x15a: {  	s2 =	sshrl.u32 @!p1 s0, $0x2  }
0x15b: {  	[tilespmem:s2+$0xF238] =	vst.add.f32.msk @!p1 $0xffff, v1  }
0x15c: {  	v1 =	vld @!p1 [tilespmem:$0xF198];
	_ =	sdelay $0x4  }
0x15d: {  	[tilespmem:s2+$0xF248] =	vst.add.f32.msk @!p1 $0xffff, v1  }
0x15e: {  	v1 =	vld @!p1 [tilespmem:$0xF1A8];
	_ =	sdelay $0x4  }
0x15f: {  	[tilespmem:s2+$0xF258] =	vst.add.f32.msk @!p1 $0xffff, v1  }
0x160: {  	v1 =	vld @!p1 [tilespmem:$0xF1B8];
	_ =	sdelay $0x4  }
0x161: {  	[tilespmem:s2+$0xF268] =	vst.add.f32.msk @!p1 $0xffff, v1  }
0x162: {  	v1 =	vld @!p1 [tilespmem:$0xF1C8];
	_ =	sdelay $0x4  }
0x163: {  	[tilespmem:s2+$0xF278] =	vst.add.f32.msk @!p1 $0xffff, v1  }
0x164: {  	v1 =	vld @!p1 [tilespmem:$0xF1D8];
	_ =	sdelay $0x4  }
0x165: {  	[tilespmem:s2+$0xF288] =	vst.add.f32.msk @!p1 $0xffff, v1  }
0x166: {  	v1 =	vld @!p1 [tilespmem:$0xF1E8];
	_ =	sdelay $0x4  }
0x167: {  	[tilespmem:s2+$0xF298] =	vst.add.f32.msk @!p1 $0xffff, v1  }
0x168: {  	v1 =	vld @!p1 [tilespmem:$0xF1F8];
	_ =	sdelay $0x4  }
0x169: {  	[tilespmem:s2+$0xF2A8] =	vst.add.f32.msk @!p1 $0xffff, v1  }
0x16a: {  	s0 =	sshrl.u32 s0, $0x2;
	[tilespmem:s6+$0xF218] =	vst.msk $0x1, v0  }
0x16b: {  	v0 =	vld [tilespmem:s0+$0xF238];
	_ =	sdelay $0x2  }
0x16c: {  	s31 =	sshll.u32 s6, $0x9  }
0x16d: {  	s2 =	sshra.s32 s31, $0x2  }
0x16e: {  	[tilespmem:s2+$0xF238] =	vst v0  }
0x16f: {  	v0 =	vld [tilespmem:s0+$0xF248];
	_ =	sdelay $0x4  }
0x170: {  	[tilespmem:s2+$0xF248] =	vst v0  }
0x171: {  	v0 =	vld [tilespmem:s0+$0xF258];
	_ =	sdelay $0x4  }
0x172: {  	[tilespmem:s2+$0xF258] =	vst v0  }
0x173: {  	v0 =	vld [tilespmem:s0+$0xF268];
	_ =	sdelay $0x4  }
0x174: {  	[tilespmem:s2+$0xF268] =	vst v0  }
0x175: {  	v0 =	vld [tilespmem:s0+$0xF278];
	_ =	sdelay $0x4  }
0x176: {  	[tilespmem:s2+$0xF278] =	vst v0  }
0x177: {  	v0 =	vld [tilespmem:s0+$0xF288];
	_ =	sdelay $0x4  }
0x178: {  	[tilespmem:s2+$0xF288] =	vst v0  }
0x179: {  	v0 =	vld [tilespmem:s0+$0xF298];
	_ =	sdelay $0x4  }
0x17a: {  	[tilespmem:s2+$0xF298] =	vst v0  }
0x17b: {  	v0 =	vld [tilespmem:s0+$0xF2A8];
	_ =	sdelay $0x4  }
0x17c: {  	s6 =	sadd.s32 $0x1, s6;
	[tilespmem:s2+$0xF2A8] =	vst v0  }
.LBB2_33:
0x17d: {  	s11 =	sadd.s32 $0x1, s11  }
0x17e: {  	p1 =	sne.s32 s11, $0x20  }
.Ltmp20:
0x17f: {  	_ = 	snop;
	(pc) =	sbr.rel @!p1 .LBB2_34-.Ltmp20, $1  }
0x180: {  	_ =	sdelay $0x3  }
.LBB2_26:
0x181: {  	v0 =	vld.msk [tilespmem:s11+$0xF218], $0x1;
	_ =	sdelay $0x4  }
0x182: {  	(v2sf) =	vpush v0, $0x0;
	_ =	sdelay $0xe  }
0x183: {  	s12 =	spop (v2sf)  }
0x184: {  	p1 =	seq.s32 s12, $0xFFFFFFFF  }
.Ltmp21:
0x185: {  	_ = 	snop;
	(pc) =	sbr.rel @p1 .LBB2_33-.Ltmp21, $1  }
0x186: {  	_ =	sdelay $0x3  }
0x187: {  	p1 =	slt.s32 s6, $0x1  }
.Ltmp22:
0x188: {  	_ = 	snop;
	(pc) =	sbr.rel @p1 .LBB2_32-.Ltmp22, $1  }
0x189: {  	_ =	sdelay $0x3  }
0x18a: {  	s13 =	simm.s32 $0xF218;
	p1 =	por $0x0, $0x0  }
0x18b: {  	v1 =	vld.msk @!p1 [tilespmem:s13+$0x0], $0x1;
	_ =	sdelay $0x4  }
0x18c: {  	(v2sf) =	vpush @!p1 v1, $0x0;
	_ =	sdelay $0xd  }
0x18d: {  	p3 =	sne.s32 s6, $0x1  }
.Ltmp23:
0x18e: {  	s0 =	spop @!p1 (v2sf);
	(pc) =	sbr.rel @!p3 .LBB2_30-.Ltmp23, $4  }
0x18f: {  	p2 =	seq.s32 @!p1 s12, s0  }
0x190: {  	s14 =	simm.s32 $0x0;
	p2 =	por !p2, p1  }
0x191: {  	s2 =	simm.s32 $0xFFFFFFFF;
	s14 =	simm.s32 @p2 $0xFFFFFFFF  }
0x192: {  	s0 =	simm.s32 $0x1;
	s14 =	smov.u32 @p1 s2  }
.LBB2_29:
0x193: {  	s2 =	smov.u32 s14;
	p1 =	sne.s32 s14, $0xFFFFFFFF  }
0x194: {  	s13 =	sadd.s32 $0x1, s13;
	s14 =	smov.u32 s0;
	s0 =	sadd.s32 $0x1, s0  }
0x195: {  	p2 =	sne.s32 s6, s0;
	v1 =	vld.msk @!p1 [tilespmem:s13+$0x0], $0x1;
	_ =	sdelay $0x4  }
0x196: {  	(v2sf) =	vpush @!p1 v1, $0x0;
	_ =	sdelay $0xe  }
.Ltmp24:
0x197: {  	s3 =	spop @!p1 (v2sf);
	(pc) =	sbr.rel @p2 .LBB2_29-.Ltmp24, $4  }
0x198: {  	p3 =	seq.s32 @!p1 s12, s3  }
0x199: {  	p3 =	por !p3, p1  }
0x19a: {  	s14 =	simm.s32 @p3 $0xFFFFFFFF  }
0x19b: {  	s14 =	smov.u32 @p1 s2  }
.LBB2_30:
0x19c: {  	p1 =	seq.s32 s14, $0xFFFFFFFF  }
.Ltmp25:
0x19d: {  	_ = 	snop;
	(pc) =	sbr.rel @p1 .LBB2_32-.Ltmp25, $1  }
0x19e: {  	_ =	sdelay $0x3  }
0x19f: {  	s0 =	sshll.u32 s11, $0x7  }
0x1a0: {  	s0 =	sand.u32 $0x3FFFFF80, s0  }
0x1a1: {  	v0 =	vld [tilespmem:s0+$0xF238];
	_ =	sdelay $0x2  }
0x1a2: {  	s2 =	sshll.u32 s14, $0x9  }
0x1a3: {  	s2 =	sshra.s32 s2, $0x2  }
0x1a4: {  	[tilespmem:s2+$0xF238] =	vst.add.f32.msk $0xffff, v0  }
0x1a5: {  	v0 =	vld [tilespmem:s0+$0xF248];
	_ =	sdelay $0x4  }
0x1a6: {  	[tilespmem:s2+$0xF248] =	vst.add.f32.msk $0xffff, v0  }
0x1a7: {  	v0 =	vld [tilespmem:s0+$0xF258];
	_ =	sdelay $0x4  }
0x1a8: {  	[tilespmem:s2+$0xF258] =	vst.add.f32.msk $0xffff, v0  }
0x1a9: {  	v0 =	vld [tilespmem:s0+$0xF268];
	_ =	sdelay $0x4  }
0x1aa: {  	[tilespmem:s2+$0xF268] =	vst.add.f32.msk $0xffff, v0  }
0x1ab: {  	v0 =	vld [tilespmem:s0+$0xF278];
	_ =	sdelay $0x4  }
0x1ac: {  	[tilespmem:s2+$0xF278] =	vst.add.f32.msk $0xffff, v0  }
0x1ad: {  	v0 =	vld [tilespmem:s0+$0xF288];
	_ =	sdelay $0x4  }
0x1ae: {  	[tilespmem:s2+$0xF288] =	vst.add.f32.msk $0xffff, v0  }
0x1af: {  	v0 =	vld [tilespmem:s0+$0xF298];
	_ =	sdelay $0x4  }
0x1b0: {  	[tilespmem:s2+$0xF298] =	vst.add.f32.msk $0xffff, v0  }
0x1b1: {  	v0 =	vld [tilespmem:s0+$0xF2A8]  }
.Ltmp26:
0x1b2: {  	_ = 	snop;
	(pc) =	sbr.rel .LBB2_33-.Ltmp26, $2  }
0x1b3: {  	_ =	sdelay $0x2  }
0x1b4: {  	[tilespmem:s2+$0xF2A8] =	vst.add.f32.msk $0xffff, v0  }
.LBB2_34:
0x1b5: {  	s0 =	simm.s32 $0x6;
	p1 =	seq.s32 s6, $0x0  }
0x1b6: {  	[sflag:s0] =	ssyncpa.u1 $0x1;
	v0 =	vimm.s32 @p1 $0xFFFFFFFF  }
0x1b7: {  	s9 =	sadd.s32 $0xFFFFFFFF, s6;
	[tilespmem:$0x10238] =	vst @p1 v0  }
0x1b8: {  	v0 =	vld.msk @!p1 [tilespmem:s9+$0xF218], $0x1;
	_ =	sdelay $0x1  }
0x1b9: {  	v1 =	vld.msk @!p1 [tilespmem:$0xF218], $0x1;
	_ =	sdelay $0x2  }
0x1ba: {  	p2 =	seq.s32 @!p1 s9, $0x0;
	v0 =	vbroadcast @!p1 v0, $0x0  }
0x1bb: {  	vm0 =	vmmov @!p1 $0x1;
	p2 =	por !p2, p1  }
0x1bc: {  	v1 =	vnsel @!p1 vm0, $0xFFFFFFFF, v1;
	vm0 =	vcmask @!p1 $0x308;
	v0 =	vpsel !p2, $0xFFFFFFFF, v0  }
0x1bd: {  	p2 =	sne.s32 @!p1 s8, s7;
	v0 =	vsel @!p1 vm0, v1, v0  }
0x1be: {  	s0 =	simm.s32 @!p1 $0xF238;
	s2 =	simm.s32 @!p1 $0x0;
	p3 =	por !p2, p1;
	[tilespmem:$0x10238] =	vst @!p1 v0  }
0x1bf: {  	[spmem:s2] =	stream.linear.scatter @!p1 [tilespmem:s0], [sflag:$0x1], $0x80, $0x38;
	[tilespmem:$0x1F6F8] =	vst v63  }
0x1c0: {  	s0 =	sshll.u32 @!p3 s9, $0x9  }
0x1c1: {  	s0 =	sshra.s32 @!p3 s0, $0x2  }
0x1c2: {  	s2 =	simm.s32 @!p3 $0x80;
	s0 =	sadd.s32 @!p3 $0xF238, s0  }
0x1c3: {  	[spmem:s2] =	stream.linear.scatter @!p3 [tilespmem:s0], [sflag:$0x1], $0x80, $0x38;
	[tilespmem:$0x1F6F8] =	vst v63  }
0x1c4: {  	s0 =	simm.s32 @!p3 $0x1  }
0x1c5: {  	_ =	swait.ge @!p3 [sflag:s0], $0x100  }
0x1c6: {  	p1 =	por p2, p1;
	[sflag:s0] =	ssyncset.done @!p3 $0x0  }
0x1c7: {  	[sflag:s0] =	ssyncadd.s32 @!p3 $0xFFFFFF00;
	s0 =	simm.s32 @!p1 $0x1  }
0x1c8: {  	_ =	swait.ge @!p1 [sflag:s0], $0x80  }
0x1c9: {  	s29 =	simm.s32 $0x10238;
	[sflag:s0] =	ssyncset.done @!p1 $0x0  }
0x1ca: {  	s30 =	simm.s32 $0x1000;
	s31 =	simm.s32 $0x1;
	[sflag:s0] =	ssyncadd.s32 @!p1 $0xFFFFFF80  }
0x1cb: {  	[spmem:s30] =	stream.linear.scatter [tilespmem:s29], [sflag:$0x1], $0x10, $0x38;
	[tilespmem:$0x1F6F8] =	vst v63  }
0x1cc: {  	_ =	swait.ge [sflag:s31], $0x10  }
0x1cd: {  	[sflag:s31] =	ssyncset.done $0x0  }
0x1ce: {  	p1 =	seq.s32 s15, $0x0;
	s8 =	rddreg [dreg:$0x1];
	[sflag:s31] =	ssyncadd.s32 $0xFFFFFFF0  }
0x1cf: {  	s2 =	sshll.u32 @p1 s8, $0xE;
	s7 =	rddreg [dreg:$0x2]  }
0x1d0: {  	s0 =	sadd.s32 @p1 $0x15C3C, s2;
	s2 =	sshll.u32 @p1 s7, $0x11  }
0x1d1: {  	_ =	sfence.stream.spmem;
	s0 =	sor.u32 @p1 s2, s0  }
0x1d2: {  	[sflag:s0] =	ssyncadd.remote.s32 @p1 $0x1;
	s0 =	simm.s32 @p1 $0x4  }
0x1d3: {  	s3 =	simm.s32 @!p1 $0x3C;
	s2 =	sand.u32 $0xFFFFFFFE, s8;
	_ =	swait.ge @p1 [sflag:s0], $0x22  }
0x1d4: {  	s4 =	simm.s32 @!p1 $0x0;
	s2 =	sadd.s32 @!p1 $0x4, s2;
	[sflag:s0] =	ssyncset.done @p1 $0x0  }
0x1d5: {  	s5 =	simm.s32 @!p1 $0x100;
	[sflag:s0] =	ssyncadd.s32 @p1 $0xFFFFFFDE;
	s0 =	sshll.u32 @!p1 s2, $0x1A  }
0x1d6: {  	s2 =	sshll.u32 @!p1 s2, $0xD;
	s0 =	sor.u32 @!p1 s0, s7;
	_ =	swait.eq @!p1 [sflag:s3], $0x1  }
0x1d7: {  	s2 =	sor.u32 @!p1 $0x1C04, s2;
	s3 =	simm.s32 @!p1 $0x1C03;
	s0 =	sor.u32 @!p1 $0x80004000, s0  }
0x1d8: {  	[spmem:s5], [sflag:s2] =	dma.general @!p1 [spmem:s4], [sflag:s3], length:$0x20, [dreg:$0x0], stride_count:$0x0, ici_dest:s0, dma_misc:DstOpCode:WRITE  }
0x1d9: {  	p2 =	slt.s32 s9, $0x2;
	s4 =	simm.s32 @!p1 $0x200;
	s5 =	simm.s32 @!p1 $0x202  }
0x1da: {  	[spmem:s5], [sflag:s2] =	dma.general @!p1 [spmem:s4], [sflag:s3], length:$0x2, [dreg:$0x0], stride_count:$0x0, ici_dest:s0, dma_misc:DstOpCode:WRITE  }
.Ltmp27:
0x1db: {  	s0 =	simm.s32 @!p1 $0x3;
	(pc) =	sbr.rel @p2 .LBB2_38-.Ltmp27, $4  }
0x1dc: {  	s2 =	sshll.u32 @!p1 s8, $0xE;
	_ =	swait.ge @!p1 [sflag:s0], $0x22  }
0x1dd: {  	s3 =	sshll.u32 @!p1 s7, $0x11;
	s2 =	sadd.s32 @!p1 $0x11C3C, s2;
	[sflag:s0] =	ssyncset.done @!p1 $0x0  }
0x1de: {  	[sflag:s0] =	ssyncadd.s32 @!p1 $0xFFFFFFDE;
	s0 =	sor.u32 @!p1 s3, s2  }
0x1df: {  	[sflag:s0] =	ssyncadd.remote.s32 @!p1 $0xFFFFFFFF;
	s0 =	simm.s32 $0x0  }
0x1e0: {  	s0 =	simm.s32 $0xF219  }
0x1e1: {  	v0 =	vld.msk [tilespmem:s0+$0x0], $0x1;
	_ =	sdelay $0x4  }
0x1e2: {  	(v2sf) =	vpush v0, $0x0;
	_ =	sdelay $0xb  }
0x1e3: {  	s31 =	sadd.s32 $0xFFFFFFFE, s6  }
0x1e4: {  	s0 =	sadd.s32 $0xFFFFFFFF, s31  }
0x1e5: {  	p2 =	sne.s32 s0, $0x0  }
.Ltmp28:
0x1e6: {  	s2 =	spop (v2sf);
	(pc) =	sbr.rel @!p2 .LBB2_37-.Ltmp28, $4  }
0x1e7: {  	s4 =	simm.s32 $0xF2B8;
	s7 =	simm.s32 $0x0;
	p1 =	sgt.u32 s2, $0x270F0  }
0x1e8: {  	s5 =	simm.s32 $0x0;
	s6 =	simm.s32 $0xF21A;
	s3 =	sand.u32 @!p1 $0x3FFF8, s2  }
0x1e9: {  	s2 =	sand.u32 @!p1 $0x7, s2;
	s7 =	simm.s32 @!p1 $0x200;
	s3 =	sadd.s32 @!p1 s1, s3  }
0x1ea: {  	[hbm4b:s3+s2] =	stream.linear.scatter @!p1 [tilespmem:s4], [sflag:$0x5], $0x80, $0x38;
	[tilespmem:$0x1F6F8] =	vst v63  }
.LBB2_36:
0x1eb: {  	v0 =	vld.msk [tilespmem:s6+$0x0], $0x1;
	s0 =	sadd.s32 $0xFFFFFFFF, s0;
	s5 =	sadd.s32 s5, s7  }
0x1ec: {  	p1 =	sne.s32 s0, $0x0;
	_ =	sdelay $0x3  }
0x1ed: {  	(v2sf) =	vpush v0, $0x0;
	_ =	sdelay $0xe  }
.Ltmp29:
0x1ee: {  	s2 =	spop (v2sf);
	(pc) =	sbr.rel @p1 .LBB2_36-.Ltmp29, $4  }
0x1ef: {  	s7 =	simm.s32 $0x0;
	p2 =	sgt.u32 s2, $0x270F0  }
0x1f0: {  	s4 =	sadd.s32 $0x80, s4;
	s7 =	simm.s32 @!p2 $0x200;
	s3 =	sand.u32 @!p2 $0x3FFF8, s2  }
0x1f1: {  	s6 =	sadd.s32 $0x1, s6;
	s2 =	sand.u32 @!p2 $0x7, s2;
	s3 =	sadd.s32 @!p2 s1, s3  }
0x1f2: {  	[hbm4b:s3+s2] =	stream.linear.scatter @!p2 [tilespmem:s4], [sflag:$0x5], $0x80, $0x38;
	[tilespmem:$0x1F6F8] =	vst v63  }
.LBB2_37:
0x1f3: {  	s0 =	sadd.s32 s5, s7  }
0x1f4: {  	s0 =	sshrl.u32 s0, $0x2  }
.LBB2_38:
0x1f5: {  	s2 =	simm.s32 $0x5  }
0x1f6: {  	_ =	swait.ge [sflag:s2], s0  }
0x1f7: {  	s31 =	ssub.s32 $0x0, s0;
	[sflag:s2] =	ssyncset.done $0x0  }
0x1f8: {  	[sflag:s2] =	ssyncadd.s32 s31  }
0x1f9: {  	[sflag:s2] =	ssyncpa.u1 $0x1  }
.LBB2_39:
0x1fa: {  	s0 =	sor.u32 s15, s16  }
0x1fb: {  	p1 =	sne.s32 s0, $0x0  }
.Ltmp30:
0x1fc: {  	_ = 	snop;
	(pc) =	sbr.rel @p1 .LBB2_54-.Ltmp30, $3  }
0x1fd: {  	_ =	sdelay $0x1  }
0x1fe: {  	[bflag:$0x0] =	sbarrier.arrive $0xFFFF  }
0x1ff: {  	_ =	sfence  }
0x200: {  	s0 =	simm.s32 $0x7  }
0x201: {  	s2 =	simm.s32 $0x1000;
	s3 =	simm.s32 $0xF218;
	[sflag:s0] =	ssyncpa.u1 $0x0  }
0x202: {  	[tilespmem:s3], [sflag:$0x7] =	stream.linear.gather [spmem:s2], $0x20, $0x38;
	[tilespmem:$0x1F6F8] =	vst v63  }
0x203: {  	s30 =	simm.s32 $0xF238;
	s2 =	simm.s32 $0x0  }
0x204: {  	[tilespmem:s30], [sflag:$0x7] =	stream.linear.gather [spmem:s2], $0x1000, $0x38;
	[tilespmem:$0x1F6F8] =	vst v63  }
.Ltmp31:
0x205: {  	_ = 	snop;
	(pc) =	sbr.rel .LBB2_41-.Ltmp31, $4  }
0x206: {  	_ =	swait.ge [sflag:s0], $0x1020  }
0x207: {  	[sflag:s0] =	ssyncset.done $0x0  }
0x208: {  	s31 =	simm.s32 $0x8;
	[sflag:s0] =	ssyncadd.s32 $0xFFFFEFE0  }
0x209: {  	s3 =	simm.s32 $0x0;
	[sflag:s31] =	ssyncpa.u1 $0x0  }
.LBB2_47:
0x20a: {  	p1 =	slt.u32 s4, $0x270F1  }
0x20b: {  	s0 =	sand.u32 @p1 $0x3FFF8, s4  }
0x20c: {  	s4 =	sand.u32 @p1 $0x7, s4;
	s5 =	simm.s32 @p1 $0xF188;
	s0 =	sadd.s32 @p1 s1, s0  }
0x20d: {  	[tilespmem:s5], [sflag:$0x8] =	stream.linear.gather @p1 [hbm4b:s0+s4], $0x80, $0x38;
	[tilespmem:$0x1F6F8] =	vst v63  }
0x20e: {  	s0 =	simm.s32 @p1 $0x8  }
0x20f: {  	_ =	swait.ge @p1 [sflag:s0], $0x80  }
0x210: {  	[sflag:s0] =	ssyncset.done @p1 $0x0  }
0x211: {  	[sflag:s0] =	ssyncadd.s32 @p1 $0xFFFFFF80  }
0x212: {  	v1 =	vld @p1 [tilespmem:$0xF188];
	_ =	sdelay $0x2  }
0x213: {  	s0 =	sshll.u32 @p1 s3, $0x9  }
0x214: {  	s4 =	sshrl.u32 @p1 s0, $0x2  }
0x215: {  	[tilespmem:s4+$0xF238] =	vst.add.f32.msk @p1 $0xffff, v1  }
0x216: {  	v1 =	vld @p1 [tilespmem:$0xF198];
	_ =	sdelay $0x4  }
0x217: {  	[tilespmem:s4+$0xF248] =	vst.add.f32.msk @p1 $0xffff, v1  }
0x218: {  	v1 =	vld @p1 [tilespmem:$0xF1A8];
	_ =	sdelay $0x4  }
0x219: {  	[tilespmem:s4+$0xF258] =	vst.add.f32.msk @p1 $0xffff, v1  }
0x21a: {  	v1 =	vld @p1 [tilespmem:$0xF1B8];
	_ =	sdelay $0x4  }
0x21b: {  	[tilespmem:s4+$0xF268] =	vst.add.f32.msk @p1 $0xffff, v1  }
0x21c: {  	v1 =	vld @p1 [tilespmem:$0xF1C8];
	_ =	sdelay $0x4  }
0x21d: {  	[tilespmem:s4+$0xF278] =	vst.add.f32.msk @p1 $0xffff, v1  }
0x21e: {  	v1 =	vld @p1 [tilespmem:$0xF1D8];
	_ =	sdelay $0x4  }
0x21f: {  	[tilespmem:s4+$0xF288] =	vst.add.f32.msk @p1 $0xffff, v1  }
0x220: {  	v1 =	vld @p1 [tilespmem:$0xF1E8];
	_ =	sdelay $0x4  }
0x221: {  	[tilespmem:s4+$0xF298] =	vst.add.f32.msk @p1 $0xffff, v1  }
0x222: {  	v1 =	vld @p1 [tilespmem:$0xF1F8];
	_ =	sdelay $0x3  }
0x223: {  	s5 =	sshll.u32 @!p1 s3, $0x9  }
0x224: {  	s5 =	smov.u32 @p1 s0;
	[tilespmem:s4+$0xF2A8] =	vst.add.f32.msk @p1 $0xffff, v1  }
0x225: {  	s0 =	sshrl.u32 s5, $0x2;
	[tilespmem:s2+$0xF218] =	vst.msk $0x1, v0  }
0x226: {  	v0 =	vld [tilespmem:s0+$0xF238];
	_ =	sdelay $0x2  }
0x227: {  	s31 =	sshll.u32 s2, $0x9  }
0x228: {  	s4 =	sshra.s32 s31, $0x2  }
0x229: {  	[tilespmem:s4+$0xF238] =	vst v0  }
0x22a: {  	v0 =	vld [tilespmem:s0+$0xF248];
	_ =	sdelay $0x4  }
0x22b: {  	[tilespmem:s4+$0xF248] =	vst v0  }
0x22c: {  	v0 =	vld [tilespmem:s0+$0xF258];
	_ =	sdelay $0x4  }
0x22d: {  	[tilespmem:s4+$0xF258] =	vst v0  }
0x22e: {  	v0 =	vld [tilespmem:s0+$0xF268];
	_ =	sdelay $0x4  }
0x22f: {  	[tilespmem:s4+$0xF268] =	vst v0  }
0x230: {  	v0 =	vld [tilespmem:s0+$0xF278];
	_ =	sdelay $0x4  }
0x231: {  	[tilespmem:s4+$0xF278] =	vst v0  }
0x232: {  	v0 =	vld [tilespmem:s0+$0xF288];
	_ =	sdelay $0x4  }
0x233: {  	[tilespmem:s4+$0xF288] =	vst v0  }
0x234: {  	v0 =	vld [tilespmem:s0+$0xF298];
	_ =	sdelay $0x4  }
0x235: {  	[tilespmem:s4+$0xF298] =	vst v0  }
0x236: {  	v0 =	vld [tilespmem:s0+$0xF2A8];
	_ =	sdelay $0x4  }
0x237: {  	s2 =	sadd.s32 $0x1, s2;
	[tilespmem:s4+$0xF2A8] =	vst v0  }
.LBB2_48:
0x238: {  	s3 =	sadd.s32 $0x1, s3  }
0x239: {  	p1 =	sne.s32 s3, $0x20  }
.Ltmp32:
0x23a: {  	_ = 	snop;
	(pc) =	sbr.rel @!p1 .LBB2_49-.Ltmp32, $1  }
0x23b: {  	_ =	sdelay $0x3  }
.LBB2_41:
0x23c: {  	v0 =	vld.msk [tilespmem:s3+$0xF218], $0x1;
	_ =	sdelay $0x4  }
0x23d: {  	(v2sf) =	vpush v0, $0x0;
	_ =	sdelay $0xe  }
0x23e: {  	s4 =	spop (v2sf)  }
0x23f: {  	p1 =	seq.s32 s4, $0xFFFFFFFF  }
.Ltmp33:
0x240: {  	_ = 	snop;
	(pc) =	sbr.rel @p1 .LBB2_48-.Ltmp33, $1  }
0x241: {  	_ =	sdelay $0x3  }
0x242: {  	p1 =	slt.s32 s2, $0x1  }
.Ltmp34:
0x243: {  	_ = 	snop;
	(pc) =	sbr.rel @p1 .LBB2_47-.Ltmp34, $1  }
0x244: {  	_ =	sdelay $0x3  }
0x245: {  	s5 =	simm.s32 $0xF218;
	p1 =	por $0x0, $0x0  }
0x246: {  	v1 =	vld.msk @!p1 [tilespmem:s5+$0x0], $0x1;
	_ =	sdelay $0x4  }
0x247: {  	(v2sf) =	vpush @!p1 v1, $0x0;
	_ =	sdelay $0xd  }
0x248: {  	p3 =	sne.s32 s2, $0x1  }
.Ltmp35:
0x249: {  	s0 =	spop @!p1 (v2sf);
	(pc) =	sbr.rel @!p3 .LBB2_45-.Ltmp35, $4  }
0x24a: {  	p2 =	seq.s32 @!p1 s4, s0  }
0x24b: {  	s6 =	simm.s32 $0x0;
	p2 =	por !p2, p1  }
0x24c: {  	s7 =	simm.s32 $0xFFFFFFFF;
	s6 =	simm.s32 @p2 $0xFFFFFFFF  }
0x24d: {  	s0 =	simm.s32 $0x1;
	s6 =	smov.u32 @p1 s7  }
.LBB2_44:
0x24e: {  	s7 =	smov.u32 s6;
	p1 =	sne.s32 s6, $0xFFFFFFFF  }
0x24f: {  	s5 =	sadd.s32 $0x1, s5;
	s6 =	smov.u32 s0;
	s0 =	sadd.s32 $0x1, s0  }
0x250: {  	p2 =	sne.s32 s2, s0;
	v1 =	vld.msk @!p1 [tilespmem:s5+$0x0], $0x1;
	_ =	sdelay $0x4  }
0x251: {  	(v2sf) =	vpush @!p1 v1, $0x0;
	_ =	sdelay $0xe  }
.Ltmp36:
0x252: {  	s8 =	spop @!p1 (v2sf);
	(pc) =	sbr.rel @p2 .LBB2_44-.Ltmp36, $4  }
0x253: {  	p3 =	seq.s32 @!p1 s4, s8  }
0x254: {  	p3 =	por !p3, p1  }
0x255: {  	s6 =	simm.s32 @p3 $0xFFFFFFFF  }
0x256: {  	s6 =	smov.u32 @p1 s7  }
.LBB2_45:
0x257: {  	p1 =	seq.s32 s6, $0xFFFFFFFF  }
.Ltmp37:
0x258: {  	_ = 	snop;
	(pc) =	sbr.rel @p1 .LBB2_47-.Ltmp37, $1  }
0x259: {  	_ =	sdelay $0x3  }
0x25a: {  	s0 =	sshll.u32 s3, $0x7  }
0x25b: {  	s0 =	sand.u32 $0x3FFFFF80, s0  }
0x25c: {  	v0 =	vld [tilespmem:s0+$0xF238];
	_ =	sdelay $0x2  }
0x25d: {  	s4 =	sshll.u32 s6, $0x9  }
0x25e: {  	s4 =	sshra.s32 s4, $0x2  }
0x25f: {  	[tilespmem:s4+$0xF238] =	vst.add.f32.msk $0xffff, v0  }
0x260: {  	v0 =	vld [tilespmem:s0+$0xF248];
	_ =	sdelay $0x4  }
0x261: {  	[tilespmem:s4+$0xF248] =	vst.add.f32.msk $0xffff, v0  }
0x262: {  	v0 =	vld [tilespmem:s0+$0xF258];
	_ =	sdelay $0x4  }
0x263: {  	[tilespmem:s4+$0xF258] =	vst.add.f32.msk $0xffff, v0  }
0x264: {  	v0 =	vld [tilespmem:s0+$0xF268];
	_ =	sdelay $0x4  }
0x265: {  	[tilespmem:s4+$0xF268] =	vst.add.f32.msk $0xffff, v0  }
0x266: {  	v0 =	vld [tilespmem:s0+$0xF278];
	_ =	sdelay $0x4  }
0x267: {  	[tilespmem:s4+$0xF278] =	vst.add.f32.msk $0xffff, v0  }
0x268: {  	v0 =	vld [tilespmem:s0+$0xF288];
	_ =	sdelay $0x4  }
0x269: {  	[tilespmem:s4+$0xF288] =	vst.add.f32.msk $0xffff, v0  }
0x26a: {  	v0 =	vld [tilespmem:s0+$0xF298];
	_ =	sdelay $0x4  }
0x26b: {  	[tilespmem:s4+$0xF298] =	vst.add.f32.msk $0xffff, v0  }
0x26c: {  	v0 =	vld [tilespmem:s0+$0xF2A8]  }
.Ltmp38:
0x26d: {  	_ = 	snop;
	(pc) =	sbr.rel .LBB2_48-.Ltmp38, $2  }
0x26e: {  	_ =	sdelay $0x2  }
0x26f: {  	[tilespmem:s4+$0xF2A8] =	vst.add.f32.msk $0xffff, v0  }
.LBB2_49:
0x270: {  	p1 =	slt.s32 s2, $0x1  }
.Ltmp39:
0x271: {  	_ = 	snop;
	(pc) =	sbr.rel @p1 .LBB2_53-.Ltmp39, $3  }
0x272: {  	_ =	sdelay $0x1  }
0x273: {  	s0 =	simm.s32 $0x8  }
0x274: {  	s3 =	simm.s32 $0x0;
	[sflag:s0] =	ssyncpa.u1 $0x1  }
0x275: {  	s0 =	simm.s32 $0xF218  }
0x276: {  	v0 =	vld.msk [tilespmem:s0+$0x0], $0x1;
	_ =	sdelay $0x4  }
0x277: {  	(v2sf) =	vpush v0, $0x0;
	_ =	sdelay $0xe  }
0x278: {  	s0 =	sadd.s32 $0xFFFFFFFF, s2;
	s5 =	spop (v2sf)  }
0x279: {  	p2 =	sne.s32 s0, $0x0;
	p1 =	sgt.u32 s5, $0x270F0  }
.Ltmp40:
0x27a: {  	s6 =	sand.u32 @!p1 $0x3FFF8, s5;
	(pc) =	sbr.rel @!p2 .LBB2_52-.Ltmp40, $4  }
0x27b: {  	s4 =	simm.s32 $0xF238;
	s5 =	sand.u32 @!p1 $0x7, s5;
	s2 =	sadd.s32 @!p1 s1, s6  }
0x27c: {  	[hbm4b:s2+s5] =	stream.linear.scatter @!p1 [tilespmem:s4], [sflag:$0x7], $0x80, $0x38;
	[tilespmem:$0x1F6F8] =	vst v63  }
0x27d: {  	s5 =	simm.s32 $0x0  }
0x27e: {  	s2 =	simm.s32 $0xF219;
	s5 =	simm.s32 @!p1 $0x200  }
.LBB2_51:
0x27f: {  	v0 =	vld.msk [tilespmem:s2+$0x0], $0x1;
	s0 =	sadd.s32 $0xFFFFFFFF, s0;
	s3 =	sadd.s32 s3, s5  }
0x280: {  	p1 =	sne.s32 s0, $0x0;
	_ =	sdelay $0x3  }
0x281: {  	(v2sf) =	vpush v0, $0x0;
	_ =	sdelay $0xe  }
.Ltmp41:
0x282: {  	s6 =	spop (v2sf);
	(pc) =	sbr.rel @p1 .LBB2_51-.Ltmp41, $4  }
0x283: {  	s5 =	simm.s32 $0x0;
	p2 =	sgt.u32 s6, $0x270F0  }
0x284: {  	s4 =	sadd.s32 $0x80, s4;
	s5 =	simm.s32 @!p2 $0x200;
	s7 =	sand.u32 @!p2 $0x3FFF8, s6  }
0x285: {  	s2 =	sadd.s32 $0x1, s2;
	s6 =	sand.u32 @!p2 $0x7, s6;
	s7 =	sadd.s32 @!p2 s1, s7  }
0x286: {  	[hbm4b:s7+s6] =	stream.linear.scatter @!p2 [tilespmem:s4], [sflag:$0x7], $0x80, $0x38;
	[tilespmem:$0x1F6F8] =	vst v63  }
.LBB2_52:
0x287: {  	s0 =	sadd.s32 s3, s5  }
0x288: {  	s3 =	sshrl.u32 s0, $0x2  }
.LBB2_53:
0x289: {  	s0 =	simm.s32 $0x7  }
0x28a: {  	_ =	swait.ge [sflag:s0], s3  }
0x28b: {  	s1 =	ssub.s32 $0x0, s3;
	[sflag:s0] =	ssyncset.done $0x0  }
0x28c: {  	[sflag:s0] =	ssyncadd.s32 s1  }
0x28d: {  	[sflag:s0] =	ssyncpa.u1 $0x1  }
.LBB2_54:
0x28e: {  	_ =	sfence;
	s0 =	simm.s32 $0x1  }
0x28f: {  	[sflag:s0] =	ssyncpa.u1 $0x1  }
0x290: {  	_ =	strace $0x90000059  }
0x291: {  	[bflag:$0x2] =	sbarrier.arrive $0xFFFF  }
0x292: {  	s0 =	rddreg [dreg:$0x3]  }
0x293: {  	s0 =	sadd.s32 @!p0 $0x100000, s0  }
0x294: {  	[sflag:s0] =	ssyncadd.tile.s32 @!p0 $0x1;
	_ =	shalt  }
.Lfunc_end2:
_tile_overlayer_lowered:
.L_overlay_start_2:
0x295: {  	(tag) =	ssettag $0x2  }
0x296: {  	s0 =	rddreg [dreg:$0x0];
	s2 =	stileid.u32  }
0x297: {  	s1 =	rddreg [dreg:$0x1];
	p0 =	sne.s32 s2, $0x0  }
0x298: {  	s3 =	rddreg [dreg:$0x2];
	[bflag:$0x3] =	sbarrier.arrive $0xFFFF;
	s2 =	simm.s32 @!p0 $0x1C01  }
0x299: {  	[timem:s3], [sflag:s2] =	dma.local @!p0 [hbm:s0], s1  }
0x29a: {  	s0 =	simm.s32 @!p0 $0x1  }
0x29b: {  	_ =	swait.ge @!p0 [sflag:s0], s1  }
0x29c: {  	s1 =	ssub.s32 @!p0 $0x0, s1;
	[sflag:s0] =	ssyncset.done @!p0 $0x0  }
0x29d: {  	[sflag:s0] =	ssyncadd.s32 @!p0 s1  }
0x29e: {  	[bflag:$0x3] =	sbarrier.arrive $0xFFFF  }
0x29f: {  	_ =	shalt  }

// kernel: scatter_offload_async_start
scs
__scs_entry_jumppad:
0x0: {  	(pc) =	sbr.rel $0x88, $3  }
0x1: {  	(tag) =	ssettag $0x0;
	lr =	simm.s32 $0x1  }
0x2: {  	[smem:$0x3F8E] =	sst lr;
	_ =	strace $0xD0000000  }
0x3: {  	_ = 	snop  }
0x4: {  	_ = 	snop  }
0x5: {  	_ = 	snop  }
0x6: {  	_ = 	snop  }
0x7: {  	_ = 	snop  }
__scs_overlays_trampoline_lowered:
0x8: {  	[smem:$0x3F9D] =	sst s0  }
0x9: {  	[smem:$0x3F9E] =	sst s1  }
0xa: {  	[smem:$0x3F9F] =	sst s2  }
0xb: {  	[smem:$0x3FA0] =	sst s3  }
0xc: {  	[smem:$0x3FA1] =	sst s4  }
0xd: {  	[smem:$0x3FA2] =	sst s5  }
0xe: {  	[smem:$0x3FA3] =	sst s6  }
0xf: {  	[smem:$0x3FA4] =	sst s7  }
0x10: {  	[smem:$0x3FA5] =	sst s8  }
0x11: {  	[smem:$0x3FA6] =	sst s9;
	s0 =	simm.s32 @!p0 $0x0  }
0x12: {  	s1 =	sld [smem:$0x3F8C];
	s0 =	simm.s32 @p0 $0x1  }
0x13: {  	[smem:$0x3FA7] =	sst s0;
	s0 =	simm.s32 @!p1 $0x0  }
0x14: {  	s2 =	sld [smem:$0x3F8B];
	s0 =	simm.s32 @p1 $0x1  }
0x15: {  	[smem:$0x3FA8] =	sst s0;
	s0 =	simm.s32 @!p2 $0x0  }
0x16: {  	s3 =	sld [smem:$0x3FDB];
	s0 =	simm.s32 @p2 $0x1  }
0x17: {  	s4 =	simm.s32 $0x1BF5;
	[smem:$0x3FAA] =	sst s0  }
0x18: {  	s0 =	sld [smem:$0x3F8D];
	_ =	swait.ge [sflag:s4], $0x0  }
0x19: {  	s7 =	sld [smem:$0x3F8E]  }
0x1a: {  	s8 =	sadd.s32 $0xFFFFE003, lr  }
0x1b: {  	s9 =	sadd.s32 $0xFFFFFEF7, lr;
	s5 =	simm.s32 $0xFFFFFFFF;
	p2 =	slt.u32 s8, $0xFFFFF086  }
0x1c: {  	p1 =	slt.u32 s9, $0xF7A;
	s5 =	simm.s32 @!p2 $0x0  }
0x1d: {  	s5 =	simm.s32 @p1 $0x1;
	p0 =	seq.s32 s7, s2  }
0x1e: {  	s7 =	smul.u32 @!p0 $0xF7A, s2;
	p2 =	seq.s32 @!p0 s5, $0x0  }
0x1f: {  	s9 =	smul.u32 $0xF7A, s1;
	s8 =	simm.s32 @!p0 $0x1BF5;
	p2 =	por !p2, p0  }
0x20: {  	[sflag:s8] =	ssyncset.s32 @!p0 $0xFFFFF086;
	s6 =	sadd.s32 @!p0 s3, s7;
	s7 =	simm.s32 @!p0 $0x108  }
0x21: {  	s3 =	sadd.s32 s3, s9;
	s6 =	sadd.s32 @!p0 $0x88, s6;
	s7 =	simm.s32 @p2 $0x1082  }
0x22: {  	[simem:s7], [sflag:s8] =	dma.local @!p0 [hbm:s6], $0xF7A  }
0x23: {  	s9 =	sor.u32 $0xD0000000, s2;
	s6 =	simm.s32 $0x108;
	_ =	swait.ge @!p0 [sflag:s8], $0x0  }
0x24: {  	s3 =	sadd.s32 $0x88, s3;
	s6 =	simm.s32 @!p1 $0x1082;
	[sflag:s4] =	ssyncset.s32 $0xFFFFF086  }
0x25: {  	[simem:s6], [sflag:s4] =	dma.local [hbm:s3], $0xF7A  }
0x26: {  	[smem:$0x3F8E] =	sst s1;
	(tag) =	ssettag s2;
	_ =	strace s9  }
0x27: {  	s1 =	sld [smem:$0x3F9E]  }
0x28: {  	s2 =	sld [smem:$0x3F9F]  }
0x29: {  	s4 =	sld [smem:$0x3FA1]  }
0x2a: {  	p0 =	seq.s32 s5, $0x0;
	s5 =	sld [smem:$0x3FA2]  }
0x2b: {  	s6 =	sld [smem:$0x3FA3]  }
0x2c: {  	s7 =	sld [smem:$0x3FA4]  }
0x2d: {  	s3 =	simm.s32 $0x108;
	s8 =	sld [smem:$0x3FA5]  }
0x2e: {  	s3 =	simm.s32 @!p0 $0x1082;
	s9 =	sld [smem:$0x3FA6]  }
0x2f: {  	lr =	sadd.s32 s0, s3;
	s0 =	sld [smem:$0x3F9D]  }
0x30: {  	s3 =	sld [smem:$0x3FA0]  }
0x31: {  	[smem:$0x3FA9] =	sst s10  }
0x32: {  	s10 =	sld [smem:$0x3FA7];
	_ =	sdelay $0x3  }
0x33: {  	p0 =	seq.s32 s10, $0x1;
	s10 =	sld [smem:$0x3FA9];
	_ =	sdelay $0x3  }
0x34: {  	[smem:$0x3FA9] =	sst s10  }
0x35: {  	s10 =	sld [smem:$0x3FA8];
	_ =	sdelay $0x3  }
0x36: {  	p1 =	seq.s32 s10, $0x1;
	s10 =	sld [smem:$0x3FA9];
	_ =	sdelay $0x3  }
0x37: {  	[smem:$0x3FA9] =	sst s10  }
0x38: {  	s10 =	sld [smem:$0x3FAA]  }
0x39: {  	_ = 	snop;
	(pc) =	sbr.ind lr, $3  }
0x3a: {  	_ = 	snop  }
0x3b: {  	_ = 	snop  }
0x3c: {  	p2 =	seq.s32 s10, $0x1;
	s10 =	sld [smem:$0x3FA9]  }
0x3d: {  	_ =	shalt  }
0x3e: {  	_ =	shalt  }
0x3f: {  	_ =	shalt  }
0x40: {  	_ =	shalt  }
0x41: {  	_ =	shalt  }
0x42: {  	_ =	shalt  }
0x43: {  	_ =	shalt  }
0x44: {  	_ =	shalt  }
0x45: {  	_ =	shalt  }
0x46: {  	_ =	shalt  }
0x47: {  	_ =	shalt  }
0x48: {  	_ =	shalt  }
0x49: {  	_ =	shalt  }
0x4a: {  	_ =	shalt  }
0x4b: {  	_ =	shalt  }
0x4c: {  	_ =	shalt  }
0x4d: {  	_ =	shalt  }
0x4e: {  	_ =	shalt  }
0x4f: {  	_ =	shalt  }
0x50: {  	_ =	shalt  }
0x51: {  	_ =	shalt  }
0x52: {  	_ =	shalt  }
0x53: {  	_ =	shalt  }
0x54: {  	_ =	shalt  }
0x55: {  	_ =	shalt  }
0x56: {  	_ =	shalt  }
0x57: {  	_ =	shalt  }
0x58: {  	_ =	shalt  }
0x59: {  	_ =	shalt  }
0x5a: {  	_ =	shalt  }
0x5b: {  	_ =	shalt  }
0x5c: {  	_ =	shalt  }
0x5d: {  	_ =	shalt  }
0x5e: {  	_ =	shalt  }
0x5f: {  	_ =	shalt  }
0x60: {  	_ =	shalt  }
0x61: {  	_ =	shalt  }
0x62: {  	_ =	shalt  }
0x63: {  	_ =	shalt  }
0x64: {  	_ =	shalt  }
0x65: {  	_ =	shalt  }
0x66: {  	_ =	shalt  }
0x67: {  	_ =	shalt  }
0x68: {  	_ =	shalt  }
0x69: {  	_ =	shalt  }
0x6a: {  	_ =	shalt  }
0x6b: {  	_ =	shalt  }
0x6c: {  	_ =	shalt  }
0x6d: {  	_ =	shalt  }
0x6e: {  	_ =	shalt  }
0x6f: {  	_ =	shalt  }
0x70: {  	_ =	shalt  }
0x71: {  	_ =	shalt  }
0x72: {  	_ =	shalt  }
0x73: {  	_ =	shalt  }
0x74: {  	_ =	shalt  }
0x75: {  	_ =	shalt  }
0x76: {  	_ =	shalt  }
0x77: {  	_ =	shalt  }
0x78: {  	_ =	shalt  }
0x79: {  	_ =	shalt  }
0x7a: {  	_ =	shalt  }
0x7b: {  	_ =	shalt  }
0x7c: {  	_ =	shalt  }
0x7d: {  	_ =	shalt  }
0x7e: {  	_ =	shalt  }
0x7f: {  	_ =	shalt  }
0x80: {  	_ =	shalt  }
0x81: {  	_ =	shalt  }
0x82: {  	_ =	shalt  }
0x83: {  	_ =	shalt  }
0x84: {  	_ =	shalt  }
0x85: {  	_ =	shalt  }
0x86: {  	_ =	shalt  }
0x87: {  	_ =	shalt  }
.Lfunc_end0:
.L_simem_size_0:
called_computation_lowered:
.L_overlay_start_0:
0x88: {  	s2 =	sld [smem:$0x3FD9]  }
0x89: {  	s3 =	sld [smem:$0x3FFE];
	_ =	sdelay $0x1  }
0x8a: {  	s1 =	srdreg.scid  }
0x8b: {  	s0 =	sand.u32 $0x1, s1  }
0x8c: {  	s15 =	sshll.u32 s0, $0xA;
	s2 =	sadd.s32 s3, s2  }
0x8d: {  	s2 =	sadd.s32 s2, s15  }
0x8e: {  	[smem:$0x3FB5] =	sst s2  }
0x8f: {  	_ = 	snop  }
0x90: {  	(tm) =	ssettm $0x1  }
0x91: {  	s16 =	sld [smem:$0x3FFB];
	_ =	sdelay $0x3  }
0x92: {  	_ =	strace s16  }
0x93: {  	s2 =	sld [smem:$0x3FFC];
	_ =	sdelay $0x3  }
0x94: {  	_ =	strace s2  }
0x95: {  	s2 =	sld [smem:$0x3FFD];
	_ =	sdelay $0x3  }
0x96: {  	_ =	strace s2  }
0x97: {  	_ =	strace $0x8FFFFFFF  }
0x98: {  	s17 =	sld [smem:$0x3FDB];
	_ =	sdelay $0x1  }
0x99: {  	s18 =	simm.s32 $_scs_section_size  }
0x9a: {  	s4 =	simm.s32 $_size__tile_overlayer_lowered;
	s5 =	simm.s32 $_tile_overlayer_lowered  }
0x9b: {  	s21 =	simm.s32 $0x1BFF;
	s20 =	sshll.u32 s5, $0x1;
	s2 =	sadd.s32 s18, s17  }
0x9c: {  	s6 =	simm.s32 $0x0;
	s19 =	sshll.u32 s4, $0x1;
	s4 =	sadd.s32 s20, s2  }
0x9d: {  	[timem:s6], [sflag:s21] =	dma.local [hbm:s4], s19  }
0x9e: {  	_ =	swait.ge [sflag:s21], s19  }
0x9f: {  	s3 =	ssub.s32 $0x0, s19;
	[sflag:s21] =	ssyncset.done $0x0  }
0xa0: {  	[sflag:s21] =	ssyncadd.s32 s3;
	_ =	sdelay $0x1  }
0xa1: {  	s22 =	simm.s32 $0x1B8B  }
0xa2: {  	_ =	swait.ge [sflag:s22], $0x1  }
0xa3: {  	[sflag:s22] =	ssyncset.done $0x0  }
0xa4: {  	s23 =	sld [smem:$0x3FFE];
	[sflag:s22] =	ssyncadd.s32 $0xFFFFFFFF  }
0xa5: {  	s25 =	simm.s32 $0x1B8E;
	s24 =	sld [smem:$0x0]  }
0xa6: {  	s26 =	simm.s32 $execute0_lowered;
	[smem:$0x3FD2] =	sst s25  }
0xa7: {  	s5 =	sshll.u32 s26, $0x1;
	_ =	strace $0x8000004F;
	[dreg:$0x1] =	wrdreg $0xFFFFFFFF  }
0xa8: {  	s28 =	simm.s32 $_size_execute0_lowered;
	s2 =	sadd.s32 s2, s5;
	[dreg:$0x0] =	wrdreg $0x0  }
0xa9: {  	s5 =	sshll.u32 s28, $0x1;
	[dreg:$0x2] =	wrdreg s2  }
0xaa: {  	[dreg:$0x3] =	wrdreg s5  }
0xab: {  	[dreg:$0x4] =	wrdreg $0xC0  }
0xac: {  	_ =	task [dreg:s6], $0x5FFFF  }
0xad: {  	[dreg:$0x1] =	wrdreg $0xFFFFFFFF  }
0xae: {  	[dreg:$0x0] =	wrdreg $0x60  }
0xaf: {  	[dreg:$0x2] =	wrdreg s23  }
0xb0: {  	[dreg:$0x3] =	wrdreg s1  }
0xb1: {  	[dreg:$0x4] =	wrdreg s24  }
0xb2: {  	[dreg:$0x5] =	wrdreg $0x9  }
0xb3: {  	_ =	task.clear_ibuf [dreg:s6], $0x6FFFF;
	_ =	strace $0x9000004F  }
0xb4: {  	s29 =	simm.s32 $0x9;
	_ =	strace $0x80000051  }
0xb5: {  	_ =	swait.ge [sflag:s29], $0x1  }
0xb6: {  	[sflag:s29] =	ssyncadd.s32 $0xFFFFFFFF  }
0xb7: {  	_ =	strace $0x90000051  }
0xb8: {  	_ =	sfence  }
0xb9: {  	s30 =	sld [smem:$0x0];
	_ =	sdelay $0x2  }
0xba: {  	s31 =	sshll.u32 s1, $0xD;
	s1 =	sshrl.u32 s1, $0x2  }
0xbb: {  	s3 =	sand.u32 $0x4000, s31;
	s1 =	sadd.s32 s1, s30  }
0xbc: {  	s0 =	sor.u32 s3, s0;
	s1 =	sshll.u32 s1, $0x11  }
0xbd: {  	s0 =	sor.u32 s1, s0  }
0xbe: {  	s0 =	sadd.s32 $0x8F2B, s0  }
0xbf: {  	[sflag:s0] =	ssyncadd.remote.s32 $0x1  }
0xc0: {  	_ =	sfence.sel $0xFFFF  }
0xc1: {  	[dreg:$0x0] =	wrdreg $0xFFFFFFFF;
	(pc) =	sbr.abs _section_cstart, $3  }
0xc2: {  	[dreg:$0x1] =	wrdreg $0xFFFFFFFF  }
0xc3: {  	_ =	task.clear_ibuf [dreg:s6], $0x2FFFF;
	_ =	strace $0x9FFFFFFF  }
0xc4: {  	(tm) =	ssettm $0x7FFFFFFF  }
0xc5: {  	_ =	shalt  }
tec
execute0_lowered:
.L_overlay_start_1:
0x0: {  	(tag) =	ssettag $0x1  }
0x1: {  	s2 =	rddreg [dreg:$0x0]  }
0x2: {  	s4 =	rddreg [dreg:$0x1];
	_ =	strace $0x80000050;
	s0 =	simm.s32 $0x1  }
0x3: {  	s3 =	simm.s32 $0x88;
	v0 =	vimm.s32 $0x0;
	[sflag:s0] =	ssyncpa.u1 $0x0  }
0x4: {  	[tilespmem:s3+$0x30] =	vst v0  }
0x5: {  	s1 =	sadd.s32 $0x3B800, s2;
	s0 =	sadd.s32 $0x31800, s2;
	s6 =	sadd.s32 $0x592C00, s2;
	[tilespmem:s3+$0x20] =	vst v0  }
0x6: {  	s2 =	sadd.s32 $0x36800, s2;
	s7 =	sand.u32 $0x1, s4;
	s4 =	simm.s32 $0x40;
	[tilespmem:s3+$0x10] =	vst v0  }
.LBB2_1:
0x7: {  	s4 =	sadd.s32 $0x40, s4  }
0x8: {  	[tilespmem:s3+$0x0] =	vst v0;
	s3 =	sadd.s32 $0x40, s3;
	p0 =	slt.u32 s4, $0x5040  }
.Ltmp0:
0x9: {  	(pc) =	sbr.rel @p0 .LBB2_1-.Ltmp0, $4  }
0xa: {  	_ = 	snop  }
0xb: {  	[tilespmem:s3+$0x30] =	vst v0  }
0xc: {  	[tilespmem:s3+$0x20] =	vst v0  }
0xd: {  	[tilespmem:s3+$0x10] =	vst v0  }
0xe: {  	s8 =	stileid.u32  }
0xf: {  	s4 =	smul.u32 $0xF, s8  }
0x10: {  	s5 =	smin.u32 s8, $0xA  }
0x11: {  	s4 =	sadd.s32 s5, s4  }
0x12: {  	p0 =	slt.u32 s8, $0xA;
	s12 =	smul.u32 $0x140, s4;
	s4 =	simm.s32 $0x1400  }
0x13: {  	s4 =	simm.s32 @!p0 $0x12C0  }
0x14: {  	s25 =	simm.s32 $0x2;
	s4 =	sadd.s32 s4, s12  }
0x15: {  	s28 =	simm.s32 $0x9;
	s9 =	simm.s32 $0xA;
	s14 =	smin.u32 s4, $0x13880  }
0x16: {  	s30 =	simm.s32 $0xB;
	[dreg:$0x4] =	wrdreg s7;
	s4 =	ssub.s32 s14, s12  }
0x17: {  	s31 =	smul.u32 $0x2710, s7;
	s13 =	simm.s32 $0x1;
	p0 =	sgt.s32 s4, $0x0  }
0x18: {  	s19 =	simm.s32 $0x0;
	s20 =	simm.s32 $0xA808;
	s4 =	simm.s32 @!p0 $0x0  }
0x19: {  	s21 =	simm.s32 $0xFFFFFFFF;
	p1 =	por $0x0, $0x0;
	s26 =	smulhi.u32 $0x66666667, s4  }
0x1a: {  	[tilespmem:s3+$0x0] =	vst v0;
	s23 =	simm.s32 $0x0;
	[sflag:s25] =	ssyncpa.u1 $0x0;
	s18 =	sshll.u32 s8, $0x7  }
0x1b: {  	s0 =	sadd.s32 s31, s0;
	[dreg:$0xa] =	wrdreg s18;
	s3 =	sshrl.u32 s26, $0x7  }
0x1c: {  	v0 =	vimm.s32 $0xFFFFFFFF;
	s17 =	sadd.s32 s31, s2;
	[dreg:$0x9] =	wrdreg s0;
	s29 =	smul.u32 $0x140, s3  }
0x1d: {  	s25 =	simm.s32 $0x0;
	[tilespmem:$0xA108] =	vst v0;
	[sflag:s28] =	ssyncpa.u1 $0x0;
	[dreg:$0x8] =	wrdreg s17  }
.Ltmp1:
0x1e: {  	p0 =	sne.s32 s4, s29;
	s4 =	simm.s32 $0x1;
	(pc) =	sbr.rel .LBB2_3-.Ltmp1, $4  }
0x1f: {  	[sflag:s9] =	ssyncpa.u1 $0x0;
	[dreg:$0x5] =	wrdreg s12;
	s4 =	simm.s32 @!p0 $0x0  }
0x20: {  	[sflag:s30] =	ssyncpa.u1 $0x0;
	[dreg:$0x6] =	wrdreg s14;
	s15 =	sadd.s32 s4, s3  }
0x21: {  	s24 =	smov.u32 s12;
	s22 =	sadd.s32 $0x1, s15;
	[dreg:$0x7] =	wrdreg s15  }
0x22: {  	v0 =	vlaneseq.u32;
	s26 =	simm.s32 $0x0;
	p0 =	por $0x1, $0x1;
	[dreg:$0xb] =	wrdreg s22  }
.LBB2_22:
0x23: {  	s0 =	sshrl.u32 s3, $0x2  }
.LBB2_24:
0x24: {  	s3 =	simm.s32 $0xC  }
0x25: {  	_ =	swait.ge [sflag:s3], s0  }
0x26: {  	s31 =	ssub.s32 $0x0, s0;
	v1 =	vmov s4;
	vm0 =	veq.s32 v0, $0x0;
	[sflag:s3] =	ssyncset.done $0x0  }
0x27: {  	vm15 =	veq.s32 v0, $0x2;
	v1 =	vsel vm0, s2, v1;
	[sflag:s3] =	ssyncadd.s32 s31  }
0x28: {  	v1 =	vsel vm15, s26, v1;
	[sflag:s3] =	ssyncpa.u1 $0x1  }
0x29: {  	[tilespmem:$0xA108] =	vst v1  }
.LBB2_25:
0x2a: {  	s0 =	sadd.s32 $0x140, s24  }
0x2b: {  	s2 =	smov.u32 s12;
	p2 =	slt.s32 s0, s14  }
0x2c: {  	s2 =	smov.u32 @p2 s0;
	p2 =	sne.s32 s25, s22  }
.Ltmp2:
0x2d: {  	_ = 	snop;
	(pc) =	sbr.rel @!p2 .LBB2_26-.Ltmp2, $4  }
0x2e: {  	_ = 	snop  }
0x2f: {  	s26 =	smov.u32 s23;
	s31 =	sadd.s32 $0x1, s25;
	p0 =	por !p0, !p0  }
0x30: {  	s23 =	smov.u32 s24;
	s20 =	sadd.s32 $0x140, s20;
	s21 =	sadd.s32 $0x1, s21  }
0x31: {  	p1 =	por !p1, !p1;
	s25 =	smov.u32 s31;
	s24 =	smov.u32 s2  }
.LBB2_3:
0x32: {  	p2 =	sge.u32 s25, s15  }
0x33: {  	s0 =	smulhi.u32 @!p2 $0xAAAAAAAB, s25  }
0x34: {  	s2 =	smov.u32 s24;
	p3 =	sgt.s32 @!p2 s24, $0x13740  }
0x35: {  	s3 =	sshra.s32 @!p2 s24, $0x1F;
	p3 =	por !p3, p2;
	s0 =	sshrl.u32 @!p2 s0, $0x1  }
0x36: {  	s3 =	sand.u32 @!p2 s3, s24;
	s2 =	simm.s32 @p3 $0x13740;
	s0 =	smul.u32 @!p2 $0x3, s0  }
0x37: {  	s2 =	ssub.s32 @!p2 s2, s3  }
0x38: {  	s2 =	sadd.s32 @!p2 $0xFFFEC8C0, s2;
	s0 =	ssub.s32 @!p2 s25, s0  }
0x39: {  	s3 =	sshll.u32 @!p2 s2, $0x2;
	p3 =	sgt.s32 @!p2 s2, $0x13F;
	s0 =	smul.u32 @!p2 $0x500, s0  }
0x3a: {  	s4 =	sand.u32 @!p2 $0x7, s24;
	s2 =	ssub.s32 @!p2 $0x500, s3;
	p3 =	por !p3, p2  }
0x3b: {  	s3 =	sshrl.u32 @!p2 s24, $0x3;
	s2 =	sshrl.u32 @!p2 s2, $0x2;
	s0 =	sshrl.u32 @!p2 s0, $0x2  }
0x3c: {  	s3 =	sadd.s32 @!p2 s3, s17;
	s2 =	simm.s32 @!p3 $0x0;
	s0 =	sadd.s32 @!p2 $0xA948, s0  }
0x3d: {  	[tilespmem:s0], [sflag:$0xA] =	stream.linear.gather @!p2 [hbm4b:s3+s4], s2, $0x38;
	[tilespmem:$0x1EF88] =	vst v63  }
0x3e: {  	s0 =	sadd.s32 $0xFFFFFFFF, s25  }
0x3f: {  	p2 =	sge.u32 s0, s15  }
.Ltmp3:
0x40: {  	_ = 	snop;
	(pc) =	sbr.rel @p2 .LBB2_7-.Ltmp3, $1  }
0x41: {  	_ =	sdelay $0x3  }
0x42: {  	p2 =	sgt.s32 s23, $0x13740;
	s2 =	smov.u32 s23;
	s3 =	sshra.s32 s23, $0x1F  }
0x43: {  	s2 =	simm.s32 @!p2 $0x13740;
	s3 =	sand.u32 s3, s23  }
0x44: {  	s17 =	smulhi.u32 $0xAAAAAAAB, s21;
	s2 =	ssub.s32 s2, s3  }
0x45: {  	s0 =	sand.u32 $0x1, s0;
	s2 =	sadd.s32 $0xFFFEC8C0, s2  }
0x46: {  	s5 =	simm.s32 $0xA;
	s3 =	sshrl.u32 s17, $0x1;
	s4 =	sshll.u32 s2, $0x2  }
0x47: {  	s7 =	sshrl.u32 s23, $0x3;
	s3 =	smul.u32 $0xFFFFF100, s3;
	s4 =	ssub.s32 $0x500, s4  }
0x48: {  	s18 =	smul.u32 $0x500, s0;
	p2 =	sgt.s32 s2, $0x13F;
	s2 =	sshrl.u32 s4, $0x2  }
0x49: {  	s9 =	sand.u32 $0x7, s23;
	s3 =	sshra.s32 s3, $0x2;
	s2 =	simm.s32 @p2 $0x0  }
0x4a: {  	s0 =	sadd.s32 s3, s20;
	s4 =	sshrl.u32 s18, $0x2;
	_ =	swait.ge [sflag:s5], s2  }
0x4b: {  	s22 =	ssub.s32 $0x0, s2;
	[sflag:s5] =	ssyncset.done $0x0;
	s8 =	rddreg [dreg:$0x9]  }
0x4c: {  	s4 =	sadd.s32 $0xAD08, s4;
	[sflag:s5] =	ssyncadd.s32 s22;
	s3 =	sadd.s32 s7, s8  }
0x4d: {  	[tilespmem:s4], [sflag:$0xB] =	stream.linear.gather [hbm4b:s3+s9], s2, $0x38;
	[tilespmem:$0x1EF88] =	vst v63  }
0x4e: {  	v1 =	vld.msk [tilespmem:s0+$0x0], $0xffff;
	_ =	sdelay $0x4  }
0x4f: {  	v1 =	vshll.u32 v1, $0x4  }
0x50: {  	(v2sf) =	vpush v1, $0x0  }
0x51: {  	(v2sf) =	vpush v1, $0x1  }
0x52: {  	(v2sf) =	vpush v1, $0x2;
	_ =	sdelay $0x3  }
0x53: {  	(v2sf) =	vpush v1, $0x3;
	_ =	sdelay $0x1  }
0x54: {  	(v2sf) =	vpush v1, $0x4  }
0x55: {  	s2 =	simm.s32 $0x1;
	(v2sf) =	vpush v1, $0x5  }
0x56: {  	s2 =	simm.s32 @!p0 $0x0  }
0x57: {  	s2 =	smul.u32 $0x28000, s2;
	(v2sf) =	vpush v1, $0x6;
	_ =	sdelay $0x1  }
0x58: {  	s2 =	sshrl.u32 s2, $0x2  }
0x59: {  	s28 =	sadd.s32 $0xB708, s2  }
0x5a: {  	s12 =	sadd.s32 $0xFFFFF880, s28;
	s17 =	sadd.s32 $0xFFFFF900, s28;
	s10 =	spop (v2sf);
	(v2sf) =	vpush v1, $0x7  }
0x5b: {  	s18 =	sadd.s32 $0xFFFFF980, s28;
	s11 =	sand.u32 $0x1FFFFFF0, s10;
	s14 =	spop (v2sf)  }
0x5c: {  	(v2sf) =	vpush v1, $0x8;
	s2 =	sadd.s32 s6, s11;
	s15 =	sand.u32 $0x1FFFFFF0, s14;
	s16 =	spop (v2sf)  }
0x5d: {  	[tilespmem:s12], [sflag:$0x9] =	stream.linear.gather [hbm4b:s2+s19], $0x40, $0x38;
	[tilespmem:$0x1EF88] =	vst v63  }
0x5e: {  	s5 =	sadd.s32 $0xFFFFFA00, s28;
	s2 =	sadd.s32 s6, s15;
	s3 =	sand.u32 $0x1FFFFFF0, s16  }
0x5f: {  	(v2sf) =	vpush v1, $0x9;
	[tilespmem:s17], [sflag:$0x9] =	stream.linear.gather [hbm4b:s2+s19], $0x40, $0x38;
	[tilespmem:$0x1EF88] =	vst v63  }
0x60: {  	s7 =	sadd.s32 $0xFFFFFA80, s28;
	s22 =	spop (v2sf);
	s3 =	sadd.s32 s6, s3  }
0x61: {  	(v2sf) =	vpush v1, $0xA;
	[tilespmem:s18], [sflag:$0x9] =	stream.linear.gather [hbm4b:s3+s19], $0x40, $0x38;
	[tilespmem:$0x1EF88] =	vst v63  }
0x62: {  	s11 =	sadd.s32 $0xFFFFFB00, s28;
	s4 =	spop (v2sf);
	(v2sf) =	vpush v1, $0xB;
	s3 =	sand.u32 $0x1FFFFFF0, s22  }
0x63: {  	s8 =	spop (v2sf);
	s2 =	sadd.s32 s6, s3;
	s3 =	sand.u32 $0x1FFFFFF0, s4  }
0x64: {  	(v2sf) =	vpush v1, $0xC;
	[tilespmem:s5], [sflag:$0x9] =	stream.linear.gather [hbm4b:s2+s19], $0x40, $0x38;
	[tilespmem:$0x1EF88] =	vst v63  }
0x65: {  	s9 =	sand.u32 $0x1FFFFFF0, s8;
	s10 =	spop (v2sf);
	s3 =	sadd.s32 s6, s3  }
0x66: {  	(v2sf) =	vpush v1, $0xD;
	[tilespmem:s7], [sflag:$0x9] =	stream.linear.gather [hbm4b:s3+s19], $0x40, $0x38;
	[tilespmem:$0x1EF88] =	vst v63  }
0x67: {  	s12 =	sadd.s32 $0xFFFFFB80, s28;
	s2 =	sadd.s32 s6, s9;
	s3 =	sand.u32 $0x1FFFFFF0, s10  }
0x68: {  	[tilespmem:s11], [sflag:$0x9] =	stream.linear.gather [hbm4b:s2+s19], $0x40, $0x38;
	[tilespmem:$0x1EF88] =	vst v63  }
0x69: {  	s17 =	sadd.s32 $0xFFFFFC00, s28;
	s3 =	sadd.s32 s6, s3;
	s14 =	spop (v2sf)  }
0x6a: {  	[tilespmem:s12], [sflag:$0x9] =	stream.linear.gather [hbm4b:s3+s19], $0x40, $0x38;
	(v2sf) =	vpush v1, $0xE;
	[tilespmem:$0x1EF88] =	vst v63  }
0x6b: {  	s18 =	sadd.s32 $0xFFFFFC80, s28;
	s15 =	sand.u32 $0x1FFFFFF0, s14;
	s16 =	spop (v2sf)  }
0x6c: {  	s5 =	sadd.s32 $0xFFFFFD00, s28;
	(v2sf) =	vpush v1, $0xF;
	s2 =	sadd.s32 s6, s15;
	s3 =	sand.u32 $0x1FFFFFF0, s16  }
0x6d: {  	[tilespmem:s17], [sflag:$0x9] =	stream.linear.gather [hbm4b:s2+s19], $0x40, $0x38;
	[tilespmem:$0x1EF88] =	vst v63  }
0x6e: {  	s7 =	sadd.s32 $0xFFFFFD80, s28;
	s22 =	spop (v2sf);
	s3 =	sadd.s32 s6, s3  }
0x6f: {  	[tilespmem:s18], [sflag:$0x9] =	stream.linear.gather [hbm4b:s3+s19], $0x40, $0x38;
	[tilespmem:$0x1EF88] =	vst v63  }
0x70: {  	s11 =	sadd.s32 $0xFFFFFE00, s28;
	s4 =	spop (v2sf);
	s3 =	sand.u32 $0x1FFFFFF0, s22  }
0x71: {  	s8 =	spop (v2sf);
	s2 =	sadd.s32 s6, s3;
	s3 =	sand.u32 $0x1FFFFFF0, s4  }
0x72: {  	[tilespmem:s5], [sflag:$0x9] =	stream.linear.gather [hbm4b:s2+s19], $0x40, $0x38;
	[tilespmem:$0x1EF88] =	vst v63  }
0x73: {  	s9 =	sand.u32 $0x1FFFFFF0, s8;
	s10 =	spop (v2sf);
	s3 =	sadd.s32 s6, s3  }
0x74: {  	[tilespmem:s7], [sflag:$0x9] =	stream.linear.gather [hbm4b:s3+s19], $0x40, $0x38;
	[tilespmem:$0x1EF88] =	vst v63  }
0x75: {  	s14 =	spop (v2sf);
	s2 =	sadd.s32 s6, s9;
	s3 =	sand.u32 $0x1FFFFFF0, s10  }
0x76: {  	[tilespmem:s11], [sflag:$0x9] =	stream.linear.gather [hbm4b:s2+s19], $0x40, $0x38;
	[tilespmem:$0x1EF88] =	vst v63  }
0x77: {  	s12 =	sadd.s32 $0xFFFFFE80, s28;
	s15 =	sand.u32 $0x1FFFFFF0, s14;
	s3 =	sadd.s32 s6, s3  }
0x78: {  	[tilespmem:s12], [sflag:$0x9] =	stream.linear.gather [hbm4b:s3+s19], $0x40, $0x38;
	[tilespmem:$0x1EF88] =	vst v63  }
0x79: {  	s17 =	sadd.s32 $0xFFFFFF00, s28;
	s2 =	sadd.s32 s6, s15;
	s16 =	spop (v2sf)  }
0x7a: {  	[tilespmem:s17], [sflag:$0x9] =	stream.linear.gather [hbm4b:s2+s19], $0x40, $0x38;
	[tilespmem:$0x1EF88] =	vst v63  }
0x7b: {  	s29 =	simm.s32 $0x0;
	s3 =	sand.u32 $0x1FFFFFF0, s16;
	s18 =	spop (v2sf)  }
0x7c: {  	s22 =	sadd.s32 $0xFFFFFF80, s28;
	s3 =	sadd.s32 s6, s3;
	s2 =	sand.u32 $0x1FFFFFF0, s18  }
0x7d: {  	[tilespmem:s22], [sflag:$0x9] =	stream.linear.gather [hbm4b:s3+s19], $0x40, $0x38;
	[tilespmem:$0x1EF88] =	vst v63  }
0x7e: {  	s31 =	sadd.s32 $0x10, s0;
	s30 =	sadd.s32 $0x800, s28;
	s2 =	sadd.s32 s6, s2  }
.LBB2_5:
0x7f: {  	[tilespmem:s28], [sflag:$0x9] =	stream.linear.gather [hbm4b:s2+s19], $0x40, $0x38;
	[tilespmem:$0x1EF88] =	vst v63  }
0x80: {  	s29 =	sadd.s32 $0x10, s29;
	s28 =	smov.u32 s30  }
0x81: {  	p2 =	slt.u32 s29, $0x130;
	v1 =	vld.msk [tilespmem:s31+$0x0], $0xffff;
	_ =	sdelay $0x4  }
0x82: {  	v1 =	vshll.u32 v1, $0x4  }
0x83: {  	(v2sf) =	vpush v1, $0x0  }
0x84: {  	(v2sf) =	vpush v1, $0x1  }
0x85: {  	(v2sf) =	vpush v1, $0x2;
	_ =	sdelay $0x1  }
0x86: {  	(v2sf) =	vpush v1, $0x3;
	_ =	sdelay $0x1  }
0x87: {  	(v2sf) =	vpush v1, $0x4;
	_ =	sdelay $0x1  }
0x88: {  	(v2sf) =	vpush v1, $0x5;
	_ =	sdelay $0x1  }
0x89: {  	(v2sf) =	vpush v1, $0x6  }
0x8a: {  	s4 =	sadd.s32 $0xFFFFFE80, s30;
	s0 =	sadd.s32 $0xFFFFFF00, s30  }
0x8b: {  	s3 =	sadd.s32 $0xFFFFFD00, s30;
	s2 =	sadd.s32 $0xFFFFFD80, s30;
	s5 =	sadd.s32 $0xFFFFFE00, s30;
	(v2sf) =	vpush v1, $0x7  }
0x8c: {  	s10 =	sadd.s32 $0xFFFFFB80, s30;
	s9 =	sadd.s32 $0xFFFFFC00, s30;
	s16 =	sadd.s32 $0xFFFFFC80, s30  }
0x8d: {  	s11 =	sadd.s32 $0xFFFFFA00, s30;
	s12 =	sadd.s32 $0xFFFFFA80, s30;
	s15 =	sadd.s32 $0xFFFFFB00, s30;
	(v2sf) =	vpush v1, $0x8  }
0x8e: {  	s18 =	sadd.s32 $0xFFFFF900, s30;
	s7 =	sadd.s32 $0xFFFFF980, s30;
	s22 =	spop (v2sf)  }
0x8f: {  	s8 =	sadd.s32 $0xFFFFF880, s30;
	s22 =	sand.u32 $0x1FFFFFF0, s22;
	s14 =	spop (v2sf);
	(v2sf) =	vpush v1, $0x9  }
0x90: {  	s22 =	sadd.s32 s6, s22;
	s14 =	sand.u32 $0x1FFFFFF0, s14;
	s17 =	spop (v2sf)  }
0x91: {  	[tilespmem:s8], [sflag:$0x9] =	stream.linear.gather [hbm4b:s22+s19], $0x40, $0x38;
	(v2sf) =	vpush v1, $0xA;
	[tilespmem:$0x1EF88] =	vst v63  }
0x92: {  	s8 =	sadd.s32 s6, s14;
	s14 =	sand.u32 $0x1FFFFFF0, s17;
	s17 =	spop (v2sf)  }
0x93: {  	[tilespmem:s18], [sflag:$0x9] =	stream.linear.gather [hbm4b:s8+s19], $0x40, $0x38;
	(v2sf) =	vpush v1, $0xB;
	[tilespmem:$0x1EF88] =	vst v63  }
0x94: {  	s8 =	sadd.s32 s6, s14;
	s14 =	sand.u32 $0x1FFFFFF0, s17;
	s17 =	spop (v2sf)  }
0x95: {  	[tilespmem:s7], [sflag:$0x9] =	stream.linear.gather [hbm4b:s8+s19], $0x40, $0x38;
	(v2sf) =	vpush v1, $0xC;
	[tilespmem:$0x1EF88] =	vst v63  }
0x96: {  	s7 =	sadd.s32 s6, s14;
	s8 =	sand.u32 $0x1FFFFFF0, s17;
	s14 =	spop (v2sf)  }
0x97: {  	[tilespmem:s11], [sflag:$0x9] =	stream.linear.gather [hbm4b:s7+s19], $0x40, $0x38;
	(v2sf) =	vpush v1, $0xD;
	[tilespmem:$0x1EF88] =	vst v63  }
0x98: {  	s7 =	sadd.s32 s6, s8;
	s8 =	sand.u32 $0x1FFFFFF0, s14;
	s11 =	spop (v2sf)  }
0x99: {  	[tilespmem:s12], [sflag:$0x9] =	stream.linear.gather [hbm4b:s7+s19], $0x40, $0x38;
	(v2sf) =	vpush v1, $0xE;
	[tilespmem:$0x1EF88] =	vst v63  }
0x9a: {  	s7 =	sadd.s32 s6, s8;
	s8 =	sand.u32 $0x1FFFFFF0, s11;
	s11 =	spop (v2sf)  }
0x9b: {  	[tilespmem:s15], [sflag:$0x9] =	stream.linear.gather [hbm4b:s7+s19], $0x40, $0x38;
	(v2sf) =	vpush v1, $0xF;
	[tilespmem:$0x1EF88] =	vst v63  }
0x9c: {  	s7 =	sadd.s32 s6, s8;
	s8 =	sand.u32 $0x1FFFFFF0, s11;
	s11 =	spop (v2sf)  }
0x9d: {  	[tilespmem:s10], [sflag:$0x9] =	stream.linear.gather [hbm4b:s7+s19], $0x40, $0x38;
	[tilespmem:$0x1EF88] =	vst v63  }
0x9e: {  	s7 =	sadd.s32 s6, s8;
	s8 =	sand.u32 $0x1FFFFFF0, s11;
	s10 =	spop (v2sf)  }
0x9f: {  	[tilespmem:s9], [sflag:$0x9] =	stream.linear.gather [hbm4b:s7+s19], $0x40, $0x38;
	[tilespmem:$0x1EF88] =	vst v63  }
0xa0: {  	s7 =	sadd.s32 s6, s8;
	s8 =	sand.u32 $0x1FFFFFF0, s10;
	s9 =	spop (v2sf)  }
0xa1: {  	[tilespmem:s16], [sflag:$0x9] =	stream.linear.gather [hbm4b:s7+s19], $0x40, $0x38;
	[tilespmem:$0x1EF88] =	vst v63  }
0xa2: {  	s7 =	sadd.s32 s6, s8;
	s8 =	sand.u32 $0x1FFFFFF0, s9;
	s9 =	spop (v2sf)  }
0xa3: {  	[tilespmem:s3], [sflag:$0x9] =	stream.linear.gather [hbm4b:s7+s19], $0x40, $0x38;
	[tilespmem:$0x1EF88] =	vst v63  }
0xa4: {  	s3 =	sadd.s32 s6, s8;
	s7 =	sand.u32 $0x1FFFFFF0, s9;
	s8 =	spop (v2sf)  }
0xa5: {  	[tilespmem:s2], [sflag:$0x9] =	stream.linear.gather [hbm4b:s3+s19], $0x40, $0x38;
	[tilespmem:$0x1EF88] =	vst v63  }
0xa6: {  	s2 =	sadd.s32 s6, s7;
	s3 =	sand.u32 $0x1FFFFFF0, s8;
	s7 =	spop (v2sf)  }
0xa7: {  	[tilespmem:s5], [sflag:$0x9] =	stream.linear.gather [hbm4b:s2+s19], $0x40, $0x38;
	[tilespmem:$0x1EF88] =	vst v63  }
0xa8: {  	s2 =	sadd.s32 s6, s3;
	s3 =	sand.u32 $0x1FFFFFF0, s7;
	s5 =	spop (v2sf)  }
0xa9: {  	[tilespmem:s4], [sflag:$0x9] =	stream.linear.gather [hbm4b:s2+s19], $0x40, $0x38;
	[tilespmem:$0x1EF88] =	vst v63  }
0xaa: {  	s2 =	sadd.s32 s6, s3  }
.Ltmp4:
0xab: {  	s3 =	sand.u32 $0x1FFFFFF0, s5;
	s4 =	spop (v2sf);
	(pc) =	sbr.rel @p2 .LBB2_5-.Ltmp4, $4  }
0xac: {  	[tilespmem:s0], [sflag:$0x9] =	stream.linear.gather [hbm4b:s2+s19], $0x40, $0x38;
	[tilespmem:$0x1EF88] =	vst v63  }
0xad: {  	s0 =	sadd.s32 s6, s3;
	s2 =	sadd.s32 $0xFFFFFF80, s30;
	s3 =	sand.u32 $0x1FFFFFF0, s4  }
0xae: {  	[tilespmem:s2], [sflag:$0x9] =	stream.linear.gather [hbm4b:s0+s19], $0x40, $0x38;
	[tilespmem:$0x1EF88] =	vst v63  }
0xaf: {  	s31 =	sadd.s32 $0x10, s31;
	s30 =	sadd.s32 $0x800, s30;
	s2 =	sadd.s32 s6, s3  }
0xb0: {  	[tilespmem:s28], [sflag:$0x9] =	stream.linear.gather [hbm4b:s2+s19], $0x40, $0x38;
	[tilespmem:$0x1EF88] =	vst v63  }
0xb1: {  	s12 =	rddreg [dreg:$0x5]  }
0xb2: {  	s14 =	rddreg [dreg:$0x6]  }
0xb3: {  	s15 =	rddreg [dreg:$0x7]  }
0xb4: {  	s17 =	rddreg [dreg:$0x8]  }
0xb5: {  	s18 =	rddreg [dreg:$0xa]  }
0xb6: {  	s22 =	rddreg [dreg:$0xb]  }
.LBB2_7:
0xb7: {  	p2 =	slt.u32 s25, $0x2  }
.Ltmp5:
0xb8: {  	_ = 	snop;
	(pc) =	sbr.rel @p2 .LBB2_25-.Ltmp5, $1  }
0xb9: {  	_ =	sdelay $0x3  }
0xba: {  	p2 =	sgt.s32 s26, $0x13740;
	s0 =	smov.u32 s26;
	s2 =	sshra.s32 s26, $0x1F  }
0xbb: {  	s0 =	simm.s32 @!p2 $0x13740;
	s2 =	sand.u32 s2, s26  }
0xbc: {  	s0 =	ssub.s32 s0, s2  }
0xbd: {  	s0 =	sadd.s32 $0xFFFEC8C0, s0  }
0xbe: {  	s3 =	simm.s32 $0x9;
	s29 =	sshll.u32 s0, $0x2  }
0xbf: {  	_ =	swait.ge [sflag:s3], $0x5000;
	s2 =	ssub.s32 $0x500, s29  }
0xc0: {  	[sflag:s3] =	ssyncset.done $0x0;
	p2 =	sgt.s32 s0, $0x13F;
	s0 =	sshrl.u32 s2, $0x2  }
0xc1: {  	s30 =	simm.s32 $0xB;
	[sflag:s3] =	ssyncadd.s32 $0xFFFFB000;
	s0 =	simm.s32 @p2 $0x0  }
0xc2: {  	_ =	swait.ge [sflag:s30], s0  }
0xc3: {  	s0 =	ssub.s32 $0x0, s0;
	[sflag:s30] =	ssyncset.done $0x0  }
0xc4: {  	[sflag:s30] =	ssyncadd.s32 s0  }
0xc5: {  	v1 =	vld [tilespmem:$0xA108];
	_ =	sdelay $0x4  }
0xc6: {  	(v2sf) =	vpush v1, $0x0  }
0xc7: {  	(v2sf) =	vpush v1, $0x1  }
0xc8: {  	(v2sf) =	vpush v1, $0x2;
	_ =	sdelay $0x3  }
0xc9: {  	s0 =	sadd.s32 $0x140, s26  }
0xca: {  	s4 =	ssub.s32 $0x27100, s26;
	p2 =	slt.s32 s14, s0  }
0xcb: {  	s0 =	smov.u32 @p2 s14;
	p2 =	sgt.s32 s4, $0x0  }
0xcc: {  	s0 =	ssub.s32 s0, s26;
	s4 =	simm.s32 @!p2 $0x0  }
0xcd: {  	p2 =	slt.s32 s4, s0  }
0xce: {  	s0 =	smov.u32 @p2 s4  }
0xcf: {  	s2 =	simm.s32 $0x1;
	p2 =	slt.s32 s0, $0x1  }
.Ltmp6:
0xd0: {  	s2 =	simm.s32 @!p1 $0x0;
	(pc) =	sbr.rel @p2 .LBB2_12-.Ltmp6, $4  }
0xd1: {  	s7 =	smul.u32 $0x500, s2  }
0xd2: {  	s3 =	spop (v2sf)  }
0xd3: {  	s31 =	sshrl.u32 s7, $0x2;
	s5 =	spop (v2sf)  }
0xd4: {  	s28 =	sadd.s32 $0xAD08, s31;
	s26 =	spop (v2sf)  }
0xd5: {  	s4 =	smin.u32 s0, $0x10  }
0xd6: {  	v1 =	vmov s4  }
0xd7: {  	p3 =	sgt.s32 s0, $0x10;
	vm1 =	vgt.u32 v1, v0  }
.Ltmp7:
0xd8: {  	_ = 	snop;
	(pc) =	sbr.rel @!p3 .LBB2_11-.Ltmp7, $2  }
0xd9: {  	_ =	sdelay $0x2  }
0xda: {  	s9 =	simm.s32 $0x10;
	s10 =	sadd.s32 $0xFFFFFFF0, s0;
	s4 =	smov.u32 s28;
	vm0 =	vmmov vm1  }
.LBB2_10:
0xdb: {  	s7 =	smin.u32 s10, $0x10;
	s9 =	sadd.s32 $0x10, s9;
	v1 =	vld.msk [tilespmem:s4+$0x0 ss:$0x1], vm1  }
0xdc: {  	v2 =	vmov s7;
	p3 =	slt.s32 s9, s0  }
0xdd: {  	vm1 =	vgt.u32 v2, v0  }
.Ltmp8:
0xde: {  	(pc) =	sbr.rel @p3 .LBB2_10-.Ltmp8, $3  }
0xdf: {  	_ =	sdelay $0x1  }
0xe0: {  	v1 =	vshll.u32 v1, $0x4  }
0xe1: {  	s10 =	sadd.s32 $0xFFFFFFF0, s10;
	[tilespmem:s4+$0x0] =	vst.msk vm0, v1;
	s4 =	sadd.s32 $0x10, s4;
	vm0 =	vmmov vm1  }
.LBB2_11:
0xe2: {  	_ =	sdelay $0x4  }
0xe3: {  	v1 =	vld.msk [tilespmem:s4+$0x0 ss:$0x1], vm1;
	_ =	sdelay $0x4  }
0xe4: {  	v1 =	vshll.u32 v1, $0x4  }
0xe5: {  	[tilespmem:s4+$0x0] =	vst.msk vm0, v1  }
.LBB2_12:
0xe6: {  	s4 =	sand.u32 $0x1, s25  }
0xe7: {  	s4 =	smul.u32 $0x140, s4  }
0xe8: {  	p3 =	sne.s32 s5, $0xFFFFFFFF  }
0xe9: {  	v1 =	vld.msk @!p3 [tilespmem:s4+$0xAD08], $0x1;
	_ =	sdelay $0x4  }
0xea: {  	(v2sf) =	vpush @!p3 v1, $0x0;
	_ =	sdelay $0xc  }
.Ltmp9:
0xeb: {  	_ = 	snop;
	(pc) =	sbr.rel @p2 .LBB2_23-.Ltmp9, $4  }
0xec: {  	_ = 	snop  }
0xed: {  	s29 =	spop @!p3 (v2sf)  }
0xee: {  	s31 =	simm.s32 $0xC;
	s26 =	simm.s32 @!p3 $0x0;
	s4 =	smov.u32 s29  }
0xef: {  	[sflag:s31] =	ssyncpa.u1 $0x0;
	s29 =	smov.u32 @p3 s3;
	s4 =	smov.u32 @p3 s5  }
0xf0: {  	v1 =	vld.msk [tilespmem:s28+$0x0], $0x1;
	_ =	sdelay $0x4  }
0xf1: {  	(v2sf) =	vpush v1, $0x0;
	_ =	sdelay $0xe  }
0xf2: {  	s2 =	smul.u32 $0x28000, s2;
	s5 =	spop (v2sf)  }
0xf3: {  	s31 =	ssub.s32 $0x0, s0;
	p2 =	seq.s32 s29, s5  }
0xf4: {  	s3 =	smov.u32 s29;
	s2 =	sshrl.u32 s2, $0x2;
	p3 =	sgt.s32 @!p2 s29, $0x0  }
0xf5: {  	s30 =	sadd.s32 $0xAFA8, s2;
	s2 =	sadd.s32 $0x1, s31;
	p3 =	por !p3, p2  }
0xf6: {  	s3 =	simm.s32 @p3 $0x0;
	p3 =	seq.s32 s2, $0x0  }
.Ltmp10:
0xf7: {  	_ = 	snop;
	(pc) =	sbr.rel @p3 .LBB2_15-.Ltmp10, $4  }
0xf8: {  	_ = 	snop  }
0xf9: {  	s0 =	simm.s32 $0x0;
	s9 =	simm.s32 @!p2 $0x1;
	s3 =	smin.u32 @!p2 s3, $0x270F8  }
0xfa: {  	s10 =	simm.s32 @!p2 $0x50C8;
	s9 =	smov.u32 @p2 s0;
	s7 =	sand.u32 @!p2 $0x3FFF8, s3  }
0xfb: {  	s16 =	sand.u32 @!p2 $0x7, s3;
	s3 =	sadd.s32 $0x1, s28;
	s11 =	sadd.s32 @!p2 s1, s7  }
.LBB2_14:
0xfc: {  	s7 =	smov.u32 s9  }
0xfd: {  	[tilespmem:s10], [sflag:$0x2] =	stream.linear.gather @!p2 [hbm4b:s11+s16], $0x40, $0x38;
	[tilespmem:$0x1EF88] =	vst v63  }
0xfe: {  	s2 =	sadd.s32 $0x1, s2;
	s8 =	smov.u32 s5;
	v1 =	vld.msk [tilespmem:s3+$0x0], $0x1  }
0xff: {  	p3 =	seq.s32 s2, $0x0;
	_ =	sdelay $0x3  }
0x100: {  	(v2sf) =	vpush v1, $0x0;
	_ =	sdelay $0xe  }
0x101: {  	s5 =	spop (v2sf)  }
0x102: {  	p2 =	seq.s32 s8, s5  }
0x103: {  	p4 =	sgt.s32 @!p2 s8, $0x0;
	s10 =	sshll.u32 @!p2 s9, $0x8;
	s9 =	sadd.s32 @!p2 $0x1, s9  }
.Ltmp11:
0x104: {  	p4 =	por !p4, p2;
	s10 =	sshra.s32 @!p2 s10, $0x2;
	(pc) =	sbr.rel @!p3 .LBB2_14-.Ltmp11, $4  }
0x105: {  	s9 =	smov.u32 @p2 s7;
	s8 =	simm.s32 @p4 $0x0;
	s10 =	sadd.s32 @!p2 $0x50C8, s10  }
0x106: {  	s7 =	smin.u32 @!p2 s8, $0x270F8  }
0x107: {  	s8 =	sand.u32 @!p2 $0x3FFF8, s7;
	s16 =	sand.u32 @!p2 $0x7, s7  }
0x108: {  	s3 =	sadd.s32 $0x1, s3;
	s11 =	sadd.s32 @!p2 s1, s8  }
.LBB2_15:
0x109: {  	[tilespmem:s10], [sflag:$0x2] =	stream.linear.gather @!p2 [hbm4b:s11+s16], $0x40, $0x38;
	[tilespmem:$0x1EF88] =	vst v63  }
.Ltmp12:
0x10a: {  	s2 =	sshll.u32 s9, $0x6;
	(pc) =	sbr.rel .LBB2_16-.Ltmp12, $4  }
0x10b: {  	s3 =	simm.s32 $0x2;
	s2 =	sand.u32 $0x3FFFFFC0, s2  }
0x10c: {  	_ =	swait.ge [sflag:s3], s2  }
0x10d: {  	s2 =	ssub.s32 $0x0, s2;
	[sflag:s3] =	ssyncset.done $0x0  }
0x10e: {  	[sflag:s3] =	ssyncadd.s32 s2;
	s3 =	simm.s32 $0x0  }
.LBB2_17:
0x10f: {  	v1 =	vld [tilespmem:s30+$0xFFFFFFE0];
	_ =	sdelay $0x4  }
0x110: {  	[tilespmem:s5+$0x88] =	vst.add.f32.msk $0xffff, v1  }
0x111: {  	v1 =	vld [tilespmem:s30+$0xFFFFFFF0];
	_ =	sdelay $0x4  }
0x112: {  	[tilespmem:s5+$0x98] =	vst.add.f32.msk $0xffff, v1  }
0x113: {  	v1 =	vld [tilespmem:s30+$0x0];
	_ =	sdelay $0x4  }
0x114: {  	[tilespmem:s5+$0xA8] =	vst.add.f32.msk $0xffff, v1  }
0x115: {  	v1 =	vld [tilespmem:s30+$0x10];
	_ =	sdelay $0x4  }
0x116: {  	[tilespmem:s5+$0xB8] =	vst.add.f32.msk $0xffff, v1  }
.LBB2_21:
0x117: {  	s31 =	sadd.s32 $0x1, s31  }
0x118: {  	p2 =	seq.s32 s31, $0x0  }
.Ltmp13:
0x119: {  	_ = 	snop;
	(pc) =	sbr.rel @p2 .LBB2_22-.Ltmp13, $2  }
0x11a: {  	_ =	sdelay $0x2  }
0x11b: {  	s30 =	sadd.s32 $0x80, s30;
	s28 =	sadd.s32 $0x1, s28;
	s29 =	smov.u32 s2  }
.LBB2_16:
0x11c: {  	v1 =	vld.msk [tilespmem:s28+$0x0], $0x1;
	_ =	sdelay $0x4  }
0x11d: {  	(v2sf) =	vpush v1, $0x0;
	_ =	sdelay $0xe  }
0x11e: {  	s2 =	spop (v2sf)  }
0x11f: {  	p2 =	sne.s32 s29, s2  }
.Ltmp14:
0x120: {  	_ = 	snop;
	(pc) =	sbr.rel @!p2 .LBB2_17-.Ltmp14, $3  }
0x121: {  	_ =	sdelay $0x1  }
0x122: {  	s5 =	sshll.u32 s26, $0x8  }
0x123: {  	s5 =	sshra.s32 s5, $0x2  }
0x124: {  	p2 =	seq.s32 s29, s4  }
.Ltmp15:
0x125: {  	_ = 	snop;
	(pc) =	sbr.rel @!p2 .LBB2_19-.Ltmp15, $1  }
0x126: {  	_ =	sdelay $0x3  }
.Ltmp16:
0x127: {  	s5 =	sadd.s32 $0x88, s5;
	(pc) =	sbr.rel .LBB2_20-.Ltmp16, $4  }
0x128: {  	[spmem:s18] =	stream.linear.scatter [tilespmem:s5], [sflag:$0x1], $0x40, $0x38;
	[tilespmem:$0x1EF88] =	vst v63  }
0x129: {  	_ =	swait.ge [sflag:s13], $0x40  }
0x12a: {  	[sflag:s13] =	ssyncset.done $0x0  }
0x12b: {  	[sflag:s13] =	ssyncadd.s32 $0xFFFFFFC0  }
.LBB2_19:
0x12c: {  	s7 =	sshll.u32 s0, $0x8  }
0x12d: {  	s7 =	sshra.s32 s7, $0x2  }
0x12e: {  	v1 =	vld [tilespmem:s7+$0x50C8];
	_ =	sdelay $0x4  }
0x12f: {  	[tilespmem:s5+$0x88] =	vst.add.f32.msk $0xffff, v1  }
0x130: {  	v1 =	vld [tilespmem:s7+$0x50D8];
	_ =	sdelay $0x4  }
0x131: {  	[tilespmem:s5+$0x98] =	vst.add.f32.msk $0xffff, v1  }
0x132: {  	v1 =	vld [tilespmem:s7+$0x50E8];
	_ =	sdelay $0x4  }
0x133: {  	[tilespmem:s5+$0xA8] =	vst.add.f32.msk $0xffff, v1  }
0x134: {  	v1 =	vld [tilespmem:s7+$0x50F8];
	_ =	sdelay $0x2  }
0x135: {  	p2 =	sgt.u32 s29, $0x270F8  }
0x136: {  	s7 =	sand.u32 @!p2 $0x3FFF8, s29  }
0x137: {  	s8 =	sadd.s32 $0x88, s5;
	[tilespmem:s5+$0xB8] =	vst.add.f32.msk $0xffff, v1;
	s5 =	sadd.s32 @!p2 s1, s7;
	s7 =	sand.u32 @!p2 $0x7, s29  }
0x138: {  	[hbm4b:s5+s7] =	stream.linear.scatter @!p2 [tilespmem:s8], [sflag:$0xC], $0x40, $0x38;
	[tilespmem:$0x1EF88] =	vst v63  }
0x139: {  	s5 =	simm.s32 $0x0  }
0x13a: {  	s5 =	simm.s32 @!p2 $0x100  }
0x13b: {  	s3 =	sadd.s32 s5, s3  }
.LBB2_20:
0x13c: {  	s5 =	sadd.s32 $0x1, s26  }
0x13d: {  	s7 =	smulhi.u32 $0xCCCCCCCD, s5;
	_ =	sdelay $0x1  }
0x13e: {  	v1 =	vld [tilespmem:s30+$0xFFFFFFE0];
	s7 =	sshrl.u32 s7, $0x8  }
0x13f: {  	s7 =	smul.u32 $0x140, s7;
	_ =	sdelay $0x1  }
0x140: {  	s26 =	ssub.s32 s5, s7  }
0x141: {  	s5 =	sshll.u32 s26, $0x6  }
0x142: {  	[tilespmem:s5+$0x88] =	vst v1  }
0x143: {  	v1 =	vld [tilespmem:s30+$0xFFFFFFF0];
	_ =	sdelay $0x4  }
0x144: {  	[tilespmem:s5+$0x98] =	vst v1  }
0x145: {  	v1 =	vld [tilespmem:s30+$0x0];
	_ =	sdelay $0x4  }
0x146: {  	[tilespmem:s5+$0xA8] =	vst v1  }
0x147: {  	v1 =	vld [tilespmem:s30+$0x10]  }
.Ltmp17:
0x148: {  	_ = 	snop;
	(pc) =	sbr.rel .LBB2_21-.Ltmp17, $2  }
0x149: {  	_ =	sdelay $0x2  }
0x14a: {  	s0 =	sadd.s32 $0x1, s0;
	[tilespmem:s5+$0xB8] =	vst v1  }
.LBB2_23:
.Ltmp18:
0x14b: {  	(pc) =	sbr.rel .LBB2_24-.Ltmp18, $4  }
0x14c: {  	_ = 	snop  }
0x14d: {  	s0 =	simm.s32 $0x2  }
0x14e: {  	_ =	swait.ge [sflag:s0], $0x0  }
0x14f: {  	s2 =	smov.u32 s29;
	[sflag:s0] =	ssyncset.done $0x0;
	s0 =	simm.s32 $0x0  }
.LBB2_26:
0x150: {  	_ =	sfence.sel $0x180000  }
0x151: {  	s0 =	simm.s32 $0x9;
	[bflag:$0x0] =	sbarrier.arrive $0xFFFF  }
0x152: {  	s24 =	simm.s32 $0xA;
	[sflag:s0] =	ssyncpa.u1 $0x1  }
0x153: {  	s25 =	simm.s32 $0xB;
	[sflag:s24] =	ssyncpa.u1 $0x1  }
0x154: {  	s26 =	simm.s32 $0x2;
	[sflag:s25] =	ssyncpa.u1 $0x1  }
0x155: {  	[sflag:s26] =	ssyncpa.u1 $0x1  }
0x156: {  	v0 =	vld [tilespmem:$0xA108];
	_ =	sdelay $0x4  }
0x157: {  	(v2sf) =	vpush v0, $0x0  }
0x158: {  	(v2sf) =	vpush v0, $0x1;
	_ =	sdelay $0x1  }
0x159: {  	(v2sf) =	vpush v0, $0x2;
	_ =	sdelay $0xb  }
0x15a: {  	s0 =	spop (v2sf)  }
0x15b: {  	s2 =	spop (v2sf)  }
0x15c: {  	s3 =	smov.u32 s0;
	p0 =	sne.s32 s0, s2  }
0x15d: {  	s4 =	spop (v2sf);
	s3 =	simm.s32 @!p0 $0xFFFFFFFF  }
0x15e: {  	v2 =	vimm.s32 $0x1;
	v3 =	vlaneseq.u32;
	p0 =	seq.s32 s4, $0xFFFFFFFF;
	v1 =	vmov s3  }
0x15f: {  	s14 =	stileid.u32;
	v0 =	vperm.xlane v0, v2;
	p1 =	sne.s32 @!p0 s0, s2;
	v1 =	vperm.xlane v1, v3  }
0x160: {  	vm0 =	vcmask $0x3F04;
	s6 =	simm.s32 $0xA108;
	s0 =	simm.s32 @!p0 $0x1;
	p1 =	por !p1, p0  }
0x161: {  	s3 =	sshll.u32 s14, $0x1;
	s2 =	sshll.u32 @!p0 s4, $0x8;
	s0 =	simm.s32 @p1 $0x0;
	v0 =	vsel vm0, v1, v0  }
0x162: {  	s5 =	sor.u32 $0x800, s3;
	s2 =	sshra.s32 @!p0 s2, $0x2;
	s0 =	sor.u32 @!p0 s0, s3;
	[tilespmem:$0xA108] =	vst v0  }
0x163: {  	[spmem:s5] =	stream.linear.scatter [tilespmem:s6], [sflag:$0x1], $0x2, $0x38;
	[tilespmem:$0x1EF88] =	vst v63  }
0x164: {  	s2 =	sadd.s32 @!p0 $0x88, s2;
	s0 =	sshll.u32 @!p0 s0, $0x6  }
0x165: {  	[spmem:s0] =	stream.linear.scatter @!p0 [tilespmem:s2], [sflag:$0x1], $0x40, $0x38;
	[tilespmem:$0x1EF88] =	vst v63  }
0x166: {  	s0 =	simm.s32 @!p0 $0x42  }
0x167: {  	s28 =	simm.s32 $0x1;
	s0 =	simm.s32 @p0 $0x2  }
0x168: {  	_ =	swait.ge [sflag:s28], s0  }
0x169: {  	s0 =	ssub.s32 $0x0, s0;
	[sflag:s28] =	ssyncset.done $0x0  }
0x16a: {  	p0 =	sne.s32 s14, $0x0;
	[sflag:s28] =	ssyncadd.s32 s0  }
.Ltmp19:
0x16b: {  	_ =	sfence.stream.spmem;
	(pc) =	sbr.rel @p0 .LBB2_43-.Ltmp19, $4  }
0x16c: {  	s29 =	simm.s32 $0x3;
	[bflag:$0x0] =	sbarrier.arrive $0xFFFF  }
0x16d: {  	s30 =	simm.s32 $0x4;
	[sflag:s29] =	ssyncpa.u1 $0x1  }
0x16e: {  	s31 =	simm.s32 $0x3C;
	[sflag:s30] =	ssyncpa.u1 $0x1  }
0x16f: {  	s13 =	rddreg [dreg:$0x4];
	[sflag:s31] =	ssyncpa.u1 $0x1  }
0x170: {  	_ =	sfence.stream.spmem;
	s0 =	simm.s32 $0x5  }
0x171: {  	s2 =	simm.s32 $0x800;
	s3 =	simm.s32 $0xA118;
	[sflag:s0] =	ssyncpa.u1 $0x0  }
0x172: {  	[tilespmem:s3], [sflag:$0x5] =	stream.linear.gather [spmem:s2], $0x20, $0x38;
	[tilespmem:$0x1EF88] =	vst v63  }
0x173: {  	s26 =	simm.s32 $0x0;
	s28 =	simm.s32 $0xA138  }
0x174: {  	[tilespmem:s28], [sflag:$0x5] =	stream.linear.gather [spmem:s26], $0x800, $0x38;
	[tilespmem:$0x1EF88] =	vst v63  }
0x175: {  	_ =	swait.ge [sflag:s0], $0x820  }
0x176: {  	[sflag:s0] =	ssyncset.done $0x0  }
0x177: {  	s29 =	simm.s32 $0x0;
	[sflag:s0] =	ssyncadd.s32 $0xFFFFF7E0  }
0x178: {  	v0 =	vld.msk [tilespmem:s29+$0xA118], $0x1;
	_ =	sdelay $0x1  }
0x179: {  	s30 =	simm.s32 $0x1  }
0x17a: {  	v1 =	vld.msk [tilespmem:s30+$0xA118], $0x1;
	_ =	sdelay $0x1  }
0x17b: {  	(v2sf) =	vpush v0, $0x0;
	_ =	sdelay $0x2  }
0x17c: {  	(v2sf) =	vpush v1, $0x0;
	_ =	sdelay $0x2  }
0x17d: {  	s31 =	simm.s32 $0x2  }
0x17e: {  	v0 =	vld.msk [tilespmem:s31+$0xA118], $0x1;
	_ =	sdelay $0x2  }
0x17f: {  	s2 =	simm.s32 $0xFFFFFFFF;
	s3 =	simm.s32 $0xFFFFFFFF;
	s0 =	simm.s32 $0xC  }
.LBB2_28:
0x180: {  	s4 =	smov.u32 s3;
	s5 =	smov.u32 s2  }
0x181: {  	s2 =	sshra.s32 s0, $0x2;
	p1 =	sne.s32 s0, $0x7C;
	s0 =	sadd.s32 $0x4, s0;
	(v2sf) =	vpush v0, $0x0  }
0x182: {  	v0 =	vld.msk [tilespmem:s2+$0xA118], $0x1  }
.Ltmp20:
0x183: {  	(pc) =	sbr.rel @p1 .LBB2_28-.Ltmp20, $4  }
0x184: {  	s3 =	spop (v2sf)  }
0x185: {  	p2 =	sne.s32 s5, $0xFFFFFFFF;
	s2 =	smov.u32 s3  }
0x186: {  	p3 =	seq.s32 s3, $0xFFFFFFFF;
	s2 =	smov.u32 @p2 s5  }
0x187: {  	s3 =	smov.u32 @p3 s4;
	s2 =	smov.u32 @p3 s5  }
0x188: {  	(v2sf) =	vpush v0, $0x0;
	_ =	sdelay $0x8  }
0x189: {  	s0 =	spop (v2sf)  }
0x18a: {  	p1 =	sne.s32 s2, $0xFFFFFFFF;
	s4 =	smov.u32 s0  }
0x18b: {  	s6 =	simm.s32 $0x0;
	p2 =	seq.s32 s0, $0xFFFFFFFF;
	s4 =	smov.u32 @p1 s2  }
0x18c: {  	s9 =	simm.s32 $0xA0C8;
	s4 =	smov.u32 @p2 s2;
	s2 =	spop (v2sf)  }
0x18d: {  	s0 =	smov.u32 @p2 s3;
	p1 =	sne.s32 s4, $0xFFFFFFFF;
	s5 =	smov.u32 s2  }
.Ltmp21:
0x18e: {  	p2 =	seq.s32 s2, $0xFFFFFFFF;
	s5 =	smov.u32 @p1 s4;
	(pc) =	sbr.rel .LBB2_30-.Ltmp21, $4  }
0x18f: {  	s10 =	simm.s32 $0x0;
	s5 =	smov.u32 @p2 s4;
	s7 =	spop (v2sf)  }
0x190: {  	s2 =	smov.u32 @p2 s0;
	p1 =	sne.s32 s5, $0xFFFFFFFF;
	s8 =	smov.u32 s7  }
0x191: {  	s0 =	simm.s32 $0x6;
	p2 =	seq.s32 s7, $0xFFFFFFFF;
	s8 =	smov.u32 @p1 s5  }
0x192: {  	[sflag:s0] =	ssyncpa.u1 $0x0;
	s7 =	smov.u32 @p2 s2;
	s8 =	smov.u32 @p2 s5  }
.LBB2_36:
0x193: {  	p1 =	sgt.u32 s2, $0x270F8  }
0x194: {  	p2 =	seq.s32 @!p1 s2, s8  }
0x195: {  	p1 =	por p1, p2  }
0x196: {  	p2 =	sne.s32 @!p1 s2, s7  }
0x197: {  	p1 =	por p1, !p2  }
0x198: {  	s2 =	sshll.u32 @p1 s10, $0x8  }
0x199: {  	s3 =	sand.u32 @!p1 $0x3FFF8, s2  }
0x19a: {  	s2 =	sand.u32 @!p1 $0x7, s2;
	s3 =	sadd.s32 @!p1 s1, s3  }
0x19b: {  	[tilespmem:s9], [sflag:$0x6] =	stream.linear.gather @!p1 [hbm4b:s3+s2], $0x40, $0x38;
	[tilespmem:$0x1EF88] =	vst v63  }
0x19c: {  	_ =	swait.ge @!p1 [sflag:s0], $0x40  }
0x19d: {  	[sflag:s0] =	ssyncset.done @!p1 $0x0  }
0x19e: {  	[sflag:s0] =	ssyncadd.s32 @!p1 $0xFFFFFFC0  }
0x19f: {  	v1 =	vld @!p1 [tilespmem:$0xA0C8];
	_ =	sdelay $0x2  }
0x1a0: {  	s2 =	sshll.u32 @!p1 s10, $0x8  }
0x1a1: {  	s3 =	sshrl.u32 @!p1 s2, $0x2  }
0x1a2: {  	[tilespmem:s3+$0xA138] =	vst.add.f32.msk @!p1 $0xffff, v1  }
0x1a3: {  	v1 =	vld @!p1 [tilespmem:$0xA0D8];
	_ =	sdelay $0x4  }
0x1a4: {  	[tilespmem:s3+$0xA148] =	vst.add.f32.msk @!p1 $0xffff, v1  }
0x1a5: {  	v1 =	vld @!p1 [tilespmem:$0xA0E8];
	_ =	sdelay $0x4  }
0x1a6: {  	[tilespmem:s3+$0xA158] =	vst.add.f32.msk @!p1 $0xffff, v1  }
0x1a7: {  	v1 =	vld @!p1 [tilespmem:$0xA0F8];
	_ =	sdelay $0x4  }
0x1a8: {  	[tilespmem:s3+$0xA168] =	vst.add.f32.msk @!p1 $0xffff, v1  }
0x1a9: {  	s2 =	sshrl.u32 s2, $0x2;
	[tilespmem:s6+$0xA118] =	vst.msk $0x1, v0  }
0x1aa: {  	v0 =	vld [tilespmem:s2+$0xA138];
	_ =	sdelay $0x2  }
0x1ab: {  	s31 =	sshll.u32 s6, $0x8  }
0x1ac: {  	s3 =	sshra.s32 s31, $0x2  }
0x1ad: {  	[tilespmem:s3+$0xA138] =	vst v0  }
0x1ae: {  	v0 =	vld [tilespmem:s2+$0xA148];
	_ =	sdelay $0x4  }
0x1af: {  	[tilespmem:s3+$0xA148] =	vst v0  }
0x1b0: {  	v0 =	vld [tilespmem:s2+$0xA158];
	_ =	sdelay $0x4  }
0x1b1: {  	[tilespmem:s3+$0xA158] =	vst v0  }
0x1b2: {  	v0 =	vld [tilespmem:s2+$0xA168];
	_ =	sdelay $0x4  }
0x1b3: {  	s6 =	sadd.s32 $0x1, s6;
	[tilespmem:s3+$0xA168] =	vst v0  }
.LBB2_37:
0x1b4: {  	s10 =	sadd.s32 $0x1, s10  }
0x1b5: {  	p1 =	sne.s32 s10, $0x20  }
.Ltmp22:
0x1b6: {  	_ = 	snop;
	(pc) =	sbr.rel @!p1 .LBB2_38-.Ltmp22, $1  }
0x1b7: {  	_ =	sdelay $0x3  }
.LBB2_30:
0x1b8: {  	v0 =	vld.msk [tilespmem:s10+$0xA118], $0x1;
	_ =	sdelay $0x4  }
0x1b9: {  	(v2sf) =	vpush v0, $0x0;
	_ =	sdelay $0xe  }
0x1ba: {  	s2 =	spop (v2sf)  }
0x1bb: {  	p1 =	seq.s32 s2, $0xFFFFFFFF  }
.Ltmp23:
0x1bc: {  	_ = 	snop;
	(pc) =	sbr.rel @p1 .LBB2_37-.Ltmp23, $1  }
0x1bd: {  	_ =	sdelay $0x3  }
0x1be: {  	p1 =	slt.s32 s6, $0x1  }
.Ltmp24:
0x1bf: {  	_ = 	snop;
	(pc) =	sbr.rel @p1 .LBB2_36-.Ltmp24, $1  }
0x1c0: {  	_ =	sdelay $0x3  }
0x1c1: {  	s3 =	simm.s32 $0xA118;
	p1 =	por $0x0, $0x0  }
0x1c2: {  	v1 =	vld.msk @!p1 [tilespmem:s3+$0x0], $0x1;
	_ =	sdelay $0x4  }
0x1c3: {  	(v2sf) =	vpush @!p1 v1, $0x0;
	_ =	sdelay $0xd  }
0x1c4: {  	p3 =	sne.s32 s6, $0x1  }
.Ltmp25:
0x1c5: {  	s4 =	spop @!p1 (v2sf);
	(pc) =	sbr.rel @!p3 .LBB2_34-.Ltmp25, $4  }
0x1c6: {  	p2 =	seq.s32 @!p1 s2, s4  }
0x1c7: {  	s4 =	simm.s32 $0x0;
	p2 =	por !p2, p1  }
0x1c8: {  	s11 =	simm.s32 $0xFFFFFFFF;
	s4 =	simm.s32 @p2 $0xFFFFFFFF  }
0x1c9: {  	s5 =	simm.s32 $0x1;
	s4 =	smov.u32 @p1 s11  }
.LBB2_33:
0x1ca: {  	s11 =	smov.u32 s4;
	p1 =	sne.s32 s4, $0xFFFFFFFF  }
0x1cb: {  	s3 =	sadd.s32 $0x1, s3;
	s4 =	smov.u32 s5;
	s5 =	sadd.s32 $0x1, s5  }
0x1cc: {  	p2 =	sne.s32 s6, s5;
	v1 =	vld.msk @!p1 [tilespmem:s3+$0x0], $0x1;
	_ =	sdelay $0x4  }
0x1cd: {  	(v2sf) =	vpush @!p1 v1, $0x0;
	_ =	sdelay $0xe  }
.Ltmp26:
0x1ce: {  	s12 =	spop @!p1 (v2sf);
	(pc) =	sbr.rel @p2 .LBB2_33-.Ltmp26, $4  }
0x1cf: {  	p3 =	seq.s32 @!p1 s2, s12  }
0x1d0: {  	p3 =	por !p3, p1  }
0x1d1: {  	s4 =	simm.s32 @p3 $0xFFFFFFFF  }
0x1d2: {  	s4 =	smov.u32 @p1 s11  }
.LBB2_34:
0x1d3: {  	p1 =	seq.s32 s4, $0xFFFFFFFF  }
.Ltmp27:
0x1d4: {  	_ = 	snop;
	(pc) =	sbr.rel @p1 .LBB2_36-.Ltmp27, $1  }
0x1d5: {  	_ =	sdelay $0x3  }
0x1d6: {  	s2 =	sshll.u32 s10, $0x6  }
0x1d7: {  	s2 =	sand.u32 $0x3FFFFFC0, s2  }
0x1d8: {  	v0 =	vld [tilespmem:s2+$0xA138];
	_ =	sdelay $0x2  }
0x1d9: {  	s3 =	sshll.u32 s4, $0x8  }
0x1da: {  	s3 =	sshra.s32 s3, $0x2  }
0x1db: {  	[tilespmem:s3+$0xA138] =	vst.add.f32.msk $0xffff, v0  }
0x1dc: {  	v0 =	vld [tilespmem:s2+$0xA148];
	_ =	sdelay $0x4  }
0x1dd: {  	[tilespmem:s3+$0xA148] =	vst.add.f32.msk $0xffff, v0  }
0x1de: {  	v0 =	vld [tilespmem:s2+$0xA158];
	_ =	sdelay $0x4  }
0x1df: {  	[tilespmem:s3+$0xA158] =	vst.add.f32.msk $0xffff, v0  }
0x1e0: {  	v0 =	vld [tilespmem:s2+$0xA168]  }
.Ltmp28:
0x1e1: {  	_ = 	snop;
	(pc) =	sbr.rel .LBB2_37-.Ltmp28, $2  }
0x1e2: {  	_ =	sdelay $0x2  }
0x1e3: {  	[tilespmem:s3+$0xA168] =	vst.add.f32.msk $0xffff, v0  }
.LBB2_38:
0x1e4: {  	s0 =	simm.s32 $0x6;
	p1 =	seq.s32 s6, $0x0  }
0x1e5: {  	[sflag:s0] =	ssyncpa.u1 $0x1;
	v0 =	vimm.s32 @p1 $0xFFFFFFFF  }
0x1e6: {  	s0 =	sadd.s32 $0xFFFFFFFF, s6;
	[tilespmem:$0xA938] =	vst @p1 v0  }
0x1e7: {  	v0 =	vld.msk @!p1 [tilespmem:s0+$0xA118], $0x1;
	_ =	sdelay $0x1  }
0x1e8: {  	v1 =	vld.msk @!p1 [tilespmem:$0xA118], $0x1;
	_ =	sdelay $0x2  }
0x1e9: {  	p2 =	seq.s32 @!p1 s0, $0x0;
	v0 =	vbroadcast @!p1 v0, $0x0  }
0x1ea: {  	vm0 =	vmmov @!p1 $0x1;
	p2 =	por !p2, p1  }
0x1eb: {  	v1 =	vnsel @!p1 vm0, $0xFFFFFFFF, v1;
	vm0 =	vcmask @!p1 $0x308;
	v0 =	vpsel !p2, $0xFFFFFFFF, v0  }
0x1ec: {  	p2 =	sne.s32 @!p1 s8, s7;
	v0 =	vsel @!p1 vm0, v1, v0  }
0x1ed: {  	s2 =	simm.s32 @!p1 $0xA138;
	s3 =	simm.s32 @!p1 $0x0;
	p3 =	por !p2, p1;
	[tilespmem:$0xA938] =	vst @!p1 v0  }
0x1ee: {  	[spmem:s3] =	stream.linear.scatter @!p1 [tilespmem:s2], [sflag:$0x1], $0x40, $0x38;
	[tilespmem:$0x1EF88] =	vst v63  }
0x1ef: {  	s2 =	sshll.u32 @!p3 s0, $0x8  }
0x1f0: {  	s2 =	sshra.s32 @!p3 s2, $0x2  }
0x1f1: {  	s3 =	simm.s32 @!p3 $0x40;
	s2 =	sadd.s32 @!p3 $0xA138, s2  }
0x1f2: {  	[spmem:s3] =	stream.linear.scatter @!p3 [tilespmem:s2], [sflag:$0x1], $0x40, $0x38;
	[tilespmem:$0x1EF88] =	vst v63  }
0x1f3: {  	s2 =	simm.s32 @!p3 $0x1  }
0x1f4: {  	_ =	swait.ge @!p3 [sflag:s2], $0x80  }
0x1f5: {  	p1 =	por p2, p1;
	[sflag:s2] =	ssyncset.done @!p3 $0x0  }
0x1f6: {  	[sflag:s2] =	ssyncadd.s32 @!p3 $0xFFFFFF80;
	s2 =	simm.s32 @!p1 $0x1  }
0x1f7: {  	_ =	swait.ge @!p1 [sflag:s2], $0x40  }
0x1f8: {  	s29 =	simm.s32 $0xA938;
	[sflag:s2] =	ssyncset.done @!p1 $0x0  }
0x1f9: {  	s30 =	simm.s32 $0x800;
	s31 =	simm.s32 $0x1;
	[sflag:s2] =	ssyncadd.s32 @!p1 $0xFFFFFFC0  }
0x1fa: {  	[spmem:s30] =	stream.linear.scatter [tilespmem:s29], [sflag:$0x1], $0x10, $0x38;
	[tilespmem:$0x1EF88] =	vst v63  }
0x1fb: {  	_ =	swait.ge [sflag:s31], $0x10  }
0x1fc: {  	[sflag:s31] =	ssyncset.done $0x0  }
0x1fd: {  	p1 =	seq.s32 s13, $0x0;
	s9 =	rddreg [dreg:$0x1];
	[sflag:s31] =	ssyncadd.s32 $0xFFFFFFF0  }
0x1fe: {  	s3 =	sshll.u32 @p1 s9, $0xE;
	s8 =	rddreg [dreg:$0x2]  }
0x1ff: {  	s2 =	sadd.s32 @p1 $0x15C3C, s3;
	s3 =	sshll.u32 @p1 s8, $0x11  }
0x200: {  	_ =	sfence.stream.spmem;
	s2 =	sor.u32 @p1 s3, s2  }
0x201: {  	[sflag:s2] =	ssyncadd.remote.s32 @p1 $0x1;
	s2 =	simm.s32 @p1 $0x4  }
0x202: {  	s4 =	simm.s32 @!p1 $0x3C;
	s3 =	sand.u32 $0xFFFFFFFE, s9;
	_ =	swait.ge @p1 [sflag:s2], $0x12  }
0x203: {  	s5 =	simm.s32 @!p1 $0x0;
	s3 =	sadd.s32 @!p1 $0x4, s3;
	[sflag:s2] =	ssyncset.done @p1 $0x0  }
0x204: {  	s7 =	simm.s32 @!p1 $0x80;
	[sflag:s2] =	ssyncadd.s32 @p1 $0xFFFFFFEE;
	s2 =	sshll.u32 @!p1 s3, $0x1A  }
0x205: {  	s3 =	sshll.u32 @!p1 s3, $0xD;
	s2 =	sor.u32 @!p1 s2, s8;
	_ =	swait.eq @!p1 [sflag:s4], $0x1  }
0x206: {  	s3 =	sor.u32 @!p1 $0x1C04, s3;
	s4 =	simm.s32 @!p1 $0x1C03;
	s2 =	sor.u32 @!p1 $0x80004000, s2  }
0x207: {  	[spmem:s7], [sflag:s3] =	dma.general @!p1 [spmem:s5], [sflag:s4], length:$0x10, [dreg:$0x0], stride_count:$0x0, ici_dest:s2, dma_misc:DstOpCode:WRITE  }
0x208: {  	p2 =	slt.s32 s0, $0x2;
	s5 =	simm.s32 @!p1 $0x100;
	s7 =	simm.s32 @!p1 $0x102  }
0x209: {  	[spmem:s7], [sflag:s3] =	dma.general @!p1 [spmem:s5], [sflag:s4], length:$0x2, [dreg:$0x0], stride_count:$0x0, ici_dest:s2, dma_misc:DstOpCode:WRITE  }
.Ltmp29:
0x20a: {  	s2 =	simm.s32 @!p1 $0x3;
	(pc) =	sbr.rel @p2 .LBB2_42-.Ltmp29, $4  }
0x20b: {  	s3 =	sshll.u32 @!p1 s9, $0xE;
	_ =	swait.ge @!p1 [sflag:s2], $0x12  }
0x20c: {  	s4 =	sshll.u32 @!p1 s8, $0x11;
	s3 =	sadd.s32 @!p1 $0x11C3C, s3;
	[sflag:s2] =	ssyncset.done @!p1 $0x0  }
0x20d: {  	[sflag:s2] =	ssyncadd.s32 @!p1 $0xFFFFFFEE;
	s2 =	sor.u32 @!p1 s4, s3  }
0x20e: {  	s0 =	simm.s32 $0x0;
	[sflag:s2] =	ssyncadd.remote.s32 @!p1 $0xFFFFFFFF  }
0x20f: {  	s0 =	simm.s32 $0xA119  }
0x210: {  	v0 =	vld.msk [tilespmem:s0+$0x0], $0x1;
	_ =	sdelay $0x4  }
0x211: {  	(v2sf) =	vpush v0, $0x0;
	_ =	sdelay $0xc  }
0x212: {  	s2 =	sadd.s32 $0xFFFFFFFE, s6  }
0x213: {  	s2 =	sadd.s32 $0xFFFFFFFF, s2  }
0x214: {  	p2 =	sne.s32 s2, $0x0;
	s3 =	spop (v2sf)  }
.Ltmp30:
0x215: {  	p1 =	sgt.u32 s3, $0x270F8;
	(pc) =	sbr.rel @!p2 .LBB2_41-.Ltmp30, $4  }
0x216: {  	s5 =	simm.s32 $0x0;
	s4 =	sand.u32 @!p1 $0x3FFF8, s3  }
0x217: {  	s0 =	simm.s32 $0xA178;
	s3 =	sand.u32 @!p1 $0x7, s3;
	s4 =	sadd.s32 @!p1 s1, s4  }
0x218: {  	[hbm4b:s4+s3] =	stream.linear.scatter @!p1 [tilespmem:s0], [sflag:$0x5], $0x40, $0x38;
	[tilespmem:$0x1EF88] =	vst v63  }
0x219: {  	s5 =	simm.s32 @!p1 $0x100;
	s3 =	simm.s32 $0x0;
	s4 =	simm.s32 $0xA11A  }
.LBB2_40:
0x21a: {  	v0 =	vld.msk [tilespmem:s4+$0x0], $0x1;
	s2 =	sadd.s32 $0xFFFFFFFF, s2;
	s3 =	sadd.s32 s3, s5  }
0x21b: {  	p1 =	sne.s32 s2, $0x0;
	_ =	sdelay $0x3  }
0x21c: {  	(v2sf) =	vpush v0, $0x0;
	_ =	sdelay $0xe  }
.Ltmp31:
0x21d: {  	s6 =	spop (v2sf);
	(pc) =	sbr.rel @p1 .LBB2_40-.Ltmp31, $4  }
0x21e: {  	s5 =	simm.s32 $0x0;
	p2 =	sgt.u32 s6, $0x270F8  }
0x21f: {  	s0 =	sadd.s32 $0x40, s0;
	s5 =	simm.s32 @!p2 $0x100;
	s7 =	sand.u32 @!p2 $0x3FFF8, s6  }
0x220: {  	s4 =	sadd.s32 $0x1, s4;
	s6 =	sand.u32 @!p2 $0x7, s6;
	s7 =	sadd.s32 @!p2 s1, s7  }
0x221: {  	[hbm4b:s7+s6] =	stream.linear.scatter @!p2 [tilespmem:s0], [sflag:$0x5], $0x40, $0x38;
	[tilespmem:$0x1EF88] =	vst v63  }
.LBB2_41:
0x222: {  	s0 =	sadd.s32 s3, s5  }
0x223: {  	s0 =	sshrl.u32 s0, $0x2  }
.LBB2_42:
0x224: {  	s2 =	simm.s32 $0x5  }
0x225: {  	_ =	swait.ge [sflag:s2], s0  }
0x226: {  	s31 =	ssub.s32 $0x0, s0;
	[sflag:s2] =	ssyncset.done $0x0  }
0x227: {  	[sflag:s2] =	ssyncadd.s32 s31  }
0x228: {  	[sflag:s2] =	ssyncpa.u1 $0x1  }
.LBB2_43:
0x229: {  	s0 =	sor.u32 s13, s14  }
0x22a: {  	p1 =	sne.s32 s0, $0x0  }
.Ltmp32:
0x22b: {  	_ = 	snop;
	(pc) =	sbr.rel @p1 .LBB2_58-.Ltmp32, $3  }
0x22c: {  	_ =	sdelay $0x1  }
0x22d: {  	[bflag:$0x0] =	sbarrier.arrive $0xFFFF  }
0x22e: {  	_ =	sfence  }
0x22f: {  	s2 =	simm.s32 $0x7  }
0x230: {  	s0 =	simm.s32 $0x800;
	s3 =	simm.s32 $0xA118;
	[sflag:s2] =	ssyncpa.u1 $0x0  }
0x231: {  	[tilespmem:s3], [sflag:$0x7] =	stream.linear.gather [spmem:s0], $0x20, $0x38;
	[tilespmem:$0x1EF88] =	vst v63  }
0x232: {  	s30 =	simm.s32 $0xA138;
	s0 =	simm.s32 $0x0  }
0x233: {  	[tilespmem:s30], [sflag:$0x7] =	stream.linear.gather [spmem:s0], $0x800, $0x38;
	[tilespmem:$0x1EF88] =	vst v63  }
.Ltmp33:
0x234: {  	_ = 	snop;
	(pc) =	sbr.rel .LBB2_45-.Ltmp33, $4  }
0x235: {  	_ =	swait.ge [sflag:s2], $0x820  }
0x236: {  	[sflag:s2] =	ssyncset.done $0x0  }
0x237: {  	s31 =	simm.s32 $0x8;
	[sflag:s2] =	ssyncadd.s32 $0xFFFFF7E0  }
0x238: {  	s2 =	simm.s32 $0x0;
	[sflag:s31] =	ssyncpa.u1 $0x0  }
.LBB2_51:
0x239: {  	p1 =	slt.u32 s3, $0x270F9  }
0x23a: {  	s4 =	sand.u32 @p1 $0x3FFF8, s3  }
0x23b: {  	s3 =	sand.u32 @p1 $0x7, s3;
	s5 =	simm.s32 @p1 $0xA0C8;
	s4 =	sadd.s32 @p1 s1, s4  }
0x23c: {  	[tilespmem:s5], [sflag:$0x8] =	stream.linear.gather @p1 [hbm4b:s4+s3], $0x40, $0x38;
	[tilespmem:$0x1EF88] =	vst v63  }
0x23d: {  	s3 =	simm.s32 @p1 $0x8  }
0x23e: {  	_ =	swait.ge @p1 [sflag:s3], $0x40  }
0x23f: {  	[sflag:s3] =	ssyncset.done @p1 $0x0  }
0x240: {  	[sflag:s3] =	ssyncadd.s32 @p1 $0xFFFFFFC0  }
0x241: {  	v1 =	vld @p1 [tilespmem:$0xA0C8];
	_ =	sdelay $0x2  }
0x242: {  	s3 =	sshll.u32 @p1 s2, $0x8  }
0x243: {  	s4 =	sshrl.u32 @p1 s3, $0x2  }
0x244: {  	[tilespmem:s4+$0xA138] =	vst.add.f32.msk @p1 $0xffff, v1  }
0x245: {  	v1 =	vld @p1 [tilespmem:$0xA0D8];
	_ =	sdelay $0x4  }
0x246: {  	[tilespmem:s4+$0xA148] =	vst.add.f32.msk @p1 $0xffff, v1  }
0x247: {  	v1 =	vld @p1 [tilespmem:$0xA0E8];
	_ =	sdelay $0x4  }
0x248: {  	[tilespmem:s4+$0xA158] =	vst.add.f32.msk @p1 $0xffff, v1  }
0x249: {  	v1 =	vld @p1 [tilespmem:$0xA0F8];
	_ =	sdelay $0x3  }
0x24a: {  	s5 =	sshll.u32 @!p1 s2, $0x8  }
0x24b: {  	s5 =	smov.u32 @p1 s3;
	[tilespmem:s4+$0xA168] =	vst.add.f32.msk @p1 $0xffff, v1  }
0x24c: {  	s3 =	sshrl.u32 s5, $0x2;
	[tilespmem:s0+$0xA118] =	vst.msk $0x1, v0  }
0x24d: {  	v0 =	vld [tilespmem:s3+$0xA138];
	_ =	sdelay $0x2  }
0x24e: {  	s31 =	sshll.u32 s0, $0x8  }
0x24f: {  	s4 =	sshra.s32 s31, $0x2  }
0x250: {  	[tilespmem:s4+$0xA138] =	vst v0  }
0x251: {  	v0 =	vld [tilespmem:s3+$0xA148];
	_ =	sdelay $0x4  }
0x252: {  	[tilespmem:s4+$0xA148] =	vst v0  }
0x253: {  	v0 =	vld [tilespmem:s3+$0xA158];
	_ =	sdelay $0x4  }
0x254: {  	[tilespmem:s4+$0xA158] =	vst v0  }
0x255: {  	v0 =	vld [tilespmem:s3+$0xA168];
	_ =	sdelay $0x4  }
0x256: {  	s0 =	sadd.s32 $0x1, s0;
	[tilespmem:s4+$0xA168] =	vst v0  }
.LBB2_52:
0x257: {  	s2 =	sadd.s32 $0x1, s2  }
0x258: {  	p1 =	sne.s32 s2, $0x20  }
.Ltmp34:
0x259: {  	_ = 	snop;
	(pc) =	sbr.rel @!p1 .LBB2_53-.Ltmp34, $1  }
0x25a: {  	_ =	sdelay $0x3  }
.LBB2_45:
0x25b: {  	v0 =	vld.msk [tilespmem:s2+$0xA118], $0x1;
	_ =	sdelay $0x4  }
0x25c: {  	(v2sf) =	vpush v0, $0x0;
	_ =	sdelay $0xe  }
0x25d: {  	s3 =	spop (v2sf)  }
0x25e: {  	p1 =	seq.s32 s3, $0xFFFFFFFF  }
.Ltmp35:
0x25f: {  	_ = 	snop;
	(pc) =	sbr.rel @p1 .LBB2_52-.Ltmp35, $1  }
0x260: {  	_ =	sdelay $0x3  }
0x261: {  	p1 =	slt.s32 s0, $0x1  }
.Ltmp36:
0x262: {  	_ = 	snop;
	(pc) =	sbr.rel @p1 .LBB2_51-.Ltmp36, $1  }
0x263: {  	_ =	sdelay $0x3  }
0x264: {  	s4 =	simm.s32 $0xA118;
	p1 =	por $0x0, $0x0  }
0x265: {  	v1 =	vld.msk @!p1 [tilespmem:s4+$0x0], $0x1;
	_ =	sdelay $0x4  }
0x266: {  	(v2sf) =	vpush @!p1 v1, $0x0;
	_ =	sdelay $0xd  }
0x267: {  	p3 =	sne.s32 s0, $0x1  }
.Ltmp37:
0x268: {  	s5 =	spop @!p1 (v2sf);
	(pc) =	sbr.rel @!p3 .LBB2_49-.Ltmp37, $4  }
0x269: {  	p2 =	seq.s32 @!p1 s3, s5  }
0x26a: {  	s5 =	simm.s32 $0x0;
	p2 =	por !p2, p1  }
0x26b: {  	s7 =	simm.s32 $0xFFFFFFFF;
	s5 =	simm.s32 @p2 $0xFFFFFFFF  }
0x26c: {  	s6 =	simm.s32 $0x1;
	s5 =	smov.u32 @p1 s7  }
.LBB2_48:
0x26d: {  	s7 =	smov.u32 s5;
	p1 =	sne.s32 s5, $0xFFFFFFFF  }
0x26e: {  	s4 =	sadd.s32 $0x1, s4;
	s5 =	smov.u32 s6;
	s6 =	sadd.s32 $0x1, s6  }
0x26f: {  	p2 =	sne.s32 s0, s6;
	v1 =	vld.msk @!p1 [tilespmem:s4+$0x0], $0x1;
	_ =	sdelay $0x4  }
0x270: {  	(v2sf) =	vpush @!p1 v1, $0x0;
	_ =	sdelay $0xe  }
.Ltmp38:
0x271: {  	s8 =	spop @!p1 (v2sf);
	(pc) =	sbr.rel @p2 .LBB2_48-.Ltmp38, $4  }
0x272: {  	p3 =	seq.s32 @!p1 s3, s8  }
0x273: {  	p3 =	por !p3, p1  }
0x274: {  	s5 =	simm.s32 @p3 $0xFFFFFFFF  }
0x275: {  	s5 =	smov.u32 @p1 s7  }
.LBB2_49:
0x276: {  	p1 =	seq.s32 s5, $0xFFFFFFFF  }
.Ltmp39:
0x277: {  	_ = 	snop;
	(pc) =	sbr.rel @p1 .LBB2_51-.Ltmp39, $1  }
0x278: {  	_ =	sdelay $0x3  }
0x279: {  	s3 =	sshll.u32 s2, $0x6  }
0x27a: {  	s3 =	sand.u32 $0x3FFFFFC0, s3  }
0x27b: {  	v0 =	vld [tilespmem:s3+$0xA138];
	_ =	sdelay $0x2  }
0x27c: {  	s4 =	sshll.u32 s5, $0x8  }
0x27d: {  	s4 =	sshra.s32 s4, $0x2  }
0x27e: {  	[tilespmem:s4+$0xA138] =	vst.add.f32.msk $0xffff, v0  }
0x27f: {  	v0 =	vld [tilespmem:s3+$0xA148];
	_ =	sdelay $0x4  }
0x280: {  	[tilespmem:s4+$0xA148] =	vst.add.f32.msk $0xffff, v0  }
0x281: {  	v0 =	vld [tilespmem:s3+$0xA158];
	_ =	sdelay $0x4  }
0x282: {  	[tilespmem:s4+$0xA158] =	vst.add.f32.msk $0xffff, v0  }
0x283: {  	v0 =	vld [tilespmem:s3+$0xA168]  }
.Ltmp40:
0x284: {  	_ = 	snop;
	(pc) =	sbr.rel .LBB2_52-.Ltmp40, $2  }
0x285: {  	_ =	sdelay $0x2  }
0x286: {  	[tilespmem:s4+$0xA168] =	vst.add.f32.msk $0xffff, v0  }
.LBB2_53:
0x287: {  	p1 =	slt.s32 s0, $0x1  }
.Ltmp41:
0x288: {  	_ = 	snop;
	(pc) =	sbr.rel @p1 .LBB2_57-.Ltmp41, $3  }
0x289: {  	_ =	sdelay $0x1  }
0x28a: {  	s2 =	simm.s32 $0x8  }
0x28b: {  	[sflag:s2] =	ssyncpa.u1 $0x1;
	s2 =	simm.s32 $0x0  }
0x28c: {  	s3 =	simm.s32 $0xA118  }
0x28d: {  	v0 =	vld.msk [tilespmem:s3+$0x0], $0x1;
	_ =	sdelay $0x4  }
0x28e: {  	(v2sf) =	vpush v0, $0x0;
	_ =	sdelay $0xe  }
0x28f: {  	s0 =	sadd.s32 $0xFFFFFFFF, s0;
	s4 =	spop (v2sf)  }
0x290: {  	p2 =	sne.s32 s0, $0x0;
	p1 =	sgt.u32 s4, $0x270F8  }
.Ltmp42:
0x291: {  	s5 =	sand.u32 @!p1 $0x3FFF8, s4;
	(pc) =	sbr.rel @!p2 .LBB2_56-.Ltmp42, $4  }
0x292: {  	s3 =	simm.s32 $0xA138;
	s4 =	sand.u32 @!p1 $0x7, s4;
	s5 =	sadd.s32 @!p1 s1, s5  }
0x293: {  	[hbm4b:s5+s4] =	stream.linear.scatter @!p1 [tilespmem:s3], [sflag:$0x7], $0x40, $0x38;
	[tilespmem:$0x1EF88] =	vst v63  }
0x294: {  	s5 =	simm.s32 $0x0  }
0x295: {  	s4 =	simm.s32 $0xA119;
	s5 =	simm.s32 @!p1 $0x100  }
.LBB2_55:
0x296: {  	v0 =	vld.msk [tilespmem:s4+$0x0], $0x1;
	s0 =	sadd.s32 $0xFFFFFFFF, s0;
	s2 =	sadd.s32 s2, s5  }
0x297: {  	p1 =	sne.s32 s0, $0x0;
	_ =	sdelay $0x3  }
0x298: {  	(v2sf) =	vpush v0, $0x0;
	_ =	sdelay $0xe  }
.Ltmp43:
0x299: {  	s6 =	spop (v2sf);
	(pc) =	sbr.rel @p1 .LBB2_55-.Ltmp43, $4  }
0x29a: {  	s5 =	simm.s32 $0x0;
	p2 =	sgt.u32 s6, $0x270F8  }
0x29b: {  	s3 =	sadd.s32 $0x40, s3;
	s5 =	simm.s32 @!p2 $0x100;
	s7 =	sand.u32 @!p2 $0x3FFF8, s6  }
0x29c: {  	s4 =	sadd.s32 $0x1, s4;
	s6 =	sand.u32 @!p2 $0x7, s6;
	s7 =	sadd.s32 @!p2 s1, s7  }
0x29d: {  	[hbm4b:s7+s6] =	stream.linear.scatter @!p2 [tilespmem:s3], [sflag:$0x7], $0x40, $0x38;
	[tilespmem:$0x1EF88] =	vst v63  }
.LBB2_56:
0x29e: {  	s0 =	sadd.s32 s2, s5  }
0x29f: {  	s2 =	sshrl.u32 s0, $0x2  }
.LBB2_57:
0x2a0: {  	s0 =	simm.s32 $0x7  }
0x2a1: {  	_ =	swait.ge [sflag:s0], s2  }
0x2a2: {  	s1 =	ssub.s32 $0x0, s2;
	[sflag:s0] =	ssyncset.done $0x0  }
0x2a3: {  	[sflag:s0] =	ssyncadd.s32 s1  }
0x2a4: {  	[sflag:s0] =	ssyncpa.u1 $0x1  }
.LBB2_58:
0x2a5: {  	_ =	sfence;
	s0 =	simm.s32 $0x1  }
0x2a6: {  	[sflag:s0] =	ssyncpa.u1 $0x1  }
0x2a7: {  	_ =	strace $0x90000050  }
0x2a8: {  	[bflag:$0x2] =	sbarrier.arrive $0xFFFF  }
0x2a9: {  	s0 =	rddreg [dreg:$0x3]  }
0x2aa: {  	s0 =	sadd.s32 @!p0 $0x100000, s0  }
0x2ab: {  	[sflag:s0] =	ssyncadd.tile.s32 @!p0 $0x1;
	_ =	shalt  }
.Lfunc_end2:
_tile_overlayer_lowered:
.L_overlay_start_2:
0x2ac: {  	(tag) =	ssettag $0x2  }
0x2ad: {  	s0 =	rddreg [dreg:$0x0];
	s2 =	stileid.u32  }
0x2ae: {  	s1 =	rddreg [dreg:$0x1];
	p0 =	sne.s32 s2, $0x0  }
0x2af: {  	s3 =	rddreg [dreg:$0x2];
	[bflag:$0x3] =	sbarrier.arrive $0xFFFF;
	s2 =	simm.s32 @!p0 $0x1C01  }
0x2b0: {  	[timem:s3], [sflag:s2] =	dma.local @!p0 [hbm:s0], s1  }
0x2b1: {  	s0 =	simm.s32 @!p0 $0x1  }
0x2b2: {  	_ =	swait.ge @!p0 [sflag:s0], s1  }
0x2b3: {  	s1 =	ssub.s32 @!p0 $0x0, s1;
	[sflag:s0] =	ssyncset.done @!p0 $0x0  }
0x2b4: {  	[sflag:s0] =	ssyncadd.s32 @!p0 s1  }
0x2b5: {  	[bflag:$0x3] =	sbarrier.arrive $0xFFFF  }
0x2b6: {  	_ =	shalt  }

</sc_bundles>
